<compile_context>
chip_gen: v7x
topology: tpu7x:2x2x1
jax: 0.10.2.dev20260603
libtpu: 0.0.44.dev20260713+nightly
codegen_flags: <defaults>
</compile_context>

<pallas_src>
import functools

import jax
import jax.numpy as jnp
import numpy as np
from jax import lax
from jax.experimental import pallas as pl
from jax.experimental.pallas import tpu as pltpu
from jax.experimental.pallas import tpu_sc as plsc

F32 = jnp.float32
I32 = jnp.int32

H1 = 256
H3 = 128
B = 4
N = 2500
E = 160000
BN = B * N
R = 10240
EP = 163840
NCH = EP // 128
RPT = R // 16
RA = 10112
RAT = RA // 16

_SELU_A = 1.6732632423543772
_SELU_S = 1.0507009873554805


def _selu(x):
    return _SELU_S * jnp.where(x > 0, x, _SELU_A * (jnp.exp(x) - 1.0))


def _mesh():
    return plsc.VectorSubcoreMesh(core_axis_name="c", subcore_axis_name="s")



def _deg_body(dst_hbm, out_hbm, dstb, onesb, acc, sem):
    c = lax.axis_index("c")
    s = lax.axis_index("s")
    wid = s * 2 + c
    npc = NCH // 32
    pltpu.sync_copy(dst_hbm.at[pl.ds(wid * npc, npc)], dstb)
    zero16 = jnp.zeros((16,), F32)
    ones16 = jnp.ones((16,), F32)

    def zbody(i, carry):
        onesb[i, pl.ds(0, 16)] = zero16
        return carry

    lax.fori_loop(0, 128, zbody, 0)
    base = s * RPT
    for k in range(RPT // 128):
        pltpu.sync_copy(onesb, acc.at[pl.ds(base + k * 128, 128)])

    def obody(i, carry):
        onesb[i, pl.ds(0, 16)] = ones16
        return carry

    lax.fori_loop(0, 128, obody, 0)
    plsc.subcore_barrier()

    def fire(j, carry):
        pltpu.async_copy(onesb, acc.at[dstb.at[j]], sem, add=True)
        return carry

    lax.fori_loop(0, npc, fire, 0)

    def drain(j, carry):
        pltpu.make_async_copy(onesb, acc.at[dstb.at[j]], sem).wait()
        return carry

    lax.fori_loop(0, npc, drain, 0)
    plsc.subcore_barrier()
    pltpu.sync_copy(acc.at[pl.ds(base, RPT)], out_hbm.at[c, pl.ds(base, RPT)])


def _deg_call(dst2d):
    k = pl.kernel(
        _deg_body,
        out_type=jax.ShapeDtypeStruct((2, R, 16), F32),
        mesh=_mesh(),
        scratch_types=[
            pltpu.VMEM((NCH // 32, 128), I32),
            pltpu.VMEM((128, 16), F32),
            pltpu.VMEM_SHARED((R, 16), F32),
            pltpu.SemaphoreType.DMA,
        ],
    )
    return k(dst2d)



_NBUF = 4
_GD = 2
CH = 64
NCC = EP // CH


def _make_agg_body(per_sc_table, plan0, plan1):
    def body(table_hbm, src_hbm, dst_hbm, out_hbm, srcb, dstb,
             rows0, rows1, rows2, rows3, acc, gsem, ssem):
        bufs = [rows0, rows1, rows2, rows3]
        c = lax.axis_index("c")
        s = lax.axis_index("s")

        zero16 = jnp.zeros((16,), F32)

        def zr(i, carry):
            for k in range(8):
                rows0[i, pl.ds(k * 16, 16)] = zero16
            return carry

        lax.fori_loop(0, CH, zr, 0)
        base = s * RAT
        for k in range(RAT // CH):
            pltpu.sync_copy(rows0, acc.at[pl.ds(base + k * CH, CH)])
        if RAT % CH:
            pltpu.sync_copy(rows0.at[pl.ds(0, RAT % CH)],
                            acc.at[pl.ds(base + (RAT // CH) * CH, RAT % CH)])
        plsc.subcore_barrier()

        def run_pass(cb, npch):
            if per_sc_table:
                pltpu.sync_copy(src_hbm.at[c, pl.ds(cb, npch)],
                                srcb.at[pl.ds(0, npch)])
            else:
                pltpu.sync_copy(src_hbm.at[pl.ds(cb, npch)],
                                srcb.at[pl.ds(0, npch)])
            pltpu.sync_copy(dst_hbm.at[pl.ds(cb, npch)], dstb.at[pl.ds(0, npch)])
            for d in range(_GD):
                pltpu.async_copy(table_hbm.at[srcb.at[d]], bufs[d], gsem)

            def step(j2, carry):
                for jj in range(_NBUF):
                    j = j2 * _NBUF + jj
                    b = bufs[jj]
                    pltpu.make_async_copy(table_hbm.at[srcb.at[j]], b, gsem).wait()
                    pltpu.async_copy(b, acc.at[dstb.at[j]], ssem, add=True)
                    jn = j + _GD
                    bn = bufs[(jj + _GD) % _NBUF]

                    @pl.when(jn - _NBUF >= 0)
                    def _():
                        pltpu.make_async_copy(
                            bn, acc.at[dstb.at[jn - _NBUF]], ssem).wait()

                    @pl.when(jn < npch)
                    def _():
                        pltpu.async_copy(table_hbm.at[srcb.at[jn]], bn, gsem)
                return carry

            lax.fori_loop(0, npch // _NBUF, step, 0)
            for t in range(_NBUF - _GD):
                pltpu.make_async_copy(
                    bufs[0], acc.at[dstb.at[npch - (_NBUF - _GD) + t]], ssem).wait()

        def run_core(npc, npass, cbase):
            npch = npc // npass
            assert npch % _NBUF == 0
            for p in range(npass):
                run_pass(cbase + p * npch, npch)

        if per_sc_table:
            run_core(plan0[0], plan0[1], s * plan0[0])
        else:
            @pl.when(c == 0)
            def _():
                run_core(plan0[0], plan0[1], s * plan0[0])

            @pl.when(c == 1)
            def _():
                run_core(plan1[0], plan1[1], 16 * plan0[0] + s * plan1[0])
        plsc.subcore_barrier()
        pltpu.sync_copy(acc.at[pl.ds(base, RAT)], out_hbm.at[c, pl.ds(base, RAT)])

    return body


def _agg_call(table, src, dst, per_sc_table, plan0, plan1):
    nib = max(plan0[0] // plan0[1], plan1[0] // plan1[1])
    k = pl.kernel(
        _make_agg_body(per_sc_table, plan0, plan1),
        out_type=jax.ShapeDtypeStruct((2, R, H3), F32),
        mesh=_mesh(),
        scratch_types=[
            pltpu.VMEM((nib, CH), I32),
            pltpu.VMEM((nib, CH), I32),
            pltpu.VMEM((CH, H3), F32),
            pltpu.VMEM((CH, H3), F32),
            pltpu.VMEM((CH, H3), F32),
            pltpu.VMEM((CH, H3), F32),
            pltpu.VMEM_SHARED((RA, H3), F32),
            pltpu.SemaphoreType.DMA,
            pltpu.SemaphoreType.DMA,
        ],
    )
    return k(table, src, dst)



def _dinv_body(degp_ref, out_ref):
    deg = degp_ref[0, :, 0:1] + degp_ref[1, :, 0:1] + 1.0
    row = lax.broadcasted_iota(I32, (R, 1), 0)
    out_ref[...] = jnp.where(row < BN, 1.0 / jnp.sqrt(deg), 0.0)


def _dinv_call(degp):
    return pl.pallas_call(
        _dinv_body,
        out_shape=jax.ShapeDtypeStruct((R, 1), F32),
    )(degp)



def _outer9(v):
    cols = []
    for a in range(3):
        for b in range(3):
            cols.append(v[:, a:a + 1] * v[:, b:b + 1])
    return jnp.concatenate(cols, axis=1)


def _enc_body(pc_ref, dinv_ref, W_ref, b_ref, out_ref):
    pc = pc_ref[0]
    pc12 = jnp.concatenate([pc, _outer9(pc)], axis=1)
    zpad = jnp.zeros((12, 12), F32)
    pc12p = jnp.concatenate([zpad, pc12, zpad], axis=0)
    S = pc12p[0:N]
    for d in range(1, 25):
        S = S + pc12p[d:d + N]
    irow = lax.broadcasted_iota(I32, (N, 1), 0)
    cnt = (jnp.minimum(N, irow + 13) - jnp.maximum(0, irow - 12)).astype(F32)
    S1 = S[:, :3]
    S2 = S[:, 3:]
    m = S1 / cnt
    cov = (S2 - cnt * _outer9(m)) / 23.0
    feat = jnp.concatenate([pc, cov], axis=1)
    x1 = _selu(lax.dot_general(feat, W_ref[...], (((1,), (0,)), ((), ())),
                               preferred_element_type=F32) + b_ref[...])
    out_ref[0] = x1 * dinv_ref[0]


def _enc_call(input_data, dinvB, We1, be1):
    return pl.pallas_call(
        _enc_body,
        grid=(B,),
        in_specs=[
            pl.BlockSpec((1, N, 3), lambda b: (b, 0, 0)),
            pl.BlockSpec((1, N, 1), lambda b: (b, 0, 0)),
            pl.BlockSpec((12, H3), lambda b: (0, 0)),
            pl.BlockSpec((1, H3), lambda b: (0, 0)),
        ],
        out_specs=pl.BlockSpec((1, N, H3), lambda b: (b, 0, 0)),
        out_shape=jax.ShapeDtypeStruct((B, N, H3), F32),
    )(input_data, dinvB, We1, be1)



_MB = 512


def _mid_body(agg_ref, u1_ref, dinv_ref, W_ref, b_ref, out_ref):
    dinv = dinv_ref[...]
    h = (agg_ref[0] + agg_ref[1] + u1_ref[...]) * dinv
    o = _selu(lax.dot_general(h, W_ref[...], (((1,), (0,)), ((), ())),
                              preferred_element_type=F32) + b_ref[...])
    u2 = o * dinv
    out_ref[0] = u2[:, :H3]
    out_ref[1] = u2[:, H3:]


def _mid_call(agg1, u1p, dinv_col, Wg1, bg1):
    return pl.pallas_call(
        _mid_body,
        grid=(R // _MB,),
        in_specs=[
            pl.BlockSpec((2, _MB, H3), lambda r: (0, r, 0)),
            pl.BlockSpec((_MB, H3), lambda r: (r, 0)),
            pl.BlockSpec((_MB, 1), lambda r: (r, 0)),
            pl.BlockSpec((H3, H1), lambda r: (0, 0)),
            pl.BlockSpec((1, H1), lambda r: (0, 0)),
        ],
        out_specs=pl.BlockSpec((2, _MB, H3), lambda r: (0, r, 0)),
        out_shape=jax.ShapeDtypeStruct((2, R, H3), F32),
    )(agg1, u1p, dinv_col, Wg1, bg1)



def _fin_body(agg_ref, u2_ref, dinv_ref, Wg2_ref, bg2_ref, We2_ref, be2_ref,
              Wd1_ref, bd1_ref, Wd2_ref, bd2_ref, grid_ref, out_ref):
    dinv = dinv_ref[0]
    ha = (agg_ref[0, 0] + u2_ref[0, 0]) * dinv
    hb = (agg_ref[1, 0] + u2_ref[1, 0]) * dinv
    Wg2 = Wg2_ref[...]
    o2 = _selu(lax.dot_general(ha, Wg2[:H3], (((1,), (0,)), ((), ())),
                               preferred_element_type=F32)
               + lax.dot_general(hb, Wg2[H3:], (((1,), (0,)), ((), ())),
                                 preferred_element_type=F32)
               + bg2_ref[...])
    p = jnp.max(o2, axis=0, keepdims=True)
    xe = _selu(lax.dot_general(p, We2_ref[...], (((1,), (0,)), ((), ())),
                               preferred_element_type=F32) + be2_ref[...])
    Wd1 = Wd1_ref[...]
    Wd2 = Wd2_ref[...]
    c1 = lax.dot_general(xe, Wd1[:H1], (((1,), (0,)), ((), ())),
                         preferred_element_type=F32) + bd1_ref[...]
    gy = lax.dot_general(grid_ref[...], Wd1[H1:], (((1,), (0,)), ((), ())),
                         preferred_element_type=F32)
    k = _selu(c1 + gy)
    c2 = lax.dot_general(xe, Wd2[:H1], (((1,), (0,)), ((), ())),
                         preferred_element_type=F32) + bd2_ref[...]
    out_ref[0] = _selu(c2 + lax.dot_general(k, Wd2[H1:], (((1,), (0,)), ((), ())),
                                            preferred_element_type=F32))


def _fin_call(agg2r, u2r, dinvB, Wg2, bg2, We2, be2, Wd1, bd1, Wd2, bd2, grid):
    return pl.pallas_call(
        _fin_body,
        grid=(B,),
        in_specs=[
            pl.BlockSpec((2, 1, N, H3), lambda b: (0, b, 0, 0)),
            pl.BlockSpec((2, 1, N, H3), lambda b: (0, b, 0, 0)),
            pl.BlockSpec((1, N, 1), lambda b: (b, 0, 0)),
            pl.BlockSpec((H1, H1), lambda b: (0, 0)),
            pl.BlockSpec((1, H1), lambda b: (0, 0)),
            pl.BlockSpec((H1, H1), lambda b: (0, 0)),
            pl.BlockSpec((1, H1), lambda b: (0, 0)),
            pl.BlockSpec((H1 + 2, 3), lambda b: (0, 0)),
            pl.BlockSpec((1, 3), lambda b: (0, 0)),
            pl.BlockSpec((H1 + 3, 3), lambda b: (0, 0)),
            pl.BlockSpec((1, 3), lambda b: (0, 0)),
            pl.BlockSpec((N, 2), lambda b: (0, 0)),
        ],
        out_specs=pl.BlockSpec((1, N, 3), lambda b: (b, 0, 0)),
        out_shape=jax.ShapeDtypeStruct((B, N, 3), F32),
    )(agg2r, u2r, dinvB, Wg2, bg2, We2, be2, Wd1, bd1, Wd2, bd2, grid)



def _fold_grid():
    nx = int(1 + (N * 120 / 60) ** 0.5)
    ny = int(1 + (N * 60 / 120) ** 0.5)
    xg = np.linspace(1.0, 120.0, nx)
    yg = np.linspace(1.0, 60.0, ny)
    g = np.stack([np.repeat(xg, ny), np.tile(yg, nx)], axis=1)[:N]
    return jnp.asarray(g, F32)


def kernel(input_data, knn, We1, be1, Wg1, bg1, Wg2, bg2, We2, be2, Wd1, bd1, Wd2, bd2):
    pad = EP - E
    src_p = jnp.concatenate([knn[0], jnp.zeros((pad,), I32)])
    dst_p = jnp.concatenate([knn[1], jnp.full((pad,), BN, I32)])
    src2d = src_p.reshape(NCH, 128)
    dst2d = dst_p.reshape(NCH, 128)
    srcA = src_p.reshape(NCC, CH)
    dstA = dst_p.reshape(NCC, CH)
    srcK5 = jnp.stack([srcA, srcA + R])

    degp = _deg_call(dst2d)
    dinv_col = _dinv_call(degp)
    dinvB = dinv_col[:BN].reshape(B, N, 1)

    u1_3d = _enc_call(input_data, dinvB, We1, be1.reshape(1, H3))
    u1p = jnp.concatenate([u1_3d.reshape(BN, H3), jnp.zeros((R - BN, H3), F32)])

    agg1 = _agg_call(u1p, srcA, dstA, per_sc_table=False,
                     plan0=(32, 1), plan1=(128, 2))
    u2 = _mid_call(agg1, u1p, dinv_col, Wg1, bg1.reshape(1, H1))

    agg2 = _agg_call(u2.reshape(2 * R, H3), srcK5, dstA, per_sc_table=True,
                     plan0=(NCC // 16, 4), plan1=(NCC // 16, 4))
    agg2r = agg2[:, :BN].reshape(2, B, N, H3)
    u2r = u2[:, :BN].reshape(2, B, N, H3)

    return _fin_call(agg2r, u2r, dinvB, Wg2, bg2.reshape(1, H1), We2,
                     be2.reshape(1, H1), Wd1, bd1.reshape(1, 3), Wd2,
                     bd2.reshape(1, 3), _fold_grid())

# --- scband reference (transcript-rebuilt; emitter-appended) ---
"""Pipeline reference for scband-arw-folding-net-33432025432119 (READ-ONLY COPY).

The authoritative reference and input builder live on the scoring server;
editing this copy changes nothing except your own understanding.
"""

import jax, jax.numpy as jnp
import numpy as np

H1 = 256
H3 = 128
B = 4
N = 2500
E = 160000


def _lin(k, i, o):
    s = 1.0 / np.sqrt(i)
    return jax.random.uniform(k, (i, o), minval=-s, maxval=s, dtype=jnp.float32)


def setup_inputs(seed: int = 0):
    key = jax.random.key(seed)
    ks = jax.random.split(key, 10)
    inp = {}
    inp['input_data'] = jax.random.normal(ks[0], (B, N, 3), dtype=jnp.float32)
    inp['knn'] = jax.random.randint(ks[1], (2, E), 0, B * N, dtype=jnp.int32)
    inp['We1'] = _lin(ks[2], 12, H3); inp['be1'] = jnp.zeros((H3,), jnp.float32)
    inp['Wg1'] = _lin(ks[3], H3, H3 * 2); inp['bg1'] = jnp.zeros((H3 * 2,), jnp.float32)
    inp['Wg2'] = _lin(ks[4], H3 * 2, H1); inp['bg2'] = jnp.zeros((H1,), jnp.float32)
    inp['We2'] = _lin(ks[5], H1, H1); inp['be2'] = jnp.zeros((H1,), jnp.float32)
    inp['Wd1'] = _lin(ks[6], H1 + 2, 3); inp['bd1'] = jnp.zeros((3,), jnp.float32)
    inp['Wd2'] = _lin(ks[7], H1 + 3, 3); inp['bd2'] = jnp.zeros((3,), jnp.float32)
    return inp


def local_cov(pc, nsize):
    b, n, d = pc.shape
    idx = jnp.arange(n)
    start = jnp.maximum(0, idx - nsize // 2)
    end = jnp.minimum(n, idx + nsize // 2 + 1)
    cs1 = jnp.concatenate([jnp.zeros((b, 1, d), pc.dtype), jnp.cumsum(pc, axis=1)], axis=1)
    outer = pc[:, :, :, None] * pc[:, :, None, :]
    cs2 = jnp.concatenate([jnp.zeros((b, 1, d, d), pc.dtype), jnp.cumsum(outer, axis=1)], axis=1)
    S1 = cs1[:, end] - cs1[:, start]
    S2 = cs2[:, end] - cs2[:, start]
    cnt = (end - start).astype(pc.dtype)[None, :, None]
    m = S1 / cnt
    cov = (S2 - cnt[..., None] * m[:, :, :, None] * m[:, :, None, :]) / (nsize - 1)
    return cov.reshape(b, n, d * d)


def gcn(x, edge_index, W, bias):
    n = x.shape[0]
    loops = jnp.arange(n, dtype=edge_index.dtype)
    src = jnp.concatenate([edge_index[0], loops])
    dst = jnp.concatenate([edge_index[1], loops])
    deg = jnp.zeros((n,), x.dtype).at[dst].add(1.0)
    dinv = jnp.where(deg > 0, 1.0 / jnp.sqrt(deg), 0.0)
    norm = dinv[src] * dinv[dst]
    xw = x @ W
    out = jnp.zeros((n, W.shape[1]), x.dtype).at[dst].add(xw[src] * norm[:, None])
    return out + bias


def reference(input_data, knn, We1, be1, Wg1, bg1, Wg2, bg2, We2, be2, Wd1, bd1, Wd2, bd2):
    selu = jax.nn.selu
    b, n, _ = input_data.shape
    # encode
    cov = local_cov(input_data, 24)
    x = jnp.concatenate([input_data, cov], axis=2)
    x = selu(x @ We1 + be1)
    x = x.reshape(-1, x.shape[-1])
    x = selu(gcn(x, knn, Wg1, bg1))
    x = selu(gcn(x, knn, Wg2, bg2))
    x = x.reshape(b, n, -1)
    x = jnp.max(x, axis=1, keepdims=True)  # AdaptiveMaxPool1d(1) over nodes
    x = selu(x @ We2 + be2)
    # decode
    nx = int(1 + (n * 120 / 60) ** 0.5)
    ny = int(1 + (n * 60 / 120) ** 0.5)
    xg = jnp.linspace(1.0, 120.0, nx)
    yg = jnp.linspace(1.0, 60.0, ny)
    grid = jnp.stack([jnp.repeat(xg, ny), jnp.tile(yg, nx)], axis=1)[:n]
    y = jnp.broadcast_to(grid[None], (b, n, 2))
    x = jnp.tile(x, (1, n, 1))
    k = jnp.concatenate([x, y], axis=2)
    k = selu(k @ Wd1 + bd1)
    x = jnp.concatenate([x, k], axis=2)
    x = selu(x @ Wd2 + bd2)
    return x

if __name__ == "__main__":
    import jax
    _d = setup_inputs()
    print(jax.jit(kernel)(*tuple(_d.values())))

</pallas_src>

<mosaic_0001>
#map = affine_map<(d0, d1) -> (0, 0)>
#map1 = affine_map<(d0, d1) -> (0, 0, 0)>
module attributes {stable_mosaic.version = 14 : i64} {
  func.func @_deg_body(%arg0: i32, %arg1: i32, %arg2: memref<1280x128xi32, #tpu.memory_space<hbm>>, %arg3: memref<2x10240x16xf32, #tpu.memory_space<hbm>>, %arg4: memref<40x128xi32, #tpu.memory_space<vmem>>, %arg5: memref<128x16xf32, #tpu.memory_space<vmem>>, %arg6: memref<10240x16xf32, #tpu.memory_space<vmem_shared>>, %arg7: memref<!tpu.dma_semaphore, #tpu.memory_space<semaphore_mem>>) attributes {dimension_semantics = [#tpu.dimension_semantics<core_parallel>, #tpu.dimension_semantics<subcore_parallel>], iteration_bounds = array<i64: 2, 16>, scalar_prefetch = 0 : i64, scratch_operands = 4 : i64, tpu.core_type = #tpu.core_type<sc_vector_subcore>, window_params = [{transform_indices = #map}, {transform_indices = #map1}]} {
    %mul3A = arith.constant 2 : i32
    %mul3A_0 = arith.muli %arg1, %mul3A : i32
    %add3A = arith.addi %mul3A_0, %arg0 : i32
    %mul3A_1 = arith.constant 40 : i32
    %mul3A_2 = arith.muli %add3A, %mul3A_1 : i32
    "tpu.region"() ({
      %run_scoped3A = tpu.sem_alloc : memref<!tpu.dma_semaphore, #tpu.memory_space<semaphore_mem>>
      %dma_start3A = arith.constant 0 : i32
      %dma_start3A_42 = tpu.memref_slice %arg2[%mul3A_2, %dma_start3A] : memref<1280x128xi32, #tpu.memory_space<hbm>> -> memref<40x128xi32, #tpu.memory_space<hbm>>
      %dma_start3A_43 = arith.constant 0 : i32
      %dma_start3A_44 = tpu.memref_slice %arg2[%mul3A_2, %dma_start3A_43] : memref<1280x128xi32, #tpu.memory_space<hbm>> -> memref<40x128xi32, #tpu.memory_space<hbm>>
      tpu.enqueue_dma source(%dma_start3A_44 : memref<40x128xi32, #tpu.memory_space<hbm>>) target(%arg4 : memref<40x128xi32, #tpu.memory_space<vmem>>) target_semaphore(%run_scoped3A : memref<!tpu.dma_semaphore, #tpu.memory_space<semaphore_mem>>)
      %dma_wait3A = arith.constant 0 : i32
      %dma_wait3A_45 = tpu.memref_slice %arg2[%mul3A_2, %dma_wait3A] : memref<1280x128xi32, #tpu.memory_space<hbm>> -> memref<40x128xi32, #tpu.memory_space<hbm>>
      %dma_wait3A_46 = arith.constant 0 : i32
      %dma_wait3A_47 = tpu.memref_slice %arg2[%mul3A_2, %dma_wait3A_46] : memref<1280x128xi32, #tpu.memory_space<hbm>> -> memref<40x128xi32, #tpu.memory_space<hbm>>
      tpu.wait_dma2 semaphore(%run_scoped3A : memref<!tpu.dma_semaphore, #tpu.memory_space<semaphore_mem>>) src(%dma_wait3A_47 : memref<40x128xi32, #tpu.memory_space<hbm>>) dst(%arg4 : memref<40x128xi32, #tpu.memory_space<vmem>>)
      tpu.yield
    }) : () -> ()
    %broadcast_in_dim3A = arith.constant 0.000000e+00 : f32
    %broadcast_in_dim3A_3 = vector.broadcast %broadcast_in_dim3A : f32 to vector<16xf32>
    %broadcast_in_dim3A_4 = arith.constant 1.000000e+00 : f32
    %broadcast_in_dim3A_5 = vector.broadcast %broadcast_in_dim3A_4 : f32 to vector<16xf32>
    %scan3A = arith.constant 0 : i32
    %scan3A_6 = arith.constant 0 : i32
    %scan3A_7 = arith.constant 128 : i32
    %scan3A_8 = arith.addi %scan3A_6, %scan3A_7 : i32
    %scan3A_9 = arith.constant 1 : i32
    scf.for %scan3A_42 = %scan3A_6 to %scan3A_8 step %scan3A_9  : i32 {
      %swap3A = arith.index_cast %scan3A_42 : i32 to index
      %swap3A_43 = arith.constant 0 : index
      %swap3A_44 = tpu.vector_load %arg5[%swap3A, %swap3A_43] {strides = array<i32>} : memref<128x16xf32, #tpu.memory_space<vmem>>, vector<1x16xf32>,
      %swap3A_45 = vector.shape_cast %swap3A_44 : vector<1x16xf32> to vector<16xf32>
      %swap3A_46 = vector.shape_cast %broadcast_in_dim3A_3 : vector<16xf32> to vector<1x16xf32>
      tpu.vector_store %arg5[%swap3A, %swap3A_43], %swap3A_46 {strides = array<i32>} : memref<128x16xf32, #tpu.memory_space<vmem>>, vector<1x16xf32>,
    }
    %scan3A_10 = arith.constant 128 : i32
    %mul3A_11 = arith.constant 640 : i32
    %mul3A_12 = arith.muli %arg1, %mul3A_11 : i32
    %add3A_13 = arith.constant 0 : i32
    %add3A_14 = arith.addi %mul3A_12, %add3A_13 : i32
    "tpu.region"() ({
      %run_scoped3A = tpu.sem_alloc : memref<!tpu.dma_semaphore, #tpu.memory_space<semaphore_mem>>
      %dma_start3A = arith.constant 0 : i32
      %dma_start3A_42 = tpu.memref_slice %arg6[%add3A_14, %dma_start3A] : memref<10240x16xf32, #tpu.memory_space<vmem_shared>> -> memref<128x16xf32, #tpu.memory_space<vmem_shared>>
      %dma_start3A_43 = arith.constant 0 : i32
      %dma_start3A_44 = tpu.memref_slice %arg6[%add3A_14, %dma_start3A_43] : memref<10240x16xf32, #tpu.memory_space<vmem_shared>> -> memref<128x16xf32, #tpu.memory_space<vmem_shared>>
      tpu.enqueue_dma source(%arg5 : memref<128x16xf32, #tpu.memory_space<vmem>>) target(%dma_start3A_44 : memref<128x16xf32, #tpu.memory_space<vmem_shared>>) target_semaphore(%run_scoped3A : memref<!tpu.dma_semaphore, #tpu.memory_space<semaphore_mem>>)
      %dma_wait3A = arith.constant 0 : i32
      %dma_wait3A_45 = tpu.memref_slice %arg6[%add3A_14, %dma_wait3A] : memref<10240x16xf32, #tpu.memory_space<vmem_shared>> -> memref<128x16xf32, #tpu.memory_space<vmem_shared>>
      %dma_wait3A_46 = arith.constant 0 : i32
      %dma_wait3A_47 = tpu.memref_slice %arg6[%add3A_14, %dma_wait3A_46] : memref<10240x16xf32, #tpu.memory_space<vmem_shared>> -> memref<128x16xf32, #tpu.memory_space<vmem_shared>>
      tpu.wait_dma2 semaphore(%run_scoped3A : memref<!tpu.dma_semaphore, #tpu.memory_space<semaphore_mem>>) src(%arg5 : memref<128x16xf32, #tpu.memory_space<vmem>>) dst(%dma_wait3A_47 : memref<128x16xf32, #tpu.memory_space<vmem_shared>>)
      tpu.yield
    }) : () -> ()
    %add3A_15 = arith.constant 128 : i32
    %add3A_16 = arith.addi %mul3A_12, %add3A_15 : i32
    "tpu.region"() ({
      %run_scoped3A = tpu.sem_alloc : memref<!tpu.dma_semaphore, #tpu.memory_space<semaphore_mem>>
      %dma_start3A = arith.constant 0 : i32
      %dma_start3A_42 = tpu.memref_slice %arg6[%add3A_16, %dma_start3A] : memref<10240x16xf32, #tpu.memory_space<vmem_shared>> -> memref<128x16xf32, #tpu.memory_space<vmem_shared>>
      %dma_start3A_43 = arith.constant 0 : i32
      %dma_start3A_44 = tpu.memref_slice %arg6[%add3A_16, %dma_start3A_43] : memref<10240x16xf32, #tpu.memory_space<vmem_shared>> -> memref<128x16xf32, #tpu.memory_space<vmem_shared>>
      tpu.enqueue_dma source(%arg5 : memref<128x16xf32, #tpu.memory_space<vmem>>) target(%dma_start3A_44 : memref<128x16xf32, #tpu.memory_space<vmem_shared>>) target_semaphore(%run_scoped3A : memref<!tpu.dma_semaphore, #tpu.memory_space<semaphore_mem>>)
      %dma_wait3A = arith.constant 0 : i32
      %dma_wait3A_45 = tpu.memref_slice %arg6[%add3A_16, %dma_wait3A] : memref<10240x16xf32, #tpu.memory_space<vmem_shared>> -> memref<128x16xf32, #tpu.memory_space<vmem_shared>>
      %dma_wait3A_46 = arith.constant 0 : i32
      %dma_wait3A_47 = tpu.memref_slice %arg6[%add3A_16, %dma_wait3A_46] : memref<10240x16xf32, #tpu.memory_space<vmem_shared>> -> memref<128x16xf32, #tpu.memory_space<vmem_shared>>
      tpu.wait_dma2 semaphore(%run_scoped3A : memref<!tpu.dma_semaphore, #tpu.memory_space<semaphore_mem>>) src(%arg5 : memref<128x16xf32, #tpu.memory_space<vmem>>) dst(%dma_wait3A_47 : memref<128x16xf32, #tpu.memory_space<vmem_shared>>)
      tpu.yield
    }) : () -> ()
    %add3A_17 = arith.constant 256 : i32
    %add3A_18 = arith.addi %mul3A_12, %add3A_17 : i32
    "tpu.region"() ({
      %run_scoped3A = tpu.sem_alloc : memref<!tpu.dma_semaphore, #tpu.memory_space<semaphore_mem>>
      %dma_start3A = arith.constant 0 : i32
      %dma_start3A_42 = tpu.memref_slice %arg6[%add3A_18, %dma_start3A] : memref<10240x16xf32, #tpu.memory_space<vmem_shared>> -> memref<128x16xf32, #tpu.memory_space<vmem_shared>>
      %dma_start3A_43 = arith.constant 0 : i32
      %dma_start3A_44 = tpu.memref_slice %arg6[%add3A_18, %dma_start3A_43] : memref<10240x16xf32, #tpu.memory_space<vmem_shared>> -> memref<128x16xf32, #tpu.memory_space<vmem_shared>>
      tpu.enqueue_dma source(%arg5 : memref<128x16xf32, #tpu.memory_space<vmem>>) target(%dma_start3A_44 : memref<128x16xf32, #tpu.memory_space<vmem_shared>>) target_semaphore(%run_scoped3A : memref<!tpu.dma_semaphore, #tpu.memory_space<semaphore_mem>>)
      %dma_wait3A = arith.constant 0 : i32
      %dma_wait3A_45 = tpu.memref_slice %arg6[%add3A_18, %dma_wait3A] : memref<10240x16xf32, #tpu.memory_space<vmem_shared>> -> memref<128x16xf32, #tpu.memory_space<vmem_shared>>
      %dma_wait3A_46 = arith.constant 0 : i32
      %dma_wait3A_47 = tpu.memref_slice %arg6[%add3A_18, %dma_wait3A_46] : memref<10240x16xf32, #tpu.memory_space<vmem_shared>> -> memref<128x16xf32, #tpu.memory_space<vmem_shared>>
      tpu.wait_dma2 semaphore(%run_scoped3A : memref<!tpu.dma_semaphore, #tpu.memory_space<semaphore_mem>>) src(%arg5 : memref<128x16xf32, #tpu.memory_space<vmem>>) dst(%dma_wait3A_47 : memref<128x16xf32, #tpu.memory_space<vmem_shared>>)
      tpu.yield
    }) : () -> ()
    %add3A_19 = arith.constant 384 : i32
    %add3A_20 = arith.addi %mul3A_12, %add3A_19 : i32
    "tpu.region"() ({
      %run_scoped3A = tpu.sem_alloc : memref<!tpu.dma_semaphore, #tpu.memory_space<semaphore_mem>>
      %dma_start3A = arith.constant 0 : i32
      %dma_start3A_42 = tpu.memref_slice %arg6[%add3A_20, %dma_start3A] : memref<10240x16xf32, #tpu.memory_space<vmem_shared>> -> memref<128x16xf32, #tpu.memory_space<vmem_shared>>
      %dma_start3A_43 = arith.constant 0 : i32
      %dma_start3A_44 = tpu.memref_slice %arg6[%add3A_20, %dma_start3A_43] : memref<10240x16xf32, #tpu.memory_space<vmem_shared>> -> memref<128x16xf32, #tpu.memory_space<vmem_shared>>
      tpu.enqueue_dma source(%arg5 : memref<128x16xf32, #tpu.memory_space<vmem>>) target(%dma_start3A_44 : memref<128x16xf32, #tpu.memory_space<vmem_shared>>) target_semaphore(%run_scoped3A : memref<!tpu.dma_semaphore, #tpu.memory_space<semaphore_mem>>)
      %dma_wait3A = arith.constant 0 : i32
      %dma_wait3A_45 = tpu.memref_slice %arg6[%add3A_20, %dma_wait3A] : memref<10240x16xf32, #tpu.memory_space<vmem_shared>> -> memref<128x16xf32, #tpu.memory_space<vmem_shared>>
      %dma_wait3A_46 = arith.constant 0 : i32
      %dma_wait3A_47 = tpu.memref_slice %arg6[%add3A_20, %dma_wait3A_46] : memref<10240x16xf32, #tpu.memory_space<vmem_shared>> -> memref<128x16xf32, #tpu.memory_space<vmem_shared>>
      tpu.wait_dma2 semaphore(%run_scoped3A : memref<!tpu.dma_semaphore, #tpu.memory_space<semaphore_mem>>) src(%arg5 : memref<128x16xf32, #tpu.memory_space<vmem>>) dst(%dma_wait3A_47 : memref<128x16xf32, #tpu.memory_space<vmem_shared>>)
      tpu.yield
    }) : () -> ()
    %add3A_21 = arith.constant 512 : i32
    %add3A_22 = arith.addi %mul3A_12, %add3A_21 : i32
    "tpu.region"() ({
      %run_scoped3A = tpu.sem_alloc : memref<!tpu.dma_semaphore, #tpu.memory_space<semaphore_mem>>
      %dma_start3A = arith.constant 0 : i32
      %dma_start3A_42 = tpu.memref_slice %arg6[%add3A_22, %dma_start3A] : memref<10240x16xf32, #tpu.memory_space<vmem_shared>> -> memref<128x16xf32, #tpu.memory_space<vmem_shared>>
      %dma_start3A_43 = arith.constant 0 : i32
      %dma_start3A_44 = tpu.memref_slice %arg6[%add3A_22, %dma_start3A_43] : memref<10240x16xf32, #tpu.memory_space<vmem_shared>> -> memref<128x16xf32, #tpu.memory_space<vmem_shared>>
      tpu.enqueue_dma source(%arg5 : memref<128x16xf32, #tpu.memory_space<vmem>>) target(%dma_start3A_44 : memref<128x16xf32, #tpu.memory_space<vmem_shared>>) target_semaphore(%run_scoped3A : memref<!tpu.dma_semaphore, #tpu.memory_space<semaphore_mem>>)
      %dma_wait3A = arith.constant 0 : i32
      %dma_wait3A_45 = tpu.memref_slice %arg6[%add3A_22, %dma_wait3A] : memref<10240x16xf32, #tpu.memory_space<vmem_shared>> -> memref<128x16xf32, #tpu.memory_space<vmem_shared>>
      %dma_wait3A_46 = arith.constant 0 : i32
      %dma_wait3A_47 = tpu.memref_slice %arg6[%add3A_22, %dma_wait3A_46] : memref<10240x16xf32, #tpu.memory_space<vmem_shared>> -> memref<128x16xf32, #tpu.memory_space<vmem_shared>>
      tpu.wait_dma2 semaphore(%run_scoped3A : memref<!tpu.dma_semaphore, #tpu.memory_space<semaphore_mem>>) src(%arg5 : memref<128x16xf32, #tpu.memory_space<vmem>>) dst(%dma_wait3A_47 : memref<128x16xf32, #tpu.memory_space<vmem_shared>>)
      tpu.yield
    }) : () -> ()
    %scan3A_23 = arith.constant 0 : i32
    %scan3A_24 = arith.constant 0 : i32
    %scan3A_25 = arith.constant 128 : i32
    %scan3A_26 = arith.addi %scan3A_24, %scan3A_25 : i32
    %scan3A_27 = arith.constant 1 : i32
    scf.for %scan3A_42 = %scan3A_24 to %scan3A_26 step %scan3A_27  : i32 {
      %swap3A = arith.index_cast %scan3A_42 : i32 to index
      %swap3A_43 = arith.constant 0 : index
      %swap3A_44 = tpu.vector_load %arg5[%swap3A, %swap3A_43] {strides = array<i32>} : memref<128x16xf32, #tpu.memory_space<vmem>>, vector<1x16xf32>,
      %swap3A_45 = vector.shape_cast %swap3A_44 : vector<1x16xf32> to vector<16xf32>
      %swap3A_46 = vector.shape_cast %broadcast_in_dim3A_5 : vector<16xf32> to vector<1x16xf32>
      tpu.vector_store %arg5[%swap3A, %swap3A_43], %swap3A_46 {strides = array<i32>} : memref<128x16xf32, #tpu.memory_space<vmem>>, vector<1x16xf32>,
    }
    %scan3A_28 = arith.constant 128 : i32
    %barrier3A = arith.constant 0 : index
    tpu.barrier barrier_id(%barrier3A)
    %scan3A_29 = arith.constant 0 : i32
    %scan3A_30 = arith.constant 0 : i32
    %scan3A_31 = arith.constant 40 : i32
    %scan3A_32 = arith.addi %scan3A_30, %scan3A_31 : i32
    %scan3A_33 = arith.constant 1 : i32
    scf.for %scan3A_42 = %scan3A_30 to %scan3A_32 step %scan3A_33  : i32 {
      %dma_start3A = arith.constant 0 : i32
      %dma_start3A_43 = tpu.memref_slice %arg4[%scan3A_42, %dma_start3A] : memref<40x128xi32, #tpu.memory_space<vmem>> -> memref<1x128xi32, #tpu.memory_space<vmem>>
      %dma_start3A_44 = tpu.memref_squeeze %dma_start3A_43 : memref<1x128xi32, #tpu.memory_space<vmem>> -> memref<128xi32, #tpu.memory_space<vmem>>
      %dma_start3A_45 = arith.constant 0 : i32
      %dma_start3A_46 = arith.constant 0 : i32
      %dma_start3A_47 = tpu.memref_slice %arg6[%dma_start3A_45, %dma_start3A_46] : memref<10240x16xf32, #tpu.memory_space<vmem_shared>> -> memref<10240x16xf32, #tpu.memory_space<vmem_shared>>
      tpu.enqueue_indirect_dma source(%arg5 : memref<128x16xf32, #tpu.memory_space<vmem>>) target(%dma_start3A_47 : memref<10240x16xf32, #tpu.memory_space<vmem_shared>>) offsets(%dma_start3A_44 : memref<128xi32, #tpu.memory_space<vmem>>) semaphore(%arg7 : memref<!tpu.dma_semaphore, #tpu.memory_space<semaphore_mem>>) {add = true}
    }
    %scan3A_34 = arith.constant 40 : i32
    %scan3A_35 = arith.constant 0 : i32
    %scan3A_36 = arith.constant 0 : i32
    %scan3A_37 = arith.constant 40 : i32
    %scan3A_38 = arith.addi %scan3A_36, %scan3A_37 : i32
    %scan3A_39 = arith.constant 1 : i32
    scf.for %scan3A_42 = %scan3A_36 to %scan3A_38 step %scan3A_39  : i32 {
      %dma_wait3A = arith.constant 0 : i32
      %dma_wait3A_43 = tpu.memref_slice %arg4[%scan3A_42, %dma_wait3A] : memref<40x128xi32, #tpu.memory_space<vmem>> -> memref<1x128xi32, #tpu.memory_space<vmem>>
      %dma_wait3A_44 = tpu.memref_squeeze %dma_wait3A_43 : memref<1x128xi32, #tpu.memory_space<vmem>> -> memref<128xi32, #tpu.memory_space<vmem>>
      %dma_wait3A_45 = arith.constant 0 : i32
      %dma_wait3A_46 = arith.constant 0 : i32
      %dma_wait3A_47 = tpu.memref_slice %arg6[%dma_wait3A_45, %dma_wait3A_46] : memref<10240x16xf32, #tpu.memory_space<vmem_shared>> -> memref<10240x16xf32, #tpu.memory_space<vmem_shared>>
      tpu.wait_indirect_dma semaphore(%arg7 : memref<!tpu.dma_semaphore, #tpu.memory_space<semaphore_mem>>) src(%arg5 : memref<128x16xf32, #tpu.memory_space<vmem>>) dst(%dma_wait3A_47 : memref<10240x16xf32, #tpu.memory_space<vmem_shared>>)
    }
    %scan3A_40 = arith.constant 40 : i32
    %barrier3A_41 = arith.constant 0 : index
    tpu.barrier barrier_id(%barrier3A_41)
    "tpu.region"() ({
      %run_scoped3A = tpu.sem_alloc : memref<!tpu.dma_semaphore, #tpu.memory_space<semaphore_mem>>
      %dma_start3A = arith.constant 0 : i32
      %dma_start3A_42 = tpu.memref_slice %arg3[%arg0, %mul3A_12, %dma_start3A] : memref<2x10240x16xf32, #tpu.memory_space<hbm>> -> memref<1x640x16xf32, #tpu.memory_space<hbm>>
      %dma_start3A_43 = tpu.memref_squeeze %dma_start3A_42 : memref<1x640x16xf32, #tpu.memory_space<hbm>> -> memref<640x16xf32, #tpu.memory_space<hbm>>
      %dma_start3A_44 = arith.constant 0 : i32
      %dma_start3A_45 = tpu.memref_slice %arg6[%mul3A_12, %dma_start3A_44] : memref<10240x16xf32, #tpu.memory_space<vmem_shared>> -> memref<640x16xf32, #tpu.memory_space<vmem_shared>>
      tpu.enqueue_dma source(%dma_start3A_45 : memref<640x16xf32, #tpu.memory_space<vmem_shared>>) target(%dma_start3A_43 : memref<640x16xf32, #tpu.memory_space<hbm>>) target_semaphore(%run_scoped3A : memref<!tpu.dma_semaphore, #tpu.memory_space<semaphore_mem>>)
      %dma_wait3A = arith.constant 0 : i32
      %dma_wait3A_46 = tpu.memref_slice %arg3[%arg0, %mul3A_12, %dma_wait3A] : memref<2x10240x16xf32, #tpu.memory_space<hbm>> -> memref<1x640x16xf32, #tpu.memory_space<hbm>>
      %dma_wait3A_47 = tpu.memref_squeeze %dma_wait3A_46 : memref<1x640x16xf32, #tpu.memory_space<hbm>> -> memref<640x16xf32, #tpu.memory_space<hbm>>
      %dma_wait3A_48 = arith.constant 0 : i32
      %dma_wait3A_49 = tpu.memref_slice %arg6[%mul3A_12, %dma_wait3A_48] : memref<10240x16xf32, #tpu.memory_space<vmem_shared>> -> memref<640x16xf32, #tpu.memory_space<vmem_shared>>
      tpu.wait_dma2 semaphore(%run_scoped3A : memref<!tpu.dma_semaphore, #tpu.memory_space<semaphore_mem>>) src(%dma_wait3A_49 : memref<640x16xf32, #tpu.memory_space<vmem_shared>>) dst(%dma_wait3A_47 : memref<640x16xf32, #tpu.memory_space<hbm>>)
      tpu.yield
    }) : () -> ()
    return
  }
}

#map = affine_map<(d0, d1) -> (0, 0)>
#map1 = affine_map<(d0, d1) -> (0, 0, 0)>
module attributes {stable_mosaic.version = 14 : i64} {
  func.func @body(%arg0: i32, %arg1: i32, %arg2: memref<20480x128xf32, #tpu.memory_space<hbm>>, %arg3: memref<2x2560x64xi32, #tpu.memory_space<hbm>>, %arg4: memref<2560x64xi32, #tpu.memory_space<hbm>>, %arg5: memref<2x10240x128xf32, #tpu.memory_space<hbm>>, %arg6: memref<40x64xi32, #tpu.memory_space<vmem>>, %arg7: memref<40x64xi32, #tpu.memory_space<vmem>>, %arg8: memref<64x128xf32, #tpu.memory_space<vmem>>, %arg9: memref<64x128xf32, #tpu.memory_space<vmem>>, %arg10: memref<64x128xf32, #tpu.memory_space<vmem>>, %arg11: memref<64x128xf32, #tpu.memory_space<vmem>>, %arg12: memref<10112x128xf32, #tpu.memory_space<vmem_shared>>, %arg13: memref<!tpu.dma_semaphore, #tpu.memory_space<semaphore_mem>>, %arg14: memref<!tpu.dma_semaphore, #tpu.memory_space<semaphore_mem>>) attributes {dimension_semantics = [#tpu.dimension_semantics<core_parallel>, #tpu.dimension_semantics<subcore_parallel>], iteration_bounds = array<i64: 2, 16>, scalar_prefetch = 0 : i64, scratch_operands = 9 : i64, tpu.core_type = #tpu.core_type<sc_vector_subcore>, window_params = [{transform_indices = #map}, {transform_indices = #map1}, {transform_indices = #map}, {transform_indices = #map1}]} {
    %broadcast_in_dim3A = arith.constant 0.000000e+00 : f32
    %broadcast_in_dim3A_0 = vector.broadcast %broadcast_in_dim3A : f32 to vector<16xf32>
    %scan3A = arith.constant 0 : i32
    %scan3A_1 = arith.constant 0 : i32
    %scan3A_2 = arith.constant 64 : i32
    %scan3A_3 = arith.addi %scan3A_1, %scan3A_2 : i32
    %scan3A_4 = arith.constant 1 : i32
    scf.for %scan3A_171 = %scan3A_1 to %scan3A_3 step %scan3A_4  : i32 {
      %swap3A = arith.index_cast %scan3A_171 : i32 to index
      %swap3A_172 = arith.constant 0 : index
      %swap3A_173 = tpu.vector_load %arg8[%swap3A, %swap3A_172] {strides = array<i32>} : memref<64x128xf32, #tpu.memory_space<vmem>>, vector<1x16xf32>,
      %swap3A_174 = vector.shape_cast %swap3A_173 : vector<1x16xf32> to vector<16xf32>
      %swap3A_175 = vector.shape_cast %broadcast_in_dim3A_0 : vector<16xf32> to vector<1x16xf32>
      tpu.vector_store %arg8[%swap3A, %swap3A_172], %swap3A_175 {strides = array<i32>} : memref<64x128xf32, #tpu.memory_space<vmem>>, vector<1x16xf32>,
      %swap3A_176 = arith.index_cast %scan3A_171 : i32 to index
      %swap3A_177 = arith.constant 16 : index
      %swap3A_178 = tpu.vector_load %arg8[%swap3A_176, %swap3A_177] {strides = array<i32>} : memref<64x128xf32, #tpu.memory_space<vmem>>, vector<1x16xf32>,
      %swap3A_179 = vector.shape_cast %swap3A_178 : vector<1x16xf32> to vector<16xf32>
      %swap3A_180 = vector.shape_cast %broadcast_in_dim3A_0 : vector<16xf32> to vector<1x16xf32>
      tpu.vector_store %arg8[%swap3A_176, %swap3A_177], %swap3A_180 {strides = array<i32>} : memref<64x128xf32, #tpu.memory_space<vmem>>, vector<1x16xf32>,
      %swap3A_181 = arith.index_cast %scan3A_171 : i32 to index
      %swap3A_182 = arith.constant 32 : index
      %swap3A_183 = tpu.vector_load %arg8[%swap3A_181, %swap3A_182] {strides = array<i32>} : memref<64x128xf32, #tpu.memory_space<vmem>>, vector<1x16xf32>,
      %swap3A_184 = vector.shape_cast %swap3A_183 : vector<1x16xf32> to vector<16xf32>
      %swap3A_185 = vector.shape_cast %broadcast_in_dim3A_0 : vector<16xf32> to vector<1x16xf32>
      tpu.vector_store %arg8[%swap3A_181, %swap3A_182], %swap3A_185 {strides = array<i32>} : memref<64x128xf32, #tpu.memory_space<vmem>>, vector<1x16xf32>,
      %swap3A_186 = arith.index_cast %scan3A_171 : i32 to index
      %swap3A_187 = arith.constant 48 : index
      %swap3A_188 = tpu.vector_load %arg8[%swap3A_186, %swap3A_187] {strides = array<i32>} : memref<64x128xf32, #tpu.memory_space<vmem>>, vector<1x16xf32>,
      %swap3A_189 = vector.shape_cast %swap3A_188 : vector<1x16xf32> to vector<16xf32>
      %swap3A_190 = vector.shape_cast %broadcast_in_dim3A_0 : vector<16xf32> to vector<1x16xf32>
      tpu.vector_store %arg8[%swap3A_186, %swap3A_187], %swap3A_190 {strides = array<i32>} : memref<64x128xf32, #tpu.memory_space<vmem>>, vector<1x16xf32>,
      %swap3A_191 = arith.index_cast %scan3A_171 : i32 to index
      %swap3A_192 = arith.constant 64 : index
      %swap3A_193 = tpu.vector_load %arg8[%swap3A_191, %swap3A_192] {strides = array<i32>} : memref<64x128xf32, #tpu.memory_space<vmem>>, vector<1x16xf32>,
      %swap3A_194 = vector.shape_cast %swap3A_193 : vector<1x16xf32> to vector<16xf32>
      %swap3A_195 = vector.shape_cast %broadcast_in_dim3A_0 : vector<16xf32> to vector<1x16xf32>
      tpu.vector_store %arg8[%swap3A_191, %swap3A_192], %swap3A_195 {strides = array<i32>} : memref<64x128xf32, #tpu.memory_space<vmem>>, vector<1x16xf32>,
      %swap3A_196 = arith.index_cast %scan3A_171 : i32 to index
      %swap3A_197 = arith.constant 80 : index
      %swap3A_198 = tpu.vector_load %arg8[%swap3A_196, %swap3A_197] {strides = array<i32>} : memref<64x128xf32, #tpu.memory_space<vmem>>, vector<1x16xf32>,
      %swap3A_199 = vector.shape_cast %swap3A_198 : vector<1x16xf32> to vector<16xf32>
      %swap3A_200 = vector.shape_cast %broadcast_in_dim3A_0 : vector<16xf32> to vector<1x16xf32>
      tpu.vector_store %arg8[%swap3A_196, %swap3A_197], %swap3A_200 {strides = array<i32>} : memref<64x128xf32, #tpu.memory_space<vmem>>, vector<1x16xf32>,
      %swap3A_201 = arith.index_cast %scan3A_171 : i32 to index
      %swap3A_202 = arith.constant 96 : index
      %swap3A_203 = tpu.vector_load %arg8[%swap3A_201, %swap3A_202] {strides = array<i32>} : memref<64x128xf32, #tpu.memory_space<vmem>>, vector<1x16xf32>,
      %swap3A_204 = vector.shape_cast %swap3A_203 : vector<1x16xf32> to vector<16xf32>
      %swap3A_205 = vector.shape_cast %broadcast_in_dim3A_0 : vector<16xf32> to vector<1x16xf32>
      tpu.vector_store %arg8[%swap3A_201, %swap3A_202], %swap3A_205 {strides = array<i32>} : memref<64x128xf32, #tpu.memory_space<vmem>>, vector<1x16xf32>,
      %swap3A_206 = arith.index_cast %scan3A_171 : i32 to index
      %swap3A_207 = arith.constant 112 : index
      %swap3A_208 = tpu.vector_load %arg8[%swap3A_206, %swap3A_207] {strides = array<i32>} : memref<64x128xf32, #tpu.memory_space<vmem>>, vector<1x16xf32>,
      %swap3A_209 = vector.shape_cast %swap3A_208 : vector<1x16xf32> to vector<16xf32>
      %swap3A_210 = vector.shape_cast %broadcast_in_dim3A_0 : vector<16xf32> to vector<1x16xf32>
      tpu.vector_store %arg8[%swap3A_206, %swap3A_207], %swap3A_210 {strides = array<i32>} : memref<64x128xf32, #tpu.memory_space<vmem>>, vector<1x16xf32>,
    }
    %scan3A_5 = arith.constant 64 : i32
    %mul3A = arith.constant 632 : i32
    %mul3A_6 = arith.muli %arg1, %mul3A : i32
    %add3A = arith.constant 0 : i32
    %add3A_7 = arith.addi %mul3A_6, %add3A : i32
    "tpu.region"() ({
      %run_scoped3A = tpu.sem_alloc : memref<!tpu.dma_semaphore, #tpu.memory_space<semaphore_mem>>
      %dma_start3A_171 = arith.constant 0 : i32
      %dma_start3A_172 = tpu.memref_slice %arg12[%add3A_7, %dma_start3A_171] : memref<10112x128xf32, #tpu.memory_space<vmem_shared>> -> memref<64x128xf32, #tpu.memory_space<vmem_shared>>
      %dma_start3A_173 = arith.constant 0 : i32
      %dma_start3A_174 = tpu.memref_slice %arg12[%add3A_7, %dma_start3A_173] : memref<10112x128xf32, #tpu.memory_space<vmem_shared>> -> memref<64x128xf32, #tpu.memory_space<vmem_shared>>
      tpu.enqueue_dma source(%arg8 : memref<64x128xf32, #tpu.memory_space<vmem>>) target(%dma_start3A_174 : memref<64x128xf32, #tpu.memory_space<vmem_shared>>) target_semaphore(%run_scoped3A : memref<!tpu.dma_semaphore, #tpu.memory_space<semaphore_mem>>)
      %dma_wait3A_175 = arith.constant 0 : i32
      %dma_wait3A_176 = tpu.memref_slice %arg12[%add3A_7, %dma_wait3A_175] : memref<10112x128xf32, #tpu.memory_space<vmem_shared>> -> memref<64x128xf32, #tpu.memory_space<vmem_shared>>
      %dma_wait3A_177 = arith.constant 0 : i32
      %dma_wait3A_178 = tpu.memref_slice %arg12[%add3A_7, %dma_wait3A_177] : memref<10112x128xf32, #tpu.memory_space<vmem_shared>> -> memref<64x128xf32, #tpu.memory_space<vmem_shared>>
      tpu.wait_dma2 semaphore(%run_scoped3A : memref<!tpu.dma_semaphore, #tpu.memory_space<semaphore_mem>>) src(%arg8 : memref<64x128xf32, #tpu.memory_space<vmem>>) dst(%dma_wait3A_178 : memref<64x128xf32, #tpu.memory_space<vmem_shared>>)
      tpu.yield
    }) : () -> ()
    %add3A_8 = arith.constant 64 : i32
    %add3A_9 = arith.addi %mul3A_6, %add3A_8 : i32
    "tpu.region"() ({
      %run_scoped3A = tpu.sem_alloc : memref<!tpu.dma_semaphore, #tpu.memory_space<semaphore_mem>>
      %dma_start3A_171 = arith.constant 0 : i32
      %dma_start3A_172 = tpu.memref_slice %arg12[%add3A_9, %dma_start3A_171] : memref<10112x128xf32, #tpu.memory_space<vmem_shared>> -> memref<64x128xf32, #tpu.memory_space<vmem_shared>>
      %dma_start3A_173 = arith.constant 0 : i32
      %dma_start3A_174 = tpu.memref_slice %arg12[%add3A_9, %dma_start3A_173] : memref<10112x128xf32, #tpu.memory_space<vmem_shared>> -> memref<64x128xf32, #tpu.memory_space<vmem_shared>>
      tpu.enqueue_dma source(%arg8 : memref<64x128xf32, #tpu.memory_space<vmem>>) target(%dma_start3A_174 : memref<64x128xf32, #tpu.memory_space<vmem_shared>>) target_semaphore(%run_scoped3A : memref<!tpu.dma_semaphore, #tpu.memory_space<semaphore_mem>>)
      %dma_wait3A_175 = arith.constant 0 : i32
      %dma_wait3A_176 = tpu.memref_slice %arg12[%add3A_9, %dma_wait3A_175] : memref<10112x128xf32, #tpu.memory_space<vmem_shared>> -> memref<64x128xf32, #tpu.memory_space<vmem_shared>>
      %dma_wait3A_177 = arith.constant 0 : i32
      %dma_wait3A_178 = tpu.memref_slice %arg12[%add3A_9, %dma_wait3A_177] : memref<10112x128xf32, #tpu.memory_space<vmem_shared>> -> memref<64x128xf32, #tpu.memory_space<vmem_shared>>
      tpu.wait_dma2 semaphore(%run_scoped3A : memref<!tpu.dma_semaphore, #tpu.memory_space<semaphore_mem>>) src(%arg8 : memref<64x128xf32, #tpu.memory_space<vmem>>) dst(%dma_wait3A_178 : memref<64x128xf32, #tpu.memory_space<vmem_shared>>)
      tpu.yield
    }) : () -> ()
    %add3A_10 = arith.constant 128 : i32
    %add3A_11 = arith.addi %mul3A_6, %add3A_10 : i32
    "tpu.region"() ({
      %run_scoped3A = tpu.sem_alloc : memref<!tpu.dma_semaphore, #tpu.memory_space<semaphore_mem>>
      %dma_start3A_171 = arith.constant 0 : i32
      %dma_start3A_172 = tpu.memref_slice %arg12[%add3A_11, %dma_start3A_171] : memref<10112x128xf32, #tpu.memory_space<vmem_shared>> -> memref<64x128xf32, #tpu.memory_space<vmem_shared>>
      %dma_start3A_173 = arith.constant 0 : i32
      %dma_start3A_174 = tpu.memref_slice %arg12[%add3A_11, %dma_start3A_173] : memref<10112x128xf32, #tpu.memory_space<vmem_shared>> -> memref<64x128xf32, #tpu.memory_space<vmem_shared>>
      tpu.enqueue_dma source(%arg8 : memref<64x128xf32, #tpu.memory_space<vmem>>) target(%dma_start3A_174 : memref<64x128xf32, #tpu.memory_space<vmem_shared>>) target_semaphore(%run_scoped3A : memref<!tpu.dma_semaphore, #tpu.memory_space<semaphore_mem>>)
      %dma_wait3A_175 = arith.constant 0 : i32
      %dma_wait3A_176 = tpu.memref_slice %arg12[%add3A_11, %dma_wait3A_175] : memref<10112x128xf32, #tpu.memory_space<vmem_shared>> -> memref<64x128xf32, #tpu.memory_space<vmem_shared>>
      %dma_wait3A_177 = arith.constant 0 : i32
      %dma_wait3A_178 = tpu.memref_slice %arg12[%add3A_11, %dma_wait3A_177] : memref<10112x128xf32, #tpu.memory_space<vmem_shared>> -> memref<64x128xf32, #tpu.memory_space<vmem_shared>>
      tpu.wait_dma2 semaphore(%run_scoped3A : memref<!tpu.dma_semaphore, #tpu.memory_space<semaphore_mem>>) src(%arg8 : memref<64x128xf32, #tpu.memory_space<vmem>>) dst(%dma_wait3A_178 : memref<64x128xf32, #tpu.memory_space<vmem_shared>>)
      tpu.yield
    }) : () -> ()
    %add3A_12 = arith.constant 192 : i32
    %add3A_13 = arith.addi %mul3A_6, %add3A_12 : i32
    "tpu.region"() ({
      %run_scoped3A = tpu.sem_alloc : memref<!tpu.dma_semaphore, #tpu.memory_space<semaphore_mem>>
      %dma_start3A_171 = arith.constant 0 : i32
      %dma_start3A_172 = tpu.memref_slice %arg12[%add3A_13, %dma_start3A_171] : memref<10112x128xf32, #tpu.memory_space<vmem_shared>> -> memref<64x128xf32, #tpu.memory_space<vmem_shared>>
      %dma_start3A_173 = arith.constant 0 : i32
      %dma_start3A_174 = tpu.memref_slice %arg12[%add3A_13, %dma_start3A_173] : memref<10112x128xf32, #tpu.memory_space<vmem_shared>> -> memref<64x128xf32, #tpu.memory_space<vmem_shared>>
      tpu.enqueue_dma source(%arg8 : memref<64x128xf32, #tpu.memory_space<vmem>>) target(%dma_start3A_174 : memref<64x128xf32, #tpu.memory_space<vmem_shared>>) target_semaphore(%run_scoped3A : memref<!tpu.dma_semaphore, #tpu.memory_space<semaphore_mem>>)
      %dma_wait3A_175 = arith.constant 0 : i32
      %dma_wait3A_176 = tpu.memref_slice %arg12[%add3A_13, %dma_wait3A_175] : memref<10112x128xf32, #tpu.memory_space<vmem_shared>> -> memref<64x128xf32, #tpu.memory_space<vmem_shared>>
      %dma_wait3A_177 = arith.constant 0 : i32
      %dma_wait3A_178 = tpu.memref_slice %arg12[%add3A_13, %dma_wait3A_177] : memref<10112x128xf32, #tpu.memory_space<vmem_shared>> -> memref<64x128xf32, #tpu.memory_space<vmem_shared>>
      tpu.wait_dma2 semaphore(%run_scoped3A : memref<!tpu.dma_semaphore, #tpu.memory_space<semaphore_mem>>) src(%arg8 : memref<64x128xf32, #tpu.memory_space<vmem>>) dst(%dma_wait3A_178 : memref<64x128xf32, #tpu.memory_space<vmem_shared>>)
      tpu.yield
    }) : () -> ()
    %add3A_14 = arith.constant 256 : i32
    %add3A_15 = arith.addi %mul3A_6, %add3A_14 : i32
    "tpu.region"() ({
      %run_scoped3A = tpu.sem_alloc : memref<!tpu.dma_semaphore, #tpu.memory_space<semaphore_mem>>
      %dma_start3A_171 = arith.constant 0 : i32
      %dma_start3A_172 = tpu.memref_slice %arg12[%add3A_15, %dma_start3A_171] : memref<10112x128xf32, #tpu.memory_space<vmem_shared>> -> memref<64x128xf32, #tpu.memory_space<vmem_shared>>
      %dma_start3A_173 = arith.constant 0 : i32
      %dma_start3A_174 = tpu.memref_slice %arg12[%add3A_15, %dma_start3A_173] : memref<10112x128xf32, #tpu.memory_space<vmem_shared>> -> memref<64x128xf32, #tpu.memory_space<vmem_shared>>
      tpu.enqueue_dma source(%arg8 : memref<64x128xf32, #tpu.memory_space<vmem>>) target(%dma_start3A_174 : memref<64x128xf32, #tpu.memory_space<vmem_shared>>) target_semaphore(%run_scoped3A : memref<!tpu.dma_semaphore, #tpu.memory_space<semaphore_mem>>)
      %dma_wait3A_175 = arith.constant 0 : i32
      %dma_wait3A_176 = tpu.memref_slice %arg12[%add3A_15, %dma_wait3A_175] : memref<10112x128xf32, #tpu.memory_space<vmem_shared>> -> memref<64x128xf32, #tpu.memory_space<vmem_shared>>
      %dma_wait3A_177 = arith.constant 0 : i32
      %dma_wait3A_178 = tpu.memref_slice %arg12[%add3A_15, %dma_wait3A_177] : memref<10112x128xf32, #tpu.memory_space<vmem_shared>> -> memref<64x128xf32, #tpu.memory_space<vmem_shared>>
      tpu.wait_dma2 semaphore(%run_scoped3A : memref<!tpu.dma_semaphore, #tpu.memory_space<semaphore_mem>>) src(%arg8 : memref<64x128xf32, #tpu.memory_space<vmem>>) dst(%dma_wait3A_178 : memref<64x128xf32, #tpu.memory_space<vmem_shared>>)
      tpu.yield
    }) : () -> ()
    %add3A_16 = arith.constant 320 : i32
    %add3A_17 = arith.addi %mul3A_6, %add3A_16 : i32
    "tpu.region"() ({
      %run_scoped3A = tpu.sem_alloc : memref<!tpu.dma_semaphore, #tpu.memory_space<semaphore_mem>>
      %dma_start3A_171 = arith.constant 0 : i32
      %dma_start3A_172 = tpu.memref_slice %arg12[%add3A_17, %dma_start3A_171] : memref<10112x128xf32, #tpu.memory_space<vmem_shared>> -> memref<64x128xf32, #tpu.memory_space<vmem_shared>>
      %dma_start3A_173 = arith.constant 0 : i32
      %dma_start3A_174 = tpu.memref_slice %arg12[%add3A_17, %dma_start3A_173] : memref<10112x128xf32, #tpu.memory_space<vmem_shared>> -> memref<64x128xf32, #tpu.memory_space<vmem_shared>>
      tpu.enqueue_dma source(%arg8 : memref<64x128xf32, #tpu.memory_space<vmem>>) target(%dma_start3A_174 : memref<64x128xf32, #tpu.memory_space<vmem_shared>>) target_semaphore(%run_scoped3A : memref<!tpu.dma_semaphore, #tpu.memory_space<semaphore_mem>>)
      %dma_wait3A_175 = arith.constant 0 : i32
      %dma_wait3A_176 = tpu.memref_slice %arg12[%add3A_17, %dma_wait3A_175] : memref<10112x128xf32, #tpu.memory_space<vmem_shared>> -> memref<64x128xf32, #tpu.memory_space<vmem_shared>>
      %dma_wait3A_177 = arith.constant 0 : i32
      %dma_wait3A_178 = tpu.memref_slice %arg12[%add3A_17, %dma_wait3A_177] : memref<10112x128xf32, #tpu.memory_space<vmem_shared>> -> memref<64x128xf32, #tpu.memory_space<vmem_shared>>
      tpu.wait_dma2 semaphore(%run_scoped3A : memref<!tpu.dma_semaphore, #tpu.memory_space<semaphore_mem>>) src(%arg8 : memref<64x128xf32, #tpu.memory_space<vmem>>) dst(%dma_wait3A_178 : memref<64x128xf32, #tpu.memory_space<vmem_shared>>)
      tpu.yield
    }) : () -> ()
    %add3A_18 = arith.constant 384 : i32
    %add3A_19 = arith.addi %mul3A_6, %add3A_18 : i32
    "tpu.region"() ({
      %run_scoped3A = tpu.sem_alloc : memref<!tpu.dma_semaphore, #tpu.memory_space<semaphore_mem>>
      %dma_start3A_171 = arith.constant 0 : i32
      %dma_start3A_172 = tpu.memref_slice %arg12[%add3A_19, %dma_start3A_171] : memref<10112x128xf32, #tpu.memory_space<vmem_shared>> -> memref<64x128xf32, #tpu.memory_space<vmem_shared>>
      %dma_start3A_173 = arith.constant 0 : i32
      %dma_start3A_174 = tpu.memref_slice %arg12[%add3A_19, %dma_start3A_173] : memref<10112x128xf32, #tpu.memory_space<vmem_shared>> -> memref<64x128xf32, #tpu.memory_space<vmem_shared>>
      tpu.enqueue_dma source(%arg8 : memref<64x128xf32, #tpu.memory_space<vmem>>) target(%dma_start3A_174 : memref<64x128xf32, #tpu.memory_space<vmem_shared>>) target_semaphore(%run_scoped3A : memref<!tpu.dma_semaphore, #tpu.memory_space<semaphore_mem>>)
      %dma_wait3A_175 = arith.constant 0 : i32
      %dma_wait3A_176 = tpu.memref_slice %arg12[%add3A_19, %dma_wait3A_175] : memref<10112x128xf32, #tpu.memory_space<vmem_shared>> -> memref<64x128xf32, #tpu.memory_space<vmem_shared>>
      %dma_wait3A_177 = arith.constant 0 : i32
      %dma_wait3A_178 = tpu.memref_slice %arg12[%add3A_19, %dma_wait3A_177] : memref<10112x128xf32, #tpu.memory_space<vmem_shared>> -> memref<64x128xf32, #tpu.memory_space<vmem_shared>>
      tpu.wait_dma2 semaphore(%run_scoped3A : memref<!tpu.dma_semaphore, #tpu.memory_space<semaphore_mem>>) src(%arg8 : memref<64x128xf32, #tpu.memory_space<vmem>>) dst(%dma_wait3A_178 : memref<64x128xf32, #tpu.memory_space<vmem_shared>>)
      tpu.yield
    }) : () -> ()
    %add3A_20 = arith.constant 448 : i32
    %add3A_21 = arith.addi %mul3A_6, %add3A_20 : i32
    "tpu.region"() ({
      %run_scoped3A = tpu.sem_alloc : memref<!tpu.dma_semaphore, #tpu.memory_space<semaphore_mem>>
      %dma_start3A_171 = arith.constant 0 : i32
      %dma_start3A_172 = tpu.memref_slice %arg12[%add3A_21, %dma_start3A_171] : memref<10112x128xf32, #tpu.memory_space<vmem_shared>> -> memref<64x128xf32, #tpu.memory_space<vmem_shared>>
      %dma_start3A_173 = arith.constant 0 : i32
      %dma_start3A_174 = tpu.memref_slice %arg12[%add3A_21, %dma_start3A_173] : memref<10112x128xf32, #tpu.memory_space<vmem_shared>> -> memref<64x128xf32, #tpu.memory_space<vmem_shared>>
      tpu.enqueue_dma source(%arg8 : memref<64x128xf32, #tpu.memory_space<vmem>>) target(%dma_start3A_174 : memref<64x128xf32, #tpu.memory_space<vmem_shared>>) target_semaphore(%run_scoped3A : memref<!tpu.dma_semaphore, #tpu.memory_space<semaphore_mem>>)
      %dma_wait3A_175 = arith.constant 0 : i32
      %dma_wait3A_176 = tpu.memref_slice %arg12[%add3A_21, %dma_wait3A_175] : memref<10112x128xf32, #tpu.memory_space<vmem_shared>> -> memref<64x128xf32, #tpu.memory_space<vmem_shared>>
      %dma_wait3A_177 = arith.constant 0 : i32
      %dma_wait3A_178 = tpu.memref_slice %arg12[%add3A_21, %dma_wait3A_177] : memref<10112x128xf32, #tpu.memory_space<vmem_shared>> -> memref<64x128xf32, #tpu.memory_space<vmem_shared>>
      tpu.wait_dma2 semaphore(%run_scoped3A : memref<!tpu.dma_semaphore, #tpu.memory_space<semaphore_mem>>) src(%arg8 : memref<64x128xf32, #tpu.memory_space<vmem>>) dst(%dma_wait3A_178 : memref<64x128xf32, #tpu.memory_space<vmem_shared>>)
      tpu.yield
    }) : () -> ()
    %add3A_22 = arith.constant 512 : i32
    %add3A_23 = arith.addi %mul3A_6, %add3A_22 : i32
    "tpu.region"() ({
      %run_scoped3A = tpu.sem_alloc : memref<!tpu.dma_semaphore, #tpu.memory_space<semaphore_mem>>
      %dma_start3A_171 = arith.constant 0 : i32
      %dma_start3A_172 = tpu.memref_slice %arg12[%add3A_23, %dma_start3A_171] : memref<10112x128xf32, #tpu.memory_space<vmem_shared>> -> memref<64x128xf32, #tpu.memory_space<vmem_shared>>
      %dma_start3A_173 = arith.constant 0 : i32
      %dma_start3A_174 = tpu.memref_slice %arg12[%add3A_23, %dma_start3A_173] : memref<10112x128xf32, #tpu.memory_space<vmem_shared>> -> memref<64x128xf32, #tpu.memory_space<vmem_shared>>
      tpu.enqueue_dma source(%arg8 : memref<64x128xf32, #tpu.memory_space<vmem>>) target(%dma_start3A_174 : memref<64x128xf32, #tpu.memory_space<vmem_shared>>) target_semaphore(%run_scoped3A : memref<!tpu.dma_semaphore, #tpu.memory_space<semaphore_mem>>)
      %dma_wait3A_175 = arith.constant 0 : i32
      %dma_wait3A_176 = tpu.memref_slice %arg12[%add3A_23, %dma_wait3A_175] : memref<10112x128xf32, #tpu.memory_space<vmem_shared>> -> memref<64x128xf32, #tpu.memory_space<vmem_shared>>
      %dma_wait3A_177 = arith.constant 0 : i32
      %dma_wait3A_178 = tpu.memref_slice %arg12[%add3A_23, %dma_wait3A_177] : memref<10112x128xf32, #tpu.memory_space<vmem_shared>> -> memref<64x128xf32, #tpu.memory_space<vmem_shared>>
      tpu.wait_dma2 semaphore(%run_scoped3A : memref<!tpu.dma_semaphore, #tpu.memory_space<semaphore_mem>>) src(%arg8 : memref<64x128xf32, #tpu.memory_space<vmem>>) dst(%dma_wait3A_178 : memref<64x128xf32, #tpu.memory_space<vmem_shared>>)
      tpu.yield
    }) : () -> ()
    %add3A_24 = arith.constant 576 : i32
    %add3A_25 = arith.addi %mul3A_6, %add3A_24 : i32
    "tpu.region"() ({
      %run_scoped3A = tpu.sem_alloc : memref<!tpu.dma_semaphore, #tpu.memory_space<semaphore_mem>>
      %dma_start3A_171 = arith.constant 0 : i32
      %dma_start3A_172 = arith.constant 0 : i32
      %dma_start3A_173 = tpu.memref_slice %arg8[%dma_start3A_171, %dma_start3A_172] : memref<64x128xf32, #tpu.memory_space<vmem>> -> memref<56x128xf32, #tpu.memory_space<vmem>>
      %dma_start3A_174 = arith.constant 0 : i32
      %dma_start3A_175 = tpu.memref_slice %arg12[%add3A_25, %dma_start3A_174] : memref<10112x128xf32, #tpu.memory_space<vmem_shared>> -> memref<56x128xf32, #tpu.memory_space<vmem_shared>>
      %dma_start3A_176 = arith.constant 0 : i32
      %dma_start3A_177 = tpu.memref_slice %arg12[%add3A_25, %dma_start3A_176] : memref<10112x128xf32, #tpu.memory_space<vmem_shared>> -> memref<56x128xf32, #tpu.memory_space<vmem_shared>>
      %dma_start3A_178 = arith.constant 0 : i32
      %dma_start3A_179 = arith.constant 0 : i32
      %dma_start3A_180 = tpu.memref_slice %arg8[%dma_start3A_178, %dma_start3A_179] : memref<64x128xf32, #tpu.memory_space<vmem>> -> memref<56x128xf32, #tpu.memory_space<vmem>>
      tpu.enqueue_dma source(%dma_start3A_180 : memref<56x128xf32, #tpu.memory_space<vmem>>) target(%dma_start3A_177 : memref<56x128xf32, #tpu.memory_space<vmem_shared>>) target_semaphore(%run_scoped3A : memref<!tpu.dma_semaphore, #tpu.memory_space<semaphore_mem>>)
      %dma_wait3A_181 = arith.constant 0 : i32
      %dma_wait3A_182 = arith.constant 0 : i32
      %dma_wait3A_183 = tpu.memref_slice %arg8[%dma_wait3A_181, %dma_wait3A_182] : memref<64x128xf32, #tpu.memory_space<vmem>> -> memref<56x128xf32, #tpu.memory_space<vmem>>
      %dma_wait3A_184 = arith.constant 0 : i32
      %dma_wait3A_185 = tpu.memref_slice %arg12[%add3A_25, %dma_wait3A_184] : memref<10112x128xf32, #tpu.memory_space<vmem_shared>> -> memref<56x128xf32, #tpu.memory_space<vmem_shared>>
      %dma_wait3A_186 = arith.constant 0 : i32
      %dma_wait3A_187 = tpu.memref_slice %arg12[%add3A_25, %dma_wait3A_186] : memref<10112x128xf32, #tpu.memory_space<vmem_shared>> -> memref<56x128xf32, #tpu.memory_space<vmem_shared>>
      %dma_wait3A_188 = arith.constant 0 : i32
      %dma_wait3A_189 = arith.constant 0 : i32
      %dma_wait3A_190 = tpu.memref_slice %arg8[%dma_wait3A_188, %dma_wait3A_189] : memref<64x128xf32, #tpu.memory_space<vmem>> -> memref<56x128xf32, #tpu.memory_space<vmem>>
      tpu.wait_dma2 semaphore(%run_scoped3A : memref<!tpu.dma_semaphore, #tpu.memory_space<semaphore_mem>>) src(%dma_wait3A_190 : memref<56x128xf32, #tpu.memory_space<vmem>>) dst(%dma_wait3A_187 : memref<56x128xf32, #tpu.memory_space<vmem_shared>>)
      tpu.yield
    }) : () -> ()
    %barrier3A = arith.constant 0 : index
    tpu.barrier barrier_id(%barrier3A)
    %mul3A_26 = arith.constant 160 : i32
    %mul3A_27 = arith.muli %arg1, %mul3A_26 : i32
    %add3A_28 = arith.constant 0 : i32
    %add3A_29 = arith.addi %mul3A_27, %add3A_28 : i32
    "tpu.region"() ({
      %run_scoped3A = tpu.sem_alloc : memref<!tpu.dma_semaphore, #tpu.memory_space<semaphore_mem>>
      %dma_start3A_171 = arith.constant 0 : i32
      %dma_start3A_172 = arith.constant 0 : i32
      %dma_start3A_173 = tpu.memref_slice %arg6[%dma_start3A_171, %dma_start3A_172] : memref<40x64xi32, #tpu.memory_space<vmem>> -> memref<40x64xi32, #tpu.memory_space<vmem>>
      %dma_start3A_174 = arith.constant 0 : i32
      %dma_start3A_175 = tpu.memref_slice %arg3[%arg0, %add3A_29, %dma_start3A_174] : memref<2x2560x64xi32, #tpu.memory_space<hbm>> -> memref<1x40x64xi32, #tpu.memory_space<hbm>>
      %dma_start3A_176 = tpu.memref_squeeze %dma_start3A_175 : memref<1x40x64xi32, #tpu.memory_space<hbm>> -> memref<40x64xi32, #tpu.memory_space<hbm>>
      %dma_start3A_177 = arith.constant 0 : i32
      %dma_start3A_178 = arith.constant 0 : i32
      %dma_start3A_179 = tpu.memref_slice %arg6[%dma_start3A_177, %dma_start3A_178] : memref<40x64xi32, #tpu.memory_space<vmem>> -> memref<40x64xi32, #tpu.memory_space<vmem>>
      %dma_start3A_180 = arith.constant 0 : i32
      %dma_start3A_181 = tpu.memref_slice %arg3[%arg0, %add3A_29, %dma_start3A_180] : memref<2x2560x64xi32, #tpu.memory_space<hbm>> -> memref<1x40x64xi32, #tpu.memory_space<hbm>>
      %dma_start3A_182 = tpu.memref_squeeze %dma_start3A_181 : memref<1x40x64xi32, #tpu.memory_space<hbm>> -> memref<40x64xi32, #tpu.memory_space<hbm>>
      tpu.enqueue_dma source(%dma_start3A_182 : memref<40x64xi32, #tpu.memory_space<hbm>>) target(%dma_start3A_179 : memref<40x64xi32, #tpu.memory_space<vmem>>) target_semaphore(%run_scoped3A : memref<!tpu.dma_semaphore, #tpu.memory_space<semaphore_mem>>)
      %dma_wait3A_183 = arith.constant 0 : i32
      %dma_wait3A_184 = arith.constant 0 : i32
      %dma_wait3A_185 = tpu.memref_slice %arg6[%dma_wait3A_183, %dma_wait3A_184] : memref<40x64xi32, #tpu.memory_space<vmem>> -> memref<40x64xi32, #tpu.memory_space<vmem>>
      %dma_wait3A_186 = arith.constant 0 : i32
      %dma_wait3A_187 = tpu.memref_slice %arg3[%arg0, %add3A_29, %dma_wait3A_186] : memref<2x2560x64xi32, #tpu.memory_space<hbm>> -> memref<1x40x64xi32, #tpu.memory_space<hbm>>
      %dma_wait3A_188 = tpu.memref_squeeze %dma_wait3A_187 : memref<1x40x64xi32, #tpu.memory_space<hbm>> -> memref<40x64xi32, #tpu.memory_space<hbm>>
      %dma_wait3A_189 = arith.constant 0 : i32
      %dma_wait3A_190 = arith.constant 0 : i32
      %dma_wait3A_191 = tpu.memref_slice %arg6[%dma_wait3A_189, %dma_wait3A_190] : memref<40x64xi32, #tpu.memory_space<vmem>> -> memref<40x64xi32, #tpu.memory_space<vmem>>
      %dma_wait3A_192 = arith.constant 0 : i32
      %dma_wait3A_193 = tpu.memref_slice %arg3[%arg0, %add3A_29, %dma_wait3A_192] : memref<2x2560x64xi32, #tpu.memory_space<hbm>> -> memref<1x40x64xi32, #tpu.memory_space<hbm>>
      %dma_wait3A_194 = tpu.memref_squeeze %dma_wait3A_193 : memref<1x40x64xi32, #tpu.memory_space<hbm>> -> memref<40x64xi32, #tpu.memory_space<hbm>>
      tpu.wait_dma2 semaphore(%run_scoped3A : memref<!tpu.dma_semaphore, #tpu.memory_space<semaphore_mem>>) src(%dma_wait3A_194 : memref<40x64xi32, #tpu.memory_space<hbm>>) dst(%dma_wait3A_191 : memref<40x64xi32, #tpu.memory_space<vmem>>)
      tpu.yield
    }) : () -> ()
    "tpu.region"() ({
      %run_scoped3A = tpu.sem_alloc : memref<!tpu.dma_semaphore, #tpu.memory_space<semaphore_mem>>
      %dma_start3A_171 = arith.constant 0 : i32
      %dma_start3A_172 = arith.constant 0 : i32
      %dma_start3A_173 = tpu.memref_slice %arg7[%dma_start3A_171, %dma_start3A_172] : memref<40x64xi32, #tpu.memory_space<vmem>> -> memref<40x64xi32, #tpu.memory_space<vmem>>
      %dma_start3A_174 = arith.constant 0 : i32
      %dma_start3A_175 = tpu.memref_slice %arg4[%add3A_29, %dma_start3A_174] : memref<2560x64xi32, #tpu.memory_space<hbm>> -> memref<40x64xi32, #tpu.memory_space<hbm>>
      %dma_start3A_176 = arith.constant 0 : i32
      %dma_start3A_177 = arith.constant 0 : i32
      %dma_start3A_178 = tpu.memref_slice %arg7[%dma_start3A_176, %dma_start3A_177] : memref<40x64xi32, #tpu.memory_space<vmem>> -> memref<40x64xi32, #tpu.memory_space<vmem>>
      %dma_start3A_179 = arith.constant 0 : i32
      %dma_start3A_180 = tpu.memref_slice %arg4[%add3A_29, %dma_start3A_179] : memref<2560x64xi32, #tpu.memory_space<hbm>> -> memref<40x64xi32, #tpu.memory_space<hbm>>
      tpu.enqueue_dma source(%dma_start3A_180 : memref<40x64xi32, #tpu.memory_space<hbm>>) target(%dma_start3A_178 : memref<40x64xi32, #tpu.memory_space<vmem>>) target_semaphore(%run_scoped3A : memref<!tpu.dma_semaphore, #tpu.memory_space<semaphore_mem>>)
      %dma_wait3A_181 = arith.constant 0 : i32
      %dma_wait3A_182 = arith.constant 0 : i32
      %dma_wait3A_183 = tpu.memref_slice %arg7[%dma_wait3A_181, %dma_wait3A_182] : memref<40x64xi32, #tpu.memory_space<vmem>> -> memref<40x64xi32, #tpu.memory_space<vmem>>
      %dma_wait3A_184 = arith.constant 0 : i32
      %dma_wait3A_185 = tpu.memref_slice %arg4[%add3A_29, %dma_wait3A_184] : memref<2560x64xi32, #tpu.memory_space<hbm>> -> memref<40x64xi32, #tpu.memory_space<hbm>>
      %dma_wait3A_186 = arith.constant 0 : i32
      %dma_wait3A_187 = arith.constant 0 : i32
      %dma_wait3A_188 = tpu.memref_slice %arg7[%dma_wait3A_186, %dma_wait3A_187] : memref<40x64xi32, #tpu.memory_space<vmem>> -> memref<40x64xi32, #tpu.memory_space<vmem>>
      %dma_wait3A_189 = arith.constant 0 : i32
      %dma_wait3A_190 = tpu.memref_slice %arg4[%add3A_29, %dma_wait3A_189] : memref<2560x64xi32, #tpu.memory_space<hbm>> -> memref<40x64xi32, #tpu.memory_space<hbm>>
      tpu.wait_dma2 semaphore(%run_scoped3A : memref<!tpu.dma_semaphore, #tpu.memory_space<semaphore_mem>>) src(%dma_wait3A_190 : memref<40x64xi32, #tpu.memory_space<hbm>>) dst(%dma_wait3A_188 : memref<40x64xi32, #tpu.memory_space<vmem>>)
      tpu.yield
    }) : () -> ()
    %dma_start3A = arith.constant 0 : i32
    %dma_start3A_30 = arith.constant 0 : i32
    %dma_start3A_31 = tpu.memref_slice %arg6[%dma_start3A, %dma_start3A_30] : memref<40x64xi32, #tpu.memory_space<vmem>> -> memref<1x64xi32, #tpu.memory_space<vmem>>
    %dma_start3A_32 = tpu.memref_squeeze %dma_start3A_31 : memref<1x64xi32, #tpu.memory_space<vmem>> -> memref<64xi32, #tpu.memory_space<vmem>>
    %dma_start3A_33 = arith.constant 0 : i32
    %dma_start3A_34 = arith.constant 0 : i32
    %dma_start3A_35 = tpu.memref_slice %arg2[%dma_start3A_33, %dma_start3A_34] : memref<20480x128xf32, #tpu.memory_space<hbm>> -> memref<20480x128xf32, #tpu.memory_space<hbm>>
    tpu.enqueue_indirect_dma source(%dma_start3A_35 : memref<20480x128xf32, #tpu.memory_space<hbm>>) target(%arg8 : memref<64x128xf32, #tpu.memory_space<vmem>>) offsets(%dma_start3A_32 : memref<64xi32, #tpu.memory_space<vmem>>) semaphore(%arg13 : memref<!tpu.dma_semaphore, #tpu.memory_space<semaphore_mem>>)
    %dma_start3A_36 = arith.constant 1 : i32
    %dma_start3A_37 = arith.constant 0 : i32
    %dma_start3A_38 = tpu.memref_slice %arg6[%dma_start3A_36, %dma_start3A_37] : memref<40x64xi32, #tpu.memory_space<vmem>> -> memref<1x64xi32, #tpu.memory_space<vmem>>
    %dma_start3A_39 = tpu.memref_squeeze %dma_start3A_38 : memref<1x64xi32, #tpu.memory_space<vmem>> -> memref<64xi32, #tpu.memory_space<vmem>>
    %dma_start3A_40 = arith.constant 0 : i32
    %dma_start3A_41 = arith.constant 0 : i32
    %dma_start3A_42 = tpu.memref_slice %arg2[%dma_start3A_40, %dma_start3A_41] : memref<20480x128xf32, #tpu.memory_space<hbm>> -> memref<20480x128xf32, #tpu.memory_space<hbm>>
    tpu.enqueue_indirect_dma source(%dma_start3A_42 : memref<20480x128xf32, #tpu.memory_space<hbm>>) target(%arg9 : memref<64x128xf32, #tpu.memory_space<vmem>>) offsets(%dma_start3A_39 : memref<64xi32, #tpu.memory_space<vmem>>) semaphore(%arg13 : memref<!tpu.dma_semaphore, #tpu.memory_space<semaphore_mem>>)
    %scan3A_43 = arith.constant 0 : i32
    %scan3A_44 = arith.constant 0 : i32
    %scan3A_45 = arith.constant 10 : i32
    %scan3A_46 = arith.addi %scan3A_44, %scan3A_45 : i32
    %scan3A_47 = arith.constant 1 : i32
    scf.for %scan3A_171 = %scan3A_44 to %scan3A_46 step %scan3A_47  : i32 {
      %mul3A_172 = arith.constant 4 : i32
      %mul3A_173 = arith.muli %scan3A_171, %mul3A_172 : i32
      %add3A_174 = arith.constant 0 : i32
      %add3A_175 = arith.addi %mul3A_173, %add3A_174 : i32
      %dma_wait3A_176 = arith.constant 0 : i32
      %dma_wait3A_177 = tpu.memref_slice %arg6[%add3A_175, %dma_wait3A_176] : memref<40x64xi32, #tpu.memory_space<vmem>> -> memref<1x64xi32, #tpu.memory_space<vmem>>
      %dma_wait3A_178 = tpu.memref_squeeze %dma_wait3A_177 : memref<1x64xi32, #tpu.memory_space<vmem>> -> memref<64xi32, #tpu.memory_space<vmem>>
      %dma_wait3A_179 = arith.constant 0 : i32
      %dma_wait3A_180 = arith.constant 0 : i32
      %dma_wait3A_181 = tpu.memref_slice %arg2[%dma_wait3A_179, %dma_wait3A_180] : memref<20480x128xf32, #tpu.memory_space<hbm>> -> memref<20480x128xf32, #tpu.memory_space<hbm>>
      tpu.wait_indirect_dma semaphore(%arg13 : memref<!tpu.dma_semaphore, #tpu.memory_space<semaphore_mem>>) src(%dma_wait3A_181 : memref<20480x128xf32, #tpu.memory_space<hbm>>) dst(%arg8 : memref<64x128xf32, #tpu.memory_space<vmem>>)
      %dma_start3A_182 = arith.constant 0 : i32
      %dma_start3A_183 = tpu.memref_slice %arg7[%add3A_175, %dma_start3A_182] : memref<40x64xi32, #tpu.memory_space<vmem>> -> memref<1x64xi32, #tpu.memory_space<vmem>>
      %dma_start3A_184 = tpu.memref_squeeze %dma_start3A_183 : memref<1x64xi32, #tpu.memory_space<vmem>> -> memref<64xi32, #tpu.memory_space<vmem>>
      %dma_start3A_185 = arith.constant 0 : i32
      %dma_start3A_186 = arith.constant 0 : i32
      %dma_start3A_187 = tpu.memref_slice %arg12[%dma_start3A_185, %dma_start3A_186] : memref<10112x128xf32, #tpu.memory_space<vmem_shared>> -> memref<10112x128xf32, #tpu.memory_space<vmem_shared>>
      tpu.enqueue_indirect_dma source(%arg8 : memref<64x128xf32, #tpu.memory_space<vmem>>) target(%dma_start3A_187 : memref<10112x128xf32, #tpu.memory_space<vmem_shared>>) offsets(%dma_start3A_184 : memref<64xi32, #tpu.memory_space<vmem>>) semaphore(%arg14 : memref<!tpu.dma_semaphore, #tpu.memory_space<semaphore_mem>>) {add = true}
      %add3A_188 = arith.constant 2 : i32
      %add3A_189 = arith.addi %add3A_175, %add3A_188 : i32
      %sub3A = arith.constant 4 : i32
      %sub3A_190 = arith.subi %add3A_189, %sub3A : i32
      %ge3A = arith.constant 0 : i32
      %ge3A_191 = arith.cmpi sge, %sub3A_190, %ge3A : i32
      %convert_element_type3A = arith.extui %ge3A_191 : i1 to i32
      %cond3A = arith.constant 0 : i32
      %cond3A_192 = arith.cmpi ne, %convert_element_type3A, %cond3A : i32
      scf.if %cond3A_192 {
        %sub3A_287 = arith.constant 4 : i32
        %sub3A_288 = arith.subi %add3A_189, %sub3A_287 : i32
        %dma_wait3A_289 = arith.constant 0 : i32
        %dma_wait3A_290 = tpu.memref_slice %arg7[%sub3A_288, %dma_wait3A_289] : memref<40x64xi32, #tpu.memory_space<vmem>> -> memref<1x64xi32, #tpu.memory_space<vmem>>
        %dma_wait3A_291 = tpu.memref_squeeze %dma_wait3A_290 : memref<1x64xi32, #tpu.memory_space<vmem>> -> memref<64xi32, #tpu.memory_space<vmem>>
        %dma_wait3A_292 = arith.constant 0 : i32
        %dma_wait3A_293 = arith.constant 0 : i32
        %dma_wait3A_294 = tpu.memref_slice %arg12[%dma_wait3A_292, %dma_wait3A_293] : memref<10112x128xf32, #tpu.memory_space<vmem_shared>> -> memref<10112x128xf32, #tpu.memory_space<vmem_shared>>
        tpu.wait_indirect_dma semaphore(%arg14 : memref<!tpu.dma_semaphore, #tpu.memory_space<semaphore_mem>>) src(%arg10 : memref<64x128xf32, #tpu.memory_space<vmem>>) dst(%dma_wait3A_294 : memref<10112x128xf32, #tpu.memory_space<vmem_shared>>)
      } else {
      }
      %lt3A = arith.constant 40 : i32
      %lt3A_193 = arith.cmpi slt, %add3A_189, %lt3A : i32
      %convert_element_type3A_194 = arith.extui %lt3A_193 : i1 to i32
      %cond3A_195 = arith.constant 0 : i32
      %cond3A_196 = arith.cmpi ne, %convert_element_type3A_194, %cond3A_195 : i32
      scf.if %cond3A_196 {
        %dma_start3A_287 = arith.constant 0 : i32
        %dma_start3A_288 = tpu.memref_slice %arg6[%add3A_189, %dma_start3A_287] : memref<40x64xi32, #tpu.memory_space<vmem>> -> memref<1x64xi32, #tpu.memory_space<vmem>>
        %dma_start3A_289 = tpu.memref_squeeze %dma_start3A_288 : memref<1x64xi32, #tpu.memory_space<vmem>> -> memref<64xi32, #tpu.memory_space<vmem>>
        %dma_start3A_290 = arith.constant 0 : i32
        %dma_start3A_291 = arith.constant 0 : i32
        %dma_start3A_292 = tpu.memref_slice %arg2[%dma_start3A_290, %dma_start3A_291] : memref<20480x128xf32, #tpu.memory_space<hbm>> -> memref<20480x128xf32, #tpu.memory_space<hbm>>
        tpu.enqueue_indirect_dma source(%dma_start3A_292 : memref<20480x128xf32, #tpu.memory_space<hbm>>) target(%arg10 : memref<64x128xf32, #tpu.memory_space<vmem>>) offsets(%dma_start3A_289 : memref<64xi32, #tpu.memory_space<vmem>>) semaphore(%arg13 : memref<!tpu.dma_semaphore, #tpu.memory_space<semaphore_mem>>)
      } else {
      }
      %mul3A_197 = arith.constant 4 : i32
      %mul3A_198 = arith.muli %scan3A_171, %mul3A_197 : i32
      %add3A_199 = arith.constant 1 : i32
      %add3A_200 = arith.addi %mul3A_198, %add3A_199 : i32
      %dma_wait3A_201 = arith.constant 0 : i32
      %dma_wait3A_202 = tpu.memref_slice %arg6[%add3A_200, %dma_wait3A_201] : memref<40x64xi32, #tpu.memory_space<vmem>> -> memref<1x64xi32, #tpu.memory_space<vmem>>
      %dma_wait3A_203 = tpu.memref_squeeze %dma_wait3A_202 : memref<1x64xi32, #tpu.memory_space<vmem>> -> memref<64xi32, #tpu.memory_space<vmem>>
      %dma_wait3A_204 = arith.constant 0 : i32
      %dma_wait3A_205 = arith.constant 0 : i32
      %dma_wait3A_206 = tpu.memref_slice %arg2[%dma_wait3A_204, %dma_wait3A_205] : memref<20480x128xf32, #tpu.memory_space<hbm>> -> memref<20480x128xf32, #tpu.memory_space<hbm>>
      tpu.wait_indirect_dma semaphore(%arg13 : memref<!tpu.dma_semaphore, #tpu.memory_space<semaphore_mem>>) src(%dma_wait3A_206 : memref<20480x128xf32, #tpu.memory_space<hbm>>) dst(%arg9 : memref<64x128xf32, #tpu.memory_space<vmem>>)
      %dma_start3A_207 = arith.constant 0 : i32
      %dma_start3A_208 = tpu.memref_slice %arg7[%add3A_200, %dma_start3A_207] : memref<40x64xi32, #tpu.memory_space<vmem>> -> memref<1x64xi32, #tpu.memory_space<vmem>>
      %dma_start3A_209 = tpu.memref_squeeze %dma_start3A_208 : memref<1x64xi32, #tpu.memory_space<vmem>> -> memref<64xi32, #tpu.memory_space<vmem>>
      %dma_start3A_210 = arith.constant 0 : i32
      %dma_start3A_211 = arith.constant 0 : i32
      %dma_start3A_212 = tpu.memref_slice %arg12[%dma_start3A_210, %dma_start3A_211] : memref<10112x128xf32, #tpu.memory_space<vmem_shared>> -> memref<10112x128xf32, #tpu.memory_space<vmem_shared>>
      tpu.enqueue_indirect_dma source(%arg9 : memref<64x128xf32, #tpu.memory_space<vmem>>) target(%dma_start3A_212 : memref<10112x128xf32, #tpu.memory_space<vmem_shared>>) offsets(%dma_start3A_209 : memref<64xi32, #tpu.memory_space<vmem>>) semaphore(%arg14 : memref<!tpu.dma_semaphore, #tpu.memory_space<semaphore_mem>>) {add = true}
      %add3A_213 = arith.constant 2 : i32
      %add3A_214 = arith.addi %add3A_200, %add3A_213 : i32
      %sub3A_215 = arith.constant 4 : i32
      %sub3A_216 = arith.subi %add3A_214, %sub3A_215 : i32
      %ge3A_217 = arith.constant 0 : i32
      %ge3A_218 = arith.cmpi sge, %sub3A_216, %ge3A_217 : i32
      %convert_element_type3A_219 = arith.extui %ge3A_218 : i1 to i32
      %cond3A_220 = arith.constant 0 : i32
      %cond3A_221 = arith.cmpi ne, %convert_element_type3A_219, %cond3A_220 : i32
      scf.if %cond3A_221 {
        %sub3A_287 = arith.constant 4 : i32
        %sub3A_288 = arith.subi %add3A_214, %sub3A_287 : i32
        %dma_wait3A_289 = arith.constant 0 : i32
        %dma_wait3A_290 = tpu.memref_slice %arg7[%sub3A_288, %dma_wait3A_289] : memref<40x64xi32, #tpu.memory_space<vmem>> -> memref<1x64xi32, #tpu.memory_space<vmem>>
        %dma_wait3A_291 = tpu.memref_squeeze %dma_wait3A_290 : memref<1x64xi32, #tpu.memory_space<vmem>> -> memref<64xi32, #tpu.memory_space<vmem>>
        %dma_wait3A_292 = arith.constant 0 : i32
        %dma_wait3A_293 = arith.constant 0 : i32
        %dma_wait3A_294 = tpu.memref_slice %arg12[%dma_wait3A_292, %dma_wait3A_293] : memref<10112x128xf32, #tpu.memory_space<vmem_shared>> -> memref<10112x128xf32, #tpu.memory_space<vmem_shared>>
        tpu.wait_indirect_dma semaphore(%arg14 : memref<!tpu.dma_semaphore, #tpu.memory_space<semaphore_mem>>) src(%arg11 : memref<64x128xf32, #tpu.memory_space<vmem>>) dst(%dma_wait3A_294 : memref<10112x128xf32, #tpu.memory_space<vmem_shared>>)
      } else {
      }
      %lt3A_222 = arith.constant 40 : i32
      %lt3A_223 = arith.cmpi slt, %add3A_214, %lt3A_222 : i32
      %convert_element_type3A_224 = arith.extui %lt3A_223 : i1 to i32
      %cond3A_225 = arith.constant 0 : i32
      %cond3A_226 = arith.cmpi ne, %convert_element_type3A_224, %cond3A_225 : i32
      scf.if %cond3A_226 {
        %dma_start3A_287 = arith.constant 0 : i32
        %dma_start3A_288 = tpu.memref_slice %arg6[%add3A_214, %dma_start3A_287] : memref<40x64xi32, #tpu.memory_space<vmem>> -> memref<1x64xi32, #tpu.memory_space<vmem>>
        %dma_start3A_289 = tpu.memref_squeeze %dma_start3A_288 : memref<1x64xi32, #tpu.memory_space<vmem>> -> memref<64xi32, #tpu.memory_space<vmem>>
        %dma_start3A_290 = arith.constant 0 : i32
        %dma_start3A_291 = arith.constant 0 : i32
        %dma_start3A_292 = tpu.memref_slice %arg2[%dma_start3A_290, %dma_start3A_291] : memref<20480x128xf32, #tpu.memory_space<hbm>> -> memref<20480x128xf32, #tpu.memory_space<hbm>>
        tpu.enqueue_indirect_dma source(%dma_start3A_292 : memref<20480x128xf32, #tpu.memory_space<hbm>>) target(%arg11 : memref<64x128xf32, #tpu.memory_space<vmem>>) offsets(%dma_start3A_289 : memref<64xi32, #tpu.memory_space<vmem>>) semaphore(%arg13 : memref<!tpu.dma_semaphore, #tpu.memory_space<semaphore_mem>>)
      } else {
      }
      %mul3A_227 = arith.constant 4 : i32
      %mul3A_228 = arith.muli %scan3A_171, %mul3A_227 : i32
      %add3A_229 = arith.constant 2 : i32
      %add3A_230 = arith.addi %mul3A_228, %add3A_229 : i32
      %dma_wait3A_231 = arith.constant 0 : i32
      %dma_wait3A_232 = tpu.memref_slice %arg6[%add3A_230, %dma_wait3A_231] : memref<40x64xi32, #tpu.memory_space<vmem>> -> memref<1x64xi32, #tpu.memory_space<vmem>>
      %dma_wait3A_233 = tpu.memref_squeeze %dma_wait3A_232 : memref<1x64xi32, #tpu.memory_space<vmem>> -> memref<64xi32, #tpu.memory_space<vmem>>
      %dma_wait3A_234 = arith.constant 0 : i32
      %dma_wait3A_235 = arith.constant 0 : i32
      %dma_wait3A_236 = tpu.memref_slice %arg2[%dma_wait3A_234, %dma_wait3A_235] : memref<20480x128xf32, #tpu.memory_space<hbm>> -> memref<20480x128xf32, #tpu.memory_space<hbm>>
      tpu.wait_indirect_dma semaphore(%arg13 : memref<!tpu.dma_semaphore, #tpu.memory_space<semaphore_mem>>) src(%dma_wait3A_236 : memref<20480x128xf32, #tpu.memory_space<hbm>>) dst(%arg10 : memref<64x128xf32, #tpu.memory_space<vmem>>)
      %dma_start3A_237 = arith.constant 0 : i32
      %dma_start3A_238 = tpu.memref_slice %arg7[%add3A_230, %dma_start3A_237] : memref<40x64xi32, #tpu.memory_space<vmem>> -> memref<1x64xi32, #tpu.memory_space<vmem>>
      %dma_start3A_239 = tpu.memref_squeeze %dma_start3A_238 : memref<1x64xi32, #tpu.memory_space<vmem>> -> memref<64xi32, #tpu.memory_space<vmem>>
      %dma_start3A_240 = arith.constant 0 : i32
      %dma_start3A_241 = arith.constant 0 : i32
      %dma_start3A_242 = tpu.memref_slice %arg12[%dma_start3A_240, %dma_start3A_241] : memref<10112x128xf32, #tpu.memory_space<vmem_shared>> -> memref<10112x128xf32, #tpu.memory_space<vmem_shared>>
      tpu.enqueue_indirect_dma source(%arg10 : memref<64x128xf32, #tpu.memory_space<vmem>>) target(%dma_start3A_242 : memref<10112x128xf32, #tpu.memory_space<vmem_shared>>) offsets(%dma_start3A_239 : memref<64xi32, #tpu.memory_space<vmem>>) semaphore(%arg14 : memref<!tpu.dma_semaphore, #tpu.memory_space<semaphore_mem>>) {add = true}
      %add3A_243 = arith.constant 2 : i32
      %add3A_244 = arith.addi %add3A_230, %add3A_243 : i32
      %sub3A_245 = arith.constant 4 : i32
      %sub3A_246 = arith.subi %add3A_244, %sub3A_245 : i32
      %ge3A_247 = arith.constant 0 : i32
      %ge3A_248 = arith.cmpi sge, %sub3A_246, %ge3A_247 : i32
      %convert_element_type3A_249 = arith.extui %ge3A_248 : i1 to i32
      %cond3A_250 = arith.constant 0 : i32
      %cond3A_251 = arith.cmpi ne, %convert_element_type3A_249, %cond3A_250 : i32
      scf.if %cond3A_251 {
        %sub3A_287 = arith.constant 4 : i32
        %sub3A_288 = arith.subi %add3A_244, %sub3A_287 : i32
        %dma_wait3A_289 = arith.constant 0 : i32
        %dma_wait3A_290 = tpu.memref_slice %arg7[%sub3A_288, %dma_wait3A_289] : memref<40x64xi32, #tpu.memory_space<vmem>> -> memref<1x64xi32, #tpu.memory_space<vmem>>
        %dma_wait3A_291 = tpu.memref_squeeze %dma_wait3A_290 : memref<1x64xi32, #tpu.memory_space<vmem>> -> memref<64xi32, #tpu.memory_space<vmem>>
        %dma_wait3A_292 = arith.constant 0 : i32
        %dma_wait3A_293 = arith.constant 0 : i32
        %dma_wait3A_294 = tpu.memref_slice %arg12[%dma_wait3A_292, %dma_wait3A_293] : memref<10112x128xf32, #tpu.memory_space<vmem_shared>> -> memref<10112x128xf32, #tpu.memory_space<vmem_shared>>
        tpu.wait_indirect_dma semaphore(%arg14 : memref<!tpu.dma_semaphore, #tpu.memory_space<semaphore_mem>>) src(%arg8 : memref<64x128xf32, #tpu.memory_space<vmem>>) dst(%dma_wait3A_294 : memref<10112x128xf32, #tpu.memory_space<vmem_shared>>)
      } else {
      }
      %lt3A_252 = arith.constant 40 : i32
      %lt3A_253 = arith.cmpi slt, %add3A_244, %lt3A_252 : i32
      %convert_element_type3A_254 = arith.extui %lt3A_253 : i1 to i32
      %cond3A_255 = arith.constant 0 : i32
      %cond3A_256 = arith.cmpi ne, %convert_element_type3A_254, %cond3A_255 : i32
      scf.if %cond3A_256 {
        %dma_start3A_287 = arith.constant 0 : i32
        %dma_start3A_288 = tpu.memref_slice %arg6[%add3A_244, %dma_start3A_287] : memref<40x64xi32, #tpu.memory_space<vmem>> -> memref<1x64xi32, #tpu.memory_space<vmem>>
        %dma_start3A_289 = tpu.memref_squeeze %dma_start3A_288 : memref<1x64xi32, #tpu.memory_space<vmem>> -> memref<64xi32, #tpu.memory_space<vmem>>
        %dma_start3A_290 = arith.constant 0 : i32
        %dma_start3A_291 = arith.constant 0 : i32
        %dma_start3A_292 = tpu.memref_slice %arg2[%dma_start3A_290, %dma_start3A_291] : memref<20480x128xf32, #tpu.memory_space<hbm>> -> memref<20480x128xf32, #tpu.memory_space<hbm>>
        tpu.enqueue_indirect_dma source(%dma_start3A_292 : memref<20480x128xf32, #tpu.memory_space<hbm>>) target(%arg8 : memref<64x128xf32, #tpu.memory_space<vmem>>) offsets(%dma_start3A_289 : memref<64xi32, #tpu.memory_space<vmem>>) semaphore(%arg13 : memref<!tpu.dma_semaphore, #tpu.memory_space<semaphore_mem>>)
      } else {
      }
      %mul3A_257 = arith.constant 4 : i32
      %mul3A_258 = arith.muli %scan3A_171, %mul3A_257 : i32
      %add3A_259 = arith.constant 3 : i32
      %add3A_260 = arith.addi %mul3A_258, %add3A_259 : i32
      %dma_wait3A_261 = arith.constant 0 : i32
      %dma_wait3A_262 = tpu.memref_slice %arg6[%add3A_260, %dma_wait3A_261] : memref<40x64xi32, #tpu.memory_space<vmem>> -> memref<1x64xi32, #tpu.memory_space<vmem>>
      %dma_wait3A_263 = tpu.memref_squeeze %dma_wait3A_262 : memref<1x64xi32, #tpu.memory_space<vmem>> -> memref<64xi32, #tpu.memory_space<vmem>>
      %dma_wait3A_264 = arith.constant 0 : i32
      %dma_wait3A_265 = arith.constant 0 : i32
      %dma_wait3A_266 = tpu.memref_slice %arg2[%dma_wait3A_264, %dma_wait3A_265] : memref<20480x128xf32, #tpu.memory_space<hbm>> -> memref<20480x128xf32, #tpu.memory_space<hbm>>
      tpu.wait_indirect_dma semaphore(%arg13 : memref<!tpu.dma_semaphore, #tpu.memory_space<semaphore_mem>>) src(%dma_wait3A_266 : memref<20480x128xf32, #tpu.memory_space<hbm>>) dst(%arg11 : memref<64x128xf32, #tpu.memory_space<vmem>>)
      %dma_start3A_267 = arith.constant 0 : i32
      %dma_start3A_268 = tpu.memref_slice %arg7[%add3A_260, %dma_start3A_267] : memref<40x64xi32, #tpu.memory_space<vmem>> -> memref<1x64xi32, #tpu.memory_space<vmem>>
      %dma_start3A_269 = tpu.memref_squeeze %dma_start3A_268 : memref<1x64xi32, #tpu.memory_space<vmem>> -> memref<64xi32, #tpu.memory_space<vmem>>
      %dma_start3A_270 = arith.constant 0 : i32
      %dma_start3A_271 = arith.constant 0 : i32
      %dma_start3A_272 = tpu.memref_slice %arg12[%dma_start3A_270, %dma_start3A_271] : memref<10112x128xf32, #tpu.memory_space<vmem_shared>> -> memref<10112x128xf32, #tpu.memory_space<vmem_shared>>
      tpu.enqueue_indirect_dma source(%arg11 : memref<64x128xf32, #tpu.memory_space<vmem>>) target(%dma_start3A_272 : memref<10112x128xf32, #tpu.memory_space<vmem_shared>>) offsets(%dma_start3A_269 : memref<64xi32, #tpu.memory_space<vmem>>) semaphore(%arg14 : memref<!tpu.dma_semaphore, #tpu.memory_space<semaphore_mem>>) {add = true}
      %add3A_273 = arith.constant 2 : i32
      %add3A_274 = arith.addi %add3A_260, %add3A_273 : i32
      %sub3A_275 = arith.constant 4 : i32
      %sub3A_276 = arith.subi %add3A_274, %sub3A_275 : i32
      %ge3A_277 = arith.constant 0 : i32
      %ge3A_278 = arith.cmpi sge, %sub3A_276, %ge3A_277 : i32
      %convert_element_type3A_279 = arith.extui %ge3A_278 : i1 to i32
      %cond3A_280 = arith.constant 0 : i32
      %cond3A_281 = arith.cmpi ne, %convert_element_type3A_279, %cond3A_280 : i32
      scf.if %cond3A_281 {
        %sub3A_287 = arith.constant 4 : i32
        %sub3A_288 = arith.subi %add3A_274, %sub3A_287 : i32
        %dma_wait3A_289 = arith.constant 0 : i32
        %dma_wait3A_290 = tpu.memref_slice %arg7[%sub3A_288, %dma_wait3A_289] : memref<40x64xi32, #tpu.memory_space<vmem>> -> memref<1x64xi32, #tpu.memory_space<vmem>>
        %dma_wait3A_291 = tpu.memref_squeeze %dma_wait3A_290 : memref<1x64xi32, #tpu.memory_space<vmem>> -> memref<64xi32, #tpu.memory_space<vmem>>
        %dma_wait3A_292 = arith.constant 0 : i32
        %dma_wait3A_293 = arith.constant 0 : i32
        %dma_wait3A_294 = tpu.memref_slice %arg12[%dma_wait3A_292, %dma_wait3A_293] : memref<10112x128xf32, #tpu.memory_space<vmem_shared>> -> memref<10112x128xf32, #tpu.memory_space<vmem_shared>>
        tpu.wait_indirect_dma semaphore(%arg14 : memref<!tpu.dma_semaphore, #tpu.memory_space<semaphore_mem>>) src(%arg9 : memref<64x128xf32, #tpu.memory_space<vmem>>) dst(%dma_wait3A_294 : memref<10112x128xf32, #tpu.memory_space<vmem_shared>>)
      } else {
      }
      %lt3A_282 = arith.constant 40 : i32
      %lt3A_283 = arith.cmpi slt, %add3A_274, %lt3A_282 : i32
      %convert_element_type3A_284 = arith.extui %lt3A_283 : i1 to i32
      %cond3A_285 = arith.constant 0 : i32
      %cond3A_286 = arith.cmpi ne, %convert_element_type3A_284, %cond3A_285 : i32
      scf.if %cond3A_286 {
        %dma_start3A_287 = arith.constant 0 : i32
        %dma_start3A_288 = tpu.memref_slice %arg6[%add3A_274, %dma_start3A_287] : memref<40x64xi32, #tpu.memory_space<vmem>> -> memref<1x64xi32, #tpu.memory_space<vmem>>
        %dma_start3A_289 = tpu.memref_squeeze %dma_start3A_288 : memref<1x64xi32, #tpu.memory_space<vmem>> -> memref<64xi32, #tpu.memory_space<vmem>>
        %dma_start3A_290 = arith.constant 0 : i32
        %dma_start3A_291 = arith.constant 0 : i32
        %dma_start3A_292 = tpu.memref_slice %arg2[%dma_start3A_290, %dma_start3A_291] : memref<20480x128xf32, #tpu.memory_space<hbm>> -> memref<20480x128xf32, #tpu.memory_space<hbm>>
        tpu.enqueue_indirect_dma source(%dma_start3A_292 : memref<20480x128xf32, #tpu.memory_space<hbm>>) target(%arg9 : memref<64x128xf32, #tpu.memory_space<vmem>>) offsets(%dma_start3A_289 : memref<64xi32, #tpu.memory_space<vmem>>) semaphore(%arg13 : memref<!tpu.dma_semaphore, #tpu.memory_space<semaphore_mem>>)
      } else {
      }
    }
    %scan3A_48 = arith.constant 10 : i32
    %dma_wait3A = arith.constant 38 : i32
    %dma_wait3A_49 = arith.constant 0 : i32
    %dma_wait3A_50 = tpu.memref_slice %arg7[%dma_wait3A, %dma_wait3A_49] : memref<40x64xi32, #tpu.memory_space<vmem>> -> memref<1x64xi32, #tpu.memory_space<vmem>>
    %dma_wait3A_51 = tpu.memref_squeeze %dma_wait3A_50 : memref<1x64xi32, #tpu.memory_space<vmem>> -> memref<64xi32, #tpu.memory_space<vmem>>
    %dma_wait3A_52 = arith.constant 0 : i32
    %dma_wait3A_53 = arith.constant 0 : i32
    %dma_wait3A_54 = tpu.memref_slice %arg12[%dma_wait3A_52, %dma_wait3A_53] : memref<10112x128xf32, #tpu.memory_space<vmem_shared>> -> memref<10112x128xf32, #tpu.memory_space<vmem_shared>>
    tpu.wait_indirect_dma semaphore(%arg14 : memref<!tpu.dma_semaphore, #tpu.memory_space<semaphore_mem>>) src(%arg8 : memref<64x128xf32, #tpu.memory_space<vmem>>) dst(%dma_wait3A_54 : memref<10112x128xf32, #tpu.memory_space<vmem_shared>>)
    %dma_wait3A_55 = arith.constant 39 : i32
    %dma_wait3A_56 = arith.constant 0 : i32
    %dma_wait3A_57 = tpu.memref_slice %arg7[%dma_wait3A_55, %dma_wait3A_56] : memref<40x64xi32, #tpu.memory_space<vmem>> -> memref<1x64xi32, #tpu.memory_space<vmem>>
    %dma_wait3A_58 = tpu.memref_squeeze %dma_wait3A_57 : memref<1x64xi32, #tpu.memory_space<vmem>> -> memref<64xi32, #tpu.memory_space<vmem>>
    %dma_wait3A_59 = arith.constant 0 : i32
    %dma_wait3A_60 = arith.constant 0 : i32
    %dma_wait3A_61 = tpu.memref_slice %arg12[%dma_wait3A_59, %dma_wait3A_60] : memref<10112x128xf32, #tpu.memory_space<vmem_shared>> -> memref<10112x128xf32, #tpu.memory_space<vmem_shared>>
    tpu.wait_indirect_dma semaphore(%arg14 : memref<!tpu.dma_semaphore, #tpu.memory_space<semaphore_mem>>) src(%arg8 : memref<64x128xf32, #tpu.memory_space<vmem>>) dst(%dma_wait3A_61 : memref<10112x128xf32, #tpu.memory_space<vmem_shared>>)
    %add3A_62 = arith.constant 40 : i32
    %add3A_63 = arith.addi %mul3A_27, %add3A_62 : i32
    "tpu.region"() ({
      %run_scoped3A = tpu.sem_alloc : memref<!tpu.dma_semaphore, #tpu.memory_space<semaphore_mem>>
      %dma_start3A_171 = arith.constant 0 : i32
      %dma_start3A_172 = arith.constant 0 : i32
      %dma_start3A_173 = tpu.memref_slice %arg6[%dma_start3A_171, %dma_start3A_172] : memref<40x64xi32, #tpu.memory_space<vmem>> -> memref<40x64xi32, #tpu.memory_space<vmem>>
      %dma_start3A_174 = arith.constant 0 : i32
      %dma_start3A_175 = tpu.memref_slice %arg3[%arg0, %add3A_63, %dma_start3A_174] : memref<2x2560x64xi32, #tpu.memory_space<hbm>> -> memref<1x40x64xi32, #tpu.memory_space<hbm>>
      %dma_start3A_176 = tpu.memref_squeeze %dma_start3A_175 : memref<1x40x64xi32, #tpu.memory_space<hbm>> -> memref<40x64xi32, #tpu.memory_space<hbm>>
      %dma_start3A_177 = arith.constant 0 : i32
      %dma_start3A_178 = arith.constant 0 : i32
      %dma_start3A_179 = tpu.memref_slice %arg6[%dma_start3A_177, %dma_start3A_178] : memref<40x64xi32, #tpu.memory_space<vmem>> -> memref<40x64xi32, #tpu.memory_space<vmem>>
      %dma_start3A_180 = arith.constant 0 : i32
      %dma_start3A_181 = tpu.memref_slice %arg3[%arg0, %add3A_63, %dma_start3A_180] : memref<2x2560x64xi32, #tpu.memory_space<hbm>> -> memref<1x40x64xi32, #tpu.memory_space<hbm>>
      %dma_start3A_182 = tpu.memref_squeeze %dma_start3A_181 : memref<1x40x64xi32, #tpu.memory_space<hbm>> -> memref<40x64xi32, #tpu.memory_space<hbm>>
      tpu.enqueue_dma source(%dma_start3A_182 : memref<40x64xi32, #tpu.memory_space<hbm>>) target(%dma_start3A_179 : memref<40x64xi32, #tpu.memory_space<vmem>>) target_semaphore(%run_scoped3A : memref<!tpu.dma_semaphore, #tpu.memory_space<semaphore_mem>>)
      %dma_wait3A_183 = arith.constant 0 : i32
      %dma_wait3A_184 = arith.constant 0 : i32
      %dma_wait3A_185 = tpu.memref_slice %arg6[%dma_wait3A_183, %dma_wait3A_184] : memref<40x64xi32, #tpu.memory_space<vmem>> -> memref<40x64xi32, #tpu.memory_space<vmem>>
      %dma_wait3A_186 = arith.constant 0 : i32
      %dma_wait3A_187 = tpu.memref_slice %arg3[%arg0, %add3A_63, %dma_wait3A_186] : memref<2x2560x64xi32, #tpu.memory_space<hbm>> -> memref<1x40x64xi32, #tpu.memory_space<hbm>>
      %dma_wait3A_188 = tpu.memref_squeeze %dma_wait3A_187 : memref<1x40x64xi32, #tpu.memory_space<hbm>> -> memref<40x64xi32, #tpu.memory_space<hbm>>
      %dma_wait3A_189 = arith.constant 0 : i32
      %dma_wait3A_190 = arith.constant 0 : i32
      %dma_wait3A_191 = tpu.memref_slice %arg6[%dma_wait3A_189, %dma_wait3A_190] : memref<40x64xi32, #tpu.memory_space<vmem>> -> memref<40x64xi32, #tpu.memory_space<vmem>>
      %dma_wait3A_192 = arith.constant 0 : i32
      %dma_wait3A_193 = tpu.memref_slice %arg3[%arg0, %add3A_63, %dma_wait3A_192] : memref<2x2560x64xi32, #tpu.memory_space<hbm>> -> memref<1x40x64xi32, #tpu.memory_space<hbm>>
      %dma_wait3A_194 = tpu.memref_squeeze %dma_wait3A_193 : memref<1x40x64xi32, #tpu.memory_space<hbm>> -> memref<40x64xi32, #tpu.memory_space<hbm>>
      tpu.wait_dma2 semaphore(%run_scoped3A : memref<!tpu.dma_semaphore, #tpu.memory_space<semaphore_mem>>) src(%dma_wait3A_194 : memref<40x64xi32, #tpu.memory_space<hbm>>) dst(%dma_wait3A_191 : memref<40x64xi32, #tpu.memory_space<vmem>>)
      tpu.yield
    }) : () -> ()
    "tpu.region"() ({
      %run_scoped3A = tpu.sem_alloc : memref<!tpu.dma_semaphore, #tpu.memory_space<semaphore_mem>>
      %dma_start3A_171 = arith.constant 0 : i32
      %dma_start3A_172 = arith.constant 0 : i32
      %dma_start3A_173 = tpu.memref_slice %arg7[%dma_start3A_171, %dma_start3A_172] : memref<40x64xi32, #tpu.memory_space<vmem>> -> memref<40x64xi32, #tpu.memory_space<vmem>>
      %dma_start3A_174 = arith.constant 0 : i32
      %dma_start3A_175 = tpu.memref_slice %arg4[%add3A_63, %dma_start3A_174] : memref<2560x64xi32, #tpu.memory_space<hbm>> -> memref<40x64xi32, #tpu.memory_space<hbm>>
      %dma_start3A_176 = arith.constant 0 : i32
      %dma_start3A_177 = arith.constant 0 : i32
      %dma_start3A_178 = tpu.memref_slice %arg7[%dma_start3A_176, %dma_start3A_177] : memref<40x64xi32, #tpu.memory_space<vmem>> -> memref<40x64xi32, #tpu.memory_space<vmem>>
      %dma_start3A_179 = arith.constant 0 : i32
      %dma_start3A_180 = tpu.memref_slice %arg4[%add3A_63, %dma_start3A_179] : memref<2560x64xi32, #tpu.memory_space<hbm>> -> memref<40x64xi32, #tpu.memory_space<hbm>>
      tpu.enqueue_dma source(%dma_start3A_180 : memref<40x64xi32, #tpu.memory_space<hbm>>) target(%dma_start3A_178 : memref<40x64xi32, #tpu.memory_space<vmem>>) target_semaphore(%run_scoped3A : memref<!tpu.dma_semaphore, #tpu.memory_space<semaphore_mem>>)
      %dma_wait3A_181 = arith.constant 0 : i32
      %dma_wait3A_182 = arith.constant 0 : i32
      %dma_wait3A_183 = tpu.memref_slice %arg7[%dma_wait3A_181, %dma_wait3A_182] : memref<40x64xi32, #tpu.memory_space<vmem>> -> memref<40x64xi32, #tpu.memory_space<vmem>>
      %dma_wait3A_184 = arith.constant 0 : i32
      %dma_wait3A_185 = tpu.memref_slice %arg4[%add3A_63, %dma_wait3A_184] : memref<2560x64xi32, #tpu.memory_space<hbm>> -> memref<40x64xi32, #tpu.memory_space<hbm>>
      %dma_wait3A_186 = arith.constant 0 : i32
      %dma_wait3A_187 = arith.constant 0 : i32
      %dma_wait3A_188 = tpu.memref_slice %arg7[%dma_wait3A_186, %dma_wait3A_187] : memref<40x64xi32, #tpu.memory_space<vmem>> -> memref<40x64xi32, #tpu.memory_space<vmem>>
      %dma_wait3A_189 = arith.constant 0 : i32
      %dma_wait3A_190 = tpu.memref_slice %arg4[%add3A_63, %dma_wait3A_189] : memref<2560x64xi32, #tpu.memory_space<hbm>> -> memref<40x64xi32, #tpu.memory_space<hbm>>
      tpu.wait_dma2 semaphore(%run_scoped3A : memref<!tpu.dma_semaphore, #tpu.memory_space<semaphore_mem>>) src(%dma_wait3A_190 : memref<40x64xi32, #tpu.memory_space<hbm>>) dst(%dma_wait3A_188 : memref<40x64xi32, #tpu.memory_space<vmem>>)
      tpu.yield
    }) : () -> ()
    %dma_start3A_64 = arith.constant 0 : i32
    %dma_start3A_65 = arith.constant 0 : i32
    %dma_start3A_66 = tpu.memref_slice %arg6[%dma_start3A_64, %dma_start3A_65] : memref<40x64xi32, #tpu.memory_space<vmem>> -> memref<1x64xi32, #tpu.memory_space<vmem>>
    %dma_start3A_67 = tpu.memref_squeeze %dma_start3A_66 : memref<1x64xi32, #tpu.memory_space<vmem>> -> memref<64xi32, #tpu.memory_space<vmem>>
    %dma_start3A_68 = arith.constant 0 : i32
    %dma_start3A_69 = arith.constant 0 : i32
    %dma_start3A_70 = tpu.memref_slice %arg2[%dma_start3A_68, %dma_start3A_69] : memref<20480x128xf32, #tpu.memory_space<hbm>> -> memref<20480x128xf32, #tpu.memory_space<hbm>>
    tpu.enqueue_indirect_dma source(%dma_start3A_70 : memref<20480x128xf32, #tpu.memory_space<hbm>>) target(%arg8 : memref<64x128xf32, #tpu.memory_space<vmem>>) offsets(%dma_start3A_67 : memref<64xi32, #tpu.memory_space<vmem>>) semaphore(%arg13 : memref<!tpu.dma_semaphore, #tpu.memory_space<semaphore_mem>>)
    %dma_start3A_71 = arith.constant 1 : i32
    %dma_start3A_72 = arith.constant 0 : i32
    %dma_start3A_73 = tpu.memref_slice %arg6[%dma_start3A_71, %dma_start3A_72] : memref<40x64xi32, #tpu.memory_space<vmem>> -> memref<1x64xi32, #tpu.memory_space<vmem>>
    %dma_start3A_74 = tpu.memref_squeeze %dma_start3A_73 : memref<1x64xi32, #tpu.memory_space<vmem>> -> memref<64xi32, #tpu.memory_space<vmem>>
    %dma_start3A_75 = arith.constant 0 : i32
    %dma_start3A_76 = arith.constant 0 : i32
    %dma_start3A_77 = tpu.memref_slice %arg2[%dma_start3A_75, %dma_start3A_76] : memref<20480x128xf32, #tpu.memory_space<hbm>> -> memref<20480x128xf32, #tpu.memory_space<hbm>>
    tpu.enqueue_indirect_dma source(%dma_start3A_77 : memref<20480x128xf32, #tpu.memory_space<hbm>>) target(%arg9 : memref<64x128xf32, #tpu.memory_space<vmem>>) offsets(%dma_start3A_74 : memref<64xi32, #tpu.memory_space<vmem>>) semaphore(%arg13 : memref<!tpu.dma_semaphore, #tpu.memory_space<semaphore_mem>>)
    %scan3A_78 = arith.constant 0 : i32
    %scan3A_79 = arith.constant 0 : i32
    %scan3A_80 = arith.constant 10 : i32
    %scan3A_81 = arith.addi %scan3A_79, %scan3A_80 : i32
    %scan3A_82 = arith.constant 1 : i32
    scf.for %scan3A_171 = %scan3A_79 to %scan3A_81 step %scan3A_82  : i32 {
      %mul3A_172 = arith.constant 4 : i32
      %mul3A_173 = arith.muli %scan3A_171, %mul3A_172 : i32
      %add3A_174 = arith.constant 0 : i32
      %add3A_175 = arith.addi %mul3A_173, %add3A_174 : i32
      %dma_wait3A_176 = arith.constant 0 : i32
      %dma_wait3A_177 = tpu.memref_slice %arg6[%add3A_175, %dma_wait3A_176] : memref<40x64xi32, #tpu.memory_space<vmem>> -> memref<1x64xi32, #tpu.memory_space<vmem>>
      %dma_wait3A_178 = tpu.memref_squeeze %dma_wait3A_177 : memref<1x64xi32, #tpu.memory_space<vmem>> -> memref<64xi32, #tpu.memory_space<vmem>>
      %dma_wait3A_179 = arith.constant 0 : i32
      %dma_wait3A_180 = arith.constant 0 : i32
      %dma_wait3A_181 = tpu.memref_slice %arg2[%dma_wait3A_179, %dma_wait3A_180] : memref<20480x128xf32, #tpu.memory_space<hbm>> -> memref<20480x128xf32, #tpu.memory_space<hbm>>
      tpu.wait_indirect_dma semaphore(%arg13 : memref<!tpu.dma_semaphore, #tpu.memory_space<semaphore_mem>>) src(%dma_wait3A_181 : memref<20480x128xf32, #tpu.memory_space<hbm>>) dst(%arg8 : memref<64x128xf32, #tpu.memory_space<vmem>>)
      %dma_start3A_182 = arith.constant 0 : i32
      %dma_start3A_183 = tpu.memref_slice %arg7[%add3A_175, %dma_start3A_182] : memref<40x64xi32, #tpu.memory_space<vmem>> -> memref<1x64xi32, #tpu.memory_space<vmem>>
      %dma_start3A_184 = tpu.memref_squeeze %dma_start3A_183 : memref<1x64xi32, #tpu.memory_space<vmem>> -> memref<64xi32, #tpu.memory_space<vmem>>
      %dma_start3A_185 = arith.constant 0 : i32
      %dma_start3A_186 = arith.constant 0 : i32
      %dma_start3A_187 = tpu.memref_slice %arg12[%dma_start3A_185, %dma_start3A_186] : memref<10112x128xf32, #tpu.memory_space<vmem_shared>> -> memref<10112x128xf32, #tpu.memory_space<vmem_shared>>
      tpu.enqueue_indirect_dma source(%arg8 : memref<64x128xf32, #tpu.memory_space<vmem>>) target(%dma_start3A_187 : memref<10112x128xf32, #tpu.memory_space<vmem_shared>>) offsets(%dma_start3A_184 : memref<64xi32, #tpu.memory_space<vmem>>) semaphore(%arg14 : memref<!tpu.dma_semaphore, #tpu.memory_space<semaphore_mem>>) {add = true}
      %add3A_188 = arith.constant 2 : i32
      %add3A_189 = arith.addi %add3A_175, %add3A_188 : i32
      %sub3A = arith.constant 4 : i32
      %sub3A_190 = arith.subi %add3A_189, %sub3A : i32
      %ge3A = arith.constant 0 : i32
      %ge3A_191 = arith.cmpi sge, %sub3A_190, %ge3A : i32
      %convert_element_type3A = arith.extui %ge3A_191 : i1 to i32
      %cond3A = arith.constant 0 : i32
      %cond3A_192 = arith.cmpi ne, %convert_element_type3A, %cond3A : i32
      scf.if %cond3A_192 {
        %sub3A_287 = arith.constant 4 : i32
        %sub3A_288 = arith.subi %add3A_189, %sub3A_287 : i32
        %dma_wait3A_289 = arith.constant 0 : i32
        %dma_wait3A_290 = tpu.memref_slice %arg7[%sub3A_288, %dma_wait3A_289] : memref<40x64xi32, #tpu.memory_space<vmem>> -> memref<1x64xi32, #tpu.memory_space<vmem>>
        %dma_wait3A_291 = tpu.memref_squeeze %dma_wait3A_290 : memref<1x64xi32, #tpu.memory_space<vmem>> -> memref<64xi32, #tpu.memory_space<vmem>>
        %dma_wait3A_292 = arith.constant 0 : i32
        %dma_wait3A_293 = arith.constant 0 : i32
        %dma_wait3A_294 = tpu.memref_slice %arg12[%dma_wait3A_292, %dma_wait3A_293] : memref<10112x128xf32, #tpu.memory_space<vmem_shared>> -> memref<10112x128xf32, #tpu.memory_space<vmem_shared>>
        tpu.wait_indirect_dma semaphore(%arg14 : memref<!tpu.dma_semaphore, #tpu.memory_space<semaphore_mem>>) src(%arg10 : memref<64x128xf32, #tpu.memory_space<vmem>>) dst(%dma_wait3A_294 : memref<10112x128xf32, #tpu.memory_space<vmem_shared>>)
      } else {
      }
      %lt3A = arith.constant 40 : i32
      %lt3A_193 = arith.cmpi slt, %add3A_189, %lt3A : i32
      %convert_element_type3A_194 = arith.extui %lt3A_193 : i1 to i32
      %cond3A_195 = arith.constant 0 : i32
      %cond3A_196 = arith.cmpi ne, %convert_element_type3A_194, %cond3A_195 : i32
      scf.if %cond3A_196 {
        %dma_start3A_287 = arith.constant 0 : i32
        %dma_start3A_288 = tpu.memref_slice %arg6[%add3A_189, %dma_start3A_287] : memref<40x64xi32, #tpu.memory_space<vmem>> -> memref<1x64xi32, #tpu.memory_space<vmem>>
        %dma_start3A_289 = tpu.memref_squeeze %dma_start3A_288 : memref<1x64xi32, #tpu.memory_space<vmem>> -> memref<64xi32, #tpu.memory_space<vmem>>
        %dma_start3A_290 = arith.constant 0 : i32
        %dma_start3A_291 = arith.constant 0 : i32
        %dma_start3A_292 = tpu.memref_slice %arg2[%dma_start3A_290, %dma_start3A_291] : memref<20480x128xf32, #tpu.memory_space<hbm>> -> memref<20480x128xf32, #tpu.memory_space<hbm>>
        tpu.enqueue_indirect_dma source(%dma_start3A_292 : memref<20480x128xf32, #tpu.memory_space<hbm>>) target(%arg10 : memref<64x128xf32, #tpu.memory_space<vmem>>) offsets(%dma_start3A_289 : memref<64xi32, #tpu.memory_space<vmem>>) semaphore(%arg13 : memref<!tpu.dma_semaphore, #tpu.memory_space<semaphore_mem>>)
      } else {
      }
      %mul3A_197 = arith.constant 4 : i32
      %mul3A_198 = arith.muli %scan3A_171, %mul3A_197 : i32
      %add3A_199 = arith.constant 1 : i32
      %add3A_200 = arith.addi %mul3A_198, %add3A_199 : i32
      %dma_wait3A_201 = arith.constant 0 : i32
      %dma_wait3A_202 = tpu.memref_slice %arg6[%add3A_200, %dma_wait3A_201] : memref<40x64xi32, #tpu.memory_space<vmem>> -> memref<1x64xi32, #tpu.memory_space<vmem>>
      %dma_wait3A_203 = tpu.memref_squeeze %dma_wait3A_202 : memref<1x64xi32, #tpu.memory_space<vmem>> -> memref<64xi32, #tpu.memory_space<vmem>>
      %dma_wait3A_204 = arith.constant 0 : i32
      %dma_wait3A_205 = arith.constant 0 : i32
      %dma_wait3A_206 = tpu.memref_slice %arg2[%dma_wait3A_204, %dma_wait3A_205] : memref<20480x128xf32, #tpu.memory_space<hbm>> -> memref<20480x128xf32, #tpu.memory_space<hbm>>
      tpu.wait_indirect_dma semaphore(%arg13 : memref<!tpu.dma_semaphore, #tpu.memory_space<semaphore_mem>>) src(%dma_wait3A_206 : memref<20480x128xf32, #tpu.memory_space<hbm>>) dst(%arg9 : memref<64x128xf32, #tpu.memory_space<vmem>>)
      %dma_start3A_207 = arith.constant 0 : i32
      %dma_start3A_208 = tpu.memref_slice %arg7[%add3A_200, %dma_start3A_207] : memref<40x64xi32, #tpu.memory_space<vmem>> -> memref<1x64xi32, #tpu.memory_space<vmem>>
      %dma_start3A_209 = tpu.memref_squeeze %dma_start3A_208 : memref<1x64xi32, #tpu.memory_space<vmem>> -> memref<64xi32, #tpu.memory_space<vmem>>
      %dma_start3A_210 = arith.constant 0 : i32
      %dma_start3A_211 = arith.constant 0 : i32
      %dma_start3A_212 = tpu.memref_slice %arg12[%dma_start3A_210, %dma_start3A_211] : memref<10112x128xf32, #tpu.memory_space<vmem_shared>> -> memref<10112x128xf32, #tpu.memory_space<vmem_shared>>
      tpu.enqueue_indirect_dma source(%arg9 : memref<64x128xf32, #tpu.memory_space<vmem>>) target(%dma_start3A_212 : memref<10112x128xf32, #tpu.memory_space<vmem_shared>>) offsets(%dma_start3A_209 : memref<64xi32, #tpu.memory_space<vmem>>) semaphore(%arg14 : memref<!tpu.dma_semaphore, #tpu.memory_space<semaphore_mem>>) {add = true}
      %add3A_213 = arith.constant 2 : i32
      %add3A_214 = arith.addi %add3A_200, %add3A_213 : i32
      %sub3A_215 = arith.constant 4 : i32
      %sub3A_216 = arith.subi %add3A_214, %sub3A_215 : i32
      %ge3A_217 = arith.constant 0 : i32
      %ge3A_218 = arith.cmpi sge, %sub3A_216, %ge3A_217 : i32
      %convert_element_type3A_219 = arith.extui %ge3A_218 : i1 to i32
      %cond3A_220 = arith.constant 0 : i32
      %cond3A_221 = arith.cmpi ne, %convert_element_type3A_219, %cond3A_220 : i32
      scf.if %cond3A_221 {
        %sub3A_287 = arith.constant 4 : i32
        %sub3A_288 = arith.subi %add3A_214, %sub3A_287 : i32
        %dma_wait3A_289 = arith.constant 0 : i32
        %dma_wait3A_290 = tpu.memref_slice %arg7[%sub3A_288, %dma_wait3A_289] : memref<40x64xi32, #tpu.memory_space<vmem>> -> memref<1x64xi32, #tpu.memory_space<vmem>>
        %dma_wait3A_291 = tpu.memref_squeeze %dma_wait3A_290 : memref<1x64xi32, #tpu.memory_space<vmem>> -> memref<64xi32, #tpu.memory_space<vmem>>
        %dma_wait3A_292 = arith.constant 0 : i32
        %dma_wait3A_293 = arith.constant 0 : i32
        %dma_wait3A_294 = tpu.memref_slice %arg12[%dma_wait3A_292, %dma_wait3A_293] : memref<10112x128xf32, #tpu.memory_space<vmem_shared>> -> memref<10112x128xf32, #tpu.memory_space<vmem_shared>>
        tpu.wait_indirect_dma semaphore(%arg14 : memref<!tpu.dma_semaphore, #tpu.memory_space<semaphore_mem>>) src(%arg11 : memref<64x128xf32, #tpu.memory_space<vmem>>) dst(%dma_wait3A_294 : memref<10112x128xf32, #tpu.memory_space<vmem_shared>>)
      } else {
      }
      %lt3A_222 = arith.constant 40 : i32
      %lt3A_223 = arith.cmpi slt, %add3A_214, %lt3A_222 : i32
      %convert_element_type3A_224 = arith.extui %lt3A_223 : i1 to i32
      %cond3A_225 = arith.constant 0 : i32
      %cond3A_226 = arith.cmpi ne, %convert_element_type3A_224, %cond3A_225 : i32
      scf.if %cond3A_226 {
        %dma_start3A_287 = arith.constant 0 : i32
        %dma_start3A_288 = tpu.memref_slice %arg6[%add3A_214, %dma_start3A_287] : memref<40x64xi32, #tpu.memory_space<vmem>> -> memref<1x64xi32, #tpu.memory_space<vmem>>
        %dma_start3A_289 = tpu.memref_squeeze %dma_start3A_288 : memref<1x64xi32, #tpu.memory_space<vmem>> -> memref<64xi32, #tpu.memory_space<vmem>>
        %dma_start3A_290 = arith.constant 0 : i32
        %dma_start3A_291 = arith.constant 0 : i32
        %dma_start3A_292 = tpu.memref_slice %arg2[%dma_start3A_290, %dma_start3A_291] : memref<20480x128xf32, #tpu.memory_space<hbm>> -> memref<20480x128xf32, #tpu.memory_space<hbm>>
        tpu.enqueue_indirect_dma source(%dma_start3A_292 : memref<20480x128xf32, #tpu.memory_space<hbm>>) target(%arg11 : memref<64x128xf32, #tpu.memory_space<vmem>>) offsets(%dma_start3A_289 : memref<64xi32, #tpu.memory_space<vmem>>) semaphore(%arg13 : memref<!tpu.dma_semaphore, #tpu.memory_space<semaphore_mem>>)
      } else {
      }
      %mul3A_227 = arith.constant 4 : i32
      %mul3A_228 = arith.muli %scan3A_171, %mul3A_227 : i32
      %add3A_229 = arith.constant 2 : i32
      %add3A_230 = arith.addi %mul3A_228, %add3A_229 : i32
      %dma_wait3A_231 = arith.constant 0 : i32
      %dma_wait3A_232 = tpu.memref_slice %arg6[%add3A_230, %dma_wait3A_231] : memref<40x64xi32, #tpu.memory_space<vmem>> -> memref<1x64xi32, #tpu.memory_space<vmem>>
      %dma_wait3A_233 = tpu.memref_squeeze %dma_wait3A_232 : memref<1x64xi32, #tpu.memory_space<vmem>> -> memref<64xi32, #tpu.memory_space<vmem>>
      %dma_wait3A_234 = arith.constant 0 : i32
      %dma_wait3A_235 = arith.constant 0 : i32
      %dma_wait3A_236 = tpu.memref_slice %arg2[%dma_wait3A_234, %dma_wait3A_235] : memref<20480x128xf32, #tpu.memory_space<hbm>> -> memref<20480x128xf32, #tpu.memory_space<hbm>>
      tpu.wait_indirect_dma semaphore(%arg13 : memref<!tpu.dma_semaphore, #tpu.memory_space<semaphore_mem>>) src(%dma_wait3A_236 : memref<20480x128xf32, #tpu.memory_space<hbm>>) dst(%arg10 : memref<64x128xf32, #tpu.memory_space<vmem>>)
      %dma_start3A_237 = arith.constant 0 : i32
      %dma_start3A_238 = tpu.memref_slice %arg7[%add3A_230, %dma_start3A_237] : memref<40x64xi32, #tpu.memory_space<vmem>> -> memref<1x64xi32, #tpu.memory_space<vmem>>
      %dma_start3A_239 = tpu.memref_squeeze %dma_start3A_238 : memref<1x64xi32, #tpu.memory_space<vmem>> -> memref<64xi32, #tpu.memory_space<vmem>>
      %dma_start3A_240 = arith.constant 0 : i32
      %dma_start3A_241 = arith.constant 0 : i32
      %dma_start3A_242 = tpu.memref_slice %arg12[%dma_start3A_240, %dma_start3A_241] : memref<10112x128xf32, #tpu.memory_space<vmem_shared>> -> memref<10112x128xf32, #tpu.memory_space<vmem_shared>>
      tpu.enqueue_indirect_dma source(%arg10 : memref<64x128xf32, #tpu.memory_space<vmem>>) target(%dma_start3A_242 : memref<10112x128xf32, #tpu.memory_space<vmem_shared>>) offsets(%dma_start3A_239 : memref<64xi32, #tpu.memory_space<vmem>>) semaphore(%arg14 : memref<!tpu.dma_semaphore, #tpu.memory_space<semaphore_mem>>) {add = true}
      %add3A_243 = arith.constant 2 : i32
      %add3A_244 = arith.addi %add3A_230, %add3A_243 : i32
      %sub3A_245 = arith.constant 4 : i32
      %sub3A_246 = arith.subi %add3A_244, %sub3A_245 : i32
      %ge3A_247 = arith.constant 0 : i32
      %ge3A_248 = arith.cmpi sge, %sub3A_246, %ge3A_247 : i32
      %convert_element_type3A_249 = arith.extui %ge3A_248 : i1 to i32
      %cond3A_250 = arith.constant 0 : i32
      %cond3A_251 = arith.cmpi ne, %convert_element_type3A_249, %cond3A_250 : i32
      scf.if %cond3A_251 {
        %sub3A_287 = arith.constant 4 : i32
        %sub3A_288 = arith.subi %add3A_244, %sub3A_287 : i32
        %dma_wait3A_289 = arith.constant 0 : i32
        %dma_wait3A_290 = tpu.memref_slice %arg7[%sub3A_288, %dma_wait3A_289] : memref<40x64xi32, #tpu.memory_space<vmem>> -> memref<1x64xi32, #tpu.memory_space<vmem>>
        %dma_wait3A_291 = tpu.memref_squeeze %dma_wait3A_290 : memref<1x64xi32, #tpu.memory_space<vmem>> -> memref<64xi32, #tpu.memory_space<vmem>>
        %dma_wait3A_292 = arith.constant 0 : i32
        %dma_wait3A_293 = arith.constant 0 : i32
        %dma_wait3A_294 = tpu.memref_slice %arg12[%dma_wait3A_292, %dma_wait3A_293] : memref<10112x128xf32, #tpu.memory_space<vmem_shared>> -> memref<10112x128xf32, #tpu.memory_space<vmem_shared>>
        tpu.wait_indirect_dma semaphore(%arg14 : memref<!tpu.dma_semaphore, #tpu.memory_space<semaphore_mem>>) src(%arg8 : memref<64x128xf32, #tpu.memory_space<vmem>>) dst(%dma_wait3A_294 : memref<10112x128xf32, #tpu.memory_space<vmem_shared>>)
      } else {
      }
      %lt3A_252 = arith.constant 40 : i32
      %lt3A_253 = arith.cmpi slt, %add3A_244, %lt3A_252 : i32
      %convert_element_type3A_254 = arith.extui %lt3A_253 : i1 to i32
      %cond3A_255 = arith.constant 0 : i32
      %cond3A_256 = arith.cmpi ne, %convert_element_type3A_254, %cond3A_255 : i32
      scf.if %cond3A_256 {
        %dma_start3A_287 = arith.constant 0 : i32
        %dma_start3A_288 = tpu.memref_slice %arg6[%add3A_244, %dma_start3A_287] : memref<40x64xi32, #tpu.memory_space<vmem>> -> memref<1x64xi32, #tpu.memory_space<vmem>>
        %dma_start3A_289 = tpu.memref_squeeze %dma_start3A_288 : memref<1x64xi32, #tpu.memory_space<vmem>> -> memref<64xi32, #tpu.memory_space<vmem>>
        %dma_start3A_290 = arith.constant 0 : i32
        %dma_start3A_291 = arith.constant 0 : i32
        %dma_start3A_292 = tpu.memref_slice %arg2[%dma_start3A_290, %dma_start3A_291] : memref<20480x128xf32, #tpu.memory_space<hbm>> -> memref<20480x128xf32, #tpu.memory_space<hbm>>
        tpu.enqueue_indirect_dma source(%dma_start3A_292 : memref<20480x128xf32, #tpu.memory_space<hbm>>) target(%arg8 : memref<64x128xf32, #tpu.memory_space<vmem>>) offsets(%dma_start3A_289 : memref<64xi32, #tpu.memory_space<vmem>>) semaphore(%arg13 : memref<!tpu.dma_semaphore, #tpu.memory_space<semaphore_mem>>)
      } else {
      }
      %mul3A_257 = arith.constant 4 : i32
      %mul3A_258 = arith.muli %scan3A_171, %mul3A_257 : i32
      %add3A_259 = arith.constant 3 : i32
      %add3A_260 = arith.addi %mul3A_258, %add3A_259 : i32
      %dma_wait3A_261 = arith.constant 0 : i32
      %dma_wait3A_262 = tpu.memref_slice %arg6[%add3A_260, %dma_wait3A_261] : memref<40x64xi32, #tpu.memory_space<vmem>> -> memref<1x64xi32, #tpu.memory_space<vmem>>
      %dma_wait3A_263 = tpu.memref_squeeze %dma_wait3A_262 : memref<1x64xi32, #tpu.memory_space<vmem>> -> memref<64xi32, #tpu.memory_space<vmem>>
      %dma_wait3A_264 = arith.constant 0 : i32
      %dma_wait3A_265 = arith.constant 0 : i32
      %dma_wait3A_266 = tpu.memref_slice %arg2[%dma_wait3A_264, %dma_wait3A_265] : memref<20480x128xf32, #tpu.memory_space<hbm>> -> memref<20480x128xf32, #tpu.memory_space<hbm>>
      tpu.wait_indirect_dma semaphore(%arg13 : memref<!tpu.dma_semaphore, #tpu.memory_space<semaphore_mem>>) src(%dma_wait3A_266 : memref<20480x128xf32, #tpu.memory_space<hbm>>) dst(%arg11 : memref<64x128xf32, #tpu.memory_space<vmem>>)
      %dma_start3A_267 = arith.constant 0 : i32
      %dma_start3A_268 = tpu.memref_slice %arg7[%add3A_260, %dma_start3A_267] : memref<40x64xi32, #tpu.memory_space<vmem>> -> memref<1x64xi32, #tpu.memory_space<vmem>>
      %dma_start3A_269 = tpu.memref_squeeze %dma_start3A_268 : memref<1x64xi32, #tpu.memory_space<vmem>> -> memref<64xi32, #tpu.memory_space<vmem>>
      %dma_start3A_270 = arith.constant 0 : i32
      %dma_start3A_271 = arith.constant 0 : i32
      %dma_start3A_272 = tpu.memref_slice %arg12[%dma_start3A_270, %dma_start3A_271] : memref<10112x128xf32, #tpu.memory_space<vmem_shared>> -> memref<10112x128xf32, #tpu.memory_space<vmem_shared>>
      tpu.enqueue_indirect_dma source(%arg11 : memref<64x128xf32, #tpu.memory_space<vmem>>) target(%dma_start3A_272 : memref<10112x128xf32, #tpu.memory_space<vmem_shared>>) offsets(%dma_start3A_269 : memref<64xi32, #tpu.memory_space<vmem>>) semaphore(%arg14 : memref<!tpu.dma_semaphore, #tpu.memory_space<semaphore_mem>>) {add = true}
      %add3A_273 = arith.constant 2 : i32
      %add3A_274 = arith.addi %add3A_260, %add3A_273 : i32
      %sub3A_275 = arith.constant 4 : i32
      %sub3A_276 = arith.subi %add3A_274, %sub3A_275 : i32
      %ge3A_277 = arith.constant 0 : i32
      %ge3A_278 = arith.cmpi sge, %sub3A_276, %ge3A_277 : i32
      %convert_element_type3A_279 = arith.extui %ge3A_278 : i1 to i32
      %cond3A_280 = arith.constant 0 : i32
      %cond3A_281 = arith.cmpi ne, %convert_element_type3A_279, %cond3A_280 : i32
      scf.if %cond3A_281 {
        %sub3A_287 = arith.constant 4 : i32
        %sub3A_288 = arith.subi %add3A_274, %sub3A_287 : i32
        %dma_wait3A_289 = arith.constant 0 : i32
        %dma_wait3A_290 = tpu.memref_slice %arg7[%sub3A_288, %dma_wait3A_289] : memref<40x64xi32, #tpu.memory_space<vmem>> -> memref<1x64xi32, #tpu.memory_space<vmem>>
        %dma_wait3A_291 = tpu.memref_squeeze %dma_wait3A_290 : memref<1x64xi32, #tpu.memory_space<vmem>> -> memref<64xi32, #tpu.memory_space<vmem>>
        %dma_wait3A_292 = arith.constant 0 : i32
        %dma_wait3A_293 = arith.constant 0 : i32
        %dma_wait3A_294 = tpu.memref_slice %arg12[%dma_wait3A_292, %dma_wait3A_293] : memref<10112x128xf32, #tpu.memory_space<vmem_shared>> -> memref<10112x128xf32, #tpu.memory_space<vmem_shared>>
        tpu.wait_indirect_dma semaphore(%arg14 : memref<!tpu.dma_semaphore, #tpu.memory_space<semaphore_mem>>) src(%arg9 : memref<64x128xf32, #tpu.memory_space<vmem>>) dst(%dma_wait3A_294 : memref<10112x128xf32, #tpu.memory_space<vmem_shared>>)
      } else {
      }
      %lt3A_282 = arith.constant 40 : i32
      %lt3A_283 = arith.cmpi slt, %add3A_274, %lt3A_282 : i32
      %convert_element_type3A_284 = arith.extui %lt3A_283 : i1 to i32
      %cond3A_285 = arith.constant 0 : i32
      %cond3A_286 = arith.cmpi ne, %convert_element_type3A_284, %cond3A_285 : i32
      scf.if %cond3A_286 {
        %dma_start3A_287 = arith.constant 0 : i32
        %dma_start3A_288 = tpu.memref_slice %arg6[%add3A_274, %dma_start3A_287] : memref<40x64xi32, #tpu.memory_space<vmem>> -> memref<1x64xi32, #tpu.memory_space<vmem>>
        %dma_start3A_289 = tpu.memref_squeeze %dma_start3A_288 : memref<1x64xi32, #tpu.memory_space<vmem>> -> memref<64xi32, #tpu.memory_space<vmem>>
        %dma_start3A_290 = arith.constant 0 : i32
        %dma_start3A_291 = arith.constant 0 : i32
        %dma_start3A_292 = tpu.memref_slice %arg2[%dma_start3A_290, %dma_start3A_291] : memref<20480x128xf32, #tpu.memory_space<hbm>> -> memref<20480x128xf32, #tpu.memory_space<hbm>>
        tpu.enqueue_indirect_dma source(%dma_start3A_292 : memref<20480x128xf32, #tpu.memory_space<hbm>>) target(%arg9 : memref<64x128xf32, #tpu.memory_space<vmem>>) offsets(%dma_start3A_289 : memref<64xi32, #tpu.memory_space<vmem>>) semaphore(%arg13 : memref<!tpu.dma_semaphore, #tpu.memory_space<semaphore_mem>>)
      } else {
      }
    }
    %scan3A_83 = arith.constant 10 : i32
    %dma_wait3A_84 = arith.constant 38 : i32
    %dma_wait3A_85 = arith.constant 0 : i32
    %dma_wait3A_86 = tpu.memref_slice %arg7[%dma_wait3A_84, %dma_wait3A_85] : memref<40x64xi32, #tpu.memory_space<vmem>> -> memref<1x64xi32, #tpu.memory_space<vmem>>
    %dma_wait3A_87 = tpu.memref_squeeze %dma_wait3A_86 : memref<1x64xi32, #tpu.memory_space<vmem>> -> memref<64xi32, #tpu.memory_space<vmem>>
    %dma_wait3A_88 = arith.constant 0 : i32
    %dma_wait3A_89 = arith.constant 0 : i32
    %dma_wait3A_90 = tpu.memref_slice %arg12[%dma_wait3A_88, %dma_wait3A_89] : memref<10112x128xf32, #tpu.memory_space<vmem_shared>> -> memref<10112x128xf32, #tpu.memory_space<vmem_shared>>
    tpu.wait_indirect_dma semaphore(%arg14 : memref<!tpu.dma_semaphore, #tpu.memory_space<semaphore_mem>>) src(%arg8 : memref<64x128xf32, #tpu.memory_space<vmem>>) dst(%dma_wait3A_90 : memref<10112x128xf32, #tpu.memory_space<vmem_shared>>)
    %dma_wait3A_91 = arith.constant 39 : i32
    %dma_wait3A_92 = arith.constant 0 : i32
    %dma_wait3A_93 = tpu.memref_slice %arg7[%dma_wait3A_91, %dma_wait3A_92] : memref<40x64xi32, #tpu.memory_space<vmem>> -> memref<1x64xi32, #tpu.memory_space<vmem>>
    %dma_wait3A_94 = tpu.memref_squeeze %dma_wait3A_93 : memref<1x64xi32, #tpu.memory_space<vmem>> -> memref<64xi32, #tpu.memory_space<vmem>>
    %dma_wait3A_95 = arith.constant 0 : i32
    %dma_wait3A_96 = arith.constant 0 : i32
    %dma_wait3A_97 = tpu.memref_slice %arg12[%dma_wait3A_95, %dma_wait3A_96] : memref<10112x128xf32, #tpu.memory_space<vmem_shared>> -> memref<10112x128xf32, #tpu.memory_space<vmem_shared>>
    tpu.wait_indirect_dma semaphore(%arg14 : memref<!tpu.dma_semaphore, #tpu.memory_space<semaphore_mem>>) src(%arg8 : memref<64x128xf32, #tpu.memory_space<vmem>>) dst(%dma_wait3A_97 : memref<10112x128xf32, #tpu.memory_space<vmem_shared>>)
    %add3A_98 = arith.constant 80 : i32
    %add3A_99 = arith.addi %mul3A_27, %add3A_98 : i32
    "tpu.region"() ({
      %run_scoped3A = tpu.sem_alloc : memref<!tpu.dma_semaphore, #tpu.memory_space<semaphore_mem>>
      %dma_start3A_171 = arith.constant 0 : i32
      %dma_start3A_172 = arith.constant 0 : i32
      %dma_start3A_173 = tpu.memref_slice %arg6[%dma_start3A_171, %dma_start3A_172] : memref<40x64xi32, #tpu.memory_space<vmem>> -> memref<40x64xi32, #tpu.memory_space<vmem>>
      %dma_start3A_174 = arith.constant 0 : i32
      %dma_start3A_175 = tpu.memref_slice %arg3[%arg0, %add3A_99, %dma_start3A_174] : memref<2x2560x64xi32, #tpu.memory_space<hbm>> -> memref<1x40x64xi32, #tpu.memory_space<hbm>>
      %dma_start3A_176 = tpu.memref_squeeze %dma_start3A_175 : memref<1x40x64xi32, #tpu.memory_space<hbm>> -> memref<40x64xi32, #tpu.memory_space<hbm>>
      %dma_start3A_177 = arith.constant 0 : i32
      %dma_start3A_178 = arith.constant 0 : i32
      %dma_start3A_179 = tpu.memref_slice %arg6[%dma_start3A_177, %dma_start3A_178] : memref<40x64xi32, #tpu.memory_space<vmem>> -> memref<40x64xi32, #tpu.memory_space<vmem>>
      %dma_start3A_180 = arith.constant 0 : i32
      %dma_start3A_181 = tpu.memref_slice %arg3[%arg0, %add3A_99, %dma_start3A_180] : memref<2x2560x64xi32, #tpu.memory_space<hbm>> -> memref<1x40x64xi32, #tpu.memory_space<hbm>>
      %dma_start3A_182 = tpu.memref_squeeze %dma_start3A_181 : memref<1x40x64xi32, #tpu.memory_space<hbm>> -> memref<40x64xi32, #tpu.memory_space<hbm>>
      tpu.enqueue_dma source(%dma_start3A_182 : memref<40x64xi32, #tpu.memory_space<hbm>>) target(%dma_start3A_179 : memref<40x64xi32, #tpu.memory_space<vmem>>) target_semaphore(%run_scoped3A : memref<!tpu.dma_semaphore, #tpu.memory_space<semaphore_mem>>)
      %dma_wait3A_183 = arith.constant 0 : i32
      %dma_wait3A_184 = arith.constant 0 : i32
      %dma_wait3A_185 = tpu.memref_slice %arg6[%dma_wait3A_183, %dma_wait3A_184] : memref<40x64xi32, #tpu.memory_space<vmem>> -> memref<40x64xi32, #tpu.memory_space<vmem>>
      %dma_wait3A_186 = arith.constant 0 : i32
      %dma_wait3A_187 = tpu.memref_slice %arg3[%arg0, %add3A_99, %dma_wait3A_186] : memref<2x2560x64xi32, #tpu.memory_space<hbm>> -> memref<1x40x64xi32, #tpu.memory_space<hbm>>
      %dma_wait3A_188 = tpu.memref_squeeze %dma_wait3A_187 : memref<1x40x64xi32, #tpu.memory_space<hbm>> -> memref<40x64xi32, #tpu.memory_space<hbm>>
      %dma_wait3A_189 = arith.constant 0 : i32
      %dma_wait3A_190 = arith.constant 0 : i32
      %dma_wait3A_191 = tpu.memref_slice %arg6[%dma_wait3A_189, %dma_wait3A_190] : memref<40x64xi32, #tpu.memory_space<vmem>> -> memref<40x64xi32, #tpu.memory_space<vmem>>
      %dma_wait3A_192 = arith.constant 0 : i32
      %dma_wait3A_193 = tpu.memref_slice %arg3[%arg0, %add3A_99, %dma_wait3A_192] : memref<2x2560x64xi32, #tpu.memory_space<hbm>> -> memref<1x40x64xi32, #tpu.memory_space<hbm>>
      %dma_wait3A_194 = tpu.memref_squeeze %dma_wait3A_193 : memref<1x40x64xi32, #tpu.memory_space<hbm>> -> memref<40x64xi32, #tpu.memory_space<hbm>>
      tpu.wait_dma2 semaphore(%run_scoped3A : memref<!tpu.dma_semaphore, #tpu.memory_space<semaphore_mem>>) src(%dma_wait3A_194 : memref<40x64xi32, #tpu.memory_space<hbm>>) dst(%dma_wait3A_191 : memref<40x64xi32, #tpu.memory_space<vmem>>)
      tpu.yield
    }) : () -> ()
    "tpu.region"() ({
      %run_scoped3A = tpu.sem_alloc : memref<!tpu.dma_semaphore, #tpu.memory_space<semaphore_mem>>
      %dma_start3A_171 = arith.constant 0 : i32
      %dma_start3A_172 = arith.constant 0 : i32
      %dma_start3A_173 = tpu.memref_slice %arg7[%dma_start3A_171, %dma_start3A_172] : memref<40x64xi32, #tpu.memory_space<vmem>> -> memref<40x64xi32, #tpu.memory_space<vmem>>
      %dma_start3A_174 = arith.constant 0 : i32
      %dma_start3A_175 = tpu.memref_slice %arg4[%add3A_99, %dma_start3A_174] : memref<2560x64xi32, #tpu.memory_space<hbm>> -> memref<40x64xi32, #tpu.memory_space<hbm>>
      %dma_start3A_176 = arith.constant 0 : i32
      %dma_start3A_177 = arith.constant 0 : i32
      %dma_start3A_178 = tpu.memref_slice %arg7[%dma_start3A_176, %dma_start3A_177] : memref<40x64xi32, #tpu.memory_space<vmem>> -> memref<40x64xi32, #tpu.memory_space<vmem>>
      %dma_start3A_179 = arith.constant 0 : i32
      %dma_start3A_180 = tpu.memref_slice %arg4[%add3A_99, %dma_start3A_179] : memref<2560x64xi32, #tpu.memory_space<hbm>> -> memref<40x64xi32, #tpu.memory_space<hbm>>
      tpu.enqueue_dma source(%dma_start3A_180 : memref<40x64xi32, #tpu.memory_space<hbm>>) target(%dma_start3A_178 : memref<40x64xi32, #tpu.memory_space<vmem>>) target_semaphore(%run_scoped3A : memref<!tpu.dma_semaphore, #tpu.memory_space<semaphore_mem>>)
      %dma_wait3A_181 = arith.constant 0 : i32
      %dma_wait3A_182 = arith.constant 0 : i32
      %dma_wait3A_183 = tpu.memref_slice %arg7[%dma_wait3A_181, %dma_wait3A_182] : memref<40x64xi32, #tpu.memory_space<vmem>> -> memref<40x64xi32, #tpu.memory_space<vmem>>
      %dma_wait3A_184 = arith.constant 0 : i32
      %dma_wait3A_185 = tpu.memref_slice %arg4[%add3A_99, %dma_wait3A_184] : memref<2560x64xi32, #tpu.memory_space<hbm>> -> memref<40x64xi32, #tpu.memory_space<hbm>>
      %dma_wait3A_186 = arith.constant 0 : i32
      %dma_wait3A_187 = arith.constant 0 : i32
      %dma_wait3A_188 = tpu.memref_slice %arg7[%dma_wait3A_186, %dma_wait3A_187] : memref<40x64xi32, #tpu.memory_space<vmem>> -> memref<40x64xi32, #tpu.memory_space<vmem>>
      %dma_wait3A_189 = arith.constant 0 : i32
      %dma_wait3A_190 = tpu.memref_slice %arg4[%add3A_99, %dma_wait3A_189] : memref<2560x64xi32, #tpu.memory_space<hbm>> -> memref<40x64xi32, #tpu.memory_space<hbm>>
      tpu.wait_dma2 semaphore(%run_scoped3A : memref<!tpu.dma_semaphore, #tpu.memory_space<semaphore_mem>>) src(%dma_wait3A_190 : memref<40x64xi32, #tpu.memory_space<hbm>>) dst(%dma_wait3A_188 : memref<40x64xi32, #tpu.memory_space<vmem>>)
      tpu.yield
    }) : () -> ()
    %dma_start3A_100 = arith.constant 0 : i32
    %dma_start3A_101 = arith.constant 0 : i32
    %dma_start3A_102 = tpu.memref_slice %arg6[%dma_start3A_100, %dma_start3A_101] : memref<40x64xi32, #tpu.memory_space<vmem>> -> memref<1x64xi32, #tpu.memory_space<vmem>>
    %dma_start3A_103 = tpu.memref_squeeze %dma_start3A_102 : memref<1x64xi32, #tpu.memory_space<vmem>> -> memref<64xi32, #tpu.memory_space<vmem>>
    %dma_start3A_104 = arith.constant 0 : i32
    %dma_start3A_105 = arith.constant 0 : i32
    %dma_start3A_106 = tpu.memref_slice %arg2[%dma_start3A_104, %dma_start3A_105] : memref<20480x128xf32, #tpu.memory_space<hbm>> -> memref<20480x128xf32, #tpu.memory_space<hbm>>
    tpu.enqueue_indirect_dma source(%dma_start3A_106 : memref<20480x128xf32, #tpu.memory_space<hbm>>) target(%arg8 : memref<64x128xf32, #tpu.memory_space<vmem>>) offsets(%dma_start3A_103 : memref<64xi32, #tpu.memory_space<vmem>>) semaphore(%arg13 : memref<!tpu.dma_semaphore, #tpu.memory_space<semaphore_mem>>)
    %dma_start3A_107 = arith.constant 1 : i32
    %dma_start3A_108 = arith.constant 0 : i32
    %dma_start3A_109 = tpu.memref_slice %arg6[%dma_start3A_107, %dma_start3A_108] : memref<40x64xi32, #tpu.memory_space<vmem>> -> memref<1x64xi32, #tpu.memory_space<vmem>>
    %dma_start3A_110 = tpu.memref_squeeze %dma_start3A_109 : memref<1x64xi32, #tpu.memory_space<vmem>> -> memref<64xi32, #tpu.memory_space<vmem>>
    %dma_start3A_111 = arith.constant 0 : i32
    %dma_start3A_112 = arith.constant 0 : i32
    %dma_start3A_113 = tpu.memref_slice %arg2[%dma_start3A_111, %dma_start3A_112] : memref<20480x128xf32, #tpu.memory_space<hbm>> -> memref<20480x128xf32, #tpu.memory_space<hbm>>
    tpu.enqueue_indirect_dma source(%dma_start3A_113 : memref<20480x128xf32, #tpu.memory_space<hbm>>) target(%arg9 : memref<64x128xf32, #tpu.memory_space<vmem>>) offsets(%dma_start3A_110 : memref<64xi32, #tpu.memory_space<vmem>>) semaphore(%arg13 : memref<!tpu.dma_semaphore, #tpu.memory_space<semaphore_mem>>)
    %scan3A_114 = arith.constant 0 : i32
    %scan3A_115 = arith.constant 0 : i32
    %scan3A_116 = arith.constant 10 : i32
    %scan3A_117 = arith.addi %scan3A_115, %scan3A_116 : i32
    %scan3A_118 = arith.constant 1 : i32
    scf.for %scan3A_171 = %scan3A_115 to %scan3A_117 step %scan3A_118  : i32 {
      %mul3A_172 = arith.constant 4 : i32
      %mul3A_173 = arith.muli %scan3A_171, %mul3A_172 : i32
      %add3A_174 = arith.constant 0 : i32
      %add3A_175 = arith.addi %mul3A_173, %add3A_174 : i32
      %dma_wait3A_176 = arith.constant 0 : i32
      %dma_wait3A_177 = tpu.memref_slice %arg6[%add3A_175, %dma_wait3A_176] : memref<40x64xi32, #tpu.memory_space<vmem>> -> memref<1x64xi32, #tpu.memory_space<vmem>>
      %dma_wait3A_178 = tpu.memref_squeeze %dma_wait3A_177 : memref<1x64xi32, #tpu.memory_space<vmem>> -> memref<64xi32, #tpu.memory_space<vmem>>
      %dma_wait3A_179 = arith.constant 0 : i32
      %dma_wait3A_180 = arith.constant 0 : i32
      %dma_wait3A_181 = tpu.memref_slice %arg2[%dma_wait3A_179, %dma_wait3A_180] : memref<20480x128xf32, #tpu.memory_space<hbm>> -> memref<20480x128xf32, #tpu.memory_space<hbm>>
      tpu.wait_indirect_dma semaphore(%arg13 : memref<!tpu.dma_semaphore, #tpu.memory_space<semaphore_mem>>) src(%dma_wait3A_181 : memref<20480x128xf32, #tpu.memory_space<hbm>>) dst(%arg8 : memref<64x128xf32, #tpu.memory_space<vmem>>)
      %dma_start3A_182 = arith.constant 0 : i32
      %dma_start3A_183 = tpu.memref_slice %arg7[%add3A_175, %dma_start3A_182] : memref<40x64xi32, #tpu.memory_space<vmem>> -> memref<1x64xi32, #tpu.memory_space<vmem>>
      %dma_start3A_184 = tpu.memref_squeeze %dma_start3A_183 : memref<1x64xi32, #tpu.memory_space<vmem>> -> memref<64xi32, #tpu.memory_space<vmem>>
      %dma_start3A_185 = arith.constant 0 : i32
      %dma_start3A_186 = arith.constant 0 : i32
      %dma_start3A_187 = tpu.memref_slice %arg12[%dma_start3A_185, %dma_start3A_186] : memref<10112x128xf32, #tpu.memory_space<vmem_shared>> -> memref<10112x128xf32, #tpu.memory_space<vmem_shared>>
      tpu.enqueue_indirect_dma source(%arg8 : memref<64x128xf32, #tpu.memory_space<vmem>>) target(%dma_start3A_187 : memref<10112x128xf32, #tpu.memory_space<vmem_shared>>) offsets(%dma_start3A_184 : memref<64xi32, #tpu.memory_space<vmem>>) semaphore(%arg14 : memref<!tpu.dma_semaphore, #tpu.memory_space<semaphore_mem>>) {add = true}
      %add3A_188 = arith.constant 2 : i32
      %add3A_189 = arith.addi %add3A_175, %add3A_188 : i32
      %sub3A = arith.constant 4 : i32
      %sub3A_190 = arith.subi %add3A_189, %sub3A : i32
      %ge3A = arith.constant 0 : i32
      %ge3A_191 = arith.cmpi sge, %sub3A_190, %ge3A : i32
      %convert_element_type3A = arith.extui %ge3A_191 : i1 to i32
      %cond3A = arith.constant 0 : i32
      %cond3A_192 = arith.cmpi ne, %convert_element_type3A, %cond3A : i32
      scf.if %cond3A_192 {
        %sub3A_287 = arith.constant 4 : i32
        %sub3A_288 = arith.subi %add3A_189, %sub3A_287 : i32
        %dma_wait3A_289 = arith.constant 0 : i32
        %dma_wait3A_290 = tpu.memref_slice %arg7[%sub3A_288, %dma_wait3A_289] : memref<40x64xi32, #tpu.memory_space<vmem>> -> memref<1x64xi32, #tpu.memory_space<vmem>>
        %dma_wait3A_291 = tpu.memref_squeeze %dma_wait3A_290 : memref<1x64xi32, #tpu.memory_space<vmem>> -> memref<64xi32, #tpu.memory_space<vmem>>
        %dma_wait3A_292 = arith.constant 0 : i32
        %dma_wait3A_293 = arith.constant 0 : i32
        %dma_wait3A_294 = tpu.memref_slice %arg12[%dma_wait3A_292, %dma_wait3A_293] : memref<10112x128xf32, #tpu.memory_space<vmem_shared>> -> memref<10112x128xf32, #tpu.memory_space<vmem_shared>>
        tpu.wait_indirect_dma semaphore(%arg14 : memref<!tpu.dma_semaphore, #tpu.memory_space<semaphore_mem>>) src(%arg10 : memref<64x128xf32, #tpu.memory_space<vmem>>) dst(%dma_wait3A_294 : memref<10112x128xf32, #tpu.memory_space<vmem_shared>>)
      } else {
      }
      %lt3A = arith.constant 40 : i32
      %lt3A_193 = arith.cmpi slt, %add3A_189, %lt3A : i32
      %convert_element_type3A_194 = arith.extui %lt3A_193 : i1 to i32
      %cond3A_195 = arith.constant 0 : i32
      %cond3A_196 = arith.cmpi ne, %convert_element_type3A_194, %cond3A_195 : i32
      scf.if %cond3A_196 {
        %dma_start3A_287 = arith.constant 0 : i32
        %dma_start3A_288 = tpu.memref_slice %arg6[%add3A_189, %dma_start3A_287] : memref<40x64xi32, #tpu.memory_space<vmem>> -> memref<1x64xi32, #tpu.memory_space<vmem>>
        %dma_start3A_289 = tpu.memref_squeeze %dma_start3A_288 : memref<1x64xi32, #tpu.memory_space<vmem>> -> memref<64xi32, #tpu.memory_space<vmem>>
        %dma_start3A_290 = arith.constant 0 : i32
        %dma_start3A_291 = arith.constant 0 : i32
        %dma_start3A_292 = tpu.memref_slice %arg2[%dma_start3A_290, %dma_start3A_291] : memref<20480x128xf32, #tpu.memory_space<hbm>> -> memref<20480x128xf32, #tpu.memory_space<hbm>>
        tpu.enqueue_indirect_dma source(%dma_start3A_292 : memref<20480x128xf32, #tpu.memory_space<hbm>>) target(%arg10 : memref<64x128xf32, #tpu.memory_space<vmem>>) offsets(%dma_start3A_289 : memref<64xi32, #tpu.memory_space<vmem>>) semaphore(%arg13 : memref<!tpu.dma_semaphore, #tpu.memory_space<semaphore_mem>>)
      } else {
      }
      %mul3A_197 = arith.constant 4 : i32
      %mul3A_198 = arith.muli %scan3A_171, %mul3A_197 : i32
      %add3A_199 = arith.constant 1 : i32
      %add3A_200 = arith.addi %mul3A_198, %add3A_199 : i32
      %dma_wait3A_201 = arith.constant 0 : i32
      %dma_wait3A_202 = tpu.memref_slice %arg6[%add3A_200, %dma_wait3A_201] : memref<40x64xi32, #tpu.memory_space<vmem>> -> memref<1x64xi32, #tpu.memory_space<vmem>>
      %dma_wait3A_203 = tpu.memref_squeeze %dma_wait3A_202 : memref<1x64xi32, #tpu.memory_space<vmem>> -> memref<64xi32, #tpu.memory_space<vmem>>
      %dma_wait3A_204 = arith.constant 0 : i32
      %dma_wait3A_205 = arith.constant 0 : i32
      %dma_wait3A_206 = tpu.memref_slice %arg2[%dma_wait3A_204, %dma_wait3A_205] : memref<20480x128xf32, #tpu.memory_space<hbm>> -> memref<20480x128xf32, #tpu.memory_space<hbm>>
      tpu.wait_indirect_dma semaphore(%arg13 : memref<!tpu.dma_semaphore, #tpu.memory_space<semaphore_mem>>) src(%dma_wait3A_206 : memref<20480x128xf32, #tpu.memory_space<hbm>>) dst(%arg9 : memref<64x128xf32, #tpu.memory_space<vmem>>)
      %dma_start3A_207 = arith.constant 0 : i32
      %dma_start3A_208 = tpu.memref_slice %arg7[%add3A_200, %dma_start3A_207] : memref<40x64xi32, #tpu.memory_space<vmem>> -> memref<1x64xi32, #tpu.memory_space<vmem>>
      %dma_start3A_209 = tpu.memref_squeeze %dma_start3A_208 : memref<1x64xi32, #tpu.memory_space<vmem>> -> memref<64xi32, #tpu.memory_space<vmem>>
      %dma_start3A_210 = arith.constant 0 : i32
      %dma_start3A_211 = arith.constant 0 : i32
      %dma_start3A_212 = tpu.memref_slice %arg12[%dma_start3A_210, %dma_start3A_211] : memref<10112x128xf32, #tpu.memory_space<vmem_shared>> -> memref<10112x128xf32, #tpu.memory_space<vmem_shared>>
      tpu.enqueue_indirect_dma source(%arg9 : memref<64x128xf32, #tpu.memory_space<vmem>>) target(%dma_start3A_212 : memref<10112x128xf32, #tpu.memory_space<vmem_shared>>) offsets(%dma_start3A_209 : memref<64xi32, #tpu.memory_space<vmem>>) semaphore(%arg14 : memref<!tpu.dma_semaphore, #tpu.memory_space<semaphore_mem>>) {add = true}
      %add3A_213 = arith.constant 2 : i32
      %add3A_214 = arith.addi %add3A_200, %add3A_213 : i32
      %sub3A_215 = arith.constant 4 : i32
      %sub3A_216 = arith.subi %add3A_214, %sub3A_215 : i32
      %ge3A_217 = arith.constant 0 : i32
      %ge3A_218 = arith.cmpi sge, %sub3A_216, %ge3A_217 : i32
      %convert_element_type3A_219 = arith.extui %ge3A_218 : i1 to i32
      %cond3A_220 = arith.constant 0 : i32
      %cond3A_221 = arith.cmpi ne, %convert_element_type3A_219, %cond3A_220 : i32
      scf.if %cond3A_221 {
        %sub3A_287 = arith.constant 4 : i32
        %sub3A_288 = arith.subi %add3A_214, %sub3A_287 : i32
        %dma_wait3A_289 = arith.constant 0 : i32
        %dma_wait3A_290 = tpu.memref_slice %arg7[%sub3A_288, %dma_wait3A_289] : memref<40x64xi32, #tpu.memory_space<vmem>> -> memref<1x64xi32, #tpu.memory_space<vmem>>
        %dma_wait3A_291 = tpu.memref_squeeze %dma_wait3A_290 : memref<1x64xi32, #tpu.memory_space<vmem>> -> memref<64xi32, #tpu.memory_space<vmem>>
        %dma_wait3A_292 = arith.constant 0 : i32
        %dma_wait3A_293 = arith.constant 0 : i32
        %dma_wait3A_294 = tpu.memref_slice %arg12[%dma_wait3A_292, %dma_wait3A_293] : memref<10112x128xf32, #tpu.memory_space<vmem_shared>> -> memref<10112x128xf32, #tpu.memory_space<vmem_shared>>
        tpu.wait_indirect_dma semaphore(%arg14 : memref<!tpu.dma_semaphore, #tpu.memory_space<semaphore_mem>>) src(%arg11 : memref<64x128xf32, #tpu.memory_space<vmem>>) dst(%dma_wait3A_294 : memref<10112x128xf32, #tpu.memory_space<vmem_shared>>)
      } else {
      }
      %lt3A_222 = arith.constant 40 : i32
      %lt3A_223 = arith.cmpi slt, %add3A_214, %lt3A_222 : i32
      %convert_element_type3A_224 = arith.extui %lt3A_223 : i1 to i32
      %cond3A_225 = arith.constant 0 : i32
      %cond3A_226 = arith.cmpi ne, %convert_element_type3A_224, %cond3A_225 : i32
      scf.if %cond3A_226 {
        %dma_start3A_287 = arith.constant 0 : i32
        %dma_start3A_288 = tpu.memref_slice %arg6[%add3A_214, %dma_start3A_287] : memref<40x64xi32, #tpu.memory_space<vmem>> -> memref<1x64xi32, #tpu.memory_space<vmem>>
        %dma_start3A_289 = tpu.memref_squeeze %dma_start3A_288 : memref<1x64xi32, #tpu.memory_space<vmem>> -> memref<64xi32, #tpu.memory_space<vmem>>
        %dma_start3A_290 = arith.constant 0 : i32
        %dma_start3A_291 = arith.constant 0 : i32
        %dma_start3A_292 = tpu.memref_slice %arg2[%dma_start3A_290, %dma_start3A_291] : memref<20480x128xf32, #tpu.memory_space<hbm>> -> memref<20480x128xf32, #tpu.memory_space<hbm>>
        tpu.enqueue_indirect_dma source(%dma_start3A_292 : memref<20480x128xf32, #tpu.memory_space<hbm>>) target(%arg11 : memref<64x128xf32, #tpu.memory_space<vmem>>) offsets(%dma_start3A_289 : memref<64xi32, #tpu.memory_space<vmem>>) semaphore(%arg13 : memref<!tpu.dma_semaphore, #tpu.memory_space<semaphore_mem>>)
      } else {
      }
      %mul3A_227 = arith.constant 4 : i32
      %mul3A_228 = arith.muli %scan3A_171, %mul3A_227 : i32
      %add3A_229 = arith.constant 2 : i32
      %add3A_230 = arith.addi %mul3A_228, %add3A_229 : i32
      %dma_wait3A_231 = arith.constant 0 : i32
      %dma_wait3A_232 = tpu.memref_slice %arg6[%add3A_230, %dma_wait3A_231] : memref<40x64xi32, #tpu.memory_space<vmem>> -> memref<1x64xi32, #tpu.memory_space<vmem>>
      %dma_wait3A_233 = tpu.memref_squeeze %dma_wait3A_232 : memref<1x64xi32, #tpu.memory_space<vmem>> -> memref<64xi32, #tpu.memory_space<vmem>>
      %dma_wait3A_234 = arith.constant 0 : i32
      %dma_wait3A_235 = arith.constant 0 : i32
      %dma_wait3A_236 = tpu.memref_slice %arg2[%dma_wait3A_234, %dma_wait3A_235] : memref<20480x128xf32, #tpu.memory_space<hbm>> -> memref<20480x128xf32, #tpu.memory_space<hbm>>
      tpu.wait_indirect_dma semaphore(%arg13 : memref<!tpu.dma_semaphore, #tpu.memory_space<semaphore_mem>>) src(%dma_wait3A_236 : memref<20480x128xf32, #tpu.memory_space<hbm>>) dst(%arg10 : memref<64x128xf32, #tpu.memory_space<vmem>>)
      %dma_start3A_237 = arith.constant 0 : i32
      %dma_start3A_238 = tpu.memref_slice %arg7[%add3A_230, %dma_start3A_237] : memref<40x64xi32, #tpu.memory_space<vmem>> -> memref<1x64xi32, #tpu.memory_space<vmem>>
      %dma_start3A_239 = tpu.memref_squeeze %dma_start3A_238 : memref<1x64xi32, #tpu.memory_space<vmem>> -> memref<64xi32, #tpu.memory_space<vmem>>
      %dma_start3A_240 = arith.constant 0 : i32
      %dma_start3A_241 = arith.constant 0 : i32
      %dma_start3A_242 = tpu.memref_slice %arg12[%dma_start3A_240, %dma_start3A_241] : memref<10112x128xf32, #tpu.memory_space<vmem_shared>> -> memref<10112x128xf32, #tpu.memory_space<vmem_shared>>
      tpu.enqueue_indirect_dma source(%arg10 : memref<64x128xf32, #tpu.memory_space<vmem>>) target(%dma_start3A_242 : memref<10112x128xf32, #tpu.memory_space<vmem_shared>>) offsets(%dma_start3A_239 : memref<64xi32, #tpu.memory_space<vmem>>) semaphore(%arg14 : memref<!tpu.dma_semaphore, #tpu.memory_space<semaphore_mem>>) {add = true}
      %add3A_243 = arith.constant 2 : i32
      %add3A_244 = arith.addi %add3A_230, %add3A_243 : i32
      %sub3A_245 = arith.constant 4 : i32
      %sub3A_246 = arith.subi %add3A_244, %sub3A_245 : i32
      %ge3A_247 = arith.constant 0 : i32
      %ge3A_248 = arith.cmpi sge, %sub3A_246, %ge3A_247 : i32
      %convert_element_type3A_249 = arith.extui %ge3A_248 : i1 to i32
      %cond3A_250 = arith.constant 0 : i32
      %cond3A_251 = arith.cmpi ne, %convert_element_type3A_249, %cond3A_250 : i32
      scf.if %cond3A_251 {
        %sub3A_287 = arith.constant 4 : i32
        %sub3A_288 = arith.subi %add3A_244, %sub3A_287 : i32
        %dma_wait3A_289 = arith.constant 0 : i32
        %dma_wait3A_290 = tpu.memref_slice %arg7[%sub3A_288, %dma_wait3A_289] : memref<40x64xi32, #tpu.memory_space<vmem>> -> memref<1x64xi32, #tpu.memory_space<vmem>>
        %dma_wait3A_291 = tpu.memref_squeeze %dma_wait3A_290 : memref<1x64xi32, #tpu.memory_space<vmem>> -> memref<64xi32, #tpu.memory_space<vmem>>
        %dma_wait3A_292 = arith.constant 0 : i32
        %dma_wait3A_293 = arith.constant 0 : i32
        %dma_wait3A_294 = tpu.memref_slice %arg12[%dma_wait3A_292, %dma_wait3A_293] : memref<10112x128xf32, #tpu.memory_space<vmem_shared>> -> memref<10112x128xf32, #tpu.memory_space<vmem_shared>>
        tpu.wait_indirect_dma semaphore(%arg14 : memref<!tpu.dma_semaphore, #tpu.memory_space<semaphore_mem>>) src(%arg8 : memref<64x128xf32, #tpu.memory_space<vmem>>) dst(%dma_wait3A_294 : memref<10112x128xf32, #tpu.memory_space<vmem_shared>>)
      } else {
      }
      %lt3A_252 = arith.constant 40 : i32
      %lt3A_253 = arith.cmpi slt, %add3A_244, %lt3A_252 : i32
      %convert_element_type3A_254 = arith.extui %lt3A_253 : i1 to i32
      %cond3A_255 = arith.constant 0 : i32
      %cond3A_256 = arith.cmpi ne, %convert_element_type3A_254, %cond3A_255 : i32
      scf.if %cond3A_256 {
        %dma_start3A_287 = arith.constant 0 : i32
        %dma_start3A_288 = tpu.memref_slice %arg6[%add3A_244, %dma_start3A_287] : memref<40x64xi32, #tpu.memory_space<vmem>> -> memref<1x64xi32, #tpu.memory_space<vmem>>
        %dma_start3A_289 = tpu.memref_squeeze %dma_start3A_288 : memref<1x64xi32, #tpu.memory_space<vmem>> -> memref<64xi32, #tpu.memory_space<vmem>>
        %dma_start3A_290 = arith.constant 0 : i32
        %dma_start3A_291 = arith.constant 0 : i32
        %dma_start3A_292 = tpu.memref_slice %arg2[%dma_start3A_290, %dma_start3A_291] : memref<20480x128xf32, #tpu.memory_space<hbm>> -> memref<20480x128xf32, #tpu.memory_space<hbm>>
        tpu.enqueue_indirect_dma source(%dma_start3A_292 : memref<20480x128xf32, #tpu.memory_space<hbm>>) target(%arg8 : memref<64x128xf32, #tpu.memory_space<vmem>>) offsets(%dma_start3A_289 : memref<64xi32, #tpu.memory_space<vmem>>) semaphore(%arg13 : memref<!tpu.dma_semaphore, #tpu.memory_space<semaphore_mem>>)
      } else {
      }
      %mul3A_257 = arith.constant 4 : i32
      %mul3A_258 = arith.muli %scan3A_171, %mul3A_257 : i32
      %add3A_259 = arith.constant 3 : i32
      %add3A_260 = arith.addi %mul3A_258, %add3A_259 : i32
      %dma_wait3A_261 = arith.constant 0 : i32
      %dma_wait3A_262 = tpu.memref_slice %arg6[%add3A_260, %dma_wait3A_261] : memref<40x64xi32, #tpu.memory_space<vmem>> -> memref<1x64xi32, #tpu.memory_space<vmem>>
      %dma_wait3A_263 = tpu.memref_squeeze %dma_wait3A_262 : memref<1x64xi32, #tpu.memory_space<vmem>> -> memref<64xi32, #tpu.memory_space<vmem>>
      %dma_wait3A_264 = arith.constant 0 : i32
      %dma_wait3A_265 = arith.constant 0 : i32
      %dma_wait3A_266 = tpu.memref_slice %arg2[%dma_wait3A_264, %dma_wait3A_265] : memref<20480x128xf32, #tpu.memory_space<hbm>> -> memref<20480x128xf32, #tpu.memory_space<hbm>>
      tpu.wait_indirect_dma semaphore(%arg13 : memref<!tpu.dma_semaphore, #tpu.memory_space<semaphore_mem>>) src(%dma_wait3A_266 : memref<20480x128xf32, #tpu.memory_space<hbm>>) dst(%arg11 : memref<64x128xf32, #tpu.memory_space<vmem>>)
      %dma_start3A_267 = arith.constant 0 : i32
      %dma_start3A_268 = tpu.memref_slice %arg7[%add3A_260, %dma_start3A_267] : memref<40x64xi32, #tpu.memory_space<vmem>> -> memref<1x64xi32, #tpu.memory_space<vmem>>
      %dma_start3A_269 = tpu.memref_squeeze %dma_start3A_268 : memref<1x64xi32, #tpu.memory_space<vmem>> -> memref<64xi32, #tpu.memory_space<vmem>>
      %dma_start3A_270 = arith.constant 0 : i32
      %dma_start3A_271 = arith.constant 0 : i32
      %dma_start3A_272 = tpu.memref_slice %arg12[%dma_start3A_270, %dma_start3A_271] : memref<10112x128xf32, #tpu.memory_space<vmem_shared>> -> memref<10112x128xf32, #tpu.memory_space<vmem_shared>>
      tpu.enqueue_indirect_dma source(%arg11 : memref<64x128xf32, #tpu.memory_space<vmem>>) target(%dma_start3A_272 : memref<10112x128xf32, #tpu.memory_space<vmem_shared>>) offsets(%dma_start3A_269 : memref<64xi32, #tpu.memory_space<vmem>>) semaphore(%arg14 : memref<!tpu.dma_semaphore, #tpu.memory_space<semaphore_mem>>) {add = true}
      %add3A_273 = arith.constant 2 : i32
      %add3A_274 = arith.addi %add3A_260, %add3A_273 : i32
      %sub3A_275 = arith.constant 4 : i32
      %sub3A_276 = arith.subi %add3A_274, %sub3A_275 : i32
      %ge3A_277 = arith.constant 0 : i32
      %ge3A_278 = arith.cmpi sge, %sub3A_276, %ge3A_277 : i32
      %convert_element_type3A_279 = arith.extui %ge3A_278 : i1 to i32
      %cond3A_280 = arith.constant 0 : i32
      %cond3A_281 = arith.cmpi ne, %convert_element_type3A_279, %cond3A_280 : i32
      scf.if %cond3A_281 {
        %sub3A_287 = arith.constant 4 : i32
        %sub3A_288 = arith.subi %add3A_274, %sub3A_287 : i32
        %dma_wait3A_289 = arith.constant 0 : i32
        %dma_wait3A_290 = tpu.memref_slice %arg7[%sub3A_288, %dma_wait3A_289] : memref<40x64xi32, #tpu.memory_space<vmem>> -> memref<1x64xi32, #tpu.memory_space<vmem>>
        %dma_wait3A_291 = tpu.memref_squeeze %dma_wait3A_290 : memref<1x64xi32, #tpu.memory_space<vmem>> -> memref<64xi32, #tpu.memory_space<vmem>>
        %dma_wait3A_292 = arith.constant 0 : i32
        %dma_wait3A_293 = arith.constant 0 : i32
        %dma_wait3A_294 = tpu.memref_slice %arg12[%dma_wait3A_292, %dma_wait3A_293] : memref<10112x128xf32, #tpu.memory_space<vmem_shared>> -> memref<10112x128xf32, #tpu.memory_space<vmem_shared>>
        tpu.wait_indirect_dma semaphore(%arg14 : memref<!tpu.dma_semaphore, #tpu.memory_space<semaphore_mem>>) src(%arg9 : memref<64x128xf32, #tpu.memory_space<vmem>>) dst(%dma_wait3A_294 : memref<10112x128xf32, #tpu.memory_space<vmem_shared>>)
      } else {
      }
      %lt3A_282 = arith.constant 40 : i32
      %lt3A_283 = arith.cmpi slt, %add3A_274, %lt3A_282 : i32
      %convert_element_type3A_284 = arith.extui %lt3A_283 : i1 to i32
      %cond3A_285 = arith.constant 0 : i32
      %cond3A_286 = arith.cmpi ne, %convert_element_type3A_284, %cond3A_285 : i32
      scf.if %cond3A_286 {
        %dma_start3A_287 = arith.constant 0 : i32
        %dma_start3A_288 = tpu.memref_slice %arg6[%add3A_274, %dma_start3A_287] : memref<40x64xi32, #tpu.memory_space<vmem>> -> memref<1x64xi32, #tpu.memory_space<vmem>>
        %dma_start3A_289 = tpu.memref_squeeze %dma_start3A_288 : memref<1x64xi32, #tpu.memory_space<vmem>> -> memref<64xi32, #tpu.memory_space<vmem>>
        %dma_start3A_290 = arith.constant 0 : i32
        %dma_start3A_291 = arith.constant 0 : i32
        %dma_start3A_292 = tpu.memref_slice %arg2[%dma_start3A_290, %dma_start3A_291] : memref<20480x128xf32, #tpu.memory_space<hbm>> -> memref<20480x128xf32, #tpu.memory_space<hbm>>
        tpu.enqueue_indirect_dma source(%dma_start3A_292 : memref<20480x128xf32, #tpu.memory_space<hbm>>) target(%arg9 : memref<64x128xf32, #tpu.memory_space<vmem>>) offsets(%dma_start3A_289 : memref<64xi32, #tpu.memory_space<vmem>>) semaphore(%arg13 : memref<!tpu.dma_semaphore, #tpu.memory_space<semaphore_mem>>)
      } else {
      }
    }
    %scan3A_119 = arith.constant 10 : i32
    %dma_wait3A_120 = arith.constant 38 : i32
    %dma_wait3A_121 = arith.constant 0 : i32
    %dma_wait3A_122 = tpu.memref_slice %arg7[%dma_wait3A_120, %dma_wait3A_121] : memref<40x64xi32, #tpu.memory_space<vmem>> -> memref<1x64xi32, #tpu.memory_space<vmem>>
    %dma_wait3A_123 = tpu.memref_squeeze %dma_wait3A_122 : memref<1x64xi32, #tpu.memory_space<vmem>> -> memref<64xi32, #tpu.memory_space<vmem>>
    %dma_wait3A_124 = arith.constant 0 : i32
    %dma_wait3A_125 = arith.constant 0 : i32
    %dma_wait3A_126 = tpu.memref_slice %arg12[%dma_wait3A_124, %dma_wait3A_125] : memref<10112x128xf32, #tpu.memory_space<vmem_shared>> -> memref<10112x128xf32, #tpu.memory_space<vmem_shared>>
    tpu.wait_indirect_dma semaphore(%arg14 : memref<!tpu.dma_semaphore, #tpu.memory_space<semaphore_mem>>) src(%arg8 : memref<64x128xf32, #tpu.memory_space<vmem>>) dst(%dma_wait3A_126 : memref<10112x128xf32, #tpu.memory_space<vmem_shared>>)
    %dma_wait3A_127 = arith.constant 39 : i32
    %dma_wait3A_128 = arith.constant 0 : i32
    %dma_wait3A_129 = tpu.memref_slice %arg7[%dma_wait3A_127, %dma_wait3A_128] : memref<40x64xi32, #tpu.memory_space<vmem>> -> memref<1x64xi32, #tpu.memory_space<vmem>>
    %dma_wait3A_130 = tpu.memref_squeeze %dma_wait3A_129 : memref<1x64xi32, #tpu.memory_space<vmem>> -> memref<64xi32, #tpu.memory_space<vmem>>
    %dma_wait3A_131 = arith.constant 0 : i32
    %dma_wait3A_132 = arith.constant 0 : i32
    %dma_wait3A_133 = tpu.memref_slice %arg12[%dma_wait3A_131, %dma_wait3A_132] : memref<10112x128xf32, #tpu.memory_space<vmem_shared>> -> memref<10112x128xf32, #tpu.memory_space<vmem_shared>>
    tpu.wait_indirect_dma semaphore(%arg14 : memref<!tpu.dma_semaphore, #tpu.memory_space<semaphore_mem>>) src(%arg8 : memref<64x128xf32, #tpu.memory_space<vmem>>) dst(%dma_wait3A_133 : memref<10112x128xf32, #tpu.memory_space<vmem_shared>>)
    %add3A_134 = arith.constant 120 : i32
    %add3A_135 = arith.addi %mul3A_27, %add3A_134 : i32
    "tpu.region"() ({
      %run_scoped3A = tpu.sem_alloc : memref<!tpu.dma_semaphore, #tpu.memory_space<semaphore_mem>>
      %dma_start3A_171 = arith.constant 0 : i32
      %dma_start3A_172 = arith.constant 0 : i32
      %dma_start3A_173 = tpu.memref_slice %arg6[%dma_start3A_171, %dma_start3A_172] : memref<40x64xi32, #tpu.memory_space<vmem>> -> memref<40x64xi32, #tpu.memory_space<vmem>>
      %dma_start3A_174 = arith.constant 0 : i32
      %dma_start3A_175 = tpu.memref_slice %arg3[%arg0, %add3A_135, %dma_start3A_174] : memref<2x2560x64xi32, #tpu.memory_space<hbm>> -> memref<1x40x64xi32, #tpu.memory_space<hbm>>
      %dma_start3A_176 = tpu.memref_squeeze %dma_start3A_175 : memref<1x40x64xi32, #tpu.memory_space<hbm>> -> memref<40x64xi32, #tpu.memory_space<hbm>>
      %dma_start3A_177 = arith.constant 0 : i32
      %dma_start3A_178 = arith.constant 0 : i32
      %dma_start3A_179 = tpu.memref_slice %arg6[%dma_start3A_177, %dma_start3A_178] : memref<40x64xi32, #tpu.memory_space<vmem>> -> memref<40x64xi32, #tpu.memory_space<vmem>>
      %dma_start3A_180 = arith.constant 0 : i32
      %dma_start3A_181 = tpu.memref_slice %arg3[%arg0, %add3A_135, %dma_start3A_180] : memref<2x2560x64xi32, #tpu.memory_space<hbm>> -> memref<1x40x64xi32, #tpu.memory_space<hbm>>
      %dma_start3A_182 = tpu.memref_squeeze %dma_start3A_181 : memref<1x40x64xi32, #tpu.memory_space<hbm>> -> memref<40x64xi32, #tpu.memory_space<hbm>>
      tpu.enqueue_dma source(%dma_start3A_182 : memref<40x64xi32, #tpu.memory_space<hbm>>) target(%dma_start3A_179 : memref<40x64xi32, #tpu.memory_space<vmem>>) target_semaphore(%run_scoped3A : memref<!tpu.dma_semaphore, #tpu.memory_space<semaphore_mem>>)
      %dma_wait3A_183 = arith.constant 0 : i32
      %dma_wait3A_184 = arith.constant 0 : i32
      %dma_wait3A_185 = tpu.memref_slice %arg6[%dma_wait3A_183, %dma_wait3A_184] : memref<40x64xi32, #tpu.memory_space<vmem>> -> memref<40x64xi32, #tpu.memory_space<vmem>>
      %dma_wait3A_186 = arith.constant 0 : i32
      %dma_wait3A_187 = tpu.memref_slice %arg3[%arg0, %add3A_135, %dma_wait3A_186] : memref<2x2560x64xi32, #tpu.memory_space<hbm>> -> memref<1x40x64xi32, #tpu.memory_space<hbm>>
      %dma_wait3A_188 = tpu.memref_squeeze %dma_wait3A_187 : memref<1x40x64xi32, #tpu.memory_space<hbm>> -> memref<40x64xi32, #tpu.memory_space<hbm>>
      %dma_wait3A_189 = arith.constant 0 : i32
      %dma_wait3A_190 = arith.constant 0 : i32
      %dma_wait3A_191 = tpu.memref_slice %arg6[%dma_wait3A_189, %dma_wait3A_190] : memref<40x64xi32, #tpu.memory_space<vmem>> -> memref<40x64xi32, #tpu.memory_space<vmem>>
      %dma_wait3A_192 = arith.constant 0 : i32
      %dma_wait3A_193 = tpu.memref_slice %arg3[%arg0, %add3A_135, %dma_wait3A_192] : memref<2x2560x64xi32, #tpu.memory_space<hbm>> -> memref<1x40x64xi32, #tpu.memory_space<hbm>>
      %dma_wait3A_194 = tpu.memref_squeeze %dma_wait3A_193 : memref<1x40x64xi32, #tpu.memory_space<hbm>> -> memref<40x64xi32, #tpu.memory_space<hbm>>
      tpu.wait_dma2 semaphore(%run_scoped3A : memref<!tpu.dma_semaphore, #tpu.memory_space<semaphore_mem>>) src(%dma_wait3A_194 : memref<40x64xi32, #tpu.memory_space<hbm>>) dst(%dma_wait3A_191 : memref<40x64xi32, #tpu.memory_space<vmem>>)
      tpu.yield
    }) : () -> ()
    "tpu.region"() ({
      %run_scoped3A = tpu.sem_alloc : memref<!tpu.dma_semaphore, #tpu.memory_space<semaphore_mem>>
      %dma_start3A_171 = arith.constant 0 : i32
      %dma_start3A_172 = arith.constant 0 : i32
      %dma_start3A_173 = tpu.memref_slice %arg7[%dma_start3A_171, %dma_start3A_172] : memref<40x64xi32, #tpu.memory_space<vmem>> -> memref<40x64xi32, #tpu.memory_space<vmem>>
      %dma_start3A_174 = arith.constant 0 : i32
      %dma_start3A_175 = tpu.memref_slice %arg4[%add3A_135, %dma_start3A_174] : memref<2560x64xi32, #tpu.memory_space<hbm>> -> memref<40x64xi32, #tpu.memory_space<hbm>>
      %dma_start3A_176 = arith.constant 0 : i32
      %dma_start3A_177 = arith.constant 0 : i32
      %dma_start3A_178 = tpu.memref_slice %arg7[%dma_start3A_176, %dma_start3A_177] : memref<40x64xi32, #tpu.memory_space<vmem>> -> memref<40x64xi32, #tpu.memory_space<vmem>>
      %dma_start3A_179 = arith.constant 0 : i32
      %dma_start3A_180 = tpu.memref_slice %arg4[%add3A_135, %dma_start3A_179] : memref<2560x64xi32, #tpu.memory_space<hbm>> -> memref<40x64xi32, #tpu.memory_space<hbm>>
      tpu.enqueue_dma source(%dma_start3A_180 : memref<40x64xi32, #tpu.memory_space<hbm>>) target(%dma_start3A_178 : memref<40x64xi32, #tpu.memory_space<vmem>>) target_semaphore(%run_scoped3A : memref<!tpu.dma_semaphore, #tpu.memory_space<semaphore_mem>>)
      %dma_wait3A_181 = arith.constant 0 : i32
      %dma_wait3A_182 = arith.constant 0 : i32
      %dma_wait3A_183 = tpu.memref_slice %arg7[%dma_wait3A_181, %dma_wait3A_182] : memref<40x64xi32, #tpu.memory_space<vmem>> -> memref<40x64xi32, #tpu.memory_space<vmem>>
      %dma_wait3A_184 = arith.constant 0 : i32
      %dma_wait3A_185 = tpu.memref_slice %arg4[%add3A_135, %dma_wait3A_184] : memref<2560x64xi32, #tpu.memory_space<hbm>> -> memref<40x64xi32, #tpu.memory_space<hbm>>
      %dma_wait3A_186 = arith.constant 0 : i32
      %dma_wait3A_187 = arith.constant 0 : i32
      %dma_wait3A_188 = tpu.memref_slice %arg7[%dma_wait3A_186, %dma_wait3A_187] : memref<40x64xi32, #tpu.memory_space<vmem>> -> memref<40x64xi32, #tpu.memory_space<vmem>>
      %dma_wait3A_189 = arith.constant 0 : i32
      %dma_wait3A_190 = tpu.memref_slice %arg4[%add3A_135, %dma_wait3A_189] : memref<2560x64xi32, #tpu.memory_space<hbm>> -> memref<40x64xi32, #tpu.memory_space<hbm>>
      tpu.wait_dma2 semaphore(%run_scoped3A : memref<!tpu.dma_semaphore, #tpu.memory_space<semaphore_mem>>) src(%dma_wait3A_190 : memref<40x64xi32, #tpu.memory_space<hbm>>) dst(%dma_wait3A_188 : memref<40x64xi32, #tpu.memory_space<vmem>>)
      tpu.yield
    }) : () -> ()
    %dma_start3A_136 = arith.constant 0 : i32
    %dma_start3A_137 = arith.constant 0 : i32
    %dma_start3A_138 = tpu.memref_slice %arg6[%dma_start3A_136, %dma_start3A_137] : memref<40x64xi32, #tpu.memory_space<vmem>> -> memref<1x64xi32, #tpu.memory_space<vmem>>
    %dma_start3A_139 = tpu.memref_squeeze %dma_start3A_138 : memref<1x64xi32, #tpu.memory_space<vmem>> -> memref<64xi32, #tpu.memory_space<vmem>>
    %dma_start3A_140 = arith.constant 0 : i32
    %dma_start3A_141 = arith.constant 0 : i32
    %dma_start3A_142 = tpu.memref_slice %arg2[%dma_start3A_140, %dma_start3A_141] : memref<20480x128xf32, #tpu.memory_space<hbm>> -> memref<20480x128xf32, #tpu.memory_space<hbm>>
    tpu.enqueue_indirect_dma source(%dma_start3A_142 : memref<20480x128xf32, #tpu.memory_space<hbm>>) target(%arg8 : memref<64x128xf32, #tpu.memory_space<vmem>>) offsets(%dma_start3A_139 : memref<64xi32, #tpu.memory_space<vmem>>) semaphore(%arg13 : memref<!tpu.dma_semaphore, #tpu.memory_space<semaphore_mem>>)
    %dma_start3A_143 = arith.constant 1 : i32
    %dma_start3A_144 = arith.constant 0 : i32
    %dma_start3A_145 = tpu.memref_slice %arg6[%dma_start3A_143, %dma_start3A_144] : memref<40x64xi32, #tpu.memory_space<vmem>> -> memref<1x64xi32, #tpu.memory_space<vmem>>
    %dma_start3A_146 = tpu.memref_squeeze %dma_start3A_145 : memref<1x64xi32, #tpu.memory_space<vmem>> -> memref<64xi32, #tpu.memory_space<vmem>>
    %dma_start3A_147 = arith.constant 0 : i32
    %dma_start3A_148 = arith.constant 0 : i32
    %dma_start3A_149 = tpu.memref_slice %arg2[%dma_start3A_147, %dma_start3A_148] : memref<20480x128xf32, #tpu.memory_space<hbm>> -> memref<20480x128xf32, #tpu.memory_space<hbm>>
    tpu.enqueue_indirect_dma source(%dma_start3A_149 : memref<20480x128xf32, #tpu.memory_space<hbm>>) target(%arg9 : memref<64x128xf32, #tpu.memory_space<vmem>>) offsets(%dma_start3A_146 : memref<64xi32, #tpu.memory_space<vmem>>) semaphore(%arg13 : memref<!tpu.dma_semaphore, #tpu.memory_space<semaphore_mem>>)
    %scan3A_150 = arith.constant 0 : i32
    %scan3A_151 = arith.constant 0 : i32
    %scan3A_152 = arith.constant 10 : i32
    %scan3A_153 = arith.addi %scan3A_151, %scan3A_152 : i32
    %scan3A_154 = arith.constant 1 : i32
    scf.for %scan3A_171 = %scan3A_151 to %scan3A_153 step %scan3A_154  : i32 {
      %mul3A_172 = arith.constant 4 : i32
      %mul3A_173 = arith.muli %scan3A_171, %mul3A_172 : i32
      %add3A_174 = arith.constant 0 : i32
      %add3A_175 = arith.addi %mul3A_173, %add3A_174 : i32
      %dma_wait3A_176 = arith.constant 0 : i32
      %dma_wait3A_177 = tpu.memref_slice %arg6[%add3A_175, %dma_wait3A_176] : memref<40x64xi32, #tpu.memory_space<vmem>> -> memref<1x64xi32, #tpu.memory_space<vmem>>
      %dma_wait3A_178 = tpu.memref_squeeze %dma_wait3A_177 : memref<1x64xi32, #tpu.memory_space<vmem>> -> memref<64xi32, #tpu.memory_space<vmem>>
      %dma_wait3A_179 = arith.constant 0 : i32
      %dma_wait3A_180 = arith.constant 0 : i32
      %dma_wait3A_181 = tpu.memref_slice %arg2[%dma_wait3A_179, %dma_wait3A_180] : memref<20480x128xf32, #tpu.memory_space<hbm>> -> memref<20480x128xf32, #tpu.memory_space<hbm>>
      tpu.wait_indirect_dma semaphore(%arg13 : memref<!tpu.dma_semaphore, #tpu.memory_space<semaphore_mem>>) src(%dma_wait3A_181 : memref<20480x128xf32, #tpu.memory_space<hbm>>) dst(%arg8 : memref<64x128xf32, #tpu.memory_space<vmem>>)
      %dma_start3A_182 = arith.constant 0 : i32
      %dma_start3A_183 = tpu.memref_slice %arg7[%add3A_175, %dma_start3A_182] : memref<40x64xi32, #tpu.memory_space<vmem>> -> memref<1x64xi32, #tpu.memory_space<vmem>>
      %dma_start3A_184 = tpu.memref_squeeze %dma_start3A_183 : memref<1x64xi32, #tpu.memory_space<vmem>> -> memref<64xi32, #tpu.memory_space<vmem>>
      %dma_start3A_185 = arith.constant 0 : i32
      %dma_start3A_186 = arith.constant 0 : i32
      %dma_start3A_187 = tpu.memref_slice %arg12[%dma_start3A_185, %dma_start3A_186] : memref<10112x128xf32, #tpu.memory_space<vmem_shared>> -> memref<10112x128xf32, #tpu.memory_space<vmem_shared>>
      tpu.enqueue_indirect_dma source(%arg8 : memref<64x128xf32, #tpu.memory_space<vmem>>) target(%dma_start3A_187 : memref<10112x128xf32, #tpu.memory_space<vmem_shared>>) offsets(%dma_start3A_184 : memref<64xi32, #tpu.memory_space<vmem>>) semaphore(%arg14 : memref<!tpu.dma_semaphore, #tpu.memory_space<semaphore_mem>>) {add = true}
      %add3A_188 = arith.constant 2 : i32
      %add3A_189 = arith.addi %add3A_175, %add3A_188 : i32
      %sub3A = arith.constant 4 : i32
      %sub3A_190 = arith.subi %add3A_189, %sub3A : i32
      %ge3A = arith.constant 0 : i32
      %ge3A_191 = arith.cmpi sge, %sub3A_190, %ge3A : i32
      %convert_element_type3A = arith.extui %ge3A_191 : i1 to i32
      %cond3A = arith.constant 0 : i32
      %cond3A_192 = arith.cmpi ne, %convert_element_type3A, %cond3A : i32
      scf.if %cond3A_192 {
        %sub3A_287 = arith.constant 4 : i32
        %sub3A_288 = arith.subi %add3A_189, %sub3A_287 : i32
        %dma_wait3A_289 = arith.constant 0 : i32
        %dma_wait3A_290 = tpu.memref_slice %arg7[%sub3A_288, %dma_wait3A_289] : memref<40x64xi32, #tpu.memory_space<vmem>> -> memref<1x64xi32, #tpu.memory_space<vmem>>
        %dma_wait3A_291 = tpu.memref_squeeze %dma_wait3A_290 : memref<1x64xi32, #tpu.memory_space<vmem>> -> memref<64xi32, #tpu.memory_space<vmem>>
        %dma_wait3A_292 = arith.constant 0 : i32
        %dma_wait3A_293 = arith.constant 0 : i32
        %dma_wait3A_294 = tpu.memref_slice %arg12[%dma_wait3A_292, %dma_wait3A_293] : memref<10112x128xf32, #tpu.memory_space<vmem_shared>> -> memref<10112x128xf32, #tpu.memory_space<vmem_shared>>
        tpu.wait_indirect_dma semaphore(%arg14 : memref<!tpu.dma_semaphore, #tpu.memory_space<semaphore_mem>>) src(%arg10 : memref<64x128xf32, #tpu.memory_space<vmem>>) dst(%dma_wait3A_294 : memref<10112x128xf32, #tpu.memory_space<vmem_shared>>)
      } else {
      }
      %lt3A = arith.constant 40 : i32
      %lt3A_193 = arith.cmpi slt, %add3A_189, %lt3A : i32
      %convert_element_type3A_194 = arith.extui %lt3A_193 : i1 to i32
      %cond3A_195 = arith.constant 0 : i32
      %cond3A_196 = arith.cmpi ne, %convert_element_type3A_194, %cond3A_195 : i32
      scf.if %cond3A_196 {
        %dma_start3A_287 = arith.constant 0 : i32
        %dma_start3A_288 = tpu.memref_slice %arg6[%add3A_189, %dma_start3A_287] : memref<40x64xi32, #tpu.memory_space<vmem>> -> memref<1x64xi32, #tpu.memory_space<vmem>>
        %dma_start3A_289 = tpu.memref_squeeze %dma_start3A_288 : memref<1x64xi32, #tpu.memory_space<vmem>> -> memref<64xi32, #tpu.memory_space<vmem>>
        %dma_start3A_290 = arith.constant 0 : i32
        %dma_start3A_291 = arith.constant 0 : i32
        %dma_start3A_292 = tpu.memref_slice %arg2[%dma_start3A_290, %dma_start3A_291] : memref<20480x128xf32, #tpu.memory_space<hbm>> -> memref<20480x128xf32, #tpu.memory_space<hbm>>
        tpu.enqueue_indirect_dma source(%dma_start3A_292 : memref<20480x128xf32, #tpu.memory_space<hbm>>) target(%arg10 : memref<64x128xf32, #tpu.memory_space<vmem>>) offsets(%dma_start3A_289 : memref<64xi32, #tpu.memory_space<vmem>>) semaphore(%arg13 : memref<!tpu.dma_semaphore, #tpu.memory_space<semaphore_mem>>)
      } else {
      }
      %mul3A_197 = arith.constant 4 : i32
      %mul3A_198 = arith.muli %scan3A_171, %mul3A_197 : i32
      %add3A_199 = arith.constant 1 : i32
      %add3A_200 = arith.addi %mul3A_198, %add3A_199 : i32
      %dma_wait3A_201 = arith.constant 0 : i32
      %dma_wait3A_202 = tpu.memref_slice %arg6[%add3A_200, %dma_wait3A_201] : memref<40x64xi32, #tpu.memory_space<vmem>> -> memref<1x64xi32, #tpu.memory_space<vmem>>
      %dma_wait3A_203 = tpu.memref_squeeze %dma_wait3A_202 : memref<1x64xi32, #tpu.memory_space<vmem>> -> memref<64xi32, #tpu.memory_space<vmem>>
      %dma_wait3A_204 = arith.constant 0 : i32
      %dma_wait3A_205 = arith.constant 0 : i32
      %dma_wait3A_206 = tpu.memref_slice %arg2[%dma_wait3A_204, %dma_wait3A_205] : memref<20480x128xf32, #tpu.memory_space<hbm>> -> memref<20480x128xf32, #tpu.memory_space<hbm>>
      tpu.wait_indirect_dma semaphore(%arg13 : memref<!tpu.dma_semaphore, #tpu.memory_space<semaphore_mem>>) src(%dma_wait3A_206 : memref<20480x128xf32, #tpu.memory_space<hbm>>) dst(%arg9 : memref<64x128xf32, #tpu.memory_space<vmem>>)
      %dma_start3A_207 = arith.constant 0 : i32
      %dma_start3A_208 = tpu.memref_slice %arg7[%add3A_200, %dma_start3A_207] : memref<40x64xi32, #tpu.memory_space<vmem>> -> memref<1x64xi32, #tpu.memory_space<vmem>>
      %dma_start3A_209 = tpu.memref_squeeze %dma_start3A_208 : memref<1x64xi32, #tpu.memory_space<vmem>> -> memref<64xi32, #tpu.memory_space<vmem>>
      %dma_start3A_210 = arith.constant 0 : i32
      %dma_start3A_211 = arith.constant 0 : i32
      %dma_start3A_212 = tpu.memref_slice %arg12[%dma_start3A_210, %dma_start3A_211] : memref<10112x128xf32, #tpu.memory_space<vmem_shared>> -> memref<10112x128xf32, #tpu.memory_space<vmem_shared>>
      tpu.enqueue_indirect_dma source(%arg9 : memref<64x128xf32, #tpu.memory_space<vmem>>) target(%dma_start3A_212 : memref<10112x128xf32, #tpu.memory_space<vmem_shared>>) offsets(%dma_start3A_209 : memref<64xi32, #tpu.memory_space<vmem>>) semaphore(%arg14 : memref<!tpu.dma_semaphore, #tpu.memory_space<semaphore_mem>>) {add = true}
      %add3A_213 = arith.constant 2 : i32
      %add3A_214 = arith.addi %add3A_200, %add3A_213 : i32
      %sub3A_215 = arith.constant 4 : i32
      %sub3A_216 = arith.subi %add3A_214, %sub3A_215 : i32
      %ge3A_217 = arith.constant 0 : i32
      %ge3A_218 = arith.cmpi sge, %sub3A_216, %ge3A_217 : i32
      %convert_element_type3A_219 = arith.extui %ge3A_218 : i1 to i32
      %cond3A_220 = arith.constant 0 : i32
      %cond3A_221 = arith.cmpi ne, %convert_element_type3A_219, %cond3A_220 : i32
      scf.if %cond3A_221 {
        %sub3A_287 = arith.constant 4 : i32
        %sub3A_288 = arith.subi %add3A_214, %sub3A_287 : i32
        %dma_wait3A_289 = arith.constant 0 : i32
        %dma_wait3A_290 = tpu.memref_slice %arg7[%sub3A_288, %dma_wait3A_289] : memref<40x64xi32, #tpu.memory_space<vmem>> -> memref<1x64xi32, #tpu.memory_space<vmem>>
        %dma_wait3A_291 = tpu.memref_squeeze %dma_wait3A_290 : memref<1x64xi32, #tpu.memory_space<vmem>> -> memref<64xi32, #tpu.memory_space<vmem>>
        %dma_wait3A_292 = arith.constant 0 : i32
        %dma_wait3A_293 = arith.constant 0 : i32
        %dma_wait3A_294 = tpu.memref_slice %arg12[%dma_wait3A_292, %dma_wait3A_293] : memref<10112x128xf32, #tpu.memory_space<vmem_shared>> -> memref<10112x128xf32, #tpu.memory_space<vmem_shared>>
        tpu.wait_indirect_dma semaphore(%arg14 : memref<!tpu.dma_semaphore, #tpu.memory_space<semaphore_mem>>) src(%arg11 : memref<64x128xf32, #tpu.memory_space<vmem>>) dst(%dma_wait3A_294 : memref<10112x128xf32, #tpu.memory_space<vmem_shared>>)
      } else {
      }
      %lt3A_222 = arith.constant 40 : i32
      %lt3A_223 = arith.cmpi slt, %add3A_214, %lt3A_222 : i32
      %convert_element_type3A_224 = arith.extui %lt3A_223 : i1 to i32
      %cond3A_225 = arith.constant 0 : i32
      %cond3A_226 = arith.cmpi ne, %convert_element_type3A_224, %cond3A_225 : i32
      scf.if %cond3A_226 {
        %dma_start3A_287 = arith.constant 0 : i32
        %dma_start3A_288 = tpu.memref_slice %arg6[%add3A_214, %dma_start3A_287] : memref<40x64xi32, #tpu.memory_space<vmem>> -> memref<1x64xi32, #tpu.memory_space<vmem>>
        %dma_start3A_289 = tpu.memref_squeeze %dma_start3A_288 : memref<1x64xi32, #tpu.memory_space<vmem>> -> memref<64xi32, #tpu.memory_space<vmem>>
        %dma_start3A_290 = arith.constant 0 : i32
        %dma_start3A_291 = arith.constant 0 : i32
        %dma_start3A_292 = tpu.memref_slice %arg2[%dma_start3A_290, %dma_start3A_291] : memref<20480x128xf32, #tpu.memory_space<hbm>> -> memref<20480x128xf32, #tpu.memory_space<hbm>>
        tpu.enqueue_indirect_dma source(%dma_start3A_292 : memref<20480x128xf32, #tpu.memory_space<hbm>>) target(%arg11 : memref<64x128xf32, #tpu.memory_space<vmem>>) offsets(%dma_start3A_289 : memref<64xi32, #tpu.memory_space<vmem>>) semaphore(%arg13 : memref<!tpu.dma_semaphore, #tpu.memory_space<semaphore_mem>>)
      } else {
      }
      %mul3A_227 = arith.constant 4 : i32
      %mul3A_228 = arith.muli %scan3A_171, %mul3A_227 : i32
      %add3A_229 = arith.constant 2 : i32
      %add3A_230 = arith.addi %mul3A_228, %add3A_229 : i32
      %dma_wait3A_231 = arith.constant 0 : i32
      %dma_wait3A_232 = tpu.memref_slice %arg6[%add3A_230, %dma_wait3A_231] : memref<40x64xi32, #tpu.memory_space<vmem>> -> memref<1x64xi32, #tpu.memory_space<vmem>>
      %dma_wait3A_233 = tpu.memref_squeeze %dma_wait3A_232 : memref<1x64xi32, #tpu.memory_space<vmem>> -> memref<64xi32, #tpu.memory_space<vmem>>
      %dma_wait3A_234 = arith.constant 0 : i32
      %dma_wait3A_235 = arith.constant 0 : i32
      %dma_wait3A_236 = tpu.memref_slice %arg2[%dma_wait3A_234, %dma_wait3A_235] : memref<20480x128xf32, #tpu.memory_space<hbm>> -> memref<20480x128xf32, #tpu.memory_space<hbm>>
      tpu.wait_indirect_dma semaphore(%arg13 : memref<!tpu.dma_semaphore, #tpu.memory_space<semaphore_mem>>) src(%dma_wait3A_236 : memref<20480x128xf32, #tpu.memory_space<hbm>>) dst(%arg10 : memref<64x128xf32, #tpu.memory_space<vmem>>)
      %dma_start3A_237 = arith.constant 0 : i32
      %dma_start3A_238 = tpu.memref_slice %arg7[%add3A_230, %dma_start3A_237] : memref<40x64xi32, #tpu.memory_space<vmem>> -> memref<1x64xi32, #tpu.memory_space<vmem>>
      %dma_start3A_239 = tpu.memref_squeeze %dma_start3A_238 : memref<1x64xi32, #tpu.memory_space<vmem>> -> memref<64xi32, #tpu.memory_space<vmem>>
      %dma_start3A_240 = arith.constant 0 : i32
      %dma_start3A_241 = arith.constant 0 : i32
      %dma_start3A_242 = tpu.memref_slice %arg12[%dma_start3A_240, %dma_start3A_241] : memref<10112x128xf32, #tpu.memory_space<vmem_shared>> -> memref<10112x128xf32, #tpu.memory_space<vmem_shared>>
      tpu.enqueue_indirect_dma source(%arg10 : memref<64x128xf32, #tpu.memory_space<vmem>>) target(%dma_start3A_242 : memref<10112x128xf32, #tpu.memory_space<vmem_shared>>) offsets(%dma_start3A_239 : memref<64xi32, #tpu.memory_space<vmem>>) semaphore(%arg14 : memref<!tpu.dma_semaphore, #tpu.memory_space<semaphore_mem>>) {add = true}
      %add3A_243 = arith.constant 2 : i32
      %add3A_244 = arith.addi %add3A_230, %add3A_243 : i32
      %sub3A_245 = arith.constant 4 : i32
      %sub3A_246 = arith.subi %add3A_244, %sub3A_245 : i32
      %ge3A_247 = arith.constant 0 : i32
      %ge3A_248 = arith.cmpi sge, %sub3A_246, %ge3A_247 : i32
      %convert_element_type3A_249 = arith.extui %ge3A_248 : i1 to i32
      %cond3A_250 = arith.constant 0 : i32
      %cond3A_251 = arith.cmpi ne, %convert_element_type3A_249, %cond3A_250 : i32
      scf.if %cond3A_251 {
        %sub3A_287 = arith.constant 4 : i32
        %sub3A_288 = arith.subi %add3A_244, %sub3A_287 : i32
        %dma_wait3A_289 = arith.constant 0 : i32
        %dma_wait3A_290 = tpu.memref_slice %arg7[%sub3A_288, %dma_wait3A_289] : memref<40x64xi32, #tpu.memory_space<vmem>> -> memref<1x64xi32, #tpu.memory_space<vmem>>
        %dma_wait3A_291 = tpu.memref_squeeze %dma_wait3A_290 : memref<1x64xi32, #tpu.memory_space<vmem>> -> memref<64xi32, #tpu.memory_space<vmem>>
        %dma_wait3A_292 = arith.constant 0 : i32
        %dma_wait3A_293 = arith.constant 0 : i32
        %dma_wait3A_294 = tpu.memref_slice %arg12[%dma_wait3A_292, %dma_wait3A_293] : memref<10112x128xf32, #tpu.memory_space<vmem_shared>> -> memref<10112x128xf32, #tpu.memory_space<vmem_shared>>
        tpu.wait_indirect_dma semaphore(%arg14 : memref<!tpu.dma_semaphore, #tpu.memory_space<semaphore_mem>>) src(%arg8 : memref<64x128xf32, #tpu.memory_space<vmem>>) dst(%dma_wait3A_294 : memref<10112x128xf32, #tpu.memory_space<vmem_shared>>)
      } else {
      }
      %lt3A_252 = arith.constant 40 : i32
      %lt3A_253 = arith.cmpi slt, %add3A_244, %lt3A_252 : i32
      %convert_element_type3A_254 = arith.extui %lt3A_253 : i1 to i32
      %cond3A_255 = arith.constant 0 : i32
      %cond3A_256 = arith.cmpi ne, %convert_element_type3A_254, %cond3A_255 : i32
      scf.if %cond3A_256 {
        %dma_start3A_287 = arith.constant 0 : i32
        %dma_start3A_288 = tpu.memref_slice %arg6[%add3A_244, %dma_start3A_287] : memref<40x64xi32, #tpu.memory_space<vmem>> -> memref<1x64xi32, #tpu.memory_space<vmem>>
        %dma_start3A_289 = tpu.memref_squeeze %dma_start3A_288 : memref<1x64xi32, #tpu.memory_space<vmem>> -> memref<64xi32, #tpu.memory_space<vmem>>
        %dma_start3A_290 = arith.constant 0 : i32
        %dma_start3A_291 = arith.constant 0 : i32
        %dma_start3A_292 = tpu.memref_slice %arg2[%dma_start3A_290, %dma_start3A_291] : memref<20480x128xf32, #tpu.memory_space<hbm>> -> memref<20480x128xf32, #tpu.memory_space<hbm>>
        tpu.enqueue_indirect_dma source(%dma_start3A_292 : memref<20480x128xf32, #tpu.memory_space<hbm>>) target(%arg8 : memref<64x128xf32, #tpu.memory_space<vmem>>) offsets(%dma_start3A_289 : memref<64xi32, #tpu.memory_space<vmem>>) semaphore(%arg13 : memref<!tpu.dma_semaphore, #tpu.memory_space<semaphore_mem>>)
      } else {
      }
      %mul3A_257 = arith.constant 4 : i32
      %mul3A_258 = arith.muli %scan3A_171, %mul3A_257 : i32
      %add3A_259 = arith.constant 3 : i32
      %add3A_260 = arith.addi %mul3A_258, %add3A_259 : i32
      %dma_wait3A_261 = arith.constant 0 : i32
      %dma_wait3A_262 = tpu.memref_slice %arg6[%add3A_260, %dma_wait3A_261] : memref<40x64xi32, #tpu.memory_space<vmem>> -> memref<1x64xi32, #tpu.memory_space<vmem>>
      %dma_wait3A_263 = tpu.memref_squeeze %dma_wait3A_262 : memref<1x64xi32, #tpu.memory_space<vmem>> -> memref<64xi32, #tpu.memory_space<vmem>>
      %dma_wait3A_264 = arith.constant 0 : i32
      %dma_wait3A_265 = arith.constant 0 : i32
      %dma_wait3A_266 = tpu.memref_slice %arg2[%dma_wait3A_264, %dma_wait3A_265] : memref<20480x128xf32, #tpu.memory_space<hbm>> -> memref<20480x128xf32, #tpu.memory_space<hbm>>
      tpu.wait_indirect_dma semaphore(%arg13 : memref<!tpu.dma_semaphore, #tpu.memory_space<semaphore_mem>>) src(%dma_wait3A_266 : memref<20480x128xf32, #tpu.memory_space<hbm>>) dst(%arg11 : memref<64x128xf32, #tpu.memory_space<vmem>>)
      %dma_start3A_267 = arith.constant 0 : i32
      %dma_start3A_268 = tpu.memref_slice %arg7[%add3A_260, %dma_start3A_267] : memref<40x64xi32, #tpu.memory_space<vmem>> -> memref<1x64xi32, #tpu.memory_space<vmem>>
      %dma_start3A_269 = tpu.memref_squeeze %dma_start3A_268 : memref<1x64xi32, #tpu.memory_space<vmem>> -> memref<64xi32, #tpu.memory_space<vmem>>
      %dma_start3A_270 = arith.constant 0 : i32
      %dma_start3A_271 = arith.constant 0 : i32
      %dma_start3A_272 = tpu.memref_slice %arg12[%dma_start3A_270, %dma_start3A_271] : memref<10112x128xf32, #tpu.memory_space<vmem_shared>> -> memref<10112x128xf32, #tpu.memory_space<vmem_shared>>
      tpu.enqueue_indirect_dma source(%arg11 : memref<64x128xf32, #tpu.memory_space<vmem>>) target(%dma_start3A_272 : memref<10112x128xf32, #tpu.memory_space<vmem_shared>>) offsets(%dma_start3A_269 : memref<64xi32, #tpu.memory_space<vmem>>) semaphore(%arg14 : memref<!tpu.dma_semaphore, #tpu.memory_space<semaphore_mem>>) {add = true}
      %add3A_273 = arith.constant 2 : i32
      %add3A_274 = arith.addi %add3A_260, %add3A_273 : i32
      %sub3A_275 = arith.constant 4 : i32
      %sub3A_276 = arith.subi %add3A_274, %sub3A_275 : i32
      %ge3A_277 = arith.constant 0 : i32
      %ge3A_278 = arith.cmpi sge, %sub3A_276, %ge3A_277 : i32
      %convert_element_type3A_279 = arith.extui %ge3A_278 : i1 to i32
      %cond3A_280 = arith.constant 0 : i32
      %cond3A_281 = arith.cmpi ne, %convert_element_type3A_279, %cond3A_280 : i32
      scf.if %cond3A_281 {
        %sub3A_287 = arith.constant 4 : i32
        %sub3A_288 = arith.subi %add3A_274, %sub3A_287 : i32
        %dma_wait3A_289 = arith.constant 0 : i32
        %dma_wait3A_290 = tpu.memref_slice %arg7[%sub3A_288, %dma_wait3A_289] : memref<40x64xi32, #tpu.memory_space<vmem>> -> memref<1x64xi32, #tpu.memory_space<vmem>>
        %dma_wait3A_291 = tpu.memref_squeeze %dma_wait3A_290 : memref<1x64xi32, #tpu.memory_space<vmem>> -> memref<64xi32, #tpu.memory_space<vmem>>
        %dma_wait3A_292 = arith.constant 0 : i32
        %dma_wait3A_293 = arith.constant 0 : i32
        %dma_wait3A_294 = tpu.memref_slice %arg12[%dma_wait3A_292, %dma_wait3A_293] : memref<10112x128xf32, #tpu.memory_space<vmem_shared>> -> memref<10112x128xf32, #tpu.memory_space<vmem_shared>>
        tpu.wait_indirect_dma semaphore(%arg14 : memref<!tpu.dma_semaphore, #tpu.memory_space<semaphore_mem>>) src(%arg9 : memref<64x128xf32, #tpu.memory_space<vmem>>) dst(%dma_wait3A_294 : memref<10112x128xf32, #tpu.memory_space<vmem_shared>>)
      } else {
      }
      %lt3A_282 = arith.constant 40 : i32
      %lt3A_283 = arith.cmpi slt, %add3A_274, %lt3A_282 : i32
      %convert_element_type3A_284 = arith.extui %lt3A_283 : i1 to i32
      %cond3A_285 = arith.constant 0 : i32
      %cond3A_286 = arith.cmpi ne, %convert_element_type3A_284, %cond3A_285 : i32
      scf.if %cond3A_286 {
        %dma_start3A_287 = arith.constant 0 : i32
        %dma_start3A_288 = tpu.memref_slice %arg6[%add3A_274, %dma_start3A_287] : memref<40x64xi32, #tpu.memory_space<vmem>> -> memref<1x64xi32, #tpu.memory_space<vmem>>
        %dma_start3A_289 = tpu.memref_squeeze %dma_start3A_288 : memref<1x64xi32, #tpu.memory_space<vmem>> -> memref<64xi32, #tpu.memory_space<vmem>>
        %dma_start3A_290 = arith.constant 0 : i32
        %dma_start3A_291 = arith.constant 0 : i32
        %dma_start3A_292 = tpu.memref_slice %arg2[%dma_start3A_290, %dma_start3A_291] : memref<20480x128xf32, #tpu.memory_space<hbm>> -> memref<20480x128xf32, #tpu.memory_space<hbm>>
        tpu.enqueue_indirect_dma source(%dma_start3A_292 : memref<20480x128xf32, #tpu.memory_space<hbm>>) target(%arg9 : memref<64x128xf32, #tpu.memory_space<vmem>>) offsets(%dma_start3A_289 : memref<64xi32, #tpu.memory_space<vmem>>) semaphore(%arg13 : memref<!tpu.dma_semaphore, #tpu.memory_space<semaphore_mem>>)
      } else {
      }
    }
    %scan3A_155 = arith.constant 10 : i32
    %dma_wait3A_156 = arith.constant 38 : i32
    %dma_wait3A_157 = arith.constant 0 : i32
    %dma_wait3A_158 = tpu.memref_slice %arg7[%dma_wait3A_156, %dma_wait3A_157] : memref<40x64xi32, #tpu.memory_space<vmem>> -> memref<1x64xi32, #tpu.memory_space<vmem>>
    %dma_wait3A_159 = tpu.memref_squeeze %dma_wait3A_158 : memref<1x64xi32, #tpu.memory_space<vmem>> -> memref<64xi32, #tpu.memory_space<vmem>>
    %dma_wait3A_160 = arith.constant 0 : i32
    %dma_wait3A_161 = arith.constant 0 : i32
    %dma_wait3A_162 = tpu.memref_slice %arg12[%dma_wait3A_160, %dma_wait3A_161] : memref<10112x128xf32, #tpu.memory_space<vmem_shared>> -> memref<10112x128xf32, #tpu.memory_space<vmem_shared>>
    tpu.wait_indirect_dma semaphore(%arg14 : memref<!tpu.dma_semaphore, #tpu.memory_space<semaphore_mem>>) src(%arg8 : memref<64x128xf32, #tpu.memory_space<vmem>>) dst(%dma_wait3A_162 : memref<10112x128xf32, #tpu.memory_space<vmem_shared>>)
    %dma_wait3A_163 = arith.constant 39 : i32
    %dma_wait3A_164 = arith.constant 0 : i32
    %dma_wait3A_165 = tpu.memref_slice %arg7[%dma_wait3A_163, %dma_wait3A_164] : memref<40x64xi32, #tpu.memory_space<vmem>> -> memref<1x64xi32, #tpu.memory_space<vmem>>
    %dma_wait3A_166 = tpu.memref_squeeze %dma_wait3A_165 : memref<1x64xi32, #tpu.memory_space<vmem>> -> memref<64xi32, #tpu.memory_space<vmem>>
    %dma_wait3A_167 = arith.constant 0 : i32
    %dma_wait3A_168 = arith.constant 0 : i32
    %dma_wait3A_169 = tpu.memref_slice %arg12[%dma_wait3A_167, %dma_wait3A_168] : memref<10112x128xf32, #tpu.memory_space<vmem_shared>> -> memref<10112x128xf32, #tpu.memory_space<vmem_shared>>
    tpu.wait_indirect_dma semaphore(%arg14 : memref<!tpu.dma_semaphore, #tpu.memory_space<semaphore_mem>>) src(%arg8 : memref<64x128xf32, #tpu.memory_space<vmem>>) dst(%dma_wait3A_169 : memref<10112x128xf32, #tpu.memory_space<vmem_shared>>)
    %barrier3A_170 = arith.constant 0 : index
    tpu.barrier barrier_id(%barrier3A_170)
    "tpu.region"() ({
      %run_scoped3A = tpu.sem_alloc : memref<!tpu.dma_semaphore, #tpu.memory_space<semaphore_mem>>
      %dma_start3A_171 = arith.constant 0 : i32
      %dma_start3A_172 = tpu.memref_slice %arg5[%arg0, %mul3A_6, %dma_start3A_171] : memref<2x10240x128xf32, #tpu.memory_space<hbm>> -> memref<1x632x128xf32, #tpu.memory_space<hbm>>
      %dma_start3A_173 = tpu.memref_squeeze %dma_start3A_172 : memref<1x632x128xf32, #tpu.memory_space<hbm>> -> memref<632x128xf32, #tpu.memory_space<hbm>>
      %dma_start3A_174 = arith.constant 0 : i32
      %dma_start3A_175 = tpu.memref_slice %arg12[%mul3A_6, %dma_start3A_174] : memref<10112x128xf32, #tpu.memory_space<vmem_shared>> -> memref<632x128xf32, #tpu.memory_space<vmem_shared>>
      tpu.enqueue_dma source(%dma_start3A_175 : memref<632x128xf32, #tpu.memory_space<vmem_shared>>) target(%dma_start3A_173 : memref<632x128xf32, #tpu.memory_space<hbm>>) target_semaphore(%run_scoped3A : memref<!tpu.dma_semaphore, #tpu.memory_space<semaphore_mem>>)
      %dma_wait3A_176 = arith.constant 0 : i32
      %dma_wait3A_177 = tpu.memref_slice %arg5[%arg0, %mul3A_6, %dma_wait3A_176] : memref<2x10240x128xf32, #tpu.memory_space<hbm>> -> memref<1x632x128xf32, #tpu.memory_space<hbm>>
      %dma_wait3A_178 = tpu.memref_squeeze %dma_wait3A_177 : memref<1x632x128xf32, #tpu.memory_space<hbm>> -> memref<632x128xf32, #tpu.memory_space<hbm>>
      %dma_wait3A_179 = arith.constant 0 : i32
      %dma_wait3A_180 = tpu.memref_slice %arg12[%mul3A_6, %dma_wait3A_179] : memref<10112x128xf32, #tpu.memory_space<vmem_shared>> -> memref<632x128xf32, #tpu.memory_space<vmem_shared>>
      tpu.wait_dma2 semaphore(%run_scoped3A : memref<!tpu.dma_semaphore, #tpu.memory_space<semaphore_mem>>) src(%dma_wait3A_180 : memref<632x128xf32, #tpu.memory_space<vmem_shared>>) dst(%dma_wait3A_178 : memref<632x128xf32, #tpu.memory_space<hbm>>)
      tpu.yield
    }) : () -> ()
    return
  }
}

#map = affine_map<(d0, d1) -> (0, 0)>
#map1 = affine_map<(d0, d1) -> (0, 0, 0)>
module attributes {stable_mosaic.version = 14 : i64} {
  func.func @body(%arg0: i32, %arg1: i32, %arg2: memref<10240x128xf32, #tpu.memory_space<hbm>>, %arg3: memref<2560x64xi32, #tpu.memory_space<hbm>>, %arg4: memref<2560x64xi32, #tpu.memory_space<hbm>>, %arg5: memref<2x10240x128xf32, #tpu.memory_space<hbm>>, %arg6: memref<64x64xi32, #tpu.memory_space<vmem>>, %arg7: memref<64x64xi32, #tpu.memory_space<vmem>>, %arg8: memref<64x128xf32, #tpu.memory_space<vmem>>, %arg9: memref<64x128xf32, #tpu.memory_space<vmem>>, %arg10: memref<64x128xf32, #tpu.memory_space<vmem>>, %arg11: memref<64x128xf32, #tpu.memory_space<vmem>>, %arg12: memref<10112x128xf32, #tpu.memory_space<vmem_shared>>, %arg13: memref<!tpu.dma_semaphore, #tpu.memory_space<semaphore_mem>>, %arg14: memref<!tpu.dma_semaphore, #tpu.memory_space<semaphore_mem>>) attributes {dimension_semantics = [#tpu.dimension_semantics<core_parallel>, #tpu.dimension_semantics<subcore_parallel>], iteration_bounds = array<i64: 2, 16>, scalar_prefetch = 0 : i64, scratch_operands = 9 : i64, tpu.core_type = #tpu.core_type<sc_vector_subcore>, window_params = [{transform_indices = #map}, {transform_indices = #map}, {transform_indices = #map}, {transform_indices = #map1}]} {
    %broadcast_in_dim3A = arith.constant 0.000000e+00 : f32
    %broadcast_in_dim3A_0 = vector.broadcast %broadcast_in_dim3A : f32 to vector<16xf32>
    %scan3A = arith.constant 0 : i32
    %scan3A_1 = arith.constant 0 : i32
    %scan3A_2 = arith.constant 64 : i32
    %scan3A_3 = arith.addi %scan3A_1, %scan3A_2 : i32
    %scan3A_4 = arith.constant 1 : i32
    scf.for %scan3A_34 = %scan3A_1 to %scan3A_3 step %scan3A_4  : i32 {
      %swap3A = arith.index_cast %scan3A_34 : i32 to index
      %swap3A_35 = arith.constant 0 : index
      %swap3A_36 = tpu.vector_load %arg8[%swap3A, %swap3A_35] {strides = array<i32>} : memref<64x128xf32, #tpu.memory_space<vmem>>, vector<1x16xf32>,
      %swap3A_37 = vector.shape_cast %swap3A_36 : vector<1x16xf32> to vector<16xf32>
      %swap3A_38 = vector.shape_cast %broadcast_in_dim3A_0 : vector<16xf32> to vector<1x16xf32>
      tpu.vector_store %arg8[%swap3A, %swap3A_35], %swap3A_38 {strides = array<i32>} : memref<64x128xf32, #tpu.memory_space<vmem>>, vector<1x16xf32>,
      %swap3A_39 = arith.index_cast %scan3A_34 : i32 to index
      %swap3A_40 = arith.constant 16 : index
      %swap3A_41 = tpu.vector_load %arg8[%swap3A_39, %swap3A_40] {strides = array<i32>} : memref<64x128xf32, #tpu.memory_space<vmem>>, vector<1x16xf32>,
      %swap3A_42 = vector.shape_cast %swap3A_41 : vector<1x16xf32> to vector<16xf32>
      %swap3A_43 = vector.shape_cast %broadcast_in_dim3A_0 : vector<16xf32> to vector<1x16xf32>
      tpu.vector_store %arg8[%swap3A_39, %swap3A_40], %swap3A_43 {strides = array<i32>} : memref<64x128xf32, #tpu.memory_space<vmem>>, vector<1x16xf32>,
      %swap3A_44 = arith.index_cast %scan3A_34 : i32 to index
      %swap3A_45 = arith.constant 32 : index
      %swap3A_46 = tpu.vector_load %arg8[%swap3A_44, %swap3A_45] {strides = array<i32>} : memref<64x128xf32, #tpu.memory_space<vmem>>, vector<1x16xf32>,
      %swap3A_47 = vector.shape_cast %swap3A_46 : vector<1x16xf32> to vector<16xf32>
      %swap3A_48 = vector.shape_cast %broadcast_in_dim3A_0 : vector<16xf32> to vector<1x16xf32>
      tpu.vector_store %arg8[%swap3A_44, %swap3A_45], %swap3A_48 {strides = array<i32>} : memref<64x128xf32, #tpu.memory_space<vmem>>, vector<1x16xf32>,
      %swap3A_49 = arith.index_cast %scan3A_34 : i32 to index
      %swap3A_50 = arith.constant 48 : index
      %swap3A_51 = tpu.vector_load %arg8[%swap3A_49, %swap3A_50] {strides = array<i32>} : memref<64x128xf32, #tpu.memory_space<vmem>>, vector<1x16xf32>,
      %swap3A_52 = vector.shape_cast %swap3A_51 : vector<1x16xf32> to vector<16xf32>
      %swap3A_53 = vector.shape_cast %broadcast_in_dim3A_0 : vector<16xf32> to vector<1x16xf32>
      tpu.vector_store %arg8[%swap3A_49, %swap3A_50], %swap3A_53 {strides = array<i32>} : memref<64x128xf32, #tpu.memory_space<vmem>>, vector<1x16xf32>,
      %swap3A_54 = arith.index_cast %scan3A_34 : i32 to index
      %swap3A_55 = arith.constant 64 : index
      %swap3A_56 = tpu.vector_load %arg8[%swap3A_54, %swap3A_55] {strides = array<i32>} : memref<64x128xf32, #tpu.memory_space<vmem>>, vector<1x16xf32>,
      %swap3A_57 = vector.shape_cast %swap3A_56 : vector<1x16xf32> to vector<16xf32>
      %swap3A_58 = vector.shape_cast %broadcast_in_dim3A_0 : vector<16xf32> to vector<1x16xf32>
      tpu.vector_store %arg8[%swap3A_54, %swap3A_55], %swap3A_58 {strides = array<i32>} : memref<64x128xf32, #tpu.memory_space<vmem>>, vector<1x16xf32>,
      %swap3A_59 = arith.index_cast %scan3A_34 : i32 to index
      %swap3A_60 = arith.constant 80 : index
      %swap3A_61 = tpu.vector_load %arg8[%swap3A_59, %swap3A_60] {strides = array<i32>} : memref<64x128xf32, #tpu.memory_space<vmem>>, vector<1x16xf32>,
      %swap3A_62 = vector.shape_cast %swap3A_61 : vector<1x16xf32> to vector<16xf32>
      %swap3A_63 = vector.shape_cast %broadcast_in_dim3A_0 : vector<16xf32> to vector<1x16xf32>
      tpu.vector_store %arg8[%swap3A_59, %swap3A_60], %swap3A_63 {strides = array<i32>} : memref<64x128xf32, #tpu.memory_space<vmem>>, vector<1x16xf32>,
      %swap3A_64 = arith.index_cast %scan3A_34 : i32 to index
      %swap3A_65 = arith.constant 96 : index
      %swap3A_66 = tpu.vector_load %arg8[%swap3A_64, %swap3A_65] {strides = array<i32>} : memref<64x128xf32, #tpu.memory_space<vmem>>, vector<1x16xf32>,
      %swap3A_67 = vector.shape_cast %swap3A_66 : vector<1x16xf32> to vector<16xf32>
      %swap3A_68 = vector.shape_cast %broadcast_in_dim3A_0 : vector<16xf32> to vector<1x16xf32>
      tpu.vector_store %arg8[%swap3A_64, %swap3A_65], %swap3A_68 {strides = array<i32>} : memref<64x128xf32, #tpu.memory_space<vmem>>, vector<1x16xf32>,
      %swap3A_69 = arith.index_cast %scan3A_34 : i32 to index
      %swap3A_70 = arith.constant 112 : index
      %swap3A_71 = tpu.vector_load %arg8[%swap3A_69, %swap3A_70] {strides = array<i32>} : memref<64x128xf32, #tpu.memory_space<vmem>>, vector<1x16xf32>,
      %swap3A_72 = vector.shape_cast %swap3A_71 : vector<1x16xf32> to vector<16xf32>
      %swap3A_73 = vector.shape_cast %broadcast_in_dim3A_0 : vector<16xf32> to vector<1x16xf32>
      tpu.vector_store %arg8[%swap3A_69, %swap3A_70], %swap3A_73 {strides = array<i32>} : memref<64x128xf32, #tpu.memory_space<vmem>>, vector<1x16xf32>,
    }
    %scan3A_5 = arith.constant 64 : i32
    %mul3A = arith.constant 632 : i32
    %mul3A_6 = arith.muli %arg1, %mul3A : i32
    %add3A = arith.constant 0 : i32
    %add3A_7 = arith.addi %mul3A_6, %add3A : i32
    "tpu.region"() ({
      %run_scoped3A = tpu.sem_alloc : memref<!tpu.dma_semaphore, #tpu.memory_space<semaphore_mem>>
      %dma_start3A = arith.constant 0 : i32
      %dma_start3A_34 = tpu.memref_slice %arg12[%add3A_7, %dma_start3A] : memref<10112x128xf32, #tpu.memory_space<vmem_shared>> -> memref<64x128xf32, #tpu.memory_space<vmem_shared>>
      %dma_start3A_35 = arith.constant 0 : i32
      %dma_start3A_36 = tpu.memref_slice %arg12[%add3A_7, %dma_start3A_35] : memref<10112x128xf32, #tpu.memory_space<vmem_shared>> -> memref<64x128xf32, #tpu.memory_space<vmem_shared>>
      tpu.enqueue_dma source(%arg8 : memref<64x128xf32, #tpu.memory_space<vmem>>) target(%dma_start3A_36 : memref<64x128xf32, #tpu.memory_space<vmem_shared>>) target_semaphore(%run_scoped3A : memref<!tpu.dma_semaphore, #tpu.memory_space<semaphore_mem>>)
      %dma_wait3A = arith.constant 0 : i32
      %dma_wait3A_37 = tpu.memref_slice %arg12[%add3A_7, %dma_wait3A] : memref<10112x128xf32, #tpu.memory_space<vmem_shared>> -> memref<64x128xf32, #tpu.memory_space<vmem_shared>>
      %dma_wait3A_38 = arith.constant 0 : i32
      %dma_wait3A_39 = tpu.memref_slice %arg12[%add3A_7, %dma_wait3A_38] : memref<10112x128xf32, #tpu.memory_space<vmem_shared>> -> memref<64x128xf32, #tpu.memory_space<vmem_shared>>
      tpu.wait_dma2 semaphore(%run_scoped3A : memref<!tpu.dma_semaphore, #tpu.memory_space<semaphore_mem>>) src(%arg8 : memref<64x128xf32, #tpu.memory_space<vmem>>) dst(%dma_wait3A_39 : memref<64x128xf32, #tpu.memory_space<vmem_shared>>)
      tpu.yield
    }) : () -> ()
    %add3A_8 = arith.constant 64 : i32
    %add3A_9 = arith.addi %mul3A_6, %add3A_8 : i32
    "tpu.region"() ({
      %run_scoped3A = tpu.sem_alloc : memref<!tpu.dma_semaphore, #tpu.memory_space<semaphore_mem>>
      %dma_start3A = arith.constant 0 : i32
      %dma_start3A_34 = tpu.memref_slice %arg12[%add3A_9, %dma_start3A] : memref<10112x128xf32, #tpu.memory_space<vmem_shared>> -> memref<64x128xf32, #tpu.memory_space<vmem_shared>>
      %dma_start3A_35 = arith.constant 0 : i32
      %dma_start3A_36 = tpu.memref_slice %arg12[%add3A_9, %dma_start3A_35] : memref<10112x128xf32, #tpu.memory_space<vmem_shared>> -> memref<64x128xf32, #tpu.memory_space<vmem_shared>>
      tpu.enqueue_dma source(%arg8 : memref<64x128xf32, #tpu.memory_space<vmem>>) target(%dma_start3A_36 : memref<64x128xf32, #tpu.memory_space<vmem_shared>>) target_semaphore(%run_scoped3A : memref<!tpu.dma_semaphore, #tpu.memory_space<semaphore_mem>>)
      %dma_wait3A = arith.constant 0 : i32
      %dma_wait3A_37 = tpu.memref_slice %arg12[%add3A_9, %dma_wait3A] : memref<10112x128xf32, #tpu.memory_space<vmem_shared>> -> memref<64x128xf32, #tpu.memory_space<vmem_shared>>
      %dma_wait3A_38 = arith.constant 0 : i32
      %dma_wait3A_39 = tpu.memref_slice %arg12[%add3A_9, %dma_wait3A_38] : memref<10112x128xf32, #tpu.memory_space<vmem_shared>> -> memref<64x128xf32, #tpu.memory_space<vmem_shared>>
      tpu.wait_dma2 semaphore(%run_scoped3A : memref<!tpu.dma_semaphore, #tpu.memory_space<semaphore_mem>>) src(%arg8 : memref<64x128xf32, #tpu.memory_space<vmem>>) dst(%dma_wait3A_39 : memref<64x128xf32, #tpu.memory_space<vmem_shared>>)
      tpu.yield
    }) : () -> ()
    %add3A_10 = arith.constant 128 : i32
    %add3A_11 = arith.addi %mul3A_6, %add3A_10 : i32
    "tpu.region"() ({
      %run_scoped3A = tpu.sem_alloc : memref<!tpu.dma_semaphore, #tpu.memory_space<semaphore_mem>>
      %dma_start3A = arith.constant 0 : i32
      %dma_start3A_34 = tpu.memref_slice %arg12[%add3A_11, %dma_start3A] : memref<10112x128xf32, #tpu.memory_space<vmem_shared>> -> memref<64x128xf32, #tpu.memory_space<vmem_shared>>
      %dma_start3A_35 = arith.constant 0 : i32
      %dma_start3A_36 = tpu.memref_slice %arg12[%add3A_11, %dma_start3A_35] : memref<10112x128xf32, #tpu.memory_space<vmem_shared>> -> memref<64x128xf32, #tpu.memory_space<vmem_shared>>
      tpu.enqueue_dma source(%arg8 : memref<64x128xf32, #tpu.memory_space<vmem>>) target(%dma_start3A_36 : memref<64x128xf32, #tpu.memory_space<vmem_shared>>) target_semaphore(%run_scoped3A : memref<!tpu.dma_semaphore, #tpu.memory_space<semaphore_mem>>)
      %dma_wait3A = arith.constant 0 : i32
      %dma_wait3A_37 = tpu.memref_slice %arg12[%add3A_11, %dma_wait3A] : memref<10112x128xf32, #tpu.memory_space<vmem_shared>> -> memref<64x128xf32, #tpu.memory_space<vmem_shared>>
      %dma_wait3A_38 = arith.constant 0 : i32
      %dma_wait3A_39 = tpu.memref_slice %arg12[%add3A_11, %dma_wait3A_38] : memref<10112x128xf32, #tpu.memory_space<vmem_shared>> -> memref<64x128xf32, #tpu.memory_space<vmem_shared>>
      tpu.wait_dma2 semaphore(%run_scoped3A : memref<!tpu.dma_semaphore, #tpu.memory_space<semaphore_mem>>) src(%arg8 : memref<64x128xf32, #tpu.memory_space<vmem>>) dst(%dma_wait3A_39 : memref<64x128xf32, #tpu.memory_space<vmem_shared>>)
      tpu.yield
    }) : () -> ()
    %add3A_12 = arith.constant 192 : i32
    %add3A_13 = arith.addi %mul3A_6, %add3A_12 : i32
    "tpu.region"() ({
      %run_scoped3A = tpu.sem_alloc : memref<!tpu.dma_semaphore, #tpu.memory_space<semaphore_mem>>
      %dma_start3A = arith.constant 0 : i32
      %dma_start3A_34 = tpu.memref_slice %arg12[%add3A_13, %dma_start3A] : memref<10112x128xf32, #tpu.memory_space<vmem_shared>> -> memref<64x128xf32, #tpu.memory_space<vmem_shared>>
      %dma_start3A_35 = arith.constant 0 : i32
      %dma_start3A_36 = tpu.memref_slice %arg12[%add3A_13, %dma_start3A_35] : memref<10112x128xf32, #tpu.memory_space<vmem_shared>> -> memref<64x128xf32, #tpu.memory_space<vmem_shared>>
      tpu.enqueue_dma source(%arg8 : memref<64x128xf32, #tpu.memory_space<vmem>>) target(%dma_start3A_36 : memref<64x128xf32, #tpu.memory_space<vmem_shared>>) target_semaphore(%run_scoped3A : memref<!tpu.dma_semaphore, #tpu.memory_space<semaphore_mem>>)
      %dma_wait3A = arith.constant 0 : i32
      %dma_wait3A_37 = tpu.memref_slice %arg12[%add3A_13, %dma_wait3A] : memref<10112x128xf32, #tpu.memory_space<vmem_shared>> -> memref<64x128xf32, #tpu.memory_space<vmem_shared>>
      %dma_wait3A_38 = arith.constant 0 : i32
      %dma_wait3A_39 = tpu.memref_slice %arg12[%add3A_13, %dma_wait3A_38] : memref<10112x128xf32, #tpu.memory_space<vmem_shared>> -> memref<64x128xf32, #tpu.memory_space<vmem_shared>>
      tpu.wait_dma2 semaphore(%run_scoped3A : memref<!tpu.dma_semaphore, #tpu.memory_space<semaphore_mem>>) src(%arg8 : memref<64x128xf32, #tpu.memory_space<vmem>>) dst(%dma_wait3A_39 : memref<64x128xf32, #tpu.memory_space<vmem_shared>>)
      tpu.yield
    }) : () -> ()
    %add3A_14 = arith.constant 256 : i32
    %add3A_15 = arith.addi %mul3A_6, %add3A_14 : i32
    "tpu.region"() ({
      %run_scoped3A = tpu.sem_alloc : memref<!tpu.dma_semaphore, #tpu.memory_space<semaphore_mem>>
      %dma_start3A = arith.constant 0 : i32
      %dma_start3A_34 = tpu.memref_slice %arg12[%add3A_15, %dma_start3A] : memref<10112x128xf32, #tpu.memory_space<vmem_shared>> -> memref<64x128xf32, #tpu.memory_space<vmem_shared>>
      %dma_start3A_35 = arith.constant 0 : i32
      %dma_start3A_36 = tpu.memref_slice %arg12[%add3A_15, %dma_start3A_35] : memref<10112x128xf32, #tpu.memory_space<vmem_shared>> -> memref<64x128xf32, #tpu.memory_space<vmem_shared>>
      tpu.enqueue_dma source(%arg8 : memref<64x128xf32, #tpu.memory_space<vmem>>) target(%dma_start3A_36 : memref<64x128xf32, #tpu.memory_space<vmem_shared>>) target_semaphore(%run_scoped3A : memref<!tpu.dma_semaphore, #tpu.memory_space<semaphore_mem>>)
      %dma_wait3A = arith.constant 0 : i32
      %dma_wait3A_37 = tpu.memref_slice %arg12[%add3A_15, %dma_wait3A] : memref<10112x128xf32, #tpu.memory_space<vmem_shared>> -> memref<64x128xf32, #tpu.memory_space<vmem_shared>>
      %dma_wait3A_38 = arith.constant 0 : i32
      %dma_wait3A_39 = tpu.memref_slice %arg12[%add3A_15, %dma_wait3A_38] : memref<10112x128xf32, #tpu.memory_space<vmem_shared>> -> memref<64x128xf32, #tpu.memory_space<vmem_shared>>
      tpu.wait_dma2 semaphore(%run_scoped3A : memref<!tpu.dma_semaphore, #tpu.memory_space<semaphore_mem>>) src(%arg8 : memref<64x128xf32, #tpu.memory_space<vmem>>) dst(%dma_wait3A_39 : memref<64x128xf32, #tpu.memory_space<vmem_shared>>)
      tpu.yield
    }) : () -> ()
    %add3A_16 = arith.constant 320 : i32
    %add3A_17 = arith.addi %mul3A_6, %add3A_16 : i32
    "tpu.region"() ({
      %run_scoped3A = tpu.sem_alloc : memref<!tpu.dma_semaphore, #tpu.memory_space<semaphore_mem>>
      %dma_start3A = arith.constant 0 : i32
      %dma_start3A_34 = tpu.memref_slice %arg12[%add3A_17, %dma_start3A] : memref<10112x128xf32, #tpu.memory_space<vmem_shared>> -> memref<64x128xf32, #tpu.memory_space<vmem_shared>>
      %dma_start3A_35 = arith.constant 0 : i32
      %dma_start3A_36 = tpu.memref_slice %arg12[%add3A_17, %dma_start3A_35] : memref<10112x128xf32, #tpu.memory_space<vmem_shared>> -> memref<64x128xf32, #tpu.memory_space<vmem_shared>>
      tpu.enqueue_dma source(%arg8 : memref<64x128xf32, #tpu.memory_space<vmem>>) target(%dma_start3A_36 : memref<64x128xf32, #tpu.memory_space<vmem_shared>>) target_semaphore(%run_scoped3A : memref<!tpu.dma_semaphore, #tpu.memory_space<semaphore_mem>>)
      %dma_wait3A = arith.constant 0 : i32
      %dma_wait3A_37 = tpu.memref_slice %arg12[%add3A_17, %dma_wait3A] : memref<10112x128xf32, #tpu.memory_space<vmem_shared>> -> memref<64x128xf32, #tpu.memory_space<vmem_shared>>
      %dma_wait3A_38 = arith.constant 0 : i32
      %dma_wait3A_39 = tpu.memref_slice %arg12[%add3A_17, %dma_wait3A_38] : memref<10112x128xf32, #tpu.memory_space<vmem_shared>> -> memref<64x128xf32, #tpu.memory_space<vmem_shared>>
      tpu.wait_dma2 semaphore(%run_scoped3A : memref<!tpu.dma_semaphore, #tpu.memory_space<semaphore_mem>>) src(%arg8 : memref<64x128xf32, #tpu.memory_space<vmem>>) dst(%dma_wait3A_39 : memref<64x128xf32, #tpu.memory_space<vmem_shared>>)
      tpu.yield
    }) : () -> ()
    %add3A_18 = arith.constant 384 : i32
    %add3A_19 = arith.addi %mul3A_6, %add3A_18 : i32
    "tpu.region"() ({
      %run_scoped3A = tpu.sem_alloc : memref<!tpu.dma_semaphore, #tpu.memory_space<semaphore_mem>>
      %dma_start3A = arith.constant 0 : i32
      %dma_start3A_34 = tpu.memref_slice %arg12[%add3A_19, %dma_start3A] : memref<10112x128xf32, #tpu.memory_space<vmem_shared>> -> memref<64x128xf32, #tpu.memory_space<vmem_shared>>
      %dma_start3A_35 = arith.constant 0 : i32
      %dma_start3A_36 = tpu.memref_slice %arg12[%add3A_19, %dma_start3A_35] : memref<10112x128xf32, #tpu.memory_space<vmem_shared>> -> memref<64x128xf32, #tpu.memory_space<vmem_shared>>
      tpu.enqueue_dma source(%arg8 : memref<64x128xf32, #tpu.memory_space<vmem>>) target(%dma_start3A_36 : memref<64x128xf32, #tpu.memory_space<vmem_shared>>) target_semaphore(%run_scoped3A : memref<!tpu.dma_semaphore, #tpu.memory_space<semaphore_mem>>)
      %dma_wait3A = arith.constant 0 : i32
      %dma_wait3A_37 = tpu.memref_slice %arg12[%add3A_19, %dma_wait3A] : memref<10112x128xf32, #tpu.memory_space<vmem_shared>> -> memref<64x128xf32, #tpu.memory_space<vmem_shared>>
      %dma_wait3A_38 = arith.constant 0 : i32
      %dma_wait3A_39 = tpu.memref_slice %arg12[%add3A_19, %dma_wait3A_38] : memref<10112x128xf32, #tpu.memory_space<vmem_shared>> -> memref<64x128xf32, #tpu.memory_space<vmem_shared>>
      tpu.wait_dma2 semaphore(%run_scoped3A : memref<!tpu.dma_semaphore, #tpu.memory_space<semaphore_mem>>) src(%arg8 : memref<64x128xf32, #tpu.memory_space<vmem>>) dst(%dma_wait3A_39 : memref<64x128xf32, #tpu.memory_space<vmem_shared>>)
      tpu.yield
    }) : () -> ()
    %add3A_20 = arith.constant 448 : i32
    %add3A_21 = arith.addi %mul3A_6, %add3A_20 : i32
    "tpu.region"() ({
      %run_scoped3A = tpu.sem_alloc : memref<!tpu.dma_semaphore, #tpu.memory_space<semaphore_mem>>
      %dma_start3A = arith.constant 0 : i32
      %dma_start3A_34 = tpu.memref_slice %arg12[%add3A_21, %dma_start3A] : memref<10112x128xf32, #tpu.memory_space<vmem_shared>> -> memref<64x128xf32, #tpu.memory_space<vmem_shared>>
      %dma_start3A_35 = arith.constant 0 : i32
      %dma_start3A_36 = tpu.memref_slice %arg12[%add3A_21, %dma_start3A_35] : memref<10112x128xf32, #tpu.memory_space<vmem_shared>> -> memref<64x128xf32, #tpu.memory_space<vmem_shared>>
      tpu.enqueue_dma source(%arg8 : memref<64x128xf32, #tpu.memory_space<vmem>>) target(%dma_start3A_36 : memref<64x128xf32, #tpu.memory_space<vmem_shared>>) target_semaphore(%run_scoped3A : memref<!tpu.dma_semaphore, #tpu.memory_space<semaphore_mem>>)
      %dma_wait3A = arith.constant 0 : i32
      %dma_wait3A_37 = tpu.memref_slice %arg12[%add3A_21, %dma_wait3A] : memref<10112x128xf32, #tpu.memory_space<vmem_shared>> -> memref<64x128xf32, #tpu.memory_space<vmem_shared>>
      %dma_wait3A_38 = arith.constant 0 : i32
      %dma_wait3A_39 = tpu.memref_slice %arg12[%add3A_21, %dma_wait3A_38] : memref<10112x128xf32, #tpu.memory_space<vmem_shared>> -> memref<64x128xf32, #tpu.memory_space<vmem_shared>>
      tpu.wait_dma2 semaphore(%run_scoped3A : memref<!tpu.dma_semaphore, #tpu.memory_space<semaphore_mem>>) src(%arg8 : memref<64x128xf32, #tpu.memory_space<vmem>>) dst(%dma_wait3A_39 : memref<64x128xf32, #tpu.memory_space<vmem_shared>>)
      tpu.yield
    }) : () -> ()
    %add3A_22 = arith.constant 512 : i32
    %add3A_23 = arith.addi %mul3A_6, %add3A_22 : i32
    "tpu.region"() ({
      %run_scoped3A = tpu.sem_alloc : memref<!tpu.dma_semaphore, #tpu.memory_space<semaphore_mem>>
      %dma_start3A = arith.constant 0 : i32
      %dma_start3A_34 = tpu.memref_slice %arg12[%add3A_23, %dma_start3A] : memref<10112x128xf32, #tpu.memory_space<vmem_shared>> -> memref<64x128xf32, #tpu.memory_space<vmem_shared>>
      %dma_start3A_35 = arith.constant 0 : i32
      %dma_start3A_36 = tpu.memref_slice %arg12[%add3A_23, %dma_start3A_35] : memref<10112x128xf32, #tpu.memory_space<vmem_shared>> -> memref<64x128xf32, #tpu.memory_space<vmem_shared>>
      tpu.enqueue_dma source(%arg8 : memref<64x128xf32, #tpu.memory_space<vmem>>) target(%dma_start3A_36 : memref<64x128xf32, #tpu.memory_space<vmem_shared>>) target_semaphore(%run_scoped3A : memref<!tpu.dma_semaphore, #tpu.memory_space<semaphore_mem>>)
      %dma_wait3A = arith.constant 0 : i32
      %dma_wait3A_37 = tpu.memref_slice %arg12[%add3A_23, %dma_wait3A] : memref<10112x128xf32, #tpu.memory_space<vmem_shared>> -> memref<64x128xf32, #tpu.memory_space<vmem_shared>>
      %dma_wait3A_38 = arith.constant 0 : i32
      %dma_wait3A_39 = tpu.memref_slice %arg12[%add3A_23, %dma_wait3A_38] : memref<10112x128xf32, #tpu.memory_space<vmem_shared>> -> memref<64x128xf32, #tpu.memory_space<vmem_shared>>
      tpu.wait_dma2 semaphore(%run_scoped3A : memref<!tpu.dma_semaphore, #tpu.memory_space<semaphore_mem>>) src(%arg8 : memref<64x128xf32, #tpu.memory_space<vmem>>) dst(%dma_wait3A_39 : memref<64x128xf32, #tpu.memory_space<vmem_shared>>)
      tpu.yield
    }) : () -> ()
    %add3A_24 = arith.constant 576 : i32
    %add3A_25 = arith.addi %mul3A_6, %add3A_24 : i32
    "tpu.region"() ({
      %run_scoped3A = tpu.sem_alloc : memref<!tpu.dma_semaphore, #tpu.memory_space<semaphore_mem>>
      %dma_start3A = arith.constant 0 : i32
      %dma_start3A_34 = arith.constant 0 : i32
      %dma_start3A_35 = tpu.memref_slice %arg8[%dma_start3A, %dma_start3A_34] : memref<64x128xf32, #tpu.memory_space<vmem>> -> memref<56x128xf32, #tpu.memory_space<vmem>>
      %dma_start3A_36 = arith.constant 0 : i32
      %dma_start3A_37 = tpu.memref_slice %arg12[%add3A_25, %dma_start3A_36] : memref<10112x128xf32, #tpu.memory_space<vmem_shared>> -> memref<56x128xf32, #tpu.memory_space<vmem_shared>>
      %dma_start3A_38 = arith.constant 0 : i32
      %dma_start3A_39 = tpu.memref_slice %arg12[%add3A_25, %dma_start3A_38] : memref<10112x128xf32, #tpu.memory_space<vmem_shared>> -> memref<56x128xf32, #tpu.memory_space<vmem_shared>>
      %dma_start3A_40 = arith.constant 0 : i32
      %dma_start3A_41 = arith.constant 0 : i32
      %dma_start3A_42 = tpu.memref_slice %arg8[%dma_start3A_40, %dma_start3A_41] : memref<64x128xf32, #tpu.memory_space<vmem>> -> memref<56x128xf32, #tpu.memory_space<vmem>>
      tpu.enqueue_dma source(%dma_start3A_42 : memref<56x128xf32, #tpu.memory_space<vmem>>) target(%dma_start3A_39 : memref<56x128xf32, #tpu.memory_space<vmem_shared>>) target_semaphore(%run_scoped3A : memref<!tpu.dma_semaphore, #tpu.memory_space<semaphore_mem>>)
      %dma_wait3A = arith.constant 0 : i32
      %dma_wait3A_43 = arith.constant 0 : i32
      %dma_wait3A_44 = tpu.memref_slice %arg8[%dma_wait3A, %dma_wait3A_43] : memref<64x128xf32, #tpu.memory_space<vmem>> -> memref<56x128xf32, #tpu.memory_space<vmem>>
      %dma_wait3A_45 = arith.constant 0 : i32
      %dma_wait3A_46 = tpu.memref_slice %arg12[%add3A_25, %dma_wait3A_45] : memref<10112x128xf32, #tpu.memory_space<vmem_shared>> -> memref<56x128xf32, #tpu.memory_space<vmem_shared>>
      %dma_wait3A_47 = arith.constant 0 : i32
      %dma_wait3A_48 = tpu.memref_slice %arg12[%add3A_25, %dma_wait3A_47] : memref<10112x128xf32, #tpu.memory_space<vmem_shared>> -> memref<56x128xf32, #tpu.memory_space<vmem_shared>>
      %dma_wait3A_49 = arith.constant 0 : i32
      %dma_wait3A_50 = arith.constant 0 : i32
      %dma_wait3A_51 = tpu.memref_slice %arg8[%dma_wait3A_49, %dma_wait3A_50] : memref<64x128xf32, #tpu.memory_space<vmem>> -> memref<56x128xf32, #tpu.memory_space<vmem>>
      tpu.wait_dma2 semaphore(%run_scoped3A : memref<!tpu.dma_semaphore, #tpu.memory_space<semaphore_mem>>) src(%dma_wait3A_51 : memref<56x128xf32, #tpu.memory_space<vmem>>) dst(%dma_wait3A_48 : memref<56x128xf32, #tpu.memory_space<vmem_shared>>)
      tpu.yield
    }) : () -> ()
    %barrier3A = arith.constant 0 : index
    tpu.barrier barrier_id(%barrier3A)
    %eq3A = arith.constant 0 : i32
    %eq3A_26 = arith.cmpi eq, %arg0, %eq3A : i32
    %convert_element_type3A = arith.extui %eq3A_26 : i1 to i32
    %cond3A = arith.constant 0 : i32
    %cond3A_27 = arith.cmpi ne, %convert_element_type3A, %cond3A : i32
    scf.if %cond3A_27 {
      %mul3A_34 = arith.constant 32 : i32
      %mul3A_35 = arith.muli %arg1, %mul3A_34 : i32
      %add3A_36 = arith.constant 0 : i32
      %add3A_37 = arith.addi %mul3A_35, %add3A_36 : i32
      "tpu.region"() ({
        %run_scoped3A = tpu.sem_alloc : memref<!tpu.dma_semaphore, #tpu.memory_space<semaphore_mem>>
        %dma_start3A_70 = arith.constant 0 : i32
        %dma_start3A_71 = arith.constant 0 : i32
        %dma_start3A_72 = tpu.memref_slice %arg6[%dma_start3A_70, %dma_start3A_71] : memref<64x64xi32, #tpu.memory_space<vmem>> -> memref<32x64xi32, #tpu.memory_space<vmem>>
        %dma_start3A_73 = arith.constant 0 : i32
        %dma_start3A_74 = tpu.memref_slice %arg3[%add3A_37, %dma_start3A_73] : memref<2560x64xi32, #tpu.memory_space<hbm>> -> memref<32x64xi32, #tpu.memory_space<hbm>>
        %dma_start3A_75 = arith.constant 0 : i32
        %dma_start3A_76 = arith.constant 0 : i32
        %dma_start3A_77 = tpu.memref_slice %arg6[%dma_start3A_75, %dma_start3A_76] : memref<64x64xi32, #tpu.memory_space<vmem>> -> memref<32x64xi32, #tpu.memory_space<vmem>>
        %dma_start3A_78 = arith.constant 0 : i32
        %dma_start3A_79 = tpu.memref_slice %arg3[%add3A_37, %dma_start3A_78] : memref<2560x64xi32, #tpu.memory_space<hbm>> -> memref<32x64xi32, #tpu.memory_space<hbm>>
        tpu.enqueue_dma source(%dma_start3A_79 : memref<32x64xi32, #tpu.memory_space<hbm>>) target(%dma_start3A_77 : memref<32x64xi32, #tpu.memory_space<vmem>>) target_semaphore(%run_scoped3A : memref<!tpu.dma_semaphore, #tpu.memory_space<semaphore_mem>>)
        %dma_wait3A_80 = arith.constant 0 : i32
        %dma_wait3A_81 = arith.constant 0 : i32
        %dma_wait3A_82 = tpu.memref_slice %arg6[%dma_wait3A_80, %dma_wait3A_81] : memref<64x64xi32, #tpu.memory_space<vmem>> -> memref<32x64xi32, #tpu.memory_space<vmem>>
        %dma_wait3A_83 = arith.constant 0 : i32
        %dma_wait3A_84 = tpu.memref_slice %arg3[%add3A_37, %dma_wait3A_83] : memref<2560x64xi32, #tpu.memory_space<hbm>> -> memref<32x64xi32, #tpu.memory_space<hbm>>
        %dma_wait3A_85 = arith.constant 0 : i32
        %dma_wait3A_86 = arith.constant 0 : i32
        %dma_wait3A_87 = tpu.memref_slice %arg6[%dma_wait3A_85, %dma_wait3A_86] : memref<64x64xi32, #tpu.memory_space<vmem>> -> memref<32x64xi32, #tpu.memory_space<vmem>>
        %dma_wait3A_88 = arith.constant 0 : i32
        %dma_wait3A_89 = tpu.memref_slice %arg3[%add3A_37, %dma_wait3A_88] : memref<2560x64xi32, #tpu.memory_space<hbm>> -> memref<32x64xi32, #tpu.memory_space<hbm>>
        tpu.wait_dma2 semaphore(%run_scoped3A : memref<!tpu.dma_semaphore, #tpu.memory_space<semaphore_mem>>) src(%dma_wait3A_89 : memref<32x64xi32, #tpu.memory_space<hbm>>) dst(%dma_wait3A_87 : memref<32x64xi32, #tpu.memory_space<vmem>>)
        tpu.yield
      }) : () -> ()
      "tpu.region"() ({
        %run_scoped3A = tpu.sem_alloc : memref<!tpu.dma_semaphore, #tpu.memory_space<semaphore_mem>>
        %dma_start3A_70 = arith.constant 0 : i32
        %dma_start3A_71 = arith.constant 0 : i32
        %dma_start3A_72 = tpu.memref_slice %arg7[%dma_start3A_70, %dma_start3A_71] : memref<64x64xi32, #tpu.memory_space<vmem>> -> memref<32x64xi32, #tpu.memory_space<vmem>>
        %dma_start3A_73 = arith.constant 0 : i32
        %dma_start3A_74 = tpu.memref_slice %arg4[%add3A_37, %dma_start3A_73] : memref<2560x64xi32, #tpu.memory_space<hbm>> -> memref<32x64xi32, #tpu.memory_space<hbm>>
        %dma_start3A_75 = arith.constant 0 : i32
        %dma_start3A_76 = arith.constant 0 : i32
        %dma_start3A_77 = tpu.memref_slice %arg7[%dma_start3A_75, %dma_start3A_76] : memref<64x64xi32, #tpu.memory_space<vmem>> -> memref<32x64xi32, #tpu.memory_space<vmem>>
        %dma_start3A_78 = arith.constant 0 : i32
        %dma_start3A_79 = tpu.memref_slice %arg4[%add3A_37, %dma_start3A_78] : memref<2560x64xi32, #tpu.memory_space<hbm>> -> memref<32x64xi32, #tpu.memory_space<hbm>>
        tpu.enqueue_dma source(%dma_start3A_79 : memref<32x64xi32, #tpu.memory_space<hbm>>) target(%dma_start3A_77 : memref<32x64xi32, #tpu.memory_space<vmem>>) target_semaphore(%run_scoped3A : memref<!tpu.dma_semaphore, #tpu.memory_space<semaphore_mem>>)
        %dma_wait3A_80 = arith.constant 0 : i32
        %dma_wait3A_81 = arith.constant 0 : i32
        %dma_wait3A_82 = tpu.memref_slice %arg7[%dma_wait3A_80, %dma_wait3A_81] : memref<64x64xi32, #tpu.memory_space<vmem>> -> memref<32x64xi32, #tpu.memory_space<vmem>>
        %dma_wait3A_83 = arith.constant 0 : i32
        %dma_wait3A_84 = tpu.memref_slice %arg4[%add3A_37, %dma_wait3A_83] : memref<2560x64xi32, #tpu.memory_space<hbm>> -> memref<32x64xi32, #tpu.memory_space<hbm>>
        %dma_wait3A_85 = arith.constant 0 : i32
        %dma_wait3A_86 = arith.constant 0 : i32
        %dma_wait3A_87 = tpu.memref_slice %arg7[%dma_wait3A_85, %dma_wait3A_86] : memref<64x64xi32, #tpu.memory_space<vmem>> -> memref<32x64xi32, #tpu.memory_space<vmem>>
        %dma_wait3A_88 = arith.constant 0 : i32
        %dma_wait3A_89 = tpu.memref_slice %arg4[%add3A_37, %dma_wait3A_88] : memref<2560x64xi32, #tpu.memory_space<hbm>> -> memref<32x64xi32, #tpu.memory_space<hbm>>
        tpu.wait_dma2 semaphore(%run_scoped3A : memref<!tpu.dma_semaphore, #tpu.memory_space<semaphore_mem>>) src(%dma_wait3A_89 : memref<32x64xi32, #tpu.memory_space<hbm>>) dst(%dma_wait3A_87 : memref<32x64xi32, #tpu.memory_space<vmem>>)
        tpu.yield
      }) : () -> ()
      %dma_start3A = arith.constant 0 : i32
      %dma_start3A_38 = arith.constant 0 : i32
      %dma_start3A_39 = tpu.memref_slice %arg6[%dma_start3A, %dma_start3A_38] : memref<64x64xi32, #tpu.memory_space<vmem>> -> memref<1x64xi32, #tpu.memory_space<vmem>>
      %dma_start3A_40 = tpu.memref_squeeze %dma_start3A_39 : memref<1x64xi32, #tpu.memory_space<vmem>> -> memref<64xi32, #tpu.memory_space<vmem>>
      %dma_start3A_41 = arith.constant 0 : i32
      %dma_start3A_42 = arith.constant 0 : i32
      %dma_start3A_43 = tpu.memref_slice %arg2[%dma_start3A_41, %dma_start3A_42] : memref<10240x128xf32, #tpu.memory_space<hbm>> -> memref<10240x128xf32, #tpu.memory_space<hbm>>
      tpu.enqueue_indirect_dma source(%dma_start3A_43 : memref<10240x128xf32, #tpu.memory_space<hbm>>) target(%arg8 : memref<64x128xf32, #tpu.memory_space<vmem>>) offsets(%dma_start3A_40 : memref<64xi32, #tpu.memory_space<vmem>>) semaphore(%arg13 : memref<!tpu.dma_semaphore, #tpu.memory_space<semaphore_mem>>)
      %dma_start3A_44 = arith.constant 1 : i32
      %dma_start3A_45 = arith.constant 0 : i32
      %dma_start3A_46 = tpu.memref_slice %arg6[%dma_start3A_44, %dma_start3A_45] : memref<64x64xi32, #tpu.memory_space<vmem>> -> memref<1x64xi32, #tpu.memory_space<vmem>>
      %dma_start3A_47 = tpu.memref_squeeze %dma_start3A_46 : memref<1x64xi32, #tpu.memory_space<vmem>> -> memref<64xi32, #tpu.memory_space<vmem>>
      %dma_start3A_48 = arith.constant 0 : i32
      %dma_start3A_49 = arith.constant 0 : i32
      %dma_start3A_50 = tpu.memref_slice %arg2[%dma_start3A_48, %dma_start3A_49] : memref<10240x128xf32, #tpu.memory_space<hbm>> -> memref<10240x128xf32, #tpu.memory_space<hbm>>
      tpu.enqueue_indirect_dma source(%dma_start3A_50 : memref<10240x128xf32, #tpu.memory_space<hbm>>) target(%arg9 : memref<64x128xf32, #tpu.memory_space<vmem>>) offsets(%dma_start3A_47 : memref<64xi32, #tpu.memory_space<vmem>>) semaphore(%arg13 : memref<!tpu.dma_semaphore, #tpu.memory_space<semaphore_mem>>)
      %scan3A_51 = arith.constant 0 : i32
      %scan3A_52 = arith.constant 0 : i32
      %scan3A_53 = arith.constant 8 : i32
      %scan3A_54 = arith.addi %scan3A_52, %scan3A_53 : i32
      %scan3A_55 = arith.constant 1 : i32
      scf.for %scan3A_70 = %scan3A_52 to %scan3A_54 step %scan3A_55  : i32 {
        %mul3A_71 = arith.constant 4 : i32
        %mul3A_72 = arith.muli %scan3A_70, %mul3A_71 : i32
        %add3A_73 = arith.constant 0 : i32
        %add3A_74 = arith.addi %mul3A_72, %add3A_73 : i32
        %dma_wait3A_75 = arith.constant 0 : i32
        %dma_wait3A_76 = tpu.memref_slice %arg6[%add3A_74, %dma_wait3A_75] : memref<64x64xi32, #tpu.memory_space<vmem>> -> memref<1x64xi32, #tpu.memory_space<vmem>>
        %dma_wait3A_77 = tpu.memref_squeeze %dma_wait3A_76 : memref<1x64xi32, #tpu.memory_space<vmem>> -> memref<64xi32, #tpu.memory_space<vmem>>
        %dma_wait3A_78 = arith.constant 0 : i32
        %dma_wait3A_79 = arith.constant 0 : i32
        %dma_wait3A_80 = tpu.memref_slice %arg2[%dma_wait3A_78, %dma_wait3A_79] : memref<10240x128xf32, #tpu.memory_space<hbm>> -> memref<10240x128xf32, #tpu.memory_space<hbm>>
        tpu.wait_indirect_dma semaphore(%arg13 : memref<!tpu.dma_semaphore, #tpu.memory_space<semaphore_mem>>) src(%dma_wait3A_80 : memref<10240x128xf32, #tpu.memory_space<hbm>>) dst(%arg8 : memref<64x128xf32, #tpu.memory_space<vmem>>)
        %dma_start3A_81 = arith.constant 0 : i32
        %dma_start3A_82 = tpu.memref_slice %arg7[%add3A_74, %dma_start3A_81] : memref<64x64xi32, #tpu.memory_space<vmem>> -> memref<1x64xi32, #tpu.memory_space<vmem>>
        %dma_start3A_83 = tpu.memref_squeeze %dma_start3A_82 : memref<1x64xi32, #tpu.memory_space<vmem>> -> memref<64xi32, #tpu.memory_space<vmem>>
        %dma_start3A_84 = arith.constant 0 : i32
        %dma_start3A_85 = arith.constant 0 : i32
        %dma_start3A_86 = tpu.memref_slice %arg12[%dma_start3A_84, %dma_start3A_85] : memref<10112x128xf32, #tpu.memory_space<vmem_shared>> -> memref<10112x128xf32, #tpu.memory_space<vmem_shared>>
        tpu.enqueue_indirect_dma source(%arg8 : memref<64x128xf32, #tpu.memory_space<vmem>>) target(%dma_start3A_86 : memref<10112x128xf32, #tpu.memory_space<vmem_shared>>) offsets(%dma_start3A_83 : memref<64xi32, #tpu.memory_space<vmem>>) semaphore(%arg14 : memref<!tpu.dma_semaphore, #tpu.memory_space<semaphore_mem>>) {add = true}
        %add3A_87 = arith.constant 2 : i32
        %add3A_88 = arith.addi %add3A_74, %add3A_87 : i32
        %sub3A = arith.constant 4 : i32
        %sub3A_89 = arith.subi %add3A_88, %sub3A : i32
        %ge3A = arith.constant 0 : i32
        %ge3A_90 = arith.cmpi sge, %sub3A_89, %ge3A : i32
        %convert_element_type3A_91 = arith.extui %ge3A_90 : i1 to i32
        %cond3A_92 = arith.constant 0 : i32
        %cond3A_93 = arith.cmpi ne, %convert_element_type3A_91, %cond3A_92 : i32
        scf.if %cond3A_93 {
          %sub3A_188 = arith.constant 4 : i32
          %sub3A_189 = arith.subi %add3A_88, %sub3A_188 : i32
          %dma_wait3A_190 = arith.constant 0 : i32
          %dma_wait3A_191 = tpu.memref_slice %arg7[%sub3A_189, %dma_wait3A_190] : memref<64x64xi32, #tpu.memory_space<vmem>> -> memref<1x64xi32, #tpu.memory_space<vmem>>
          %dma_wait3A_192 = tpu.memref_squeeze %dma_wait3A_191 : memref<1x64xi32, #tpu.memory_space<vmem>> -> memref<64xi32, #tpu.memory_space<vmem>>
          %dma_wait3A_193 = arith.constant 0 : i32
          %dma_wait3A_194 = arith.constant 0 : i32
          %dma_wait3A_195 = tpu.memref_slice %arg12[%dma_wait3A_193, %dma_wait3A_194] : memref<10112x128xf32, #tpu.memory_space<vmem_shared>> -> memref<10112x128xf32, #tpu.memory_space<vmem_shared>>
          tpu.wait_indirect_dma semaphore(%arg14 : memref<!tpu.dma_semaphore, #tpu.memory_space<semaphore_mem>>) src(%arg10 : memref<64x128xf32, #tpu.memory_space<vmem>>) dst(%dma_wait3A_195 : memref<10112x128xf32, #tpu.memory_space<vmem_shared>>)
        } else {
        }
        %lt3A = arith.constant 32 : i32
        %lt3A_94 = arith.cmpi slt, %add3A_88, %lt3A : i32
        %convert_element_type3A_95 = arith.extui %lt3A_94 : i1 to i32
        %cond3A_96 = arith.constant 0 : i32
        %cond3A_97 = arith.cmpi ne, %convert_element_type3A_95, %cond3A_96 : i32
        scf.if %cond3A_97 {
          %dma_start3A_188 = arith.constant 0 : i32
          %dma_start3A_189 = tpu.memref_slice %arg6[%add3A_88, %dma_start3A_188] : memref<64x64xi32, #tpu.memory_space<vmem>> -> memref<1x64xi32, #tpu.memory_space<vmem>>
          %dma_start3A_190 = tpu.memref_squeeze %dma_start3A_189 : memref<1x64xi32, #tpu.memory_space<vmem>> -> memref<64xi32, #tpu.memory_space<vmem>>
          %dma_start3A_191 = arith.constant 0 : i32
          %dma_start3A_192 = arith.constant 0 : i32
          %dma_start3A_193 = tpu.memref_slice %arg2[%dma_start3A_191, %dma_start3A_192] : memref<10240x128xf32, #tpu.memory_space<hbm>> -> memref<10240x128xf32, #tpu.memory_space<hbm>>
          tpu.enqueue_indirect_dma source(%dma_start3A_193 : memref<10240x128xf32, #tpu.memory_space<hbm>>) target(%arg10 : memref<64x128xf32, #tpu.memory_space<vmem>>) offsets(%dma_start3A_190 : memref<64xi32, #tpu.memory_space<vmem>>) semaphore(%arg13 : memref<!tpu.dma_semaphore, #tpu.memory_space<semaphore_mem>>)
        } else {
        }
        %mul3A_98 = arith.constant 4 : i32
        %mul3A_99 = arith.muli %scan3A_70, %mul3A_98 : i32
        %add3A_100 = arith.constant 1 : i32
        %add3A_101 = arith.addi %mul3A_99, %add3A_100 : i32
        %dma_wait3A_102 = arith.constant 0 : i32
        %dma_wait3A_103 = tpu.memref_slice %arg6[%add3A_101, %dma_wait3A_102] : memref<64x64xi32, #tpu.memory_space<vmem>> -> memref<1x64xi32, #tpu.memory_space<vmem>>
        %dma_wait3A_104 = tpu.memref_squeeze %dma_wait3A_103 : memref<1x64xi32, #tpu.memory_space<vmem>> -> memref<64xi32, #tpu.memory_space<vmem>>
        %dma_wait3A_105 = arith.constant 0 : i32
        %dma_wait3A_106 = arith.constant 0 : i32
        %dma_wait3A_107 = tpu.memref_slice %arg2[%dma_wait3A_105, %dma_wait3A_106] : memref<10240x128xf32, #tpu.memory_space<hbm>> -> memref<10240x128xf32, #tpu.memory_space<hbm>>
        tpu.wait_indirect_dma semaphore(%arg13 : memref<!tpu.dma_semaphore, #tpu.memory_space<semaphore_mem>>) src(%dma_wait3A_107 : memref<10240x128xf32, #tpu.memory_space<hbm>>) dst(%arg9 : memref<64x128xf32, #tpu.memory_space<vmem>>)
        %dma_start3A_108 = arith.constant 0 : i32
        %dma_start3A_109 = tpu.memref_slice %arg7[%add3A_101, %dma_start3A_108] : memref<64x64xi32, #tpu.memory_space<vmem>> -> memref<1x64xi32, #tpu.memory_space<vmem>>
        %dma_start3A_110 = tpu.memref_squeeze %dma_start3A_109 : memref<1x64xi32, #tpu.memory_space<vmem>> -> memref<64xi32, #tpu.memory_space<vmem>>
        %dma_start3A_111 = arith.constant 0 : i32
        %dma_start3A_112 = arith.constant 0 : i32
        %dma_start3A_113 = tpu.memref_slice %arg12[%dma_start3A_111, %dma_start3A_112] : memref<10112x128xf32, #tpu.memory_space<vmem_shared>> -> memref<10112x128xf32, #tpu.memory_space<vmem_shared>>
        tpu.enqueue_indirect_dma source(%arg9 : memref<64x128xf32, #tpu.memory_space<vmem>>) target(%dma_start3A_113 : memref<10112x128xf32, #tpu.memory_space<vmem_shared>>) offsets(%dma_start3A_110 : memref<64xi32, #tpu.memory_space<vmem>>) semaphore(%arg14 : memref<!tpu.dma_semaphore, #tpu.memory_space<semaphore_mem>>) {add = true}
        %add3A_114 = arith.constant 2 : i32
        %add3A_115 = arith.addi %add3A_101, %add3A_114 : i32
        %sub3A_116 = arith.constant 4 : i32
        %sub3A_117 = arith.subi %add3A_115, %sub3A_116 : i32
        %ge3A_118 = arith.constant 0 : i32
        %ge3A_119 = arith.cmpi sge, %sub3A_117, %ge3A_118 : i32
        %convert_element_type3A_120 = arith.extui %ge3A_119 : i1 to i32
        %cond3A_121 = arith.constant 0 : i32
        %cond3A_122 = arith.cmpi ne, %convert_element_type3A_120, %cond3A_121 : i32
        scf.if %cond3A_122 {
          %sub3A_188 = arith.constant 4 : i32
          %sub3A_189 = arith.subi %add3A_115, %sub3A_188 : i32
          %dma_wait3A_190 = arith.constant 0 : i32
          %dma_wait3A_191 = tpu.memref_slice %arg7[%sub3A_189, %dma_wait3A_190] : memref<64x64xi32, #tpu.memory_space<vmem>> -> memref<1x64xi32, #tpu.memory_space<vmem>>
          %dma_wait3A_192 = tpu.memref_squeeze %dma_wait3A_191 : memref<1x64xi32, #tpu.memory_space<vmem>> -> memref<64xi32, #tpu.memory_space<vmem>>
          %dma_wait3A_193 = arith.constant 0 : i32
          %dma_wait3A_194 = arith.constant 0 : i32
          %dma_wait3A_195 = tpu.memref_slice %arg12[%dma_wait3A_193, %dma_wait3A_194] : memref<10112x128xf32, #tpu.memory_space<vmem_shared>> -> memref<10112x128xf32, #tpu.memory_space<vmem_shared>>
          tpu.wait_indirect_dma semaphore(%arg14 : memref<!tpu.dma_semaphore, #tpu.memory_space<semaphore_mem>>) src(%arg11 : memref<64x128xf32, #tpu.memory_space<vmem>>) dst(%dma_wait3A_195 : memref<10112x128xf32, #tpu.memory_space<vmem_shared>>)
        } else {
        }
        %lt3A_123 = arith.constant 32 : i32
        %lt3A_124 = arith.cmpi slt, %add3A_115, %lt3A_123 : i32
        %convert_element_type3A_125 = arith.extui %lt3A_124 : i1 to i32
        %cond3A_126 = arith.constant 0 : i32
        %cond3A_127 = arith.cmpi ne, %convert_element_type3A_125, %cond3A_126 : i32
        scf.if %cond3A_127 {
          %dma_start3A_188 = arith.constant 0 : i32
          %dma_start3A_189 = tpu.memref_slice %arg6[%add3A_115, %dma_start3A_188] : memref<64x64xi32, #tpu.memory_space<vmem>> -> memref<1x64xi32, #tpu.memory_space<vmem>>
          %dma_start3A_190 = tpu.memref_squeeze %dma_start3A_189 : memref<1x64xi32, #tpu.memory_space<vmem>> -> memref<64xi32, #tpu.memory_space<vmem>>
          %dma_start3A_191 = arith.constant 0 : i32
          %dma_start3A_192 = arith.constant 0 : i32
          %dma_start3A_193 = tpu.memref_slice %arg2[%dma_start3A_191, %dma_start3A_192] : memref<10240x128xf32, #tpu.memory_space<hbm>> -> memref<10240x128xf32, #tpu.memory_space<hbm>>
          tpu.enqueue_indirect_dma source(%dma_start3A_193 : memref<10240x128xf32, #tpu.memory_space<hbm>>) target(%arg11 : memref<64x128xf32, #tpu.memory_space<vmem>>) offsets(%dma_start3A_190 : memref<64xi32, #tpu.memory_space<vmem>>) semaphore(%arg13 : memref<!tpu.dma_semaphore, #tpu.memory_space<semaphore_mem>>)
        } else {
        }
        %mul3A_128 = arith.constant 4 : i32
        %mul3A_129 = arith.muli %scan3A_70, %mul3A_128 : i32
        %add3A_130 = arith.constant 2 : i32
        %add3A_131 = arith.addi %mul3A_129, %add3A_130 : i32
        %dma_wait3A_132 = arith.constant 0 : i32
        %dma_wait3A_133 = tpu.memref_slice %arg6[%add3A_131, %dma_wait3A_132] : memref<64x64xi32, #tpu.memory_space<vmem>> -> memref<1x64xi32, #tpu.memory_space<vmem>>
        %dma_wait3A_134 = tpu.memref_squeeze %dma_wait3A_133 : memref<1x64xi32, #tpu.memory_space<vmem>> -> memref<64xi32, #tpu.memory_space<vmem>>
        %dma_wait3A_135 = arith.constant 0 : i32
        %dma_wait3A_136 = arith.constant 0 : i32
        %dma_wait3A_137 = tpu.memref_slice %arg2[%dma_wait3A_135, %dma_wait3A_136] : memref<10240x128xf32, #tpu.memory_space<hbm>> -> memref<10240x128xf32, #tpu.memory_space<hbm>>
        tpu.wait_indirect_dma semaphore(%arg13 : memref<!tpu.dma_semaphore, #tpu.memory_space<semaphore_mem>>) src(%dma_wait3A_137 : memref<10240x128xf32, #tpu.memory_space<hbm>>) dst(%arg10 : memref<64x128xf32, #tpu.memory_space<vmem>>)
        %dma_start3A_138 = arith.constant 0 : i32
        %dma_start3A_139 = tpu.memref_slice %arg7[%add3A_131, %dma_start3A_138] : memref<64x64xi32, #tpu.memory_space<vmem>> -> memref<1x64xi32, #tpu.memory_space<vmem>>
        %dma_start3A_140 = tpu.memref_squeeze %dma_start3A_139 : memref<1x64xi32, #tpu.memory_space<vmem>> -> memref<64xi32, #tpu.memory_space<vmem>>
        %dma_start3A_141 = arith.constant 0 : i32
        %dma_start3A_142 = arith.constant 0 : i32
        %dma_start3A_143 = tpu.memref_slice %arg12[%dma_start3A_141, %dma_start3A_142] : memref<10112x128xf32, #tpu.memory_space<vmem_shared>> -> memref<10112x128xf32, #tpu.memory_space<vmem_shared>>
        tpu.enqueue_indirect_dma source(%arg10 : memref<64x128xf32, #tpu.memory_space<vmem>>) target(%dma_start3A_143 : memref<10112x128xf32, #tpu.memory_space<vmem_shared>>) offsets(%dma_start3A_140 : memref<64xi32, #tpu.memory_space<vmem>>) semaphore(%arg14 : memref<!tpu.dma_semaphore, #tpu.memory_space<semaphore_mem>>) {add = true}
        %add3A_144 = arith.constant 2 : i32
        %add3A_145 = arith.addi %add3A_131, %add3A_144 : i32
        %sub3A_146 = arith.constant 4 : i32
        %sub3A_147 = arith.subi %add3A_145, %sub3A_146 : i32
        %ge3A_148 = arith.constant 0 : i32
        %ge3A_149 = arith.cmpi sge, %sub3A_147, %ge3A_148 : i32
        %convert_element_type3A_150 = arith.extui %ge3A_149 : i1 to i32
        %cond3A_151 = arith.constant 0 : i32
        %cond3A_152 = arith.cmpi ne, %convert_element_type3A_150, %cond3A_151 : i32
        scf.if %cond3A_152 {
          %sub3A_188 = arith.constant 4 : i32
          %sub3A_189 = arith.subi %add3A_145, %sub3A_188 : i32
          %dma_wait3A_190 = arith.constant 0 : i32
          %dma_wait3A_191 = tpu.memref_slice %arg7[%sub3A_189, %dma_wait3A_190] : memref<64x64xi32, #tpu.memory_space<vmem>> -> memref<1x64xi32, #tpu.memory_space<vmem>>
          %dma_wait3A_192 = tpu.memref_squeeze %dma_wait3A_191 : memref<1x64xi32, #tpu.memory_space<vmem>> -> memref<64xi32, #tpu.memory_space<vmem>>
          %dma_wait3A_193 = arith.constant 0 : i32
          %dma_wait3A_194 = arith.constant 0 : i32
          %dma_wait3A_195 = tpu.memref_slice %arg12[%dma_wait3A_193, %dma_wait3A_194] : memref<10112x128xf32, #tpu.memory_space<vmem_shared>> -> memref<10112x128xf32, #tpu.memory_space<vmem_shared>>
          tpu.wait_indirect_dma semaphore(%arg14 : memref<!tpu.dma_semaphore, #tpu.memory_space<semaphore_mem>>) src(%arg8 : memref<64x128xf32, #tpu.memory_space<vmem>>) dst(%dma_wait3A_195 : memref<10112x128xf32, #tpu.memory_space<vmem_shared>>)
        } else {
        }
        %lt3A_153 = arith.constant 32 : i32
        %lt3A_154 = arith.cmpi slt, %add3A_145, %lt3A_153 : i32
        %convert_element_type3A_155 = arith.extui %lt3A_154 : i1 to i32
        %cond3A_156 = arith.constant 0 : i32
        %cond3A_157 = arith.cmpi ne, %convert_element_type3A_155, %cond3A_156 : i32
        scf.if %cond3A_157 {
          %dma_start3A_188 = arith.constant 0 : i32
          %dma_start3A_189 = tpu.memref_slice %arg6[%add3A_145, %dma_start3A_188] : memref<64x64xi32, #tpu.memory_space<vmem>> -> memref<1x64xi32, #tpu.memory_space<vmem>>
          %dma_start3A_190 = tpu.memref_squeeze %dma_start3A_189 : memref<1x64xi32, #tpu.memory_space<vmem>> -> memref<64xi32, #tpu.memory_space<vmem>>
          %dma_start3A_191 = arith.constant 0 : i32
          %dma_start3A_192 = arith.constant 0 : i32
          %dma_start3A_193 = tpu.memref_slice %arg2[%dma_start3A_191, %dma_start3A_192] : memref<10240x128xf32, #tpu.memory_space<hbm>> -> memref<10240x128xf32, #tpu.memory_space<hbm>>
          tpu.enqueue_indirect_dma source(%dma_start3A_193 : memref<10240x128xf32, #tpu.memory_space<hbm>>) target(%arg8 : memref<64x128xf32, #tpu.memory_space<vmem>>) offsets(%dma_start3A_190 : memref<64xi32, #tpu.memory_space<vmem>>) semaphore(%arg13 : memref<!tpu.dma_semaphore, #tpu.memory_space<semaphore_mem>>)
        } else {
        }
        %mul3A_158 = arith.constant 4 : i32
        %mul3A_159 = arith.muli %scan3A_70, %mul3A_158 : i32
        %add3A_160 = arith.constant 3 : i32
        %add3A_161 = arith.addi %mul3A_159, %add3A_160 : i32
        %dma_wait3A_162 = arith.constant 0 : i32
        %dma_wait3A_163 = tpu.memref_slice %arg6[%add3A_161, %dma_wait3A_162] : memref<64x64xi32, #tpu.memory_space<vmem>> -> memref<1x64xi32, #tpu.memory_space<vmem>>
        %dma_wait3A_164 = tpu.memref_squeeze %dma_wait3A_163 : memref<1x64xi32, #tpu.memory_space<vmem>> -> memref<64xi32, #tpu.memory_space<vmem>>
        %dma_wait3A_165 = arith.constant 0 : i32
        %dma_wait3A_166 = arith.constant 0 : i32
        %dma_wait3A_167 = tpu.memref_slice %arg2[%dma_wait3A_165, %dma_wait3A_166] : memref<10240x128xf32, #tpu.memory_space<hbm>> -> memref<10240x128xf32, #tpu.memory_space<hbm>>
        tpu.wait_indirect_dma semaphore(%arg13 : memref<!tpu.dma_semaphore, #tpu.memory_space<semaphore_mem>>) src(%dma_wait3A_167 : memref<10240x128xf32, #tpu.memory_space<hbm>>) dst(%arg11 : memref<64x128xf32, #tpu.memory_space<vmem>>)
        %dma_start3A_168 = arith.constant 0 : i32
        %dma_start3A_169 = tpu.memref_slice %arg7[%add3A_161, %dma_start3A_168] : memref<64x64xi32, #tpu.memory_space<vmem>> -> memref<1x64xi32, #tpu.memory_space<vmem>>
        %dma_start3A_170 = tpu.memref_squeeze %dma_start3A_169 : memref<1x64xi32, #tpu.memory_space<vmem>> -> memref<64xi32, #tpu.memory_space<vmem>>
        %dma_start3A_171 = arith.constant 0 : i32
        %dma_start3A_172 = arith.constant 0 : i32
        %dma_start3A_173 = tpu.memref_slice %arg12[%dma_start3A_171, %dma_start3A_172] : memref<10112x128xf32, #tpu.memory_space<vmem_shared>> -> memref<10112x128xf32, #tpu.memory_space<vmem_shared>>
        tpu.enqueue_indirect_dma source(%arg11 : memref<64x128xf32, #tpu.memory_space<vmem>>) target(%dma_start3A_173 : memref<10112x128xf32, #tpu.memory_space<vmem_shared>>) offsets(%dma_start3A_170 : memref<64xi32, #tpu.memory_space<vmem>>) semaphore(%arg14 : memref<!tpu.dma_semaphore, #tpu.memory_space<semaphore_mem>>) {add = true}
        %add3A_174 = arith.constant 2 : i32
        %add3A_175 = arith.addi %add3A_161, %add3A_174 : i32
        %sub3A_176 = arith.constant 4 : i32
        %sub3A_177 = arith.subi %add3A_175, %sub3A_176 : i32
        %ge3A_178 = arith.constant 0 : i32
        %ge3A_179 = arith.cmpi sge, %sub3A_177, %ge3A_178 : i32
        %convert_element_type3A_180 = arith.extui %ge3A_179 : i1 to i32
        %cond3A_181 = arith.constant 0 : i32
        %cond3A_182 = arith.cmpi ne, %convert_element_type3A_180, %cond3A_181 : i32
        scf.if %cond3A_182 {
          %sub3A_188 = arith.constant 4 : i32
          %sub3A_189 = arith.subi %add3A_175, %sub3A_188 : i32
          %dma_wait3A_190 = arith.constant 0 : i32
          %dma_wait3A_191 = tpu.memref_slice %arg7[%sub3A_189, %dma_wait3A_190] : memref<64x64xi32, #tpu.memory_space<vmem>> -> memref<1x64xi32, #tpu.memory_space<vmem>>
          %dma_wait3A_192 = tpu.memref_squeeze %dma_wait3A_191 : memref<1x64xi32, #tpu.memory_space<vmem>> -> memref<64xi32, #tpu.memory_space<vmem>>
          %dma_wait3A_193 = arith.constant 0 : i32
          %dma_wait3A_194 = arith.constant 0 : i32
          %dma_wait3A_195 = tpu.memref_slice %arg12[%dma_wait3A_193, %dma_wait3A_194] : memref<10112x128xf32, #tpu.memory_space<vmem_shared>> -> memref<10112x128xf32, #tpu.memory_space<vmem_shared>>
          tpu.wait_indirect_dma semaphore(%arg14 : memref<!tpu.dma_semaphore, #tpu.memory_space<semaphore_mem>>) src(%arg9 : memref<64x128xf32, #tpu.memory_space<vmem>>) dst(%dma_wait3A_195 : memref<10112x128xf32, #tpu.memory_space<vmem_shared>>)
        } else {
        }
        %lt3A_183 = arith.constant 32 : i32
        %lt3A_184 = arith.cmpi slt, %add3A_175, %lt3A_183 : i32
        %convert_element_type3A_185 = arith.extui %lt3A_184 : i1 to i32
        %cond3A_186 = arith.constant 0 : i32
        %cond3A_187 = arith.cmpi ne, %convert_element_type3A_185, %cond3A_186 : i32
        scf.if %cond3A_187 {
          %dma_start3A_188 = arith.constant 0 : i32
          %dma_start3A_189 = tpu.memref_slice %arg6[%add3A_175, %dma_start3A_188] : memref<64x64xi32, #tpu.memory_space<vmem>> -> memref<1x64xi32, #tpu.memory_space<vmem>>
          %dma_start3A_190 = tpu.memref_squeeze %dma_start3A_189 : memref<1x64xi32, #tpu.memory_space<vmem>> -> memref<64xi32, #tpu.memory_space<vmem>>
          %dma_start3A_191 = arith.constant 0 : i32
          %dma_start3A_192 = arith.constant 0 : i32
          %dma_start3A_193 = tpu.memref_slice %arg2[%dma_start3A_191, %dma_start3A_192] : memref<10240x128xf32, #tpu.memory_space<hbm>> -> memref<10240x128xf32, #tpu.memory_space<hbm>>
          tpu.enqueue_indirect_dma source(%dma_start3A_193 : memref<10240x128xf32, #tpu.memory_space<hbm>>) target(%arg9 : memref<64x128xf32, #tpu.memory_space<vmem>>) offsets(%dma_start3A_190 : memref<64xi32, #tpu.memory_space<vmem>>) semaphore(%arg13 : memref<!tpu.dma_semaphore, #tpu.memory_space<semaphore_mem>>)
        } else {
        }
      }
      %scan3A_56 = arith.constant 8 : i32
      %dma_wait3A = arith.constant 30 : i32
      %dma_wait3A_57 = arith.constant 0 : i32
      %dma_wait3A_58 = tpu.memref_slice %arg7[%dma_wait3A, %dma_wait3A_57] : memref<64x64xi32, #tpu.memory_space<vmem>> -> memref<1x64xi32, #tpu.memory_space<vmem>>
      %dma_wait3A_59 = tpu.memref_squeeze %dma_wait3A_58 : memref<1x64xi32, #tpu.memory_space<vmem>> -> memref<64xi32, #tpu.memory_space<vmem>>
      %dma_wait3A_60 = arith.constant 0 : i32
      %dma_wait3A_61 = arith.constant 0 : i32
      %dma_wait3A_62 = tpu.memref_slice %arg12[%dma_wait3A_60, %dma_wait3A_61] : memref<10112x128xf32, #tpu.memory_space<vmem_shared>> -> memref<10112x128xf32, #tpu.memory_space<vmem_shared>>
      tpu.wait_indirect_dma semaphore(%arg14 : memref<!tpu.dma_semaphore, #tpu.memory_space<semaphore_mem>>) src(%arg8 : memref<64x128xf32, #tpu.memory_space<vmem>>) dst(%dma_wait3A_62 : memref<10112x128xf32, #tpu.memory_space<vmem_shared>>)
      %dma_wait3A_63 = arith.constant 31 : i32
      %dma_wait3A_64 = arith.constant 0 : i32
      %dma_wait3A_65 = tpu.memref_slice %arg7[%dma_wait3A_63, %dma_wait3A_64] : memref<64x64xi32, #tpu.memory_space<vmem>> -> memref<1x64xi32, #tpu.memory_space<vmem>>
      %dma_wait3A_66 = tpu.memref_squeeze %dma_wait3A_65 : memref<1x64xi32, #tpu.memory_space<vmem>> -> memref<64xi32, #tpu.memory_space<vmem>>
      %dma_wait3A_67 = arith.constant 0 : i32
      %dma_wait3A_68 = arith.constant 0 : i32
      %dma_wait3A_69 = tpu.memref_slice %arg12[%dma_wait3A_67, %dma_wait3A_68] : memref<10112x128xf32, #tpu.memory_space<vmem_shared>> -> memref<10112x128xf32, #tpu.memory_space<vmem_shared>>
      tpu.wait_indirect_dma semaphore(%arg14 : memref<!tpu.dma_semaphore, #tpu.memory_space<semaphore_mem>>) src(%arg8 : memref<64x128xf32, #tpu.memory_space<vmem>>) dst(%dma_wait3A_69 : memref<10112x128xf32, #tpu.memory_space<vmem_shared>>)
    } else {
    }
    %eq3A_28 = arith.constant 1 : i32
    %eq3A_29 = arith.cmpi eq, %arg0, %eq3A_28 : i32
    %convert_element_type3A_30 = arith.extui %eq3A_29 : i1 to i32
    %cond3A_31 = arith.constant 0 : i32
    %cond3A_32 = arith.cmpi ne, %convert_element_type3A_30, %cond3A_31 : i32
    scf.if %cond3A_32 {
      %mul3A_34 = arith.constant 128 : i32
      %mul3A_35 = arith.muli %arg1, %mul3A_34 : i32
      %add3A_36 = arith.constant 512 : i32
      %add3A_37 = arith.addi %add3A_36, %mul3A_35 : i32
      %add3A_38 = arith.constant 0 : i32
      %add3A_39 = arith.addi %add3A_37, %add3A_38 : i32
      "tpu.region"() ({
        %run_scoped3A = tpu.sem_alloc : memref<!tpu.dma_semaphore, #tpu.memory_space<semaphore_mem>>
        %dma_start3A_108 = arith.constant 0 : i32
        %dma_start3A_109 = arith.constant 0 : i32
        %dma_start3A_110 = tpu.memref_slice %arg6[%dma_start3A_108, %dma_start3A_109] : memref<64x64xi32, #tpu.memory_space<vmem>> -> memref<64x64xi32, #tpu.memory_space<vmem>>
        %dma_start3A_111 = arith.constant 0 : i32
        %dma_start3A_112 = tpu.memref_slice %arg3[%add3A_39, %dma_start3A_111] : memref<2560x64xi32, #tpu.memory_space<hbm>> -> memref<64x64xi32, #tpu.memory_space<hbm>>
        %dma_start3A_113 = arith.constant 0 : i32
        %dma_start3A_114 = arith.constant 0 : i32
        %dma_start3A_115 = tpu.memref_slice %arg6[%dma_start3A_113, %dma_start3A_114] : memref<64x64xi32, #tpu.memory_space<vmem>> -> memref<64x64xi32, #tpu.memory_space<vmem>>
        %dma_start3A_116 = arith.constant 0 : i32
        %dma_start3A_117 = tpu.memref_slice %arg3[%add3A_39, %dma_start3A_116] : memref<2560x64xi32, #tpu.memory_space<hbm>> -> memref<64x64xi32, #tpu.memory_space<hbm>>
        tpu.enqueue_dma source(%dma_start3A_117 : memref<64x64xi32, #tpu.memory_space<hbm>>) target(%dma_start3A_115 : memref<64x64xi32, #tpu.memory_space<vmem>>) target_semaphore(%run_scoped3A : memref<!tpu.dma_semaphore, #tpu.memory_space<semaphore_mem>>)
        %dma_wait3A_118 = arith.constant 0 : i32
        %dma_wait3A_119 = arith.constant 0 : i32
        %dma_wait3A_120 = tpu.memref_slice %arg6[%dma_wait3A_118, %dma_wait3A_119] : memref<64x64xi32, #tpu.memory_space<vmem>> -> memref<64x64xi32, #tpu.memory_space<vmem>>
        %dma_wait3A_121 = arith.constant 0 : i32
        %dma_wait3A_122 = tpu.memref_slice %arg3[%add3A_39, %dma_wait3A_121] : memref<2560x64xi32, #tpu.memory_space<hbm>> -> memref<64x64xi32, #tpu.memory_space<hbm>>
        %dma_wait3A_123 = arith.constant 0 : i32
        %dma_wait3A_124 = arith.constant 0 : i32
        %dma_wait3A_125 = tpu.memref_slice %arg6[%dma_wait3A_123, %dma_wait3A_124] : memref<64x64xi32, #tpu.memory_space<vmem>> -> memref<64x64xi32, #tpu.memory_space<vmem>>
        %dma_wait3A_126 = arith.constant 0 : i32
        %dma_wait3A_127 = tpu.memref_slice %arg3[%add3A_39, %dma_wait3A_126] : memref<2560x64xi32, #tpu.memory_space<hbm>> -> memref<64x64xi32, #tpu.memory_space<hbm>>
        tpu.wait_dma2 semaphore(%run_scoped3A : memref<!tpu.dma_semaphore, #tpu.memory_space<semaphore_mem>>) src(%dma_wait3A_127 : memref<64x64xi32, #tpu.memory_space<hbm>>) dst(%dma_wait3A_125 : memref<64x64xi32, #tpu.memory_space<vmem>>)
        tpu.yield
      }) : () -> ()
      "tpu.region"() ({
        %run_scoped3A = tpu.sem_alloc : memref<!tpu.dma_semaphore, #tpu.memory_space<semaphore_mem>>
        %dma_start3A_108 = arith.constant 0 : i32
        %dma_start3A_109 = arith.constant 0 : i32
        %dma_start3A_110 = tpu.memref_slice %arg7[%dma_start3A_108, %dma_start3A_109] : memref<64x64xi32, #tpu.memory_space<vmem>> -> memref<64x64xi32, #tpu.memory_space<vmem>>
        %dma_start3A_111 = arith.constant 0 : i32
        %dma_start3A_112 = tpu.memref_slice %arg4[%add3A_39, %dma_start3A_111] : memref<2560x64xi32, #tpu.memory_space<hbm>> -> memref<64x64xi32, #tpu.memory_space<hbm>>
        %dma_start3A_113 = arith.constant 0 : i32
        %dma_start3A_114 = arith.constant 0 : i32
        %dma_start3A_115 = tpu.memref_slice %arg7[%dma_start3A_113, %dma_start3A_114] : memref<64x64xi32, #tpu.memory_space<vmem>> -> memref<64x64xi32, #tpu.memory_space<vmem>>
        %dma_start3A_116 = arith.constant 0 : i32
        %dma_start3A_117 = tpu.memref_slice %arg4[%add3A_39, %dma_start3A_116] : memref<2560x64xi32, #tpu.memory_space<hbm>> -> memref<64x64xi32, #tpu.memory_space<hbm>>
        tpu.enqueue_dma source(%dma_start3A_117 : memref<64x64xi32, #tpu.memory_space<hbm>>) target(%dma_start3A_115 : memref<64x64xi32, #tpu.memory_space<vmem>>) target_semaphore(%run_scoped3A : memref<!tpu.dma_semaphore, #tpu.memory_space<semaphore_mem>>)
        %dma_wait3A_118 = arith.constant 0 : i32
        %dma_wait3A_119 = arith.constant 0 : i32
        %dma_wait3A_120 = tpu.memref_slice %arg7[%dma_wait3A_118, %dma_wait3A_119] : memref<64x64xi32, #tpu.memory_space<vmem>> -> memref<64x64xi32, #tpu.memory_space<vmem>>
        %dma_wait3A_121 = arith.constant 0 : i32
        %dma_wait3A_122 = tpu.memref_slice %arg4[%add3A_39, %dma_wait3A_121] : memref<2560x64xi32, #tpu.memory_space<hbm>> -> memref<64x64xi32, #tpu.memory_space<hbm>>
        %dma_wait3A_123 = arith.constant 0 : i32
        %dma_wait3A_124 = arith.constant 0 : i32
        %dma_wait3A_125 = tpu.memref_slice %arg7[%dma_wait3A_123, %dma_wait3A_124] : memref<64x64xi32, #tpu.memory_space<vmem>> -> memref<64x64xi32, #tpu.memory_space<vmem>>
        %dma_wait3A_126 = arith.constant 0 : i32
        %dma_wait3A_127 = tpu.memref_slice %arg4[%add3A_39, %dma_wait3A_126] : memref<2560x64xi32, #tpu.memory_space<hbm>> -> memref<64x64xi32, #tpu.memory_space<hbm>>
        tpu.wait_dma2 semaphore(%run_scoped3A : memref<!tpu.dma_semaphore, #tpu.memory_space<semaphore_mem>>) src(%dma_wait3A_127 : memref<64x64xi32, #tpu.memory_space<hbm>>) dst(%dma_wait3A_125 : memref<64x64xi32, #tpu.memory_space<vmem>>)
        tpu.yield
      }) : () -> ()
      %dma_start3A = arith.constant 0 : i32
      %dma_start3A_40 = arith.constant 0 : i32
      %dma_start3A_41 = tpu.memref_slice %arg6[%dma_start3A, %dma_start3A_40] : memref<64x64xi32, #tpu.memory_space<vmem>> -> memref<1x64xi32, #tpu.memory_space<vmem>>
      %dma_start3A_42 = tpu.memref_squeeze %dma_start3A_41 : memref<1x64xi32, #tpu.memory_space<vmem>> -> memref<64xi32, #tpu.memory_space<vmem>>
      %dma_start3A_43 = arith.constant 0 : i32
      %dma_start3A_44 = arith.constant 0 : i32
      %dma_start3A_45 = tpu.memref_slice %arg2[%dma_start3A_43, %dma_start3A_44] : memref<10240x128xf32, #tpu.memory_space<hbm>> -> memref<10240x128xf32, #tpu.memory_space<hbm>>
      tpu.enqueue_indirect_dma source(%dma_start3A_45 : memref<10240x128xf32, #tpu.memory_space<hbm>>) target(%arg8 : memref<64x128xf32, #tpu.memory_space<vmem>>) offsets(%dma_start3A_42 : memref<64xi32, #tpu.memory_space<vmem>>) semaphore(%arg13 : memref<!tpu.dma_semaphore, #tpu.memory_space<semaphore_mem>>)
      %dma_start3A_46 = arith.constant 1 : i32
      %dma_start3A_47 = arith.constant 0 : i32
      %dma_start3A_48 = tpu.memref_slice %arg6[%dma_start3A_46, %dma_start3A_47] : memref<64x64xi32, #tpu.memory_space<vmem>> -> memref<1x64xi32, #tpu.memory_space<vmem>>
      %dma_start3A_49 = tpu.memref_squeeze %dma_start3A_48 : memref<1x64xi32, #tpu.memory_space<vmem>> -> memref<64xi32, #tpu.memory_space<vmem>>
      %dma_start3A_50 = arith.constant 0 : i32
      %dma_start3A_51 = arith.constant 0 : i32
      %dma_start3A_52 = tpu.memref_slice %arg2[%dma_start3A_50, %dma_start3A_51] : memref<10240x128xf32, #tpu.memory_space<hbm>> -> memref<10240x128xf32, #tpu.memory_space<hbm>>
      tpu.enqueue_indirect_dma source(%dma_start3A_52 : memref<10240x128xf32, #tpu.memory_space<hbm>>) target(%arg9 : memref<64x128xf32, #tpu.memory_space<vmem>>) offsets(%dma_start3A_49 : memref<64xi32, #tpu.memory_space<vmem>>) semaphore(%arg13 : memref<!tpu.dma_semaphore, #tpu.memory_space<semaphore_mem>>)
      %scan3A_53 = arith.constant 0 : i32
      %scan3A_54 = arith.constant 0 : i32
      %scan3A_55 = arith.constant 16 : i32
      %scan3A_56 = arith.addi %scan3A_54, %scan3A_55 : i32
      %scan3A_57 = arith.constant 1 : i32
      scf.for %scan3A_108 = %scan3A_54 to %scan3A_56 step %scan3A_57  : i32 {
        %mul3A_109 = arith.constant 4 : i32
        %mul3A_110 = arith.muli %scan3A_108, %mul3A_109 : i32
        %add3A_111 = arith.constant 0 : i32
        %add3A_112 = arith.addi %mul3A_110, %add3A_111 : i32
        %dma_wait3A_113 = arith.constant 0 : i32
        %dma_wait3A_114 = tpu.memref_slice %arg6[%add3A_112, %dma_wait3A_113] : memref<64x64xi32, #tpu.memory_space<vmem>> -> memref<1x64xi32, #tpu.memory_space<vmem>>
        %dma_wait3A_115 = tpu.memref_squeeze %dma_wait3A_114 : memref<1x64xi32, #tpu.memory_space<vmem>> -> memref<64xi32, #tpu.memory_space<vmem>>
        %dma_wait3A_116 = arith.constant 0 : i32
        %dma_wait3A_117 = arith.constant 0 : i32
        %dma_wait3A_118 = tpu.memref_slice %arg2[%dma_wait3A_116, %dma_wait3A_117] : memref<10240x128xf32, #tpu.memory_space<hbm>> -> memref<10240x128xf32, #tpu.memory_space<hbm>>
        tpu.wait_indirect_dma semaphore(%arg13 : memref<!tpu.dma_semaphore, #tpu.memory_space<semaphore_mem>>) src(%dma_wait3A_118 : memref<10240x128xf32, #tpu.memory_space<hbm>>) dst(%arg8 : memref<64x128xf32, #tpu.memory_space<vmem>>)
        %dma_start3A_119 = arith.constant 0 : i32
        %dma_start3A_120 = tpu.memref_slice %arg7[%add3A_112, %dma_start3A_119] : memref<64x64xi32, #tpu.memory_space<vmem>> -> memref<1x64xi32, #tpu.memory_space<vmem>>
        %dma_start3A_121 = tpu.memref_squeeze %dma_start3A_120 : memref<1x64xi32, #tpu.memory_space<vmem>> -> memref<64xi32, #tpu.memory_space<vmem>>
        %dma_start3A_122 = arith.constant 0 : i32
        %dma_start3A_123 = arith.constant 0 : i32
        %dma_start3A_124 = tpu.memref_slice %arg12[%dma_start3A_122, %dma_start3A_123] : memref<10112x128xf32, #tpu.memory_space<vmem_shared>> -> memref<10112x128xf32, #tpu.memory_space<vmem_shared>>
        tpu.enqueue_indirect_dma source(%arg8 : memref<64x128xf32, #tpu.memory_space<vmem>>) target(%dma_start3A_124 : memref<10112x128xf32, #tpu.memory_space<vmem_shared>>) offsets(%dma_start3A_121 : memref<64xi32, #tpu.memory_space<vmem>>) semaphore(%arg14 : memref<!tpu.dma_semaphore, #tpu.memory_space<semaphore_mem>>) {add = true}
        %add3A_125 = arith.constant 2 : i32
        %add3A_126 = arith.addi %add3A_112, %add3A_125 : i32
        %sub3A = arith.constant 4 : i32
        %sub3A_127 = arith.subi %add3A_126, %sub3A : i32
        %ge3A = arith.constant 0 : i32
        %ge3A_128 = arith.cmpi sge, %sub3A_127, %ge3A : i32
        %convert_element_type3A_129 = arith.extui %ge3A_128 : i1 to i32
        %cond3A_130 = arith.constant 0 : i32
        %cond3A_131 = arith.cmpi ne, %convert_element_type3A_129, %cond3A_130 : i32
        scf.if %cond3A_131 {
          %sub3A_226 = arith.constant 4 : i32
          %sub3A_227 = arith.subi %add3A_126, %sub3A_226 : i32
          %dma_wait3A_228 = arith.constant 0 : i32
          %dma_wait3A_229 = tpu.memref_slice %arg7[%sub3A_227, %dma_wait3A_228] : memref<64x64xi32, #tpu.memory_space<vmem>> -> memref<1x64xi32, #tpu.memory_space<vmem>>
          %dma_wait3A_230 = tpu.memref_squeeze %dma_wait3A_229 : memref<1x64xi32, #tpu.memory_space<vmem>> -> memref<64xi32, #tpu.memory_space<vmem>>
          %dma_wait3A_231 = arith.constant 0 : i32
          %dma_wait3A_232 = arith.constant 0 : i32
          %dma_wait3A_233 = tpu.memref_slice %arg12[%dma_wait3A_231, %dma_wait3A_232] : memref<10112x128xf32, #tpu.memory_space<vmem_shared>> -> memref<10112x128xf32, #tpu.memory_space<vmem_shared>>
          tpu.wait_indirect_dma semaphore(%arg14 : memref<!tpu.dma_semaphore, #tpu.memory_space<semaphore_mem>>) src(%arg10 : memref<64x128xf32, #tpu.memory_space<vmem>>) dst(%dma_wait3A_233 : memref<10112x128xf32, #tpu.memory_space<vmem_shared>>)
        } else {
        }
        %lt3A = arith.constant 64 : i32
        %lt3A_132 = arith.cmpi slt, %add3A_126, %lt3A : i32
        %convert_element_type3A_133 = arith.extui %lt3A_132 : i1 to i32
        %cond3A_134 = arith.constant 0 : i32
        %cond3A_135 = arith.cmpi ne, %convert_element_type3A_133, %cond3A_134 : i32
        scf.if %cond3A_135 {
          %dma_start3A_226 = arith.constant 0 : i32
          %dma_start3A_227 = tpu.memref_slice %arg6[%add3A_126, %dma_start3A_226] : memref<64x64xi32, #tpu.memory_space<vmem>> -> memref<1x64xi32, #tpu.memory_space<vmem>>
          %dma_start3A_228 = tpu.memref_squeeze %dma_start3A_227 : memref<1x64xi32, #tpu.memory_space<vmem>> -> memref<64xi32, #tpu.memory_space<vmem>>
          %dma_start3A_229 = arith.constant 0 : i32
          %dma_start3A_230 = arith.constant 0 : i32
          %dma_start3A_231 = tpu.memref_slice %arg2[%dma_start3A_229, %dma_start3A_230] : memref<10240x128xf32, #tpu.memory_space<hbm>> -> memref<10240x128xf32, #tpu.memory_space<hbm>>
          tpu.enqueue_indirect_dma source(%dma_start3A_231 : memref<10240x128xf32, #tpu.memory_space<hbm>>) target(%arg10 : memref<64x128xf32, #tpu.memory_space<vmem>>) offsets(%dma_start3A_228 : memref<64xi32, #tpu.memory_space<vmem>>) semaphore(%arg13 : memref<!tpu.dma_semaphore, #tpu.memory_space<semaphore_mem>>)
        } else {
        }
        %mul3A_136 = arith.constant 4 : i32
        %mul3A_137 = arith.muli %scan3A_108, %mul3A_136 : i32
        %add3A_138 = arith.constant 1 : i32
        %add3A_139 = arith.addi %mul3A_137, %add3A_138 : i32
        %dma_wait3A_140 = arith.constant 0 : i32
        %dma_wait3A_141 = tpu.memref_slice %arg6[%add3A_139, %dma_wait3A_140] : memref<64x64xi32, #tpu.memory_space<vmem>> -> memref<1x64xi32, #tpu.memory_space<vmem>>
        %dma_wait3A_142 = tpu.memref_squeeze %dma_wait3A_141 : memref<1x64xi32, #tpu.memory_space<vmem>> -> memref<64xi32, #tpu.memory_space<vmem>>
        %dma_wait3A_143 = arith.constant 0 : i32
        %dma_wait3A_144 = arith.constant 0 : i32
        %dma_wait3A_145 = tpu.memref_slice %arg2[%dma_wait3A_143, %dma_wait3A_144] : memref<10240x128xf32, #tpu.memory_space<hbm>> -> memref<10240x128xf32, #tpu.memory_space<hbm>>
        tpu.wait_indirect_dma semaphore(%arg13 : memref<!tpu.dma_semaphore, #tpu.memory_space<semaphore_mem>>) src(%dma_wait3A_145 : memref<10240x128xf32, #tpu.memory_space<hbm>>) dst(%arg9 : memref<64x128xf32, #tpu.memory_space<vmem>>)
        %dma_start3A_146 = arith.constant 0 : i32
        %dma_start3A_147 = tpu.memref_slice %arg7[%add3A_139, %dma_start3A_146] : memref<64x64xi32, #tpu.memory_space<vmem>> -> memref<1x64xi32, #tpu.memory_space<vmem>>
        %dma_start3A_148 = tpu.memref_squeeze %dma_start3A_147 : memref<1x64xi32, #tpu.memory_space<vmem>> -> memref<64xi32, #tpu.memory_space<vmem>>
        %dma_start3A_149 = arith.constant 0 : i32
        %dma_start3A_150 = arith.constant 0 : i32
        %dma_start3A_151 = tpu.memref_slice %arg12[%dma_start3A_149, %dma_start3A_150] : memref<10112x128xf32, #tpu.memory_space<vmem_shared>> -> memref<10112x128xf32, #tpu.memory_space<vmem_shared>>
        tpu.enqueue_indirect_dma source(%arg9 : memref<64x128xf32, #tpu.memory_space<vmem>>) target(%dma_start3A_151 : memref<10112x128xf32, #tpu.memory_space<vmem_shared>>) offsets(%dma_start3A_148 : memref<64xi32, #tpu.memory_space<vmem>>) semaphore(%arg14 : memref<!tpu.dma_semaphore, #tpu.memory_space<semaphore_mem>>) {add = true}
        %add3A_152 = arith.constant 2 : i32
        %add3A_153 = arith.addi %add3A_139, %add3A_152 : i32
        %sub3A_154 = arith.constant 4 : i32
        %sub3A_155 = arith.subi %add3A_153, %sub3A_154 : i32
        %ge3A_156 = arith.constant 0 : i32
        %ge3A_157 = arith.cmpi sge, %sub3A_155, %ge3A_156 : i32
        %convert_element_type3A_158 = arith.extui %ge3A_157 : i1 to i32
        %cond3A_159 = arith.constant 0 : i32
        %cond3A_160 = arith.cmpi ne, %convert_element_type3A_158, %cond3A_159 : i32
        scf.if %cond3A_160 {
          %sub3A_226 = arith.constant 4 : i32
          %sub3A_227 = arith.subi %add3A_153, %sub3A_226 : i32
          %dma_wait3A_228 = arith.constant 0 : i32
          %dma_wait3A_229 = tpu.memref_slice %arg7[%sub3A_227, %dma_wait3A_228] : memref<64x64xi32, #tpu.memory_space<vmem>> -> memref<1x64xi32, #tpu.memory_space<vmem>>
          %dma_wait3A_230 = tpu.memref_squeeze %dma_wait3A_229 : memref<1x64xi32, #tpu.memory_space<vmem>> -> memref<64xi32, #tpu.memory_space<vmem>>
          %dma_wait3A_231 = arith.constant 0 : i32
          %dma_wait3A_232 = arith.constant 0 : i32
          %dma_wait3A_233 = tpu.memref_slice %arg12[%dma_wait3A_231, %dma_wait3A_232] : memref<10112x128xf32, #tpu.memory_space<vmem_shared>> -> memref<10112x128xf32, #tpu.memory_space<vmem_shared>>
          tpu.wait_indirect_dma semaphore(%arg14 : memref<!tpu.dma_semaphore, #tpu.memory_space<semaphore_mem>>) src(%arg11 : memref<64x128xf32, #tpu.memory_space<vmem>>) dst(%dma_wait3A_233 : memref<10112x128xf32, #tpu.memory_space<vmem_shared>>)
        } else {
        }
        %lt3A_161 = arith.constant 64 : i32
        %lt3A_162 = arith.cmpi slt, %add3A_153, %lt3A_161 : i32
        %convert_element_type3A_163 = arith.extui %lt3A_162 : i1 to i32
        %cond3A_164 = arith.constant 0 : i32
        %cond3A_165 = arith.cmpi ne, %convert_element_type3A_163, %cond3A_164 : i32
        scf.if %cond3A_165 {
          %dma_start3A_226 = arith.constant 0 : i32
          %dma_start3A_227 = tpu.memref_slice %arg6[%add3A_153, %dma_start3A_226] : memref<64x64xi32, #tpu.memory_space<vmem>> -> memref<1x64xi32, #tpu.memory_space<vmem>>
          %dma_start3A_228 = tpu.memref_squeeze %dma_start3A_227 : memref<1x64xi32, #tpu.memory_space<vmem>> -> memref<64xi32, #tpu.memory_space<vmem>>
          %dma_start3A_229 = arith.constant 0 : i32
          %dma_start3A_230 = arith.constant 0 : i32
          %dma_start3A_231 = tpu.memref_slice %arg2[%dma_start3A_229, %dma_start3A_230] : memref<10240x128xf32, #tpu.memory_space<hbm>> -> memref<10240x128xf32, #tpu.memory_space<hbm>>
          tpu.enqueue_indirect_dma source(%dma_start3A_231 : memref<10240x128xf32, #tpu.memory_space<hbm>>) target(%arg11 : memref<64x128xf32, #tpu.memory_space<vmem>>) offsets(%dma_start3A_228 : memref<64xi32, #tpu.memory_space<vmem>>) semaphore(%arg13 : memref<!tpu.dma_semaphore, #tpu.memory_space<semaphore_mem>>)
        } else {
        }
        %mul3A_166 = arith.constant 4 : i32
        %mul3A_167 = arith.muli %scan3A_108, %mul3A_166 : i32
        %add3A_168 = arith.constant 2 : i32
        %add3A_169 = arith.addi %mul3A_167, %add3A_168 : i32
        %dma_wait3A_170 = arith.constant 0 : i32
        %dma_wait3A_171 = tpu.memref_slice %arg6[%add3A_169, %dma_wait3A_170] : memref<64x64xi32, #tpu.memory_space<vmem>> -> memref<1x64xi32, #tpu.memory_space<vmem>>
        %dma_wait3A_172 = tpu.memref_squeeze %dma_wait3A_171 : memref<1x64xi32, #tpu.memory_space<vmem>> -> memref<64xi32, #tpu.memory_space<vmem>>
        %dma_wait3A_173 = arith.constant 0 : i32
        %dma_wait3A_174 = arith.constant 0 : i32
        %dma_wait3A_175 = tpu.memref_slice %arg2[%dma_wait3A_173, %dma_wait3A_174] : memref<10240x128xf32, #tpu.memory_space<hbm>> -> memref<10240x128xf32, #tpu.memory_space<hbm>>
        tpu.wait_indirect_dma semaphore(%arg13 : memref<!tpu.dma_semaphore, #tpu.memory_space<semaphore_mem>>) src(%dma_wait3A_175 : memref<10240x128xf32, #tpu.memory_space<hbm>>) dst(%arg10 : memref<64x128xf32, #tpu.memory_space<vmem>>)
        %dma_start3A_176 = arith.constant 0 : i32
        %dma_start3A_177 = tpu.memref_slice %arg7[%add3A_169, %dma_start3A_176] : memref<64x64xi32, #tpu.memory_space<vmem>> -> memref<1x64xi32, #tpu.memory_space<vmem>>
        %dma_start3A_178 = tpu.memref_squeeze %dma_start3A_177 : memref<1x64xi32, #tpu.memory_space<vmem>> -> memref<64xi32, #tpu.memory_space<vmem>>
        %dma_start3A_179 = arith.constant 0 : i32
        %dma_start3A_180 = arith.constant 0 : i32
        %dma_start3A_181 = tpu.memref_slice %arg12[%dma_start3A_179, %dma_start3A_180] : memref<10112x128xf32, #tpu.memory_space<vmem_shared>> -> memref<10112x128xf32, #tpu.memory_space<vmem_shared>>
        tpu.enqueue_indirect_dma source(%arg10 : memref<64x128xf32, #tpu.memory_space<vmem>>) target(%dma_start3A_181 : memref<10112x128xf32, #tpu.memory_space<vmem_shared>>) offsets(%dma_start3A_178 : memref<64xi32, #tpu.memory_space<vmem>>) semaphore(%arg14 : memref<!tpu.dma_semaphore, #tpu.memory_space<semaphore_mem>>) {add = true}
        %add3A_182 = arith.constant 2 : i32
        %add3A_183 = arith.addi %add3A_169, %add3A_182 : i32
        %sub3A_184 = arith.constant 4 : i32
        %sub3A_185 = arith.subi %add3A_183, %sub3A_184 : i32
        %ge3A_186 = arith.constant 0 : i32
        %ge3A_187 = arith.cmpi sge, %sub3A_185, %ge3A_186 : i32
        %convert_element_type3A_188 = arith.extui %ge3A_187 : i1 to i32
        %cond3A_189 = arith.constant 0 : i32
        %cond3A_190 = arith.cmpi ne, %convert_element_type3A_188, %cond3A_189 : i32
        scf.if %cond3A_190 {
          %sub3A_226 = arith.constant 4 : i32
          %sub3A_227 = arith.subi %add3A_183, %sub3A_226 : i32
          %dma_wait3A_228 = arith.constant 0 : i32
          %dma_wait3A_229 = tpu.memref_slice %arg7[%sub3A_227, %dma_wait3A_228] : memref<64x64xi32, #tpu.memory_space<vmem>> -> memref<1x64xi32, #tpu.memory_space<vmem>>
          %dma_wait3A_230 = tpu.memref_squeeze %dma_wait3A_229 : memref<1x64xi32, #tpu.memory_space<vmem>> -> memref<64xi32, #tpu.memory_space<vmem>>
          %dma_wait3A_231 = arith.constant 0 : i32
          %dma_wait3A_232 = arith.constant 0 : i32
          %dma_wait3A_233 = tpu.memref_slice %arg12[%dma_wait3A_231, %dma_wait3A_232] : memref<10112x128xf32, #tpu.memory_space<vmem_shared>> -> memref<10112x128xf32, #tpu.memory_space<vmem_shared>>
          tpu.wait_indirect_dma semaphore(%arg14 : memref<!tpu.dma_semaphore, #tpu.memory_space<semaphore_mem>>) src(%arg8 : memref<64x128xf32, #tpu.memory_space<vmem>>) dst(%dma_wait3A_233 : memref<10112x128xf32, #tpu.memory_space<vmem_shared>>)
        } else {
        }
        %lt3A_191 = arith.constant 64 : i32
        %lt3A_192 = arith.cmpi slt, %add3A_183, %lt3A_191 : i32
        %convert_element_type3A_193 = arith.extui %lt3A_192 : i1 to i32
        %cond3A_194 = arith.constant 0 : i32
        %cond3A_195 = arith.cmpi ne, %convert_element_type3A_193, %cond3A_194 : i32
        scf.if %cond3A_195 {
          %dma_start3A_226 = arith.constant 0 : i32
          %dma_start3A_227 = tpu.memref_slice %arg6[%add3A_183, %dma_start3A_226] : memref<64x64xi32, #tpu.memory_space<vmem>> -> memref<1x64xi32, #tpu.memory_space<vmem>>
          %dma_start3A_228 = tpu.memref_squeeze %dma_start3A_227 : memref<1x64xi32, #tpu.memory_space<vmem>> -> memref<64xi32, #tpu.memory_space<vmem>>
          %dma_start3A_229 = arith.constant 0 : i32
          %dma_start3A_230 = arith.constant 0 : i32
          %dma_start3A_231 = tpu.memref_slice %arg2[%dma_start3A_229, %dma_start3A_230] : memref<10240x128xf32, #tpu.memory_space<hbm>> -> memref<10240x128xf32, #tpu.memory_space<hbm>>
          tpu.enqueue_indirect_dma source(%dma_start3A_231 : memref<10240x128xf32, #tpu.memory_space<hbm>>) target(%arg8 : memref<64x128xf32, #tpu.memory_space<vmem>>) offsets(%dma_start3A_228 : memref<64xi32, #tpu.memory_space<vmem>>) semaphore(%arg13 : memref<!tpu.dma_semaphore, #tpu.memory_space<semaphore_mem>>)
        } else {
        }
        %mul3A_196 = arith.constant 4 : i32
        %mul3A_197 = arith.muli %scan3A_108, %mul3A_196 : i32
        %add3A_198 = arith.constant 3 : i32
        %add3A_199 = arith.addi %mul3A_197, %add3A_198 : i32
        %dma_wait3A_200 = arith.constant 0 : i32
        %dma_wait3A_201 = tpu.memref_slice %arg6[%add3A_199, %dma_wait3A_200] : memref<64x64xi32, #tpu.memory_space<vmem>> -> memref<1x64xi32, #tpu.memory_space<vmem>>
        %dma_wait3A_202 = tpu.memref_squeeze %dma_wait3A_201 : memref<1x64xi32, #tpu.memory_space<vmem>> -> memref<64xi32, #tpu.memory_space<vmem>>
        %dma_wait3A_203 = arith.constant 0 : i32
        %dma_wait3A_204 = arith.constant 0 : i32
        %dma_wait3A_205 = tpu.memref_slice %arg2[%dma_wait3A_203, %dma_wait3A_204] : memref<10240x128xf32, #tpu.memory_space<hbm>> -> memref<10240x128xf32, #tpu.memory_space<hbm>>
        tpu.wait_indirect_dma semaphore(%arg13 : memref<!tpu.dma_semaphore, #tpu.memory_space<semaphore_mem>>) src(%dma_wait3A_205 : memref<10240x128xf32, #tpu.memory_space<hbm>>) dst(%arg11 : memref<64x128xf32, #tpu.memory_space<vmem>>)
        %dma_start3A_206 = arith.constant 0 : i32
        %dma_start3A_207 = tpu.memref_slice %arg7[%add3A_199, %dma_start3A_206] : memref<64x64xi32, #tpu.memory_space<vmem>> -> memref<1x64xi32, #tpu.memory_space<vmem>>
        %dma_start3A_208 = tpu.memref_squeeze %dma_start3A_207 : memref<1x64xi32, #tpu.memory_space<vmem>> -> memref<64xi32, #tpu.memory_space<vmem>>
        %dma_start3A_209 = arith.constant 0 : i32
        %dma_start3A_210 = arith.constant 0 : i32
        %dma_start3A_211 = tpu.memref_slice %arg12[%dma_start3A_209, %dma_start3A_210] : memref<10112x128xf32, #tpu.memory_space<vmem_shared>> -> memref<10112x128xf32, #tpu.memory_space<vmem_shared>>
        tpu.enqueue_indirect_dma source(%arg11 : memref<64x128xf32, #tpu.memory_space<vmem>>) target(%dma_start3A_211 : memref<10112x128xf32, #tpu.memory_space<vmem_shared>>) offsets(%dma_start3A_208 : memref<64xi32, #tpu.memory_space<vmem>>) semaphore(%arg14 : memref<!tpu.dma_semaphore, #tpu.memory_space<semaphore_mem>>) {add = true}
        %add3A_212 = arith.constant 2 : i32
        %add3A_213 = arith.addi %add3A_199, %add3A_212 : i32
        %sub3A_214 = arith.constant 4 : i32
        %sub3A_215 = arith.subi %add3A_213, %sub3A_214 : i32
        %ge3A_216 = arith.constant 0 : i32
        %ge3A_217 = arith.cmpi sge, %sub3A_215, %ge3A_216 : i32
        %convert_element_type3A_218 = arith.extui %ge3A_217 : i1 to i32
        %cond3A_219 = arith.constant 0 : i32
        %cond3A_220 = arith.cmpi ne, %convert_element_type3A_218, %cond3A_219 : i32
        scf.if %cond3A_220 {
          %sub3A_226 = arith.constant 4 : i32
          %sub3A_227 = arith.subi %add3A_213, %sub3A_226 : i32
          %dma_wait3A_228 = arith.constant 0 : i32
          %dma_wait3A_229 = tpu.memref_slice %arg7[%sub3A_227, %dma_wait3A_228] : memref<64x64xi32, #tpu.memory_space<vmem>> -> memref<1x64xi32, #tpu.memory_space<vmem>>
          %dma_wait3A_230 = tpu.memref_squeeze %dma_wait3A_229 : memref<1x64xi32, #tpu.memory_space<vmem>> -> memref<64xi32, #tpu.memory_space<vmem>>
          %dma_wait3A_231 = arith.constant 0 : i32
          %dma_wait3A_232 = arith.constant 0 : i32
          %dma_wait3A_233 = tpu.memref_slice %arg12[%dma_wait3A_231, %dma_wait3A_232] : memref<10112x128xf32, #tpu.memory_space<vmem_shared>> -> memref<10112x128xf32, #tpu.memory_space<vmem_shared>>
          tpu.wait_indirect_dma semaphore(%arg14 : memref<!tpu.dma_semaphore, #tpu.memory_space<semaphore_mem>>) src(%arg9 : memref<64x128xf32, #tpu.memory_space<vmem>>) dst(%dma_wait3A_233 : memref<10112x128xf32, #tpu.memory_space<vmem_shared>>)
        } else {
        }
        %lt3A_221 = arith.constant 64 : i32
        %lt3A_222 = arith.cmpi slt, %add3A_213, %lt3A_221 : i32
        %convert_element_type3A_223 = arith.extui %lt3A_222 : i1 to i32
        %cond3A_224 = arith.constant 0 : i32
        %cond3A_225 = arith.cmpi ne, %convert_element_type3A_223, %cond3A_224 : i32
        scf.if %cond3A_225 {
          %dma_start3A_226 = arith.constant 0 : i32
          %dma_start3A_227 = tpu.memref_slice %arg6[%add3A_213, %dma_start3A_226] : memref<64x64xi32, #tpu.memory_space<vmem>> -> memref<1x64xi32, #tpu.memory_space<vmem>>
          %dma_start3A_228 = tpu.memref_squeeze %dma_start3A_227 : memref<1x64xi32, #tpu.memory_space<vmem>> -> memref<64xi32, #tpu.memory_space<vmem>>
          %dma_start3A_229 = arith.constant 0 : i32
          %dma_start3A_230 = arith.constant 0 : i32
          %dma_start3A_231 = tpu.memref_slice %arg2[%dma_start3A_229, %dma_start3A_230] : memref<10240x128xf32, #tpu.memory_space<hbm>> -> memref<10240x128xf32, #tpu.memory_space<hbm>>
          tpu.enqueue_indirect_dma source(%dma_start3A_231 : memref<10240x128xf32, #tpu.memory_space<hbm>>) target(%arg9 : memref<64x128xf32, #tpu.memory_space<vmem>>) offsets(%dma_start3A_228 : memref<64xi32, #tpu.memory_space<vmem>>) semaphore(%arg13 : memref<!tpu.dma_semaphore, #tpu.memory_space<semaphore_mem>>)
        } else {
        }
      }
      %scan3A_58 = arith.constant 16 : i32
      %dma_wait3A = arith.constant 62 : i32
      %dma_wait3A_59 = arith.constant 0 : i32
      %dma_wait3A_60 = tpu.memref_slice %arg7[%dma_wait3A, %dma_wait3A_59] : memref<64x64xi32, #tpu.memory_space<vmem>> -> memref<1x64xi32, #tpu.memory_space<vmem>>
      %dma_wait3A_61 = tpu.memref_squeeze %dma_wait3A_60 : memref<1x64xi32, #tpu.memory_space<vmem>> -> memref<64xi32, #tpu.memory_space<vmem>>
      %dma_wait3A_62 = arith.constant 0 : i32
      %dma_wait3A_63 = arith.constant 0 : i32
      %dma_wait3A_64 = tpu.memref_slice %arg12[%dma_wait3A_62, %dma_wait3A_63] : memref<10112x128xf32, #tpu.memory_space<vmem_shared>> -> memref<10112x128xf32, #tpu.memory_space<vmem_shared>>
      tpu.wait_indirect_dma semaphore(%arg14 : memref<!tpu.dma_semaphore, #tpu.memory_space<semaphore_mem>>) src(%arg8 : memref<64x128xf32, #tpu.memory_space<vmem>>) dst(%dma_wait3A_64 : memref<10112x128xf32, #tpu.memory_space<vmem_shared>>)
      %dma_wait3A_65 = arith.constant 63 : i32
      %dma_wait3A_66 = arith.constant 0 : i32
      %dma_wait3A_67 = tpu.memref_slice %arg7[%dma_wait3A_65, %dma_wait3A_66] : memref<64x64xi32, #tpu.memory_space<vmem>> -> memref<1x64xi32, #tpu.memory_space<vmem>>
      %dma_wait3A_68 = tpu.memref_squeeze %dma_wait3A_67 : memref<1x64xi32, #tpu.memory_space<vmem>> -> memref<64xi32, #tpu.memory_space<vmem>>
      %dma_wait3A_69 = arith.constant 0 : i32
      %dma_wait3A_70 = arith.constant 0 : i32
      %dma_wait3A_71 = tpu.memref_slice %arg12[%dma_wait3A_69, %dma_wait3A_70] : memref<10112x128xf32, #tpu.memory_space<vmem_shared>> -> memref<10112x128xf32, #tpu.memory_space<vmem_shared>>
      tpu.wait_indirect_dma semaphore(%arg14 : memref<!tpu.dma_semaphore, #tpu.memory_space<semaphore_mem>>) src(%arg8 : memref<64x128xf32, #tpu.memory_space<vmem>>) dst(%dma_wait3A_71 : memref<10112x128xf32, #tpu.memory_space<vmem_shared>>)
      %add3A_72 = arith.constant 64 : i32
      %add3A_73 = arith.addi %add3A_37, %add3A_72 : i32
      "tpu.region"() ({
        %run_scoped3A = tpu.sem_alloc : memref<!tpu.dma_semaphore, #tpu.memory_space<semaphore_mem>>
        %dma_start3A_108 = arith.constant 0 : i32
        %dma_start3A_109 = arith.constant 0 : i32
        %dma_start3A_110 = tpu.memref_slice %arg6[%dma_start3A_108, %dma_start3A_109] : memref<64x64xi32, #tpu.memory_space<vmem>> -> memref<64x64xi32, #tpu.memory_space<vmem>>
        %dma_start3A_111 = arith.constant 0 : i32
        %dma_start3A_112 = tpu.memref_slice %arg3[%add3A_73, %dma_start3A_111] : memref<2560x64xi32, #tpu.memory_space<hbm>> -> memref<64x64xi32, #tpu.memory_space<hbm>>
        %dma_start3A_113 = arith.constant 0 : i32
        %dma_start3A_114 = arith.constant 0 : i32
        %dma_start3A_115 = tpu.memref_slice %arg6[%dma_start3A_113, %dma_start3A_114] : memref<64x64xi32, #tpu.memory_space<vmem>> -> memref<64x64xi32, #tpu.memory_space<vmem>>
        %dma_start3A_116 = arith.constant 0 : i32
        %dma_start3A_117 = tpu.memref_slice %arg3[%add3A_73, %dma_start3A_116] : memref<2560x64xi32, #tpu.memory_space<hbm>> -> memref<64x64xi32, #tpu.memory_space<hbm>>
        tpu.enqueue_dma source(%dma_start3A_117 : memref<64x64xi32, #tpu.memory_space<hbm>>) target(%dma_start3A_115 : memref<64x64xi32, #tpu.memory_space<vmem>>) target_semaphore(%run_scoped3A : memref<!tpu.dma_semaphore, #tpu.memory_space<semaphore_mem>>)
        %dma_wait3A_118 = arith.constant 0 : i32
        %dma_wait3A_119 = arith.constant 0 : i32
        %dma_wait3A_120 = tpu.memref_slice %arg6[%dma_wait3A_118, %dma_wait3A_119] : memref<64x64xi32, #tpu.memory_space<vmem>> -> memref<64x64xi32, #tpu.memory_space<vmem>>
        %dma_wait3A_121 = arith.constant 0 : i32
        %dma_wait3A_122 = tpu.memref_slice %arg3[%add3A_73, %dma_wait3A_121] : memref<2560x64xi32, #tpu.memory_space<hbm>> -> memref<64x64xi32, #tpu.memory_space<hbm>>
        %dma_wait3A_123 = arith.constant 0 : i32
        %dma_wait3A_124 = arith.constant 0 : i32
        %dma_wait3A_125 = tpu.memref_slice %arg6[%dma_wait3A_123, %dma_wait3A_124] : memref<64x64xi32, #tpu.memory_space<vmem>> -> memref<64x64xi32, #tpu.memory_space<vmem>>
        %dma_wait3A_126 = arith.constant 0 : i32
        %dma_wait3A_127 = tpu.memref_slice %arg3[%add3A_73, %dma_wait3A_126] : memref<2560x64xi32, #tpu.memory_space<hbm>> -> memref<64x64xi32, #tpu.memory_space<hbm>>
        tpu.wait_dma2 semaphore(%run_scoped3A : memref<!tpu.dma_semaphore, #tpu.memory_space<semaphore_mem>>) src(%dma_wait3A_127 : memref<64x64xi32, #tpu.memory_space<hbm>>) dst(%dma_wait3A_125 : memref<64x64xi32, #tpu.memory_space<vmem>>)
        tpu.yield
      }) : () -> ()
      "tpu.region"() ({
        %run_scoped3A = tpu.sem_alloc : memref<!tpu.dma_semaphore, #tpu.memory_space<semaphore_mem>>
        %dma_start3A_108 = arith.constant 0 : i32
        %dma_start3A_109 = arith.constant 0 : i32
        %dma_start3A_110 = tpu.memref_slice %arg7[%dma_start3A_108, %dma_start3A_109] : memref<64x64xi32, #tpu.memory_space<vmem>> -> memref<64x64xi32, #tpu.memory_space<vmem>>
        %dma_start3A_111 = arith.constant 0 : i32
        %dma_start3A_112 = tpu.memref_slice %arg4[%add3A_73, %dma_start3A_111] : memref<2560x64xi32, #tpu.memory_space<hbm>> -> memref<64x64xi32, #tpu.memory_space<hbm>>
        %dma_start3A_113 = arith.constant 0 : i32
        %dma_start3A_114 = arith.constant 0 : i32
        %dma_start3A_115 = tpu.memref_slice %arg7[%dma_start3A_113, %dma_start3A_114] : memref<64x64xi32, #tpu.memory_space<vmem>> -> memref<64x64xi32, #tpu.memory_space<vmem>>
        %dma_start3A_116 = arith.constant 0 : i32
        %dma_start3A_117 = tpu.memref_slice %arg4[%add3A_73, %dma_start3A_116] : memref<2560x64xi32, #tpu.memory_space<hbm>> -> memref<64x64xi32, #tpu.memory_space<hbm>>
        tpu.enqueue_dma source(%dma_start3A_117 : memref<64x64xi32, #tpu.memory_space<hbm>>) target(%dma_start3A_115 : memref<64x64xi32, #tpu.memory_space<vmem>>) target_semaphore(%run_scoped3A : memref<!tpu.dma_semaphore, #tpu.memory_space<semaphore_mem>>)
        %dma_wait3A_118 = arith.constant 0 : i32
        %dma_wait3A_119 = arith.constant 0 : i32
        %dma_wait3A_120 = tpu.memref_slice %arg7[%dma_wait3A_118, %dma_wait3A_119] : memref<64x64xi32, #tpu.memory_space<vmem>> -> memref<64x64xi32, #tpu.memory_space<vmem>>
        %dma_wait3A_121 = arith.constant 0 : i32
        %dma_wait3A_122 = tpu.memref_slice %arg4[%add3A_73, %dma_wait3A_121] : memref<2560x64xi32, #tpu.memory_space<hbm>> -> memref<64x64xi32, #tpu.memory_space<hbm>>
        %dma_wait3A_123 = arith.constant 0 : i32
        %dma_wait3A_124 = arith.constant 0 : i32
        %dma_wait3A_125 = tpu.memref_slice %arg7[%dma_wait3A_123, %dma_wait3A_124] : memref<64x64xi32, #tpu.memory_space<vmem>> -> memref<64x64xi32, #tpu.memory_space<vmem>>
        %dma_wait3A_126 = arith.constant 0 : i32
        %dma_wait3A_127 = tpu.memref_slice %arg4[%add3A_73, %dma_wait3A_126] : memref<2560x64xi32, #tpu.memory_space<hbm>> -> memref<64x64xi32, #tpu.memory_space<hbm>>
        tpu.wait_dma2 semaphore(%run_scoped3A : memref<!tpu.dma_semaphore, #tpu.memory_space<semaphore_mem>>) src(%dma_wait3A_127 : memref<64x64xi32, #tpu.memory_space<hbm>>) dst(%dma_wait3A_125 : memref<64x64xi32, #tpu.memory_space<vmem>>)
        tpu.yield
      }) : () -> ()
      %dma_start3A_74 = arith.constant 0 : i32
      %dma_start3A_75 = arith.constant 0 : i32
      %dma_start3A_76 = tpu.memref_slice %arg6[%dma_start3A_74, %dma_start3A_75] : memref<64x64xi32, #tpu.memory_space<vmem>> -> memref<1x64xi32, #tpu.memory_space<vmem>>
      %dma_start3A_77 = tpu.memref_squeeze %dma_start3A_76 : memref<1x64xi32, #tpu.memory_space<vmem>> -> memref<64xi32, #tpu.memory_space<vmem>>
      %dma_start3A_78 = arith.constant 0 : i32
      %dma_start3A_79 = arith.constant 0 : i32
      %dma_start3A_80 = tpu.memref_slice %arg2[%dma_start3A_78, %dma_start3A_79] : memref<10240x128xf32, #tpu.memory_space<hbm>> -> memref<10240x128xf32, #tpu.memory_space<hbm>>
      tpu.enqueue_indirect_dma source(%dma_start3A_80 : memref<10240x128xf32, #tpu.memory_space<hbm>>) target(%arg8 : memref<64x128xf32, #tpu.memory_space<vmem>>) offsets(%dma_start3A_77 : memref<64xi32, #tpu.memory_space<vmem>>) semaphore(%arg13 : memref<!tpu.dma_semaphore, #tpu.memory_space<semaphore_mem>>)
      %dma_start3A_81 = arith.constant 1 : i32
      %dma_start3A_82 = arith.constant 0 : i32
      %dma_start3A_83 = tpu.memref_slice %arg6[%dma_start3A_81, %dma_start3A_82] : memref<64x64xi32, #tpu.memory_space<vmem>> -> memref<1x64xi32, #tpu.memory_space<vmem>>
      %dma_start3A_84 = tpu.memref_squeeze %dma_start3A_83 : memref<1x64xi32, #tpu.memory_space<vmem>> -> memref<64xi32, #tpu.memory_space<vmem>>
      %dma_start3A_85 = arith.constant 0 : i32
      %dma_start3A_86 = arith.constant 0 : i32
      %dma_start3A_87 = tpu.memref_slice %arg2[%dma_start3A_85, %dma_start3A_86] : memref<10240x128xf32, #tpu.memory_space<hbm>> -> memref<10240x128xf32, #tpu.memory_space<hbm>>
      tpu.enqueue_indirect_dma source(%dma_start3A_87 : memref<10240x128xf32, #tpu.memory_space<hbm>>) target(%arg9 : memref<64x128xf32, #tpu.memory_space<vmem>>) offsets(%dma_start3A_84 : memref<64xi32, #tpu.memory_space<vmem>>) semaphore(%arg13 : memref<!tpu.dma_semaphore, #tpu.memory_space<semaphore_mem>>)
      %scan3A_88 = arith.constant 0 : i32
      %scan3A_89 = arith.constant 0 : i32
      %scan3A_90 = arith.constant 16 : i32
      %scan3A_91 = arith.addi %scan3A_89, %scan3A_90 : i32
      %scan3A_92 = arith.constant 1 : i32
      scf.for %scan3A_108 = %scan3A_89 to %scan3A_91 step %scan3A_92  : i32 {
        %mul3A_109 = arith.constant 4 : i32
        %mul3A_110 = arith.muli %scan3A_108, %mul3A_109 : i32
        %add3A_111 = arith.constant 0 : i32
        %add3A_112 = arith.addi %mul3A_110, %add3A_111 : i32
        %dma_wait3A_113 = arith.constant 0 : i32
        %dma_wait3A_114 = tpu.memref_slice %arg6[%add3A_112, %dma_wait3A_113] : memref<64x64xi32, #tpu.memory_space<vmem>> -> memref<1x64xi32, #tpu.memory_space<vmem>>
        %dma_wait3A_115 = tpu.memref_squeeze %dma_wait3A_114 : memref<1x64xi32, #tpu.memory_space<vmem>> -> memref<64xi32, #tpu.memory_space<vmem>>
        %dma_wait3A_116 = arith.constant 0 : i32
        %dma_wait3A_117 = arith.constant 0 : i32
        %dma_wait3A_118 = tpu.memref_slice %arg2[%dma_wait3A_116, %dma_wait3A_117] : memref<10240x128xf32, #tpu.memory_space<hbm>> -> memref<10240x128xf32, #tpu.memory_space<hbm>>
        tpu.wait_indirect_dma semaphore(%arg13 : memref<!tpu.dma_semaphore, #tpu.memory_space<semaphore_mem>>) src(%dma_wait3A_118 : memref<10240x128xf32, #tpu.memory_space<hbm>>) dst(%arg8 : memref<64x128xf32, #tpu.memory_space<vmem>>)
        %dma_start3A_119 = arith.constant 0 : i32
        %dma_start3A_120 = tpu.memref_slice %arg7[%add3A_112, %dma_start3A_119] : memref<64x64xi32, #tpu.memory_space<vmem>> -> memref<1x64xi32, #tpu.memory_space<vmem>>
        %dma_start3A_121 = tpu.memref_squeeze %dma_start3A_120 : memref<1x64xi32, #tpu.memory_space<vmem>> -> memref<64xi32, #tpu.memory_space<vmem>>
        %dma_start3A_122 = arith.constant 0 : i32
        %dma_start3A_123 = arith.constant 0 : i32
        %dma_start3A_124 = tpu.memref_slice %arg12[%dma_start3A_122, %dma_start3A_123] : memref<10112x128xf32, #tpu.memory_space<vmem_shared>> -> memref<10112x128xf32, #tpu.memory_space<vmem_shared>>
        tpu.enqueue_indirect_dma source(%arg8 : memref<64x128xf32, #tpu.memory_space<vmem>>) target(%dma_start3A_124 : memref<10112x128xf32, #tpu.memory_space<vmem_shared>>) offsets(%dma_start3A_121 : memref<64xi32, #tpu.memory_space<vmem>>) semaphore(%arg14 : memref<!tpu.dma_semaphore, #tpu.memory_space<semaphore_mem>>) {add = true}
        %add3A_125 = arith.constant 2 : i32
        %add3A_126 = arith.addi %add3A_112, %add3A_125 : i32
        %sub3A = arith.constant 4 : i32
        %sub3A_127 = arith.subi %add3A_126, %sub3A : i32
        %ge3A = arith.constant 0 : i32
        %ge3A_128 = arith.cmpi sge, %sub3A_127, %ge3A : i32
        %convert_element_type3A_129 = arith.extui %ge3A_128 : i1 to i32
        %cond3A_130 = arith.constant 0 : i32
        %cond3A_131 = arith.cmpi ne, %convert_element_type3A_129, %cond3A_130 : i32
        scf.if %cond3A_131 {
          %sub3A_226 = arith.constant 4 : i32
          %sub3A_227 = arith.subi %add3A_126, %sub3A_226 : i32
          %dma_wait3A_228 = arith.constant 0 : i32
          %dma_wait3A_229 = tpu.memref_slice %arg7[%sub3A_227, %dma_wait3A_228] : memref<64x64xi32, #tpu.memory_space<vmem>> -> memref<1x64xi32, #tpu.memory_space<vmem>>
          %dma_wait3A_230 = tpu.memref_squeeze %dma_wait3A_229 : memref<1x64xi32, #tpu.memory_space<vmem>> -> memref<64xi32, #tpu.memory_space<vmem>>
          %dma_wait3A_231 = arith.constant 0 : i32
          %dma_wait3A_232 = arith.constant 0 : i32
          %dma_wait3A_233 = tpu.memref_slice %arg12[%dma_wait3A_231, %dma_wait3A_232] : memref<10112x128xf32, #tpu.memory_space<vmem_shared>> -> memref<10112x128xf32, #tpu.memory_space<vmem_shared>>
          tpu.wait_indirect_dma semaphore(%arg14 : memref<!tpu.dma_semaphore, #tpu.memory_space<semaphore_mem>>) src(%arg10 : memref<64x128xf32, #tpu.memory_space<vmem>>) dst(%dma_wait3A_233 : memref<10112x128xf32, #tpu.memory_space<vmem_shared>>)
        } else {
        }
        %lt3A = arith.constant 64 : i32
        %lt3A_132 = arith.cmpi slt, %add3A_126, %lt3A : i32
        %convert_element_type3A_133 = arith.extui %lt3A_132 : i1 to i32
        %cond3A_134 = arith.constant 0 : i32
        %cond3A_135 = arith.cmpi ne, %convert_element_type3A_133, %cond3A_134 : i32
        scf.if %cond3A_135 {
          %dma_start3A_226 = arith.constant 0 : i32
          %dma_start3A_227 = tpu.memref_slice %arg6[%add3A_126, %dma_start3A_226] : memref<64x64xi32, #tpu.memory_space<vmem>> -> memref<1x64xi32, #tpu.memory_space<vmem>>
          %dma_start3A_228 = tpu.memref_squeeze %dma_start3A_227 : memref<1x64xi32, #tpu.memory_space<vmem>> -> memref<64xi32, #tpu.memory_space<vmem>>
          %dma_start3A_229 = arith.constant 0 : i32
          %dma_start3A_230 = arith.constant 0 : i32
          %dma_start3A_231 = tpu.memref_slice %arg2[%dma_start3A_229, %dma_start3A_230] : memref<10240x128xf32, #tpu.memory_space<hbm>> -> memref<10240x128xf32, #tpu.memory_space<hbm>>
          tpu.enqueue_indirect_dma source(%dma_start3A_231 : memref<10240x128xf32, #tpu.memory_space<hbm>>) target(%arg10 : memref<64x128xf32, #tpu.memory_space<vmem>>) offsets(%dma_start3A_228 : memref<64xi32, #tpu.memory_space<vmem>>) semaphore(%arg13 : memref<!tpu.dma_semaphore, #tpu.memory_space<semaphore_mem>>)
        } else {
        }
        %mul3A_136 = arith.constant 4 : i32
        %mul3A_137 = arith.muli %scan3A_108, %mul3A_136 : i32
        %add3A_138 = arith.constant 1 : i32
        %add3A_139 = arith.addi %mul3A_137, %add3A_138 : i32
        %dma_wait3A_140 = arith.constant 0 : i32
        %dma_wait3A_141 = tpu.memref_slice %arg6[%add3A_139, %dma_wait3A_140] : memref<64x64xi32, #tpu.memory_space<vmem>> -> memref<1x64xi32, #tpu.memory_space<vmem>>
        %dma_wait3A_142 = tpu.memref_squeeze %dma_wait3A_141 : memref<1x64xi32, #tpu.memory_space<vmem>> -> memref<64xi32, #tpu.memory_space<vmem>>
        %dma_wait3A_143 = arith.constant 0 : i32
        %dma_wait3A_144 = arith.constant 0 : i32
        %dma_wait3A_145 = tpu.memref_slice %arg2[%dma_wait3A_143, %dma_wait3A_144] : memref<10240x128xf32, #tpu.memory_space<hbm>> -> memref<10240x128xf32, #tpu.memory_space<hbm>>
        tpu.wait_indirect_dma semaphore(%arg13 : memref<!tpu.dma_semaphore, #tpu.memory_space<semaphore_mem>>) src(%dma_wait3A_145 : memref<10240x128xf32, #tpu.memory_space<hbm>>) dst(%arg9 : memref<64x128xf32, #tpu.memory_space<vmem>>)
        %dma_start3A_146 = arith.constant 0 : i32
        %dma_start3A_147 = tpu.memref_slice %arg7[%add3A_139, %dma_start3A_146] : memref<64x64xi32, #tpu.memory_space<vmem>> -> memref<1x64xi32, #tpu.memory_space<vmem>>
        %dma_start3A_148 = tpu.memref_squeeze %dma_start3A_147 : memref<1x64xi32, #tpu.memory_space<vmem>> -> memref<64xi32, #tpu.memory_space<vmem>>
        %dma_start3A_149 = arith.constant 0 : i32
        %dma_start3A_150 = arith.constant 0 : i32
        %dma_start3A_151 = tpu.memref_slice %arg12[%dma_start3A_149, %dma_start3A_150] : memref<10112x128xf32, #tpu.memory_space<vmem_shared>> -> memref<10112x128xf32, #tpu.memory_space<vmem_shared>>
        tpu.enqueue_indirect_dma source(%arg9 : memref<64x128xf32, #tpu.memory_space<vmem>>) target(%dma_start3A_151 : memref<10112x128xf32, #tpu.memory_space<vmem_shared>>) offsets(%dma_start3A_148 : memref<64xi32, #tpu.memory_space<vmem>>) semaphore(%arg14 : memref<!tpu.dma_semaphore, #tpu.memory_space<semaphore_mem>>) {add = true}
        %add3A_152 = arith.constant 2 : i32
        %add3A_153 = arith.addi %add3A_139, %add3A_152 : i32
        %sub3A_154 = arith.constant 4 : i32
        %sub3A_155 = arith.subi %add3A_153, %sub3A_154 : i32
        %ge3A_156 = arith.constant 0 : i32
        %ge3A_157 = arith.cmpi sge, %sub3A_155, %ge3A_156 : i32
        %convert_element_type3A_158 = arith.extui %ge3A_157 : i1 to i32
        %cond3A_159 = arith.constant 0 : i32
        %cond3A_160 = arith.cmpi ne, %convert_element_type3A_158, %cond3A_159 : i32
        scf.if %cond3A_160 {
          %sub3A_226 = arith.constant 4 : i32
          %sub3A_227 = arith.subi %add3A_153, %sub3A_226 : i32
          %dma_wait3A_228 = arith.constant 0 : i32
          %dma_wait3A_229 = tpu.memref_slice %arg7[%sub3A_227, %dma_wait3A_228] : memref<64x64xi32, #tpu.memory_space<vmem>> -> memref<1x64xi32, #tpu.memory_space<vmem>>
          %dma_wait3A_230 = tpu.memref_squeeze %dma_wait3A_229 : memref<1x64xi32, #tpu.memory_space<vmem>> -> memref<64xi32, #tpu.memory_space<vmem>>
          %dma_wait3A_231 = arith.constant 0 : i32
          %dma_wait3A_232 = arith.constant 0 : i32
          %dma_wait3A_233 = tpu.memref_slice %arg12[%dma_wait3A_231, %dma_wait3A_232] : memref<10112x128xf32, #tpu.memory_space<vmem_shared>> -> memref<10112x128xf32, #tpu.memory_space<vmem_shared>>
          tpu.wait_indirect_dma semaphore(%arg14 : memref<!tpu.dma_semaphore, #tpu.memory_space<semaphore_mem>>) src(%arg11 : memref<64x128xf32, #tpu.memory_space<vmem>>) dst(%dma_wait3A_233 : memref<10112x128xf32, #tpu.memory_space<vmem_shared>>)
        } else {
        }
        %lt3A_161 = arith.constant 64 : i32
        %lt3A_162 = arith.cmpi slt, %add3A_153, %lt3A_161 : i32
        %convert_element_type3A_163 = arith.extui %lt3A_162 : i1 to i32
        %cond3A_164 = arith.constant 0 : i32
        %cond3A_165 = arith.cmpi ne, %convert_element_type3A_163, %cond3A_164 : i32
        scf.if %cond3A_165 {
          %dma_start3A_226 = arith.constant 0 : i32
          %dma_start3A_227 = tpu.memref_slice %arg6[%add3A_153, %dma_start3A_226] : memref<64x64xi32, #tpu.memory_space<vmem>> -> memref<1x64xi32, #tpu.memory_space<vmem>>
          %dma_start3A_228 = tpu.memref_squeeze %dma_start3A_227 : memref<1x64xi32, #tpu.memory_space<vmem>> -> memref<64xi32, #tpu.memory_space<vmem>>
          %dma_start3A_229 = arith.constant 0 : i32
          %dma_start3A_230 = arith.constant 0 : i32
          %dma_start3A_231 = tpu.memref_slice %arg2[%dma_start3A_229, %dma_start3A_230] : memref<10240x128xf32, #tpu.memory_space<hbm>> -> memref<10240x128xf32, #tpu.memory_space<hbm>>
          tpu.enqueue_indirect_dma source(%dma_start3A_231 : memref<10240x128xf32, #tpu.memory_space<hbm>>) target(%arg11 : memref<64x128xf32, #tpu.memory_space<vmem>>) offsets(%dma_start3A_228 : memref<64xi32, #tpu.memory_space<vmem>>) semaphore(%arg13 : memref<!tpu.dma_semaphore, #tpu.memory_space<semaphore_mem>>)
        } else {
        }
        %mul3A_166 = arith.constant 4 : i32
        %mul3A_167 = arith.muli %scan3A_108, %mul3A_166 : i32
        %add3A_168 = arith.constant 2 : i32
        %add3A_169 = arith.addi %mul3A_167, %add3A_168 : i32
        %dma_wait3A_170 = arith.constant 0 : i32
        %dma_wait3A_171 = tpu.memref_slice %arg6[%add3A_169, %dma_wait3A_170] : memref<64x64xi32, #tpu.memory_space<vmem>> -> memref<1x64xi32, #tpu.memory_space<vmem>>
        %dma_wait3A_172 = tpu.memref_squeeze %dma_wait3A_171 : memref<1x64xi32, #tpu.memory_space<vmem>> -> memref<64xi32, #tpu.memory_space<vmem>>
        %dma_wait3A_173 = arith.constant 0 : i32
        %dma_wait3A_174 = arith.constant 0 : i32
        %dma_wait3A_175 = tpu.memref_slice %arg2[%dma_wait3A_173, %dma_wait3A_174] : memref<10240x128xf32, #tpu.memory_space<hbm>> -> memref<10240x128xf32, #tpu.memory_space<hbm>>
        tpu.wait_indirect_dma semaphore(%arg13 : memref<!tpu.dma_semaphore, #tpu.memory_space<semaphore_mem>>) src(%dma_wait3A_175 : memref<10240x128xf32, #tpu.memory_space<hbm>>) dst(%arg10 : memref<64x128xf32, #tpu.memory_space<vmem>>)
        %dma_start3A_176 = arith.constant 0 : i32
        %dma_start3A_177 = tpu.memref_slice %arg7[%add3A_169, %dma_start3A_176] : memref<64x64xi32, #tpu.memory_space<vmem>> -> memref<1x64xi32, #tpu.memory_space<vmem>>
        %dma_start3A_178 = tpu.memref_squeeze %dma_start3A_177 : memref<1x64xi32, #tpu.memory_space<vmem>> -> memref<64xi32, #tpu.memory_space<vmem>>
        %dma_start3A_179 = arith.constant 0 : i32
        %dma_start3A_180 = arith.constant 0 : i32
        %dma_start3A_181 = tpu.memref_slice %arg12[%dma_start3A_179, %dma_start3A_180] : memref<10112x128xf32, #tpu.memory_space<vmem_shared>> -> memref<10112x128xf32, #tpu.memory_space<vmem_shared>>
        tpu.enqueue_indirect_dma source(%arg10 : memref<64x128xf32, #tpu.memory_space<vmem>>) target(%dma_start3A_181 : memref<10112x128xf32, #tpu.memory_space<vmem_shared>>) offsets(%dma_start3A_178 : memref<64xi32, #tpu.memory_space<vmem>>) semaphore(%arg14 : memref<!tpu.dma_semaphore, #tpu.memory_space<semaphore_mem>>) {add = true}
        %add3A_182 = arith.constant 2 : i32
        %add3A_183 = arith.addi %add3A_169, %add3A_182 : i32
        %sub3A_184 = arith.constant 4 : i32
        %sub3A_185 = arith.subi %add3A_183, %sub3A_184 : i32
        %ge3A_186 = arith.constant 0 : i32
        %ge3A_187 = arith.cmpi sge, %sub3A_185, %ge3A_186 : i32
        %convert_element_type3A_188 = arith.extui %ge3A_187 : i1 to i32
        %cond3A_189 = arith.constant 0 : i32
        %cond3A_190 = arith.cmpi ne, %convert_element_type3A_188, %cond3A_189 : i32
        scf.if %cond3A_190 {
          %sub3A_226 = arith.constant 4 : i32
          %sub3A_227 = arith.subi %add3A_183, %sub3A_226 : i32
          %dma_wait3A_228 = arith.constant 0 : i32
          %dma_wait3A_229 = tpu.memref_slice %arg7[%sub3A_227, %dma_wait3A_228] : memref<64x64xi32, #tpu.memory_space<vmem>> -> memref<1x64xi32, #tpu.memory_space<vmem>>
          %dma_wait3A_230 = tpu.memref_squeeze %dma_wait3A_229 : memref<1x64xi32, #tpu.memory_space<vmem>> -> memref<64xi32, #tpu.memory_space<vmem>>
          %dma_wait3A_231 = arith.constant 0 : i32
          %dma_wait3A_232 = arith.constant 0 : i32
          %dma_wait3A_233 = tpu.memref_slice %arg12[%dma_wait3A_231, %dma_wait3A_232] : memref<10112x128xf32, #tpu.memory_space<vmem_shared>> -> memref<10112x128xf32, #tpu.memory_space<vmem_shared>>
          tpu.wait_indirect_dma semaphore(%arg14 : memref<!tpu.dma_semaphore, #tpu.memory_space<semaphore_mem>>) src(%arg8 : memref<64x128xf32, #tpu.memory_space<vmem>>) dst(%dma_wait3A_233 : memref<10112x128xf32, #tpu.memory_space<vmem_shared>>)
        } else {
        }
        %lt3A_191 = arith.constant 64 : i32
        %lt3A_192 = arith.cmpi slt, %add3A_183, %lt3A_191 : i32
        %convert_element_type3A_193 = arith.extui %lt3A_192 : i1 to i32
        %cond3A_194 = arith.constant 0 : i32
        %cond3A_195 = arith.cmpi ne, %convert_element_type3A_193, %cond3A_194 : i32
        scf.if %cond3A_195 {
          %dma_start3A_226 = arith.constant 0 : i32
          %dma_start3A_227 = tpu.memref_slice %arg6[%add3A_183, %dma_start3A_226] : memref<64x64xi32, #tpu.memory_space<vmem>> -> memref<1x64xi32, #tpu.memory_space<vmem>>
          %dma_start3A_228 = tpu.memref_squeeze %dma_start3A_227 : memref<1x64xi32, #tpu.memory_space<vmem>> -> memref<64xi32, #tpu.memory_space<vmem>>
          %dma_start3A_229 = arith.constant 0 : i32
          %dma_start3A_230 = arith.constant 0 : i32
          %dma_start3A_231 = tpu.memref_slice %arg2[%dma_start3A_229, %dma_start3A_230] : memref<10240x128xf32, #tpu.memory_space<hbm>> -> memref<10240x128xf32, #tpu.memory_space<hbm>>
          tpu.enqueue_indirect_dma source(%dma_start3A_231 : memref<10240x128xf32, #tpu.memory_space<hbm>>) target(%arg8 : memref<64x128xf32, #tpu.memory_space<vmem>>) offsets(%dma_start3A_228 : memref<64xi32, #tpu.memory_space<vmem>>) semaphore(%arg13 : memref<!tpu.dma_semaphore, #tpu.memory_space<semaphore_mem>>)
        } else {
        }
        %mul3A_196 = arith.constant 4 : i32
        %mul3A_197 = arith.muli %scan3A_108, %mul3A_196 : i32
        %add3A_198 = arith.constant 3 : i32
        %add3A_199 = arith.addi %mul3A_197, %add3A_198 : i32
        %dma_wait3A_200 = arith.constant 0 : i32
        %dma_wait3A_201 = tpu.memref_slice %arg6[%add3A_199, %dma_wait3A_200] : memref<64x64xi32, #tpu.memory_space<vmem>> -> memref<1x64xi32, #tpu.memory_space<vmem>>
        %dma_wait3A_202 = tpu.memref_squeeze %dma_wait3A_201 : memref<1x64xi32, #tpu.memory_space<vmem>> -> memref<64xi32, #tpu.memory_space<vmem>>
        %dma_wait3A_203 = arith.constant 0 : i32
        %dma_wait3A_204 = arith.constant 0 : i32
        %dma_wait3A_205 = tpu.memref_slice %arg2[%dma_wait3A_203, %dma_wait3A_204] : memref<10240x128xf32, #tpu.memory_space<hbm>> -> memref<10240x128xf32, #tpu.memory_space<hbm>>
        tpu.wait_indirect_dma semaphore(%arg13 : memref<!tpu.dma_semaphore, #tpu.memory_space<semaphore_mem>>) src(%dma_wait3A_205 : memref<10240x128xf32, #tpu.memory_space<hbm>>) dst(%arg11 : memref<64x128xf32, #tpu.memory_space<vmem>>)
        %dma_start3A_206 = arith.constant 0 : i32
        %dma_start3A_207 = tpu.memref_slice %arg7[%add3A_199, %dma_start3A_206] : memref<64x64xi32, #tpu.memory_space<vmem>> -> memref<1x64xi32, #tpu.memory_space<vmem>>
        %dma_start3A_208 = tpu.memref_squeeze %dma_start3A_207 : memref<1x64xi32, #tpu.memory_space<vmem>> -> memref<64xi32, #tpu.memory_space<vmem>>
        %dma_start3A_209 = arith.constant 0 : i32
        %dma_start3A_210 = arith.constant 0 : i32
        %dma_start3A_211 = tpu.memref_slice %arg12[%dma_start3A_209, %dma_start3A_210] : memref<10112x128xf32, #tpu.memory_space<vmem_shared>> -> memref<10112x128xf32, #tpu.memory_space<vmem_shared>>
        tpu.enqueue_indirect_dma source(%arg11 : memref<64x128xf32, #tpu.memory_space<vmem>>) target(%dma_start3A_211 : memref<10112x128xf32, #tpu.memory_space<vmem_shared>>) offsets(%dma_start3A_208 : memref<64xi32, #tpu.memory_space<vmem>>) semaphore(%arg14 : memref<!tpu.dma_semaphore, #tpu.memory_space<semaphore_mem>>) {add = true}
        %add3A_212 = arith.constant 2 : i32
        %add3A_213 = arith.addi %add3A_199, %add3A_212 : i32
        %sub3A_214 = arith.constant 4 : i32
        %sub3A_215 = arith.subi %add3A_213, %sub3A_214 : i32
        %ge3A_216 = arith.constant 0 : i32
        %ge3A_217 = arith.cmpi sge, %sub3A_215, %ge3A_216 : i32
        %convert_element_type3A_218 = arith.extui %ge3A_217 : i1 to i32
        %cond3A_219 = arith.constant 0 : i32
        %cond3A_220 = arith.cmpi ne, %convert_element_type3A_218, %cond3A_219 : i32
        scf.if %cond3A_220 {
          %sub3A_226 = arith.constant 4 : i32
          %sub3A_227 = arith.subi %add3A_213, %sub3A_226 : i32
          %dma_wait3A_228 = arith.constant 0 : i32
          %dma_wait3A_229 = tpu.memref_slice %arg7[%sub3A_227, %dma_wait3A_228] : memref<64x64xi32, #tpu.memory_space<vmem>> -> memref<1x64xi32, #tpu.memory_space<vmem>>
          %dma_wait3A_230 = tpu.memref_squeeze %dma_wait3A_229 : memref<1x64xi32, #tpu.memory_space<vmem>> -> memref<64xi32, #tpu.memory_space<vmem>>
          %dma_wait3A_231 = arith.constant 0 : i32
          %dma_wait3A_232 = arith.constant 0 : i32
          %dma_wait3A_233 = tpu.memref_slice %arg12[%dma_wait3A_231, %dma_wait3A_232] : memref<10112x128xf32, #tpu.memory_space<vmem_shared>> -> memref<10112x128xf32, #tpu.memory_space<vmem_shared>>
          tpu.wait_indirect_dma semaphore(%arg14 : memref<!tpu.dma_semaphore, #tpu.memory_space<semaphore_mem>>) src(%arg9 : memref<64x128xf32, #tpu.memory_space<vmem>>) dst(%dma_wait3A_233 : memref<10112x128xf32, #tpu.memory_space<vmem_shared>>)
        } else {
        }
        %lt3A_221 = arith.constant 64 : i32
        %lt3A_222 = arith.cmpi slt, %add3A_213, %lt3A_221 : i32
        %convert_element_type3A_223 = arith.extui %lt3A_222 : i1 to i32
        %cond3A_224 = arith.constant 0 : i32
        %cond3A_225 = arith.cmpi ne, %convert_element_type3A_223, %cond3A_224 : i32
        scf.if %cond3A_225 {
          %dma_start3A_226 = arith.constant 0 : i32
          %dma_start3A_227 = tpu.memref_slice %arg6[%add3A_213, %dma_start3A_226] : memref<64x64xi32, #tpu.memory_space<vmem>> -> memref<1x64xi32, #tpu.memory_space<vmem>>
          %dma_start3A_228 = tpu.memref_squeeze %dma_start3A_227 : memref<1x64xi32, #tpu.memory_space<vmem>> -> memref<64xi32, #tpu.memory_space<vmem>>
          %dma_start3A_229 = arith.constant 0 : i32
          %dma_start3A_230 = arith.constant 0 : i32
          %dma_start3A_231 = tpu.memref_slice %arg2[%dma_start3A_229, %dma_start3A_230] : memref<10240x128xf32, #tpu.memory_space<hbm>> -> memref<10240x128xf32, #tpu.memory_space<hbm>>
          tpu.enqueue_indirect_dma source(%dma_start3A_231 : memref<10240x128xf32, #tpu.memory_space<hbm>>) target(%arg9 : memref<64x128xf32, #tpu.memory_space<vmem>>) offsets(%dma_start3A_228 : memref<64xi32, #tpu.memory_space<vmem>>) semaphore(%arg13 : memref<!tpu.dma_semaphore, #tpu.memory_space<semaphore_mem>>)
        } else {
        }
      }
      %scan3A_93 = arith.constant 16 : i32
      %dma_wait3A_94 = arith.constant 62 : i32
      %dma_wait3A_95 = arith.constant 0 : i32
      %dma_wait3A_96 = tpu.memref_slice %arg7[%dma_wait3A_94, %dma_wait3A_95] : memref<64x64xi32, #tpu.memory_space<vmem>> -> memref<1x64xi32, #tpu.memory_space<vmem>>
      %dma_wait3A_97 = tpu.memref_squeeze %dma_wait3A_96 : memref<1x64xi32, #tpu.memory_space<vmem>> -> memref<64xi32, #tpu.memory_space<vmem>>
      %dma_wait3A_98 = arith.constant 0 : i32
      %dma_wait3A_99 = arith.constant 0 : i32
      %dma_wait3A_100 = tpu.memref_slice %arg12[%dma_wait3A_98, %dma_wait3A_99] : memref<10112x128xf32, #tpu.memory_space<vmem_shared>> -> memref<10112x128xf32, #tpu.memory_space<vmem_shared>>
      tpu.wait_indirect_dma semaphore(%arg14 : memref<!tpu.dma_semaphore, #tpu.memory_space<semaphore_mem>>) src(%arg8 : memref<64x128xf32, #tpu.memory_space<vmem>>) dst(%dma_wait3A_100 : memref<10112x128xf32, #tpu.memory_space<vmem_shared>>)
      %dma_wait3A_101 = arith.constant 63 : i32
      %dma_wait3A_102 = arith.constant 0 : i32
      %dma_wait3A_103 = tpu.memref_slice %arg7[%dma_wait3A_101, %dma_wait3A_102] : memref<64x64xi32, #tpu.memory_space<vmem>> -> memref<1x64xi32, #tpu.memory_space<vmem>>
      %dma_wait3A_104 = tpu.memref_squeeze %dma_wait3A_103 : memref<1x64xi32, #tpu.memory_space<vmem>> -> memref<64xi32, #tpu.memory_space<vmem>>
      %dma_wait3A_105 = arith.constant 0 : i32
      %dma_wait3A_106 = arith.constant 0 : i32
      %dma_wait3A_107 = tpu.memref_slice %arg12[%dma_wait3A_105, %dma_wait3A_106] : memref<10112x128xf32, #tpu.memory_space<vmem_shared>> -> memref<10112x128xf32, #tpu.memory_space<vmem_shared>>
      tpu.wait_indirect_dma semaphore(%arg14 : memref<!tpu.dma_semaphore, #tpu.memory_space<semaphore_mem>>) src(%arg8 : memref<64x128xf32, #tpu.memory_space<vmem>>) dst(%dma_wait3A_107 : memref<10112x128xf32, #tpu.memory_space<vmem_shared>>)
    } else {
    }
    %barrier3A_33 = arith.constant 0 : index
    tpu.barrier barrier_id(%barrier3A_33)
    "tpu.region"() ({
      %run_scoped3A = tpu.sem_alloc : memref<!tpu.dma_semaphore, #tpu.memory_space<semaphore_mem>>
      %dma_start3A = arith.constant 0 : i32
      %dma_start3A_34 = tpu.memref_slice %arg5[%arg0, %mul3A_6, %dma_start3A] : memref<2x10240x128xf32, #tpu.memory_space<hbm>> -> memref<1x632x128xf32, #tpu.memory_space<hbm>>
      %dma_start3A_35 = tpu.memref_squeeze %dma_start3A_34 : memref<1x632x128xf32, #tpu.memory_space<hbm>> -> memref<632x128xf32, #tpu.memory_space<hbm>>
      %dma_start3A_36 = arith.constant 0 : i32
      %dma_start3A_37 = tpu.memref_slice %arg12[%mul3A_6, %dma_start3A_36] : memref<10112x128xf32, #tpu.memory_space<vmem_shared>> -> memref<632x128xf32, #tpu.memory_space<vmem_shared>>
      tpu.enqueue_dma source(%dma_start3A_37 : memref<632x128xf32, #tpu.memory_space<vmem_shared>>) target(%dma_start3A_35 : memref<632x128xf32, #tpu.memory_space<hbm>>) target_semaphore(%run_scoped3A : memref<!tpu.dma_semaphore, #tpu.memory_space<semaphore_mem>>)
      %dma_wait3A = arith.constant 0 : i32
      %dma_wait3A_38 = tpu.memref_slice %arg5[%arg0, %mul3A_6, %dma_wait3A] : memref<2x10240x128xf32, #tpu.memory_space<hbm>> -> memref<1x632x128xf32, #tpu.memory_space<hbm>>
      %dma_wait3A_39 = tpu.memref_squeeze %dma_wait3A_38 : memref<1x632x128xf32, #tpu.memory_space<hbm>> -> memref<632x128xf32, #tpu.memory_space<hbm>>
      %dma_wait3A_40 = arith.constant 0 : i32
      %dma_wait3A_41 = tpu.memref_slice %arg12[%mul3A_6, %dma_wait3A_40] : memref<10112x128xf32, #tpu.memory_space<vmem_shared>> -> memref<632x128xf32, #tpu.memory_space<vmem_shared>>
      tpu.wait_dma2 semaphore(%run_scoped3A : memref<!tpu.dma_semaphore, #tpu.memory_space<semaphore_mem>>) src(%dma_wait3A_41 : memref<632x128xf32, #tpu.memory_space<vmem_shared>>) dst(%dma_wait3A_39 : memref<632x128xf32, #tpu.memory_space<hbm>>)
      tpu.yield
    }) : () -> ()
    return
  }
}

module attributes {stable_mosaic.version = 14 : i64} {
  func.func @_dinv_body(%arg0: memref<2x10240x16xf32, #tpu.memory_space<vmem>>, %arg1: memref<10240x1xf32, #tpu.memory_space<vmem>>) attributes {dimension_semantics = [], scalar_prefetch = 0 : i64, scratch_operands = 0 : i64, tpu.core_type = #tpu.core_type<tc>} {
    %get3A = arith.constant 0 : index
    %get3A_0 = arith.constant 0 : index
    %get3A_1 = arith.constant 0 : index
    %get3A_2 = vector.load %arg0[%get3A, %get3A_0, %get3A_1] : memref<2x10240x16xf32, #tpu.memory_space<vmem>>, vector<1x10240x1xf32>
    %get3A_3 = vector.shape_cast %get3A_2 : vector<1x10240x1xf32> to vector<10240x1xf32>
    %get3A_4 = arith.constant 1 : index
    %get3A_5 = arith.constant 0 : index
    %get3A_6 = arith.constant 0 : index
    %get3A_7 = vector.load %arg0[%get3A_4, %get3A_5, %get3A_6] : memref<2x10240x16xf32, #tpu.memory_space<vmem>>, vector<1x10240x1xf32>
    %get3A_8 = vector.shape_cast %get3A_7 : vector<1x10240x1xf32> to vector<10240x1xf32>
    %add3A = arith.addf %get3A_3, %get3A_8 : vector<10240x1xf32>
    %add3A_9 = arith.constant 1.000000e+00 : f32
    %add3A_10 = vector.broadcast %add3A_9 : f32 to vector<10240x1xf32>
    %add3A_11 = arith.addf %add3A, %add3A_10 : vector<10240x1xf32>
    %iota3A = tpu.iota {dimensions = array<i32: 0>} : vector<10240x1xi32>
    %lt3A = arith.constant 10000 : i32
    %lt3A_12 = vector.broadcast %lt3A : i32 to vector<10240x1xi32>
    %lt3A_13 = arith.cmpi slt, %iota3A, %lt3A_12 : vector<10240x1xi32>
    %sqrt3A = math.sqrt %add3A_11 : vector<10240x1xf32>
    %div3A = arith.constant 1.000000e+00 : f32
    %div3A_14 = vector.broadcast %div3A : f32 to vector<10240x1xf32>
    %div3A_15 = arith.divf %div3A_14, %sqrt3A : vector<10240x1xf32>
    %jit3A = arith.constant 0.000000e+00 : f32
    %broadcast_in_dim3A = vector.broadcast %jit3A : f32 to vector<10240x1xf32>
    %select_n3A = arith.select %lt3A_13, %div3A_15, %broadcast_in_dim3A : vector<10240x1xi1>, vector<10240x1xf32>
    %swap3A = arith.constant 0 : index
    %swap3A_16 = arith.constant 0 : index
    %swap3A_17 = vector.load %arg1[%swap3A, %swap3A_16] : memref<10240x1xf32, #tpu.memory_space<vmem>>, vector<10240x1xf32>
    tpu.vector_store %arg1[%swap3A, %swap3A_16], %select_n3A {strides = array<i32>} : memref<10240x1xf32, #tpu.memory_space<vmem>>, vector<10240x1xf32>,
    return
  }
}

module attributes {stable_mosaic.version = 14 : i64} {
  func.func @_enc_body(%arg0: i32, %arg1: memref<1x2500x3xf32, #tpu.memory_space<vmem>>, %arg2: memref<1x2500x1xf32, #tpu.memory_space<vmem>>, %arg3: memref<12x128xf32, #tpu.memory_space<vmem>>, %arg4: memref<1x128xf32, #tpu.memory_space<vmem>>, %arg5: memref<1x2500x128xf32, #tpu.memory_space<vmem>>) attributes {dimension_semantics = [#tpu.dimension_semantics<arbitrary>], iteration_bounds = array<i64: 4>, scalar_prefetch = 0 : i64, scratch_operands = 0 : i64, tpu.core_type = #tpu.core_type<tc>, window_params = [{transform_indices = @transform_0, window_bounds = array<i64: 1, 2500, 3>}, {transform_indices = @transform_1, window_bounds = array<i64: 1, 2500, 1>}, {pipeline_mode = #tpu.pipeline_mode<synchronous>, transform_indices = @transform_2, window_bounds = array<i64: 12, 128>}, {pipeline_mode = #tpu.pipeline_mode<synchronous>, transform_indices = @transform_3, window_bounds = array<i64: 1, 128>}, {transform_indices = @transform_4, window_bounds = array<i64: 1, 2500, 128>}]} {
    %get3A = arith.constant 0 : index
    %get3A_0 = arith.constant 0 : index
    %get3A_1 = arith.constant 0 : index
    %get3A_2 = vector.load %arg1[%get3A, %get3A_0, %get3A_1] : memref<1x2500x3xf32, #tpu.memory_space<vmem>>, vector<1x2500x3xf32>
    %get3A_3 = vector.shape_cast %get3A_2 : vector<1x2500x3xf32> to vector<2500x3xf32>
    %slice3A = vector.extract_strided_slice %get3A_3 {offsets = [0, 0], sizes = [2500, 1], strides = [1, 1]} : vector<2500x3xf32> to vector<2500x1xf32>
    %slice3A_4 = vector.extract_strided_slice %get3A_3 {offsets = [0, 0], sizes = [2500, 1], strides = [1, 1]} : vector<2500x3xf32> to vector<2500x1xf32>
    %mul3A = arith.mulf %slice3A, %slice3A_4 : vector<2500x1xf32>
    %slice3A_5 = vector.extract_strided_slice %get3A_3 {offsets = [0, 0], sizes = [2500, 1], strides = [1, 1]} : vector<2500x3xf32> to vector<2500x1xf32>
    %slice3A_6 = vector.extract_strided_slice %get3A_3 {offsets = [0, 1], sizes = [2500, 1], strides = [1, 1]} : vector<2500x3xf32> to vector<2500x1xf32>
    %mul3A_7 = arith.mulf %slice3A_5, %slice3A_6 : vector<2500x1xf32>
    %slice3A_8 = vector.extract_strided_slice %get3A_3 {offsets = [0, 0], sizes = [2500, 1], strides = [1, 1]} : vector<2500x3xf32> to vector<2500x1xf32>
    %slice3A_9 = vector.extract_strided_slice %get3A_3 {offsets = [0, 2], sizes = [2500, 1], strides = [1, 1]} : vector<2500x3xf32> to vector<2500x1xf32>
    %mul3A_10 = arith.mulf %slice3A_8, %slice3A_9 : vector<2500x1xf32>
    %slice3A_11 = vector.extract_strided_slice %get3A_3 {offsets = [0, 1], sizes = [2500, 1], strides = [1, 1]} : vector<2500x3xf32> to vector<2500x1xf32>
    %slice3A_12 = vector.extract_strided_slice %get3A_3 {offsets = [0, 0], sizes = [2500, 1], strides = [1, 1]} : vector<2500x3xf32> to vector<2500x1xf32>
    %mul3A_13 = arith.mulf %slice3A_11, %slice3A_12 : vector<2500x1xf32>
    %slice3A_14 = vector.extract_strided_slice %get3A_3 {offsets = [0, 1], sizes = [2500, 1], strides = [1, 1]} : vector<2500x3xf32> to vector<2500x1xf32>
    %slice3A_15 = vector.extract_strided_slice %get3A_3 {offsets = [0, 1], sizes = [2500, 1], strides = [1, 1]} : vector<2500x3xf32> to vector<2500x1xf32>
    %mul3A_16 = arith.mulf %slice3A_14, %slice3A_15 : vector<2500x1xf32>
    %slice3A_17 = vector.extract_strided_slice %get3A_3 {offsets = [0, 1], sizes = [2500, 1], strides = [1, 1]} : vector<2500x3xf32> to vector<2500x1xf32>
    %slice3A_18 = vector.extract_strided_slice %get3A_3 {offsets = [0, 2], sizes = [2500, 1], strides = [1, 1]} : vector<2500x3xf32> to vector<2500x1xf32>
    %mul3A_19 = arith.mulf %slice3A_17, %slice3A_18 : vector<2500x1xf32>
    %slice3A_20 = vector.extract_strided_slice %get3A_3 {offsets = [0, 2], sizes = [2500, 1], strides = [1, 1]} : vector<2500x3xf32> to vector<2500x1xf32>
    %slice3A_21 = vector.extract_strided_slice %get3A_3 {offsets = [0, 0], sizes = [2500, 1], strides = [1, 1]} : vector<2500x3xf32> to vector<2500x1xf32>
    %mul3A_22 = arith.mulf %slice3A_20, %slice3A_21 : vector<2500x1xf32>
    %slice3A_23 = vector.extract_strided_slice %get3A_3 {offsets = [0, 2], sizes = [2500, 1], strides = [1, 1]} : vector<2500x3xf32> to vector<2500x1xf32>
    %slice3A_24 = vector.extract_strided_slice %get3A_3 {offsets = [0, 1], sizes = [2500, 1], strides = [1, 1]} : vector<2500x3xf32> to vector<2500x1xf32>
    %mul3A_25 = arith.mulf %slice3A_23, %slice3A_24 : vector<2500x1xf32>
    %slice3A_26 = vector.extract_strided_slice %get3A_3 {offsets = [0, 2], sizes = [2500, 1], strides = [1, 1]} : vector<2500x3xf32> to vector<2500x1xf32>
    %slice3A_27 = vector.extract_strided_slice %get3A_3 {offsets = [0, 2], sizes = [2500, 1], strides = [1, 1]} : vector<2500x3xf32> to vector<2500x1xf32>
    %mul3A_28 = arith.mulf %slice3A_26, %slice3A_27 : vector<2500x1xf32>
    %concatenate3A = tpu.concatenate %mul3A, %mul3A_7, %mul3A_10, %mul3A_13, %mul3A_16, %mul3A_19, %mul3A_22, %mul3A_25, %mul3A_28 in 1 : vector<2500x1xf32>, vector<2500x1xf32>, vector<2500x1xf32>, vector<2500x1xf32>, vector<2500x1xf32>, vector<2500x1xf32>, vector<2500x1xf32>, vector<2500x1xf32>, vector<2500x1xf32> -> vector<2500x9xf32>
    %concatenate3A_29 = tpu.concatenate %get3A_3, %concatenate3A in 1 : vector<2500x3xf32>, vector<2500x9xf32> -> vector<2500x12xf32>
    %broadcast_in_dim3A = arith.constant 0.000000e+00 : f32
    %broadcast_in_dim3A_30 = vector.broadcast %broadcast_in_dim3A : f32 to vector<12x12xf32>
    %concatenate3A_31 = tpu.concatenate %broadcast_in_dim3A_30, %concatenate3A_29, %broadcast_in_dim3A_30 in 0 : vector<12x12xf32>, vector<2500x12xf32>, vector<12x12xf32> -> vector<2524x12xf32>
    %slice3A_32 = vector.extract_strided_slice %concatenate3A_31 {offsets = [0, 0], sizes = [2500, 12], strides = [1, 1]} : vector<2524x12xf32> to vector<2500x12xf32>
    %slice3A_33 = vector.extract_strided_slice %concatenate3A_31 {offsets = [1, 0], sizes = [2500, 12], strides = [1, 1]} : vector<2524x12xf32> to vector<2500x12xf32>
    %add3A = arith.addf %slice3A_32, %slice3A_33 : vector<2500x12xf32>
    %slice3A_34 = vector.extract_strided_slice %concatenate3A_31 {offsets = [2, 0], sizes = [2500, 12], strides = [1, 1]} : vector<2524x12xf32> to vector<2500x12xf32>
    %add3A_35 = arith.addf %add3A, %slice3A_34 : vector<2500x12xf32>
    %slice3A_36 = vector.extract_strided_slice %concatenate3A_31 {offsets = [3, 0], sizes = [2500, 12], strides = [1, 1]} : vector<2524x12xf32> to vector<2500x12xf32>
    %add3A_37 = arith.addf %add3A_35, %slice3A_36 : vector<2500x12xf32>
    %slice3A_38 = vector.extract_strided_slice %concatenate3A_31 {offsets = [4, 0], sizes = [2500, 12], strides = [1, 1]} : vector<2524x12xf32> to vector<2500x12xf32>
    %add3A_39 = arith.addf %add3A_37, %slice3A_38 : vector<2500x12xf32>
    %slice3A_40 = vector.extract_strided_slice %concatenate3A_31 {offsets = [5, 0], sizes = [2500, 12], strides = [1, 1]} : vector<2524x12xf32> to vector<2500x12xf32>
    %add3A_41 = arith.addf %add3A_39, %slice3A_40 : vector<2500x12xf32>
    %slice3A_42 = vector.extract_strided_slice %concatenate3A_31 {offsets = [6, 0], sizes = [2500, 12], strides = [1, 1]} : vector<2524x12xf32> to vector<2500x12xf32>
    %add3A_43 = arith.addf %add3A_41, %slice3A_42 : vector<2500x12xf32>
    %slice3A_44 = vector.extract_strided_slice %concatenate3A_31 {offsets = [7, 0], sizes = [2500, 12], strides = [1, 1]} : vector<2524x12xf32> to vector<2500x12xf32>
    %add3A_45 = arith.addf %add3A_43, %slice3A_44 : vector<2500x12xf32>
    %slice3A_46 = vector.extract_strided_slice %concatenate3A_31 {offsets = [8, 0], sizes = [2500, 12], strides = [1, 1]} : vector<2524x12xf32> to vector<2500x12xf32>
    %add3A_47 = arith.addf %add3A_45, %slice3A_46 : vector<2500x12xf32>
    %slice3A_48 = vector.extract_strided_slice %concatenate3A_31 {offsets = [9, 0], sizes = [2500, 12], strides = [1, 1]} : vector<2524x12xf32> to vector<2500x12xf32>
    %add3A_49 = arith.addf %add3A_47, %slice3A_48 : vector<2500x12xf32>
    %slice3A_50 = vector.extract_strided_slice %concatenate3A_31 {offsets = [10, 0], sizes = [2500, 12], strides = [1, 1]} : vector<2524x12xf32> to vector<2500x12xf32>
    %add3A_51 = arith.addf %add3A_49, %slice3A_50 : vector<2500x12xf32>
    %slice3A_52 = vector.extract_strided_slice %concatenate3A_31 {offsets = [11, 0], sizes = [2500, 12], strides = [1, 1]} : vector<2524x12xf32> to vector<2500x12xf32>
    %add3A_53 = arith.addf %add3A_51, %slice3A_52 : vector<2500x12xf32>
    %slice3A_54 = vector.extract_strided_slice %concatenate3A_31 {offsets = [12, 0], sizes = [2500, 12], strides = [1, 1]} : vector<2524x12xf32> to vector<2500x12xf32>
    %add3A_55 = arith.addf %add3A_53, %slice3A_54 : vector<2500x12xf32>
    %slice3A_56 = vector.extract_strided_slice %concatenate3A_31 {offsets = [13, 0], sizes = [2500, 12], strides = [1, 1]} : vector<2524x12xf32> to vector<2500x12xf32>
    %add3A_57 = arith.addf %add3A_55, %slice3A_56 : vector<2500x12xf32>
    %slice3A_58 = vector.extract_strided_slice %concatenate3A_31 {offsets = [14, 0], sizes = [2500, 12], strides = [1, 1]} : vector<2524x12xf32> to vector<2500x12xf32>
    %add3A_59 = arith.addf %add3A_57, %slice3A_58 : vector<2500x12xf32>
    %slice3A_60 = vector.extract_strided_slice %concatenate3A_31 {offsets = [15, 0], sizes = [2500, 12], strides = [1, 1]} : vector<2524x12xf32> to vector<2500x12xf32>
    %add3A_61 = arith.addf %add3A_59, %slice3A_60 : vector<2500x12xf32>
    %slice3A_62 = vector.extract_strided_slice %concatenate3A_31 {offsets = [16, 0], sizes = [2500, 12], strides = [1, 1]} : vector<2524x12xf32> to vector<2500x12xf32>
    %add3A_63 = arith.addf %add3A_61, %slice3A_62 : vector<2500x12xf32>
    %slice3A_64 = vector.extract_strided_slice %concatenate3A_31 {offsets = [17, 0], sizes = [2500, 12], strides = [1, 1]} : vector<2524x12xf32> to vector<2500x12xf32>
    %add3A_65 = arith.addf %add3A_63, %slice3A_64 : vector<2500x12xf32>
    %slice3A_66 = vector.extract_strided_slice %concatenate3A_31 {offsets = [18, 0], sizes = [2500, 12], strides = [1, 1]} : vector<2524x12xf32> to vector<2500x12xf32>
    %add3A_67 = arith.addf %add3A_65, %slice3A_66 : vector<2500x12xf32>
    %slice3A_68 = vector.extract_strided_slice %concatenate3A_31 {offsets = [19, 0], sizes = [2500, 12], strides = [1, 1]} : vector<2524x12xf32> to vector<2500x12xf32>
    %add3A_69 = arith.addf %add3A_67, %slice3A_68 : vector<2500x12xf32>
    %slice3A_70 = vector.extract_strided_slice %concatenate3A_31 {offsets = [20, 0], sizes = [2500, 12], strides = [1, 1]} : vector<2524x12xf32> to vector<2500x12xf32>
    %add3A_71 = arith.addf %add3A_69, %slice3A_70 : vector<2500x12xf32>
    %slice3A_72 = vector.extract_strided_slice %concatenate3A_31 {offsets = [21, 0], sizes = [2500, 12], strides = [1, 1]} : vector<2524x12xf32> to vector<2500x12xf32>
    %add3A_73 = arith.addf %add3A_71, %slice3A_72 : vector<2500x12xf32>
    %slice3A_74 = vector.extract_strided_slice %concatenate3A_31 {offsets = [22, 0], sizes = [2500, 12], strides = [1, 1]} : vector<2524x12xf32> to vector<2500x12xf32>
    %add3A_75 = arith.addf %add3A_73, %slice3A_74 : vector<2500x12xf32>
    %slice3A_76 = vector.extract_strided_slice %concatenate3A_31 {offsets = [23, 0], sizes = [2500, 12], strides = [1, 1]} : vector<2524x12xf32> to vector<2500x12xf32>
    %add3A_77 = arith.addf %add3A_75, %slice3A_76 : vector<2500x12xf32>
    %slice3A_78 = vector.extract_strided_slice %concatenate3A_31 {offsets = [24, 0], sizes = [2500, 12], strides = [1, 1]} : vector<2524x12xf32> to vector<2500x12xf32>
    %add3A_79 = arith.addf %add3A_77, %slice3A_78 : vector<2500x12xf32>
    %iota3A = tpu.iota {dimensions = array<i32: 0>} : vector<2500x1xi32>
    %add3A_80 = arith.constant 13 : i32
    %add3A_81 = vector.broadcast %add3A_80 : i32 to vector<2500x1xi32>
    %add3A_82 = arith.addi %iota3A, %add3A_81 : vector<2500x1xi32>
    %min3A = arith.constant 2500 : i32
    %min3A_83 = vector.broadcast %min3A : i32 to vector<2500x1xi32>
    %min3A_84 = arith.minsi %min3A_83, %add3A_82 : vector<2500x1xi32>
    %sub3A = arith.constant 12 : i32
    %sub3A_85 = vector.broadcast %sub3A : i32 to vector<2500x1xi32>
    %sub3A_86 = arith.subi %iota3A, %sub3A_85 : vector<2500x1xi32>
    %max3A = arith.constant 0 : i32
    %max3A_87 = vector.broadcast %max3A : i32 to vector<2500x1xi32>
    %max3A_88 = arith.maxsi %max3A_87, %sub3A_86 : vector<2500x1xi32>
    %sub3A_89 = arith.subi %min3A_84, %max3A_88 : vector<2500x1xi32>
    %convert_element_type3A = arith.sitofp %sub3A_89 : vector<2500x1xi32> to vector<2500x1xf32>
    %slice3A_90 = vector.extract_strided_slice %add3A_79 {offsets = [0, 0], sizes = [2500, 3], strides = [1, 1]} : vector<2500x12xf32> to vector<2500x3xf32>
    %slice3A_91 = vector.extract_strided_slice %add3A_79 {offsets = [0, 3], sizes = [2500, 9], strides = [1, 1]} : vector<2500x12xf32> to vector<2500x9xf32>
    %div3A = vector.broadcast %convert_element_type3A : vector<2500x1xf32> to vector<2500x3xf32>
    %div3A_92 = arith.divf %slice3A_90, %div3A : vector<2500x3xf32>
    %slice3A_93 = vector.extract_strided_slice %div3A_92 {offsets = [0, 0], sizes = [2500, 1], strides = [1, 1]} : vector<2500x3xf32> to vector<2500x1xf32>
    %slice3A_94 = vector.extract_strided_slice %div3A_92 {offsets = [0, 0], sizes = [2500, 1], strides = [1, 1]} : vector<2500x3xf32> to vector<2500x1xf32>
    %mul3A_95 = arith.mulf %slice3A_93, %slice3A_94 : vector<2500x1xf32>
    %slice3A_96 = vector.extract_strided_slice %div3A_92 {offsets = [0, 0], sizes = [2500, 1], strides = [1, 1]} : vector<2500x3xf32> to vector<2500x1xf32>
    %slice3A_97 = vector.extract_strided_slice %div3A_92 {offsets = [0, 1], sizes = [2500, 1], strides = [1, 1]} : vector<2500x3xf32> to vector<2500x1xf32>
    %mul3A_98 = arith.mulf %slice3A_96, %slice3A_97 : vector<2500x1xf32>
    %slice3A_99 = vector.extract_strided_slice %div3A_92 {offsets = [0, 0], sizes = [2500, 1], strides = [1, 1]} : vector<2500x3xf32> to vector<2500x1xf32>
    %slice3A_100 = vector.extract_strided_slice %div3A_92 {offsets = [0, 2], sizes = [2500, 1], strides = [1, 1]} : vector<2500x3xf32> to vector<2500x1xf32>
    %mul3A_101 = arith.mulf %slice3A_99, %slice3A_100 : vector<2500x1xf32>
    %slice3A_102 = vector.extract_strided_slice %div3A_92 {offsets = [0, 1], sizes = [2500, 1], strides = [1, 1]} : vector<2500x3xf32> to vector<2500x1xf32>
    %slice3A_103 = vector.extract_strided_slice %div3A_92 {offsets = [0, 0], sizes = [2500, 1], strides = [1, 1]} : vector<2500x3xf32> to vector<2500x1xf32>
    %mul3A_104 = arith.mulf %slice3A_102, %slice3A_103 : vector<2500x1xf32>
    %slice3A_105 = vector.extract_strided_slice %div3A_92 {offsets = [0, 1], sizes = [2500, 1], strides = [1, 1]} : vector<2500x3xf32> to vector<2500x1xf32>
    %slice3A_106 = vector.extract_strided_slice %div3A_92 {offsets = [0, 1], sizes = [2500, 1], strides = [1, 1]} : vector<2500x3xf32> to vector<2500x1xf32>
    %mul3A_107 = arith.mulf %slice3A_105, %slice3A_106 : vector<2500x1xf32>
    %slice3A_108 = vector.extract_strided_slice %div3A_92 {offsets = [0, 1], sizes = [2500, 1], strides = [1, 1]} : vector<2500x3xf32> to vector<2500x1xf32>
    %slice3A_109 = vector.extract_strided_slice %div3A_92 {offsets = [0, 2], sizes = [2500, 1], strides = [1, 1]} : vector<2500x3xf32> to vector<2500x1xf32>
    %mul3A_110 = arith.mulf %slice3A_108, %slice3A_109 : vector<2500x1xf32>
    %slice3A_111 = vector.extract_strided_slice %div3A_92 {offsets = [0, 2], sizes = [2500, 1], strides = [1, 1]} : vector<2500x3xf32> to vector<2500x1xf32>
    %slice3A_112 = vector.extract_strided_slice %div3A_92 {offsets = [0, 0], sizes = [2500, 1], strides = [1, 1]} : vector<2500x3xf32> to vector<2500x1xf32>
    %mul3A_113 = arith.mulf %slice3A_111, %slice3A_112 : vector<2500x1xf32>
    %slice3A_114 = vector.extract_strided_slice %div3A_92 {offsets = [0, 2], sizes = [2500, 1], strides = [1, 1]} : vector<2500x3xf32> to vector<2500x1xf32>
    %slice3A_115 = vector.extract_strided_slice %div3A_92 {offsets = [0, 1], sizes = [2500, 1], strides = [1, 1]} : vector<2500x3xf32> to vector<2500x1xf32>
    %mul3A_116 = arith.mulf %slice3A_114, %slice3A_115 : vector<2500x1xf32>
    %slice3A_117 = vector.extract_strided_slice %div3A_92 {offsets = [0, 2], sizes = [2500, 1], strides = [1, 1]} : vector<2500x3xf32> to vector<2500x1xf32>
    %slice3A_118 = vector.extract_strided_slice %div3A_92 {offsets = [0, 2], sizes = [2500, 1], strides = [1, 1]} : vector<2500x3xf32> to vector<2500x1xf32>
    %mul3A_119 = arith.mulf %slice3A_117, %slice3A_118 : vector<2500x1xf32>
    %concatenate3A_120 = tpu.concatenate %mul3A_95, %mul3A_98, %mul3A_101, %mul3A_104, %mul3A_107, %mul3A_110, %mul3A_113, %mul3A_116, %mul3A_119 in 1 : vector<2500x1xf32>, vector<2500x1xf32>, vector<2500x1xf32>, vector<2500x1xf32>, vector<2500x1xf32>, vector<2500x1xf32>, vector<2500x1xf32>, vector<2500x1xf32>, vector<2500x1xf32> -> vector<2500x9xf32>
    %mul3A_121 = vector.broadcast %convert_element_type3A : vector<2500x1xf32> to vector<2500x9xf32>
    %mul3A_122 = arith.mulf %mul3A_121, %concatenate3A_120 : vector<2500x9xf32>
    %sub3A_123 = arith.subf %slice3A_91, %mul3A_122 : vector<2500x9xf32>
    %div3A_124 = arith.constant 2.300000e+01 : f32
    %div3A_125 = vector.broadcast %div3A_124 : f32 to vector<2500x9xf32>
    %div3A_126 = arith.divf %sub3A_123, %div3A_125 : vector<2500x9xf32>
    %concatenate3A_127 = tpu.concatenate %get3A_3, %div3A_126 in 1 : vector<2500x3xf32>, vector<2500x9xf32> -> vector<2500x12xf32>
    %get3A_128 = arith.constant 0 : index
    %get3A_129 = arith.constant 0 : index
    %get3A_130 = vector.load %arg3[%get3A_128, %get3A_129] : memref<12x128xf32, #tpu.memory_space<vmem>>, vector<12x128xf32>
    %dot_general3A = arith.constant dense<0.000000e+00> : vector<2500x128xf32>
    %dot_general3A_131 = tpu.matmul %concatenate3A_127, %get3A_130, %dot_general3A {dimension_numbers = #tpu.dot_dimension_numbers<[1], [0], [0], [1], [0, 0, 1, 1], [], []>, transpose_lhs_hint = false} : vector<2500x12xf32>, vector<12x128xf32>, vector<2500x128xf32> -> vector<2500x128xf32>
    %get3A_132 = arith.constant 0 : index
    %get3A_133 = arith.constant 0 : index
    %get3A_134 = vector.load %arg4[%get3A_132, %get3A_133] : memref<1x128xf32, #tpu.memory_space<vmem>>, vector<1x128xf32>
    %add3A_135 = vector.broadcast %get3A_134 : vector<1x128xf32> to vector<2500x128xf32>
    %add3A_136 = arith.addf %dot_general3A_131, %add3A_135 : vector<2500x128xf32>
    %gt3A = arith.constant 0.000000e+00 : f32
    %gt3A_137 = vector.broadcast %gt3A : f32 to vector<2500x128xf32>
    %gt3A_138 = arith.cmpf ogt, %add3A_136, %gt3A_137 : vector<2500x128xf32>
    %exp3A = math.exp %add3A_136 : vector<2500x128xf32>
    %sub3A_139 = arith.constant 1.000000e+00 : f32
    %sub3A_140 = vector.broadcast %sub3A_139 : f32 to vector<2500x128xf32>
    %sub3A_141 = arith.subf %exp3A, %sub3A_140 : vector<2500x128xf32>
    %mul3A_142 = arith.constant 1.67326319 : f32
    %mul3A_143 = vector.broadcast %mul3A_142 : f32 to vector<2500x128xf32>
    %mul3A_144 = arith.mulf %mul3A_143, %sub3A_141 : vector<2500x128xf32>
    %select_n3A = arith.select %gt3A_138, %add3A_136, %mul3A_144 : vector<2500x128xi1>, vector<2500x128xf32>
    %mul3A_145 = arith.constant 1.05070102 : f32
    %mul3A_146 = vector.broadcast %mul3A_145 : f32 to vector<2500x128xf32>
    %mul3A_147 = arith.mulf %mul3A_146, %select_n3A : vector<2500x128xf32>
    %get3A_148 = arith.constant 0 : index
    %get3A_149 = arith.constant 0 : index
    %get3A_150 = arith.constant 0 : index
    %get3A_151 = vector.load %arg2[%get3A_148, %get3A_149, %get3A_150] : memref<1x2500x1xf32, #tpu.memory_space<vmem>>, vector<1x2500x1xf32>
    %get3A_152 = vector.shape_cast %get3A_151 : vector<1x2500x1xf32> to vector<2500x1xf32>
    %mul3A_153 = vector.broadcast %get3A_152 : vector<2500x1xf32> to vector<2500x128xf32>
    %mul3A_154 = arith.mulf %mul3A_147, %mul3A_153 : vector<2500x128xf32>
    %swap3A = arith.constant 0 : index
    %swap3A_155 = arith.constant 0 : index
    %swap3A_156 = arith.constant 0 : index
    %swap3A_157 = vector.load %arg5[%swap3A, %swap3A_155, %swap3A_156] : memref<1x2500x128xf32, #tpu.memory_space<vmem>>, vector<1x2500x128xf32>
    %swap3A_158 = vector.shape_cast %swap3A_157 : vector<1x2500x128xf32> to vector<2500x128xf32>
    %swap3A_159 = vector.shape_cast %mul3A_154 : vector<2500x128xf32> to vector<1x2500x128xf32>
    tpu.vector_store %arg5[%swap3A, %swap3A_155, %swap3A_156], %swap3A_159 {strides = array<i32>} : memref<1x2500x128xf32, #tpu.memory_space<vmem>>, vector<1x2500x128xf32>,
    return
  }
  func.func @transform_0(%arg0: i32) -> (i32, i32, i32) {
    %c0_i32 = arith.constant 0 : i32
    %c0_i32_0 = arith.constant 0 : i32
    %c0_i32_1 = arith.constant 0 : i32
    return %arg0, %c0_i32, %c0_i32_0 : i32, i32, i32
  }
  func.func @transform_1(%arg0: i32) -> (i32, i32, i32) {
    %c0_i32 = arith.constant 0 : i32
    %c0_i32_0 = arith.constant 0 : i32
    %c0_i32_1 = arith.constant 0 : i32
    return %arg0, %c0_i32, %c0_i32_0 : i32, i32, i32
  }
  func.func @transform_2(%arg0: i32) -> (i32, i32) {
    %c0_i32 = arith.constant 0 : i32
    %c0_i32_0 = arith.constant 0 : i32
    %c0_i32_1 = arith.constant 0 : i32
    return %c0_i32, %c0_i32_0 : i32, i32
  }
  func.func @transform_3(%arg0: i32) -> (i32, i32) {
    %c0_i32 = arith.constant 0 : i32
    %c0_i32_0 = arith.constant 0 : i32
    %c0_i32_1 = arith.constant 0 : i32
    return %c0_i32, %c0_i32_0 : i32, i32
  }
  func.func @transform_4(%arg0: i32) -> (i32, i32, i32) {
    %c0_i32 = arith.constant 0 : i32
    %c0_i32_0 = arith.constant 0 : i32
    %c0_i32_1 = arith.constant 0 : i32
    return %arg0, %c0_i32, %c0_i32_0 : i32, i32, i32
  }
}

module attributes {stable_mosaic.version = 14 : i64} {
  func.func @_mid_body(%arg0: i32, %arg1: memref<2x512x128xf32, #tpu.memory_space<vmem>>, %arg2: memref<512x128xf32, #tpu.memory_space<vmem>>, %arg3: memref<512x1xf32, #tpu.memory_space<vmem>>, %arg4: memref<128x256xf32, #tpu.memory_space<vmem>>, %arg5: memref<1x256xf32, #tpu.memory_space<vmem>>, %arg6: memref<2x512x128xf32, #tpu.memory_space<vmem>>) attributes {dimension_semantics = [#tpu.dimension_semantics<arbitrary>], iteration_bounds = array<i64: 20>, scalar_prefetch = 0 : i64, scratch_operands = 0 : i64, tpu.core_type = #tpu.core_type<tc>, window_params = [{transform_indices = @transform_0, window_bounds = array<i64: 2, 512, 128>}, {transform_indices = @transform_1, window_bounds = array<i64: 512, 128>}, {transform_indices = @transform_2, window_bounds = array<i64: 512, 1>}, {pipeline_mode = #tpu.pipeline_mode<synchronous>, transform_indices = @transform_3, window_bounds = array<i64: 128, 256>}, {pipeline_mode = #tpu.pipeline_mode<synchronous>, transform_indices = @transform_4, window_bounds = array<i64: 1, 256>}, {transform_indices = @transform_5, window_bounds = array<i64: 2, 512, 128>}]} {
    %get3A = arith.constant 0 : index
    %get3A_0 = arith.constant 0 : index
    %get3A_1 = vector.load %arg3[%get3A, %get3A_0] : memref<512x1xf32, #tpu.memory_space<vmem>>, vector<512x1xf32>
    %get3A_2 = arith.constant 0 : index
    %get3A_3 = arith.constant 0 : index
    %get3A_4 = arith.constant 0 : index
    %get3A_5 = vector.load %arg1[%get3A_2, %get3A_3, %get3A_4] : memref<2x512x128xf32, #tpu.memory_space<vmem>>, vector<1x512x128xf32>
    %get3A_6 = vector.shape_cast %get3A_5 : vector<1x512x128xf32> to vector<512x128xf32>
    %get3A_7 = arith.constant 1 : index
    %get3A_8 = arith.constant 0 : index
    %get3A_9 = arith.constant 0 : index
    %get3A_10 = vector.load %arg1[%get3A_7, %get3A_8, %get3A_9] : memref<2x512x128xf32, #tpu.memory_space<vmem>>, vector<1x512x128xf32>
    %get3A_11 = vector.shape_cast %get3A_10 : vector<1x512x128xf32> to vector<512x128xf32>
    %add3A = arith.addf %get3A_6, %get3A_11 : vector<512x128xf32>
    %get3A_12 = arith.constant 0 : index
    %get3A_13 = arith.constant 0 : index
    %get3A_14 = vector.load %arg2[%get3A_12, %get3A_13] : memref<512x128xf32, #tpu.memory_space<vmem>>, vector<512x128xf32>
    %add3A_15 = arith.addf %add3A, %get3A_14 : vector<512x128xf32>
    %mul3A = vector.broadcast %get3A_1 : vector<512x1xf32> to vector<512x128xf32>
    %mul3A_16 = arith.mulf %add3A_15, %mul3A : vector<512x128xf32>
    %get3A_17 = arith.constant 0 : index
    %get3A_18 = arith.constant 0 : index
    %get3A_19 = vector.load %arg4[%get3A_17, %get3A_18] : memref<128x256xf32, #tpu.memory_space<vmem>>, vector<128x256xf32>
    %dot_general3A = arith.constant dense<0.000000e+00> : vector<512x256xf32>
    %dot_general3A_20 = tpu.matmul %mul3A_16, %get3A_19, %dot_general3A {dimension_numbers = #tpu.dot_dimension_numbers<[1], [0], [0], [1], [0, 0, 1, 1], [], []>, transpose_lhs_hint = false} : vector<512x128xf32>, vector<128x256xf32>, vector<512x256xf32> -> vector<512x256xf32>
    %get3A_21 = arith.constant 0 : index
    %get3A_22 = arith.constant 0 : index
    %get3A_23 = vector.load %arg5[%get3A_21, %get3A_22] : memref<1x256xf32, #tpu.memory_space<vmem>>, vector<1x256xf32>
    %add3A_24 = vector.broadcast %get3A_23 : vector<1x256xf32> to vector<512x256xf32>
    %add3A_25 = arith.addf %dot_general3A_20, %add3A_24 : vector<512x256xf32>
    %gt3A = arith.constant 0.000000e+00 : f32
    %gt3A_26 = vector.broadcast %gt3A : f32 to vector<512x256xf32>
    %gt3A_27 = arith.cmpf ogt, %add3A_25, %gt3A_26 : vector<512x256xf32>
    %exp3A = math.exp %add3A_25 : vector<512x256xf32>
    %sub3A = arith.constant 1.000000e+00 : f32
    %sub3A_28 = vector.broadcast %sub3A : f32 to vector<512x256xf32>
    %sub3A_29 = arith.subf %exp3A, %sub3A_28 : vector<512x256xf32>
    %mul3A_30 = arith.constant 1.67326319 : f32
    %mul3A_31 = vector.broadcast %mul3A_30 : f32 to vector<512x256xf32>
    %mul3A_32 = arith.mulf %mul3A_31, %sub3A_29 : vector<512x256xf32>
    %select_n3A = arith.select %gt3A_27, %add3A_25, %mul3A_32 : vector<512x256xi1>, vector<512x256xf32>
    %mul3A_33 = arith.constant 1.05070102 : f32
    %mul3A_34 = vector.broadcast %mul3A_33 : f32 to vector<512x256xf32>
    %mul3A_35 = arith.mulf %mul3A_34, %select_n3A : vector<512x256xf32>
    %mul3A_36 = vector.broadcast %get3A_1 : vector<512x1xf32> to vector<512x256xf32>
    %mul3A_37 = arith.mulf %mul3A_35, %mul3A_36 : vector<512x256xf32>
    %slice3A = vector.extract_strided_slice %mul3A_37 {offsets = [0, 0], sizes = [512, 128], strides = [1, 1]} : vector<512x256xf32> to vector<512x128xf32>
    %swap3A = arith.constant 0 : index
    %swap3A_38 = arith.constant 0 : index
    %swap3A_39 = arith.constant 0 : index
    %swap3A_40 = vector.load %arg6[%swap3A, %swap3A_38, %swap3A_39] : memref<2x512x128xf32, #tpu.memory_space<vmem>>, vector<1x512x128xf32>
    %swap3A_41 = vector.shape_cast %swap3A_40 : vector<1x512x128xf32> to vector<512x128xf32>
    %swap3A_42 = vector.shape_cast %slice3A : vector<512x128xf32> to vector<1x512x128xf32>
    tpu.vector_store %arg6[%swap3A, %swap3A_38, %swap3A_39], %swap3A_42 {strides = array<i32>} : memref<2x512x128xf32, #tpu.memory_space<vmem>>, vector<1x512x128xf32>,
    %slice3A_43 = vector.extract_strided_slice %mul3A_37 {offsets = [0, 128], sizes = [512, 128], strides = [1, 1]} : vector<512x256xf32> to vector<512x128xf32>
    %swap3A_44 = arith.constant 1 : index
    %swap3A_45 = arith.constant 0 : index
    %swap3A_46 = arith.constant 0 : index
    %swap3A_47 = vector.load %arg6[%swap3A_44, %swap3A_45, %swap3A_46] : memref<2x512x128xf32, #tpu.memory_space<vmem>>, vector<1x512x128xf32>
    %swap3A_48 = vector.shape_cast %swap3A_47 : vector<1x512x128xf32> to vector<512x128xf32>
    %swap3A_49 = vector.shape_cast %slice3A_43 : vector<512x128xf32> to vector<1x512x128xf32>
    tpu.vector_store %arg6[%swap3A_44, %swap3A_45, %swap3A_46], %swap3A_49 {strides = array<i32>} : memref<2x512x128xf32, #tpu.memory_space<vmem>>, vector<1x512x128xf32>,
    return
  }
  func.func @transform_0(%arg0: i32) -> (i32, i32, i32) {
    %c0_i32 = arith.constant 0 : i32
    %c0_i32_0 = arith.constant 0 : i32
    %c0_i32_1 = arith.constant 0 : i32
    return %c0_i32, %arg0, %c0_i32_0 : i32, i32, i32
  }
  func.func @transform_1(%arg0: i32) -> (i32, i32) {
    %c0_i32 = arith.constant 0 : i32
    %c0_i32_0 = arith.constant 0 : i32
    return %arg0, %c0_i32 : i32, i32
  }
  func.func @transform_2(%arg0: i32) -> (i32, i32) {
    %c0_i32 = arith.constant 0 : i32
    %c0_i32_0 = arith.constant 0 : i32
    return %arg0, %c0_i32 : i32, i32
  }
  func.func @transform_3(%arg0: i32) -> (i32, i32) {
    %c0_i32 = arith.constant 0 : i32
    %c0_i32_0 = arith.constant 0 : i32
    %c0_i32_1 = arith.constant 0 : i32
    return %c0_i32, %c0_i32_0 : i32, i32
  }
  func.func @transform_4(%arg0: i32) -> (i32, i32) {
    %c0_i32 = arith.constant 0 : i32
    %c0_i32_0 = arith.constant 0 : i32
    %c0_i32_1 = arith.constant 0 : i32
    return %c0_i32, %c0_i32_0 : i32, i32
  }
  func.func @transform_5(%arg0: i32) -> (i32, i32, i32) {
    %c0_i32 = arith.constant 0 : i32
    %c0_i32_0 = arith.constant 0 : i32
    %c0_i32_1 = arith.constant 0 : i32
    return %c0_i32, %arg0, %c0_i32_0 : i32, i32, i32
  }
}

module attributes {stable_mosaic.version = 14 : i64} {
  func.func @_fin_body(%arg0: i32, %arg1: memref<2x1x2500x128xf32, #tpu.memory_space<vmem>>, %arg2: memref<2x1x2500x128xf32, #tpu.memory_space<vmem>>, %arg3: memref<1x2500x1xf32, #tpu.memory_space<vmem>>, %arg4: memref<256x256xf32, #tpu.memory_space<vmem>>, %arg5: memref<1x256xf32, #tpu.memory_space<vmem>>, %arg6: memref<256x256xf32, #tpu.memory_space<vmem>>, %arg7: memref<1x256xf32, #tpu.memory_space<vmem>>, %arg8: memref<258x3xf32, #tpu.memory_space<vmem>>, %arg9: memref<1x3xf32, #tpu.memory_space<vmem>>, %arg10: memref<259x3xf32, #tpu.memory_space<vmem>>, %arg11: memref<1x3xf32, #tpu.memory_space<vmem>>, %arg12: memref<2500x2xf32, #tpu.memory_space<vmem>>, %arg13: memref<1x2500x3xf32, #tpu.memory_space<vmem>>) attributes {dimension_semantics = [#tpu.dimension_semantics<arbitrary>], iteration_bounds = array<i64: 4>, scalar_prefetch = 0 : i64, scratch_operands = 0 : i64, tpu.core_type = #tpu.core_type<tc>, window_params = [{transform_indices = @transform_0, window_bounds = array<i64: 2, 1, 2500, 128>}, {transform_indices = @transform_1, window_bounds = array<i64: 2, 1, 2500, 128>}, {transform_indices = @transform_2, window_bounds = array<i64: 1, 2500, 1>}, {pipeline_mode = #tpu.pipeline_mode<synchronous>, transform_indices = @transform_3, window_bounds = array<i64: 256, 256>}, {pipeline_mode = #tpu.pipeline_mode<synchronous>, transform_indices = @transform_4, window_bounds = array<i64: 1, 256>}, {pipeline_mode = #tpu.pipeline_mode<synchronous>, transform_indices = @transform_5, window_bounds = array<i64: 256, 256>}, {pipeline_mode = #tpu.pipeline_mode<synchronous>, transform_indices = @transform_6, window_bounds = array<i64: 1, 256>}, {pipeline_mode = #tpu.pipeline_mode<synchronous>, transform_indices = @transform_7, window_bounds = array<i64: 258, 3>}, {pipeline_mode = #tpu.pipeline_mode<synchronous>, transform_indices = @transform_8, window_bounds = array<i64: 1, 3>}, {pipeline_mode = #tpu.pipeline_mode<synchronous>, transform_indices = @transform_9, window_bounds = array<i64: 259, 3>}, {pipeline_mode = #tpu.pipeline_mode<synchronous>, transform_indices = @transform_10, window_bounds = array<i64: 1, 3>}, {pipeline_mode = #tpu.pipeline_mode<synchronous>, transform_indices = @transform_11, window_bounds = array<i64: 2500, 2>}, {transform_indices = @transform_12, window_bounds = array<i64: 1, 2500, 3>}]} {
    %get3A = arith.constant 0 : index
    %get3A_0 = arith.constant 0 : index
    %get3A_1 = arith.constant 0 : index
    %get3A_2 = vector.load %arg3[%get3A, %get3A_0, %get3A_1] : memref<1x2500x1xf32, #tpu.memory_space<vmem>>, vector<1x2500x1xf32>
    %get3A_3 = vector.shape_cast %get3A_2 : vector<1x2500x1xf32> to vector<2500x1xf32>
    %get3A_4 = arith.constant 0 : index
    %get3A_5 = arith.constant 0 : index
    %get3A_6 = arith.constant 0 : index
    %get3A_7 = arith.constant 0 : index
    %get3A_8 = vector.load %arg1[%get3A_4, %get3A_5, %get3A_6, %get3A_7] : memref<2x1x2500x128xf32, #tpu.memory_space<vmem>>, vector<1x1x2500x128xf32>
    %get3A_9 = vector.shape_cast %get3A_8 : vector<1x1x2500x128xf32> to vector<2500x128xf32>
    %get3A_10 = arith.constant 0 : index
    %get3A_11 = arith.constant 0 : index
    %get3A_12 = arith.constant 0 : index
    %get3A_13 = arith.constant 0 : index
    %get3A_14 = vector.load %arg2[%get3A_10, %get3A_11, %get3A_12, %get3A_13] : memref<2x1x2500x128xf32, #tpu.memory_space<vmem>>, vector<1x1x2500x128xf32>
    %get3A_15 = vector.shape_cast %get3A_14 : vector<1x1x2500x128xf32> to vector<2500x128xf32>
    %add3A = arith.addf %get3A_9, %get3A_15 : vector<2500x128xf32>
    %mul3A = vector.broadcast %get3A_3 : vector<2500x1xf32> to vector<2500x128xf32>
    %mul3A_16 = arith.mulf %add3A, %mul3A : vector<2500x128xf32>
    %get3A_17 = arith.constant 1 : index
    %get3A_18 = arith.constant 0 : index
    %get3A_19 = arith.constant 0 : index
    %get3A_20 = arith.constant 0 : index
    %get3A_21 = vector.load %arg1[%get3A_17, %get3A_18, %get3A_19, %get3A_20] : memref<2x1x2500x128xf32, #tpu.memory_space<vmem>>, vector<1x1x2500x128xf32>
    %get3A_22 = vector.shape_cast %get3A_21 : vector<1x1x2500x128xf32> to vector<2500x128xf32>
    %get3A_23 = arith.constant 1 : index
    %get3A_24 = arith.constant 0 : index
    %get3A_25 = arith.constant 0 : index
    %get3A_26 = arith.constant 0 : index
    %get3A_27 = vector.load %arg2[%get3A_23, %get3A_24, %get3A_25, %get3A_26] : memref<2x1x2500x128xf32, #tpu.memory_space<vmem>>, vector<1x1x2500x128xf32>
    %get3A_28 = vector.shape_cast %get3A_27 : vector<1x1x2500x128xf32> to vector<2500x128xf32>
    %add3A_29 = arith.addf %get3A_22, %get3A_28 : vector<2500x128xf32>
    %mul3A_30 = vector.broadcast %get3A_3 : vector<2500x1xf32> to vector<2500x128xf32>
    %mul3A_31 = arith.mulf %add3A_29, %mul3A_30 : vector<2500x128xf32>
    %get3A_32 = arith.constant 0 : index
    %get3A_33 = arith.constant 0 : index
    %get3A_34 = vector.load %arg4[%get3A_32, %get3A_33] : memref<256x256xf32, #tpu.memory_space<vmem>>, vector<256x256xf32>
    %slice3A = vector.extract_strided_slice %get3A_34 {offsets = [0, 0], sizes = [128, 256], strides = [1, 1]} : vector<256x256xf32> to vector<128x256xf32>
    %dot_general3A = arith.constant dense<0.000000e+00> : vector<2500x256xf32>
    %dot_general3A_35 = tpu.matmul %mul3A_16, %slice3A, %dot_general3A {dimension_numbers = #tpu.dot_dimension_numbers<[1], [0], [0], [1], [0, 0, 1, 1], [], []>, transpose_lhs_hint = false} : vector<2500x128xf32>, vector<128x256xf32>, vector<2500x256xf32> -> vector<2500x256xf32>
    %slice3A_36 = vector.extract_strided_slice %get3A_34 {offsets = [128, 0], sizes = [128, 256], strides = [1, 1]} : vector<256x256xf32> to vector<128x256xf32>
    %dot_general3A_37 = arith.constant dense<0.000000e+00> : vector<2500x256xf32>
    %dot_general3A_38 = tpu.matmul %mul3A_31, %slice3A_36, %dot_general3A_37 {dimension_numbers = #tpu.dot_dimension_numbers<[1], [0], [0], [1], [0, 0, 1, 1], [], []>, transpose_lhs_hint = false} : vector<2500x128xf32>, vector<128x256xf32>, vector<2500x256xf32> -> vector<2500x256xf32>
    %add3A_39 = arith.addf %dot_general3A_35, %dot_general3A_38 : vector<2500x256xf32>
    %get3A_40 = arith.constant 0 : index
    %get3A_41 = arith.constant 0 : index
    %get3A_42 = vector.load %arg5[%get3A_40, %get3A_41] : memref<1x256xf32, #tpu.memory_space<vmem>>, vector<1x256xf32>
    %add3A_43 = vector.broadcast %get3A_42 : vector<1x256xf32> to vector<2500x256xf32>
    %add3A_44 = arith.addf %add3A_39, %add3A_43 : vector<2500x256xf32>
    %gt3A = arith.constant 0.000000e+00 : f32
    %gt3A_45 = vector.broadcast %gt3A : f32 to vector<2500x256xf32>
    %gt3A_46 = arith.cmpf ogt, %add3A_44, %gt3A_45 : vector<2500x256xf32>
    %exp3A = math.exp %add3A_44 : vector<2500x256xf32>
    %sub3A = arith.constant 1.000000e+00 : f32
    %sub3A_47 = vector.broadcast %sub3A : f32 to vector<2500x256xf32>
    %sub3A_48 = arith.subf %exp3A, %sub3A_47 : vector<2500x256xf32>
    %mul3A_49 = arith.constant 1.67326319 : f32
    %mul3A_50 = vector.broadcast %mul3A_49 : f32 to vector<2500x256xf32>
    %mul3A_51 = arith.mulf %mul3A_50, %sub3A_48 : vector<2500x256xf32>
    %select_n3A = arith.select %gt3A_46, %add3A_44, %mul3A_51 : vector<2500x256xi1>, vector<2500x256xf32>
    %mul3A_52 = arith.constant 1.05070102 : f32
    %mul3A_53 = vector.broadcast %mul3A_52 : f32 to vector<2500x256xf32>
    %mul3A_54 = arith.mulf %mul3A_53, %select_n3A : vector<2500x256xf32>
    %reduce_max3A = arith.constant dense<0xFF800000> : vector<256xf32>
    %reduce_max3A_55 = vector.multi_reduction <maximumf>, %mul3A_54, %reduce_max3A [0] : vector<2500x256xf32> to vector<256xf32>
    %broadcast_in_dim3A = vector.shape_cast %reduce_max3A_55 : vector<256xf32> to vector<1x256xf32>
    %get3A_56 = arith.constant 0 : index
    %get3A_57 = arith.constant 0 : index
    %get3A_58 = vector.load %arg6[%get3A_56, %get3A_57] : memref<256x256xf32, #tpu.memory_space<vmem>>, vector<256x256xf32>
    %dot_general3A_59 = arith.constant dense<0.000000e+00> : vector<1x256xf32>
    %dot_general3A_60 = tpu.matmul %broadcast_in_dim3A, %get3A_58, %dot_general3A_59 {dimension_numbers = #tpu.dot_dimension_numbers<[1], [0], [0], [1], [0, 0, 1, 1], [], []>, transpose_lhs_hint = false} : vector<1x256xf32>, vector<256x256xf32>, vector<1x256xf32> -> vector<1x256xf32>
    %get3A_61 = arith.constant 0 : index
    %get3A_62 = arith.constant 0 : index
    %get3A_63 = vector.load %arg7[%get3A_61, %get3A_62] : memref<1x256xf32, #tpu.memory_space<vmem>>, vector<1x256xf32>
    %add3A_64 = arith.addf %dot_general3A_60, %get3A_63 : vector<1x256xf32>
    %gt3A_65 = arith.constant 0.000000e+00 : f32
    %gt3A_66 = vector.broadcast %gt3A_65 : f32 to vector<1x256xf32>
    %gt3A_67 = arith.cmpf ogt, %add3A_64, %gt3A_66 : vector<1x256xf32>
    %exp3A_68 = math.exp %add3A_64 : vector<1x256xf32>
    %sub3A_69 = arith.constant 1.000000e+00 : f32
    %sub3A_70 = vector.broadcast %sub3A_69 : f32 to vector<1x256xf32>
    %sub3A_71 = arith.subf %exp3A_68, %sub3A_70 : vector<1x256xf32>
    %mul3A_72 = arith.constant 1.67326319 : f32
    %mul3A_73 = vector.broadcast %mul3A_72 : f32 to vector<1x256xf32>
    %mul3A_74 = arith.mulf %mul3A_73, %sub3A_71 : vector<1x256xf32>
    %select_n3A_75 = arith.select %gt3A_67, %add3A_64, %mul3A_74 : vector<1x256xi1>, vector<1x256xf32>
    %mul3A_76 = arith.constant 1.05070102 : f32
    %mul3A_77 = vector.broadcast %mul3A_76 : f32 to vector<1x256xf32>
    %mul3A_78 = arith.mulf %mul3A_77, %select_n3A_75 : vector<1x256xf32>
    %get3A_79 = arith.constant 0 : index
    %get3A_80 = arith.constant 0 : index
    %get3A_81 = vector.load %arg8[%get3A_79, %get3A_80] : memref<258x3xf32, #tpu.memory_space<vmem>>, vector<258x3xf32>
    %get3A_82 = arith.constant 0 : index
    %get3A_83 = arith.constant 0 : index
    %get3A_84 = vector.load %arg10[%get3A_82, %get3A_83] : memref<259x3xf32, #tpu.memory_space<vmem>>, vector<259x3xf32>
    %slice3A_85 = vector.extract_strided_slice %get3A_81 {offsets = [0, 0], sizes = [256, 3], strides = [1, 1]} : vector<258x3xf32> to vector<256x3xf32>
    %dot_general3A_86 = arith.constant dense<0.000000e+00> : vector<1x3xf32>
    %dot_general3A_87 = tpu.matmul %mul3A_78, %slice3A_85, %dot_general3A_86 {dimension_numbers = #tpu.dot_dimension_numbers<[1], [0], [0], [1], [0, 0, 1, 1], [], []>, transpose_lhs_hint = false} : vector<1x256xf32>, vector<256x3xf32>, vector<1x3xf32> -> vector<1x3xf32>
    %get3A_88 = arith.constant 0 : index
    %get3A_89 = arith.constant 0 : index
    %get3A_90 = vector.load %arg9[%get3A_88, %get3A_89] : memref<1x3xf32, #tpu.memory_space<vmem>>, vector<1x3xf32>
    %add3A_91 = arith.addf %dot_general3A_87, %get3A_90 : vector<1x3xf32>
    %get3A_92 = arith.constant 0 : index
    %get3A_93 = arith.constant 0 : index
    %get3A_94 = vector.load %arg12[%get3A_92, %get3A_93] : memref<2500x2xf32, #tpu.memory_space<vmem>>, vector<2500x2xf32>
    %slice3A_95 = vector.extract_strided_slice %get3A_81 {offsets = [256, 0], sizes = [2, 3], strides = [1, 1]} : vector<258x3xf32> to vector<2x3xf32>
    %dot_general3A_96 = arith.constant dense<0.000000e+00> : vector<2500x3xf32>
    %dot_general3A_97 = tpu.matmul %get3A_94, %slice3A_95, %dot_general3A_96 {dimension_numbers = #tpu.dot_dimension_numbers<[1], [0], [0], [1], [0, 0, 1, 1], [], []>, transpose_lhs_hint = false} : vector<2500x2xf32>, vector<2x3xf32>, vector<2500x3xf32> -> vector<2500x3xf32>
    %add3A_98 = vector.broadcast %add3A_91 : vector<1x3xf32> to vector<2500x3xf32>
    %add3A_99 = arith.addf %add3A_98, %dot_general3A_97 : vector<2500x3xf32>
    %gt3A_100 = arith.constant 0.000000e+00 : f32
    %gt3A_101 = vector.broadcast %gt3A_100 : f32 to vector<2500x3xf32>
    %gt3A_102 = arith.cmpf ogt, %add3A_99, %gt3A_101 : vector<2500x3xf32>
    %exp3A_103 = math.exp %add3A_99 : vector<2500x3xf32>
    %sub3A_104 = arith.constant 1.000000e+00 : f32
    %sub3A_105 = vector.broadcast %sub3A_104 : f32 to vector<2500x3xf32>
    %sub3A_106 = arith.subf %exp3A_103, %sub3A_105 : vector<2500x3xf32>
    %mul3A_107 = arith.constant 1.67326319 : f32
    %mul3A_108 = vector.broadcast %mul3A_107 : f32 to vector<2500x3xf32>
    %mul3A_109 = arith.mulf %mul3A_108, %sub3A_106 : vector<2500x3xf32>
    %select_n3A_110 = arith.select %gt3A_102, %add3A_99, %mul3A_109 : vector<2500x3xi1>, vector<2500x3xf32>
    %mul3A_111 = arith.constant 1.05070102 : f32
    %mul3A_112 = vector.broadcast %mul3A_111 : f32 to vector<2500x3xf32>
    %mul3A_113 = arith.mulf %mul3A_112, %select_n3A_110 : vector<2500x3xf32>
    %slice3A_114 = vector.extract_strided_slice %get3A_84 {offsets = [0, 0], sizes = [256, 3], strides = [1, 1]} : vector<259x3xf32> to vector<256x3xf32>
    %dot_general3A_115 = arith.constant dense<0.000000e+00> : vector<1x3xf32>
    %dot_general3A_116 = tpu.matmul %mul3A_78, %slice3A_114, %dot_general3A_115 {dimension_numbers = #tpu.dot_dimension_numbers<[1], [0], [0], [1], [0, 0, 1, 1], [], []>, transpose_lhs_hint = false} : vector<1x256xf32>, vector<256x3xf32>, vector<1x3xf32> -> vector<1x3xf32>
    %get3A_117 = arith.constant 0 : index
    %get3A_118 = arith.constant 0 : index
    %get3A_119 = vector.load %arg11[%get3A_117, %get3A_118] : memref<1x3xf32, #tpu.memory_space<vmem>>, vector<1x3xf32>
    %add3A_120 = arith.addf %dot_general3A_116, %get3A_119 : vector<1x3xf32>
    %slice3A_121 = vector.extract_strided_slice %get3A_84 {offsets = [256, 0], sizes = [3, 3], strides = [1, 1]} : vector<259x3xf32> to vector<3x3xf32>
    %dot_general3A_122 = arith.constant dense<0.000000e+00> : vector<2500x3xf32>
    %dot_general3A_123 = tpu.matmul %mul3A_113, %slice3A_121, %dot_general3A_122 {dimension_numbers = #tpu.dot_dimension_numbers<[1], [0], [0], [1], [0, 0, 1, 1], [], []>, transpose_lhs_hint = false} : vector<2500x3xf32>, vector<3x3xf32>, vector<2500x3xf32> -> vector<2500x3xf32>
    %add3A_124 = vector.broadcast %add3A_120 : vector<1x3xf32> to vector<2500x3xf32>
    %add3A_125 = arith.addf %add3A_124, %dot_general3A_123 : vector<2500x3xf32>
    %gt3A_126 = arith.constant 0.000000e+00 : f32
    %gt3A_127 = vector.broadcast %gt3A_126 : f32 to vector<2500x3xf32>
    %gt3A_128 = arith.cmpf ogt, %add3A_125, %gt3A_127 : vector<2500x3xf32>
    %exp3A_129 = math.exp %add3A_125 : vector<2500x3xf32>
    %sub3A_130 = arith.constant 1.000000e+00 : f32
    %sub3A_131 = vector.broadcast %sub3A_130 : f32 to vector<2500x3xf32>
    %sub3A_132 = arith.subf %exp3A_129, %sub3A_131 : vector<2500x3xf32>
    %mul3A_133 = arith.constant 1.67326319 : f32
    %mul3A_134 = vector.broadcast %mul3A_133 : f32 to vector<2500x3xf32>
    %mul3A_135 = arith.mulf %mul3A_134, %sub3A_132 : vector<2500x3xf32>
    %select_n3A_136 = arith.select %gt3A_128, %add3A_125, %mul3A_135 : vector<2500x3xi1>, vector<2500x3xf32>
    %mul3A_137 = arith.constant 1.05070102 : f32
    %mul3A_138 = vector.broadcast %mul3A_137 : f32 to vector<2500x3xf32>
    %mul3A_139 = arith.mulf %mul3A_138, %select_n3A_136 : vector<2500x3xf32>
    %swap3A = arith.constant 0 : index
    %swap3A_140 = arith.constant 0 : index
    %swap3A_141 = arith.constant 0 : index
    %swap3A_142 = vector.load %arg13[%swap3A, %swap3A_140, %swap3A_141] : memref<1x2500x3xf32, #tpu.memory_space<vmem>>, vector<1x2500x3xf32>
    %swap3A_143 = vector.shape_cast %swap3A_142 : vector<1x2500x3xf32> to vector<2500x3xf32>
    %swap3A_144 = vector.shape_cast %mul3A_139 : vector<2500x3xf32> to vector<1x2500x3xf32>
    tpu.vector_store %arg13[%swap3A, %swap3A_140, %swap3A_141], %swap3A_144 {strides = array<i32>} : memref<1x2500x3xf32, #tpu.memory_space<vmem>>, vector<1x2500x3xf32>,
    return
  }
  func.func @transform_0(%arg0: i32) -> (i32, i32, i32, i32) {
    %c0_i32 = arith.constant 0 : i32
    %c0_i32_0 = arith.constant 0 : i32
    %c0_i32_1 = arith.constant 0 : i32
    %c0_i32_2 = arith.constant 0 : i32
    return %c0_i32, %arg0, %c0_i32_0, %c0_i32_1 : i32, i32, i32, i32
  }
  func.func @transform_1(%arg0: i32) -> (i32, i32, i32, i32) {
    %c0_i32 = arith.constant 0 : i32
    %c0_i32_0 = arith.constant 0 : i32
    %c0_i32_1 = arith.constant 0 : i32
    %c0_i32_2 = arith.constant 0 : i32
    return %c0_i32, %arg0, %c0_i32_0, %c0_i32_1 : i32, i32, i32, i32
  }
  func.func @transform_2(%arg0: i32) -> (i32, i32, i32) {
    %c0_i32 = arith.constant 0 : i32
    %c0_i32_0 = arith.constant 0 : i32
    %c0_i32_1 = arith.constant 0 : i32
    return %arg0, %c0_i32, %c0_i32_0 : i32, i32, i32
  }
  func.func @transform_3(%arg0: i32) -> (i32, i32) {
    %c0_i32 = arith.constant 0 : i32
    %c0_i32_0 = arith.constant 0 : i32
    %c0_i32_1 = arith.constant 0 : i32
    return %c0_i32, %c0_i32_0 : i32, i32
  }
  func.func @transform_4(%arg0: i32) -> (i32, i32) {
    %c0_i32 = arith.constant 0 : i32
    %c0_i32_0 = arith.constant 0 : i32
    %c0_i32_1 = arith.constant 0 : i32
    return %c0_i32, %c0_i32_0 : i32, i32
  }
  func.func @transform_5(%arg0: i32) -> (i32, i32) {
    %c0_i32 = arith.constant 0 : i32
    %c0_i32_0 = arith.constant 0 : i32
    %c0_i32_1 = arith.constant 0 : i32
    return %c0_i32, %c0_i32_0 : i32, i32
  }
  func.func @transform_6(%arg0: i32) -> (i32, i32) {
    %c0_i32 = arith.constant 0 : i32
    %c0_i32_0 = arith.constant 0 : i32
    %c0_i32_1 = arith.constant 0 : i32
    return %c0_i32, %c0_i32_0 : i32, i32
  }
  func.func @transform_7(%arg0: i32) -> (i32, i32) {
    %c0_i32 = arith.constant 0 : i32
    %c0_i32_0 = arith.constant 0 : i32
    %c0_i32_1 = arith.constant 0 : i32
    return %c0_i32, %c0_i32_0 : i32, i32
  }
  func.func @transform_8(%arg0: i32) -> (i32, i32) {
    %c0_i32 = arith.constant 0 : i32
    %c0_i32_0 = arith.constant 0 : i32
    %c0_i32_1 = arith.constant 0 : i32
    return %c0_i32, %c0_i32_0 : i32, i32
  }
  func.func @transform_9(%arg0: i32) -> (i32, i32) {
    %c0_i32 = arith.constant 0 : i32
    %c0_i32_0 = arith.constant 0 : i32
    %c0_i32_1 = arith.constant 0 : i32
    return %c0_i32, %c0_i32_0 : i32, i32
  }
  func.func @transform_10(%arg0: i32) -> (i32, i32) {
    %c0_i32 = arith.constant 0 : i32
    %c0_i32_0 = arith.constant 0 : i32
    %c0_i32_1 = arith.constant 0 : i32
    return %c0_i32, %c0_i32_0 : i32, i32
  }
  func.func @transform_11(%arg0: i32) -> (i32, i32) {
    %c0_i32 = arith.constant 0 : i32
    %c0_i32_0 = arith.constant 0 : i32
    %c0_i32_1 = arith.constant 0 : i32
    return %c0_i32, %c0_i32_0 : i32, i32
  }
  func.func @transform_12(%arg0: i32) -> (i32, i32, i32) {
    %c0_i32 = arith.constant 0 : i32
    %c0_i32_0 = arith.constant 0 : i32
    %c0_i32_1 = arith.constant 0 : i32
    return %arg0, %c0_i32, %c0_i32_0 : i32, i32, i32
  }
}

</mosaic_0001>

<sc_bundles>
// kernel: kernel.12.cloned.1.call-start
scs
__scs_entry_jumppad:
0x0: {  	(pc) =	sbr.rel $0x88, $3  }
0x1: {  	(tag) =	ssettag $0x0;
	lr =	simm.s32 $0x1  }
0x2: {  	[smem:$0x3F93] =	sst lr;
	_ =	strace $0xD0000000  }
0x3: {  	_ = 	snop  }
0x4: {  	_ = 	snop  }
0x5: {  	_ = 	snop  }
0x6: {  	_ = 	snop  }
0x7: {  	_ = 	snop  }
__scs_overlays_trampoline_lowered:
0x8: {  	[smem:$0x3FA2] =	sst s0  }
0x9: {  	[smem:$0x3FA3] =	sst s1  }
0xa: {  	[smem:$0x3FA4] =	sst s2  }
0xb: {  	[smem:$0x3FA5] =	sst s3  }
0xc: {  	[smem:$0x3FA6] =	sst s4  }
0xd: {  	[smem:$0x3FA7] =	sst s5  }
0xe: {  	[smem:$0x3FA8] =	sst s6  }
0xf: {  	[smem:$0x3FA9] =	sst s7  }
0x10: {  	[smem:$0x3FAA] =	sst s8  }
0x11: {  	[smem:$0x3FAB] =	sst s9;
	s0 =	simm.s32 @!p0 $0x0  }
0x12: {  	s1 =	sld [smem:$0x3F91];
	s0 =	simm.s32 @p0 $0x1  }
0x13: {  	[smem:$0x3FAC] =	sst s0;
	s0 =	simm.s32 @!p1 $0x0  }
0x14: {  	s2 =	sld [smem:$0x3F90];
	s0 =	simm.s32 @p1 $0x1  }
0x15: {  	[smem:$0x3FAD] =	sst s0;
	s0 =	simm.s32 @!p2 $0x0  }
0x16: {  	s3 =	sld [smem:$0x3FDB];
	s0 =	simm.s32 @p2 $0x1  }
0x17: {  	s4 =	simm.s32 $0x1BF5;
	[smem:$0x3FAF] =	sst s0  }
0x18: {  	s0 =	sld [smem:$0x3F92];
	_ =	swait.ge [sflag:s4], $0x0  }
0x19: {  	s7 =	sld [smem:$0x3F93]  }
0x1a: {  	s8 =	sadd.s32 $0xFFFFE003, lr  }
0x1b: {  	s9 =	sadd.s32 $0xFFFFFEF7, lr;
	s5 =	simm.s32 $0xFFFFFFFF;
	p2 =	slt.u32 s8, $0xFFFFF086  }
0x1c: {  	p1 =	slt.u32 s9, $0xF7A;
	s5 =	simm.s32 @!p2 $0x0  }
0x1d: {  	s5 =	simm.s32 @p1 $0x1;
	p0 =	seq.s32 s7, s2  }
0x1e: {  	s7 =	smul.u32 @!p0 $0xF7A, s2;
	p2 =	seq.s32 @!p0 s5, $0x0  }
0x1f: {  	s9 =	smul.u32 $0xF7A, s1;
	s8 =	simm.s32 @!p0 $0x1BF5;
	p2 =	por !p2, p0  }
0x20: {  	[sflag:s8] =	ssyncset.s32 @!p0 $0xFFFFF086;
	s6 =	sadd.s32 @!p0 s3, s7;
	s7 =	simm.s32 @!p0 $0x108  }
0x21: {  	s3 =	sadd.s32 s3, s9;
	s6 =	sadd.s32 @!p0 $0x88, s6;
	s7 =	simm.s32 @p2 $0x1082  }
0x22: {  	[simem:s7], [sflag:s8] =	dma.local @!p0 [hbm:s6], $0xF7A  }
0x23: {  	s9 =	sor.u32 $0xD0000000, s2;
	s6 =	simm.s32 $0x108;
	_ =	swait.ge @!p0 [sflag:s8], $0x0  }
0x24: {  	s3 =	sadd.s32 $0x88, s3;
	s6 =	simm.s32 @!p1 $0x1082;
	[sflag:s4] =	ssyncset.s32 $0xFFFFF086  }
0x25: {  	[simem:s6], [sflag:s4] =	dma.local [hbm:s3], $0xF7A  }
0x26: {  	[smem:$0x3F93] =	sst s1;
	(tag) =	ssettag s2;
	_ =	strace s9  }
0x27: {  	s1 =	sld [smem:$0x3FA3]  }
0x28: {  	s2 =	sld [smem:$0x3FA4]  }
0x29: {  	s4 =	sld [smem:$0x3FA6]  }
0x2a: {  	p0 =	seq.s32 s5, $0x0;
	s5 =	sld [smem:$0x3FA7]  }
0x2b: {  	s6 =	sld [smem:$0x3FA8]  }
0x2c: {  	s7 =	sld [smem:$0x3FA9]  }
0x2d: {  	s3 =	simm.s32 $0x108;
	s8 =	sld [smem:$0x3FAA]  }
0x2e: {  	s3 =	simm.s32 @!p0 $0x1082;
	s9 =	sld [smem:$0x3FAB]  }
0x2f: {  	lr =	sadd.s32 s0, s3;
	s0 =	sld [smem:$0x3FA2]  }
0x30: {  	s3 =	sld [smem:$0x3FA5]  }
0x31: {  	[smem:$0x3FAE] =	sst s10  }
0x32: {  	s10 =	sld [smem:$0x3FAC];
	_ =	sdelay $0x3  }
0x33: {  	p0 =	seq.s32 s10, $0x1;
	s10 =	sld [smem:$0x3FAE];
	_ =	sdelay $0x3  }
0x34: {  	[smem:$0x3FAE] =	sst s10  }
0x35: {  	s10 =	sld [smem:$0x3FAD];
	_ =	sdelay $0x3  }
0x36: {  	p1 =	seq.s32 s10, $0x1;
	s10 =	sld [smem:$0x3FAE];
	_ =	sdelay $0x3  }
0x37: {  	[smem:$0x3FAE] =	sst s10  }
0x38: {  	s10 =	sld [smem:$0x3FAF]  }
0x39: {  	_ = 	snop;
	(pc) =	sbr.ind lr, $3  }
0x3a: {  	_ = 	snop  }
0x3b: {  	_ = 	snop  }
0x3c: {  	p2 =	seq.s32 s10, $0x1;
	s10 =	sld [smem:$0x3FAE]  }
0x3d: {  	_ =	shalt  }
0x3e: {  	_ =	shalt  }
0x3f: {  	_ =	shalt  }
0x40: {  	_ =	shalt  }
0x41: {  	_ =	shalt  }
0x42: {  	_ =	shalt  }
0x43: {  	_ =	shalt  }
0x44: {  	_ =	shalt  }
0x45: {  	_ =	shalt  }
0x46: {  	_ =	shalt  }
0x47: {  	_ =	shalt  }
0x48: {  	_ =	shalt  }
0x49: {  	_ =	shalt  }
0x4a: {  	_ =	shalt  }
0x4b: {  	_ =	shalt  }
0x4c: {  	_ =	shalt  }
0x4d: {  	_ =	shalt  }
0x4e: {  	_ =	shalt  }
0x4f: {  	_ =	shalt  }
0x50: {  	_ =	shalt  }
0x51: {  	_ =	shalt  }
0x52: {  	_ =	shalt  }
0x53: {  	_ =	shalt  }
0x54: {  	_ =	shalt  }
0x55: {  	_ =	shalt  }
0x56: {  	_ =	shalt  }
0x57: {  	_ =	shalt  }
0x58: {  	_ =	shalt  }
0x59: {  	_ =	shalt  }
0x5a: {  	_ =	shalt  }
0x5b: {  	_ =	shalt  }
0x5c: {  	_ =	shalt  }
0x5d: {  	_ =	shalt  }
0x5e: {  	_ =	shalt  }
0x5f: {  	_ =	shalt  }
0x60: {  	_ =	shalt  }
0x61: {  	_ =	shalt  }
0x62: {  	_ =	shalt  }
0x63: {  	_ =	shalt  }
0x64: {  	_ =	shalt  }
0x65: {  	_ =	shalt  }
0x66: {  	_ =	shalt  }
0x67: {  	_ =	shalt  }
0x68: {  	_ =	shalt  }
0x69: {  	_ =	shalt  }
0x6a: {  	_ =	shalt  }
0x6b: {  	_ =	shalt  }
0x6c: {  	_ =	shalt  }
0x6d: {  	_ =	shalt  }
0x6e: {  	_ =	shalt  }
0x6f: {  	_ =	shalt  }
0x70: {  	_ =	shalt  }
0x71: {  	_ =	shalt  }
0x72: {  	_ =	shalt  }
0x73: {  	_ =	shalt  }
0x74: {  	_ =	shalt  }
0x75: {  	_ =	shalt  }
0x76: {  	_ =	shalt  }
0x77: {  	_ =	shalt  }
0x78: {  	_ =	shalt  }
0x79: {  	_ =	shalt  }
0x7a: {  	_ =	shalt  }
0x7b: {  	_ =	shalt  }
0x7c: {  	_ =	shalt  }
0x7d: {  	_ =	shalt  }
0x7e: {  	_ =	shalt  }
0x7f: {  	_ =	shalt  }
0x80: {  	_ =	shalt  }
0x81: {  	_ =	shalt  }
0x82: {  	_ =	shalt  }
0x83: {  	_ =	shalt  }
0x84: {  	_ =	shalt  }
0x85: {  	_ =	shalt  }
0x86: {  	_ =	shalt  }
0x87: {  	_ =	shalt  }
.Lfunc_end0:
.L_simem_size_0:
called_computation.1_lowered:
.L_overlay_start_0:
0x88: {  	s2 =	sld [smem:$0x3FD9]  }
0x89: {  	s3 =	sld [smem:$0x3FFE];
	_ =	sdelay $0x1  }
0x8a: {  	s1 =	srdreg.scid  }
0x8b: {  	s0 =	sand.u32 $0x1, s1  }
0x8c: {  	s16 =	sshll.u32 s0, $0xA;
	s2 =	sadd.s32 s3, s2  }
0x8d: {  	s2 =	sadd.s32 s2, s16  }
0x8e: {  	[smem:$0x3FBA] =	sst s2  }
0x8f: {  	_ = 	snop  }
0x90: {  	(tm) =	ssettm $0x1  }
0x91: {  	s17 =	sld [smem:$0x3FFB];
	_ =	sdelay $0x3  }
0x92: {  	_ =	strace s17  }
0x93: {  	s2 =	sld [smem:$0x3FFC];
	_ =	sdelay $0x3  }
0x94: {  	_ =	strace s2  }
0x95: {  	s2 =	sld [smem:$0x3FFD];
	_ =	sdelay $0x3  }
0x96: {  	_ =	strace s2  }
0x97: {  	_ =	strace $0x8FFFFFFF  }
0x98: {  	s18 =	sld [smem:$0x3FDB];
	_ =	sdelay $0x1  }
0x99: {  	s19 =	simm.s32 $_scs_section_size  }
0x9a: {  	s4 =	simm.s32 $_size__tile_overlayer_lowered;
	s5 =	simm.s32 $_tile_overlayer_lowered  }
0x9b: {  	s22 =	simm.s32 $0x1BFF;
	s21 =	sshll.u32 s5, $0x1;
	s2 =	sadd.s32 s19, s18  }
0x9c: {  	s6 =	simm.s32 $0x0;
	s20 =	sshll.u32 s4, $0x1;
	s4 =	sadd.s32 s21, s2  }
0x9d: {  	[timem:s6], [sflag:s22] =	dma.local [hbm:s4], s20  }
0x9e: {  	_ =	swait.ge [sflag:s22], s20  }
0x9f: {  	s3 =	ssub.s32 $0x0, s20;
	[sflag:s22] =	ssyncset.done $0x0  }
0xa0: {  	[sflag:s22] =	ssyncadd.s32 s3;
	_ =	sdelay $0x1  }
0xa1: {  	s23 =	simm.s32 $0x1B8B  }
0xa2: {  	_ =	swait.ge [sflag:s23], $0x1  }
0xa3: {  	[sflag:s23] =	ssyncset.done $0x0  }
0xa4: {  	s25 =	simm.s32 $0x1B8E;
	s24 =	sld [smem:$0x3FFE];
	[sflag:s23] =	ssyncadd.s32 $0xFFFFFFFF  }
0xa5: {  	s26 =	simm.s32 $execute0_lowered;
	[smem:$0x3FD2] =	sst s25  }
0xa6: {  	s4 =	sshll.u32 s26, $0x1;
	_ =	strace $0x80000049;
	[dreg:$0x1] =	wrdreg $0xFFFFFFFF  }
0xa7: {  	s28 =	simm.s32 $_size_execute0_lowered;
	s2 =	sadd.s32 s2, s4;
	[dreg:$0x0] =	wrdreg $0x0  }
0xa8: {  	s4 =	sshll.u32 s28, $0x1;
	[dreg:$0x2] =	wrdreg s2  }
0xa9: {  	[dreg:$0x3] =	wrdreg s4  }
0xaa: {  	[dreg:$0x4] =	wrdreg $0xC0  }
0xab: {  	_ =	task [dreg:s6], $0x5FFFF  }
0xac: {  	[dreg:$0x1] =	wrdreg $0xFFFFFFFF  }
0xad: {  	[dreg:$0x0] =	wrdreg $0x60  }
0xae: {  	[dreg:$0x2] =	wrdreg s24  }
0xaf: {  	[dreg:$0x3] =	wrdreg $0xC0000  }
0xb0: {  	[dreg:$0x4] =	wrdreg $0x9  }
0xb1: {  	_ =	task.clear_ibuf [dreg:s6], $0x5FFFF;
	_ =	strace $0x90000049  }
0xb2: {  	s29 =	simm.s32 $0x9;
	_ =	strace $0x8000004B  }
0xb3: {  	_ =	swait.ge [sflag:s29], $0x1  }
0xb4: {  	[sflag:s29] =	ssyncadd.s32 $0xFFFFFFFF  }
0xb5: {  	_ =	strace $0x9000004B  }
0xb6: {  	_ =	sfence  }
0xb7: {  	s30 =	sld [smem:$0x0];
	_ =	sdelay $0x2  }
0xb8: {  	s31 =	sshll.u32 s1, $0xD;
	s1 =	sshrl.u32 s1, $0x2  }
0xb9: {  	s3 =	sand.u32 $0x4000, s31;
	s1 =	sadd.s32 s1, s30  }
0xba: {  	s0 =	sor.u32 s3, s0;
	s1 =	sshll.u32 s1, $0x11  }
0xbb: {  	s0 =	sor.u32 s1, s0  }
0xbc: {  	s0 =	sadd.s32 $0x8F2B, s0  }
0xbd: {  	[sflag:s0] =	ssyncadd.remote.s32 $0x1  }
0xbe: {  	_ =	sfence.sel $0xFFFF  }
0xbf: {  	[dreg:$0x0] =	wrdreg $0xFFFFFFFF;
	(pc) =	sbr.abs _section_cstart, $3  }
0xc0: {  	[dreg:$0x1] =	wrdreg $0xFFFFFFFF  }
0xc1: {  	_ =	task.clear_ibuf [dreg:s6], $0x2FFFF;
	_ =	strace $0x9FFFFFFF  }
0xc2: {  	(tm) =	ssettm $0x7FFFFFFF  }
0xc3: {  	_ =	shalt  }
tec
execute0_lowered:
.L_overlay_start_1:
0x0: {  	(tag) =	ssettag $0x1  }
0x1: {  	s0 =	rddreg [dreg:$0x0]  }
0x2: {  	s1 =	rddreg [dreg:$0x1];
	s3 =	simm.s32 $0x0  }
0x3: {  	s2 =	srdreg.scid;
	s18 =	stileid.u32;
	s29 =	simm.s32 $0x6000  }
0x4: {  	s30 =	simm.s32 $0x1;
	s20 =	simm.s32 $0x200;
	s28 =	simm.s32 $0x280  }
0x5: {  	[smem:$0x7FF] =	sst s3;
	s2 =	sand.u32 $0x1, s2;
	s6 =	smul.u32 $0x13C00, s18  }
0x6: {  	s4 =	sadd.s32 $0x3400, s0;
	s15 =	sadd.s32 $0x62400, s0;
	s7 =	smul.u32 $0x4F000, s18  }
0x7: {  	s16 =	sadd.s32 $0x58400, s0;
	s24 =	sshll.u32 s18, $0x9;
	s18 =	sshll.u32 s18, $0xB  }
0x8: {  	s5 =	smul.u32 $0x140000, s2;
	_ =	strace $0x8000004A;
	s23 =	ssub.s32 $0x2, s2  }
0x9: {  	p0 =	seq.s32 s2, $0x1;
	s19 =	sadd.s32 s15, s24;
	s2 =	sadd.s32 s16, s24  }
0xa: {  	s25 =	sadd.s32 $0x2000, s18;
	s31 =	sadd.s32 $0x2400, s18;
	s24 =	simm.s32 $0x3  }
0xb: {  	s8 =	sshrl.u32 s23, $0x1;
	s7 =	sshrl.u32 s7, $0x2;
	[dreg:$0x3] =	wrdreg s19  }
0xc: {  	[dreg:$0x4] =	wrdreg s2;
	s26 =	sadd.s32 s15, s25;
	s2 =	sadd.s32 s16, s25  }
0xd: {  	s15 =	sadd.s32 s15, s31;
	s25 =	simm.s32 $0x2000;
	[dreg:$0x5] =	wrdreg s26  }
0xe: {  	s19 =	simm.s32 $0x2;
	s5 =	sadd.s32 s6, s5;
	[dreg:$0x6] =	wrdreg s2  }
0xf: {  	s17 =	ssub.s32 s23, s8;
	[dreg:$0x7] =	wrdreg s15;
	s2 =	sadd.s32 s16, s31  }
0x10: {  	s23 =	simm.s32 $0x4000;
	s26 =	simm.s32 $0x40;
	s5 =	sshrl.u32 s5, $0x3  }
0x11: {  	[dreg:$0x8] =	wrdreg s2;
	s22 =	smax.u32 s17, $0x1;
	s17 =	simm.s32 $0xA000  }
.Ltmp0:
0x12: {  	s0 =	sadd.s32 s5, s0;
	s5 =	sadd.s32 s7, s1;
	(pc) =	sbr.rel .LBB2_1-.Ltmp0, $4  }
0x13: {  	s2 =	simm.s32 $0x2180;
	s6 =	sadd.s32 $0x2000, s5;
	s7 =	sadd.s32 $0x4000, s5  }
0x14: {  	s8 =	sadd.s32 $0x6000, s5;
	s9 =	sadd.s32 $0x8000, s5;
	s10 =	sadd.s32 $0xA000, s5  }
0x15: {  	s11 =	sadd.s32 $0xC000, s5;
	s12 =	sadd.s32 $0xE000, s5;
	s13 =	sadd.s32 $0x10000, s5  }
0x16: {  	v0 =	vimm.f32 $0.0e+00;
	s14 =	sadd.s32 $0x12000, s5;
	s21 =	sadd.s32 $0x6C400, s0;
	s0 =	simm.s32 $0x8000  }
.LBB2_14:
0x17: {  	s15 =	sadd.s32 $0xE00, s31  }
.LBB2_15:
0x18: {  	_ =	swait.ge [sflag:s30], $0x2000  }
0x19: {  	s15 =	sshra.s32 s15, $0x2;
	[sflag:s30] =	ssyncset.done $0x0  }
0x1a: {  	s15 =	sadd.s32 $0x2000, s15;
	[sflag:s30] =	ssyncadd.s32 $0xFFFFE000  }
0x1b: {  	[spmem:s1] =	stream.indirect.scatter.add.f32 [tilespmem:s17], [sflag:$0x2], $0x80, s15, s26, $0xb8;
	[tilespmem:$0x1FC00] =	vst v63  }
0x1c: {  	_ =	swait.ge [sflag:s19], $0x2000  }
0x1d: {  	[sflag:s19] =	ssyncset.done $0x0  }
0x1e: {  	[sflag:s19] =	ssyncadd.s32 $0xFFFFE000  }
0x1f: {  	_ =	swait.ge [sflag:s19], $0x2000  }
0x20: {  	[sflag:s19] =	ssyncset.done $0x0  }
0x21: {  	[sflag:s19] =	ssyncadd.s32 $0xFFFFE000  }
0x22: {  	s31 =	stileid.u32;
	_ =	swait.ge [sflag:s19], $0x2000  }
0x23: {  	s16 =	sshrl.u32 s5, $0x3;
	s3 =	sadd.s32 $0x1, s3;
	[sflag:s19] =	ssyncset.done $0x0  }
0x24: {  	p1 =	sne.s32 s3, s22;
	s15 =	sshll.u32 s31, $0x6;
	[sflag:s19] =	ssyncadd.s32 $0xFFFFE000  }
.Ltmp1:
0x25: {  	s15 =	sor.u32 $0x1C03, s15;
	[bflag:$0x0] =	sbarrier.arrive $0xFFFF;
	(pc) =	sbr.rel @!p1 .LBB2_16-.Ltmp1, $4  }
0x26: {  	[hbm:s21], [sflag:s15] =	dma.local [spmem:s16], $0x2780  }
0x27: {  	_ =	swait.ge [sflag:s24], $0x2780  }
0x28: {  	[sflag:s24] =	ssyncset.done $0x0  }
0x29: {  	[sflag:s24] =	ssyncadd.s32 $0xFFFFD880  }
.LBB2_1:
0x2a: {  	s15 =	simm.s32 $0x0;
	s31 =	simm.s32 $0x200  }
.LBB2_2:
0x2b: {  	p1 =	sne.s32 s31, $0x7E00;
	[tilespmem:s15+$0x4070] =	vst v0  }
0x2c: {  	[tilespmem:s15+$0x4000] =	vst v0  }
0x2d: {  	[tilespmem:s15+$0x4010] =	vst v0  }
.Ltmp2:
0x2e: {  	[tilespmem:s15+$0x4020] =	vst v0;
	(pc) =	sbr.rel @p1 .LBB2_2-.Ltmp2, $4  }
0x2f: {  	[tilespmem:s15+$0x4030] =	vst v0  }
0x30: {  	[tilespmem:s15+$0x4040] =	vst v0  }
0x31: {  	[tilespmem:s15+$0x4050] =	vst v0  }
0x32: {  	[tilespmem:s15+$0x4060] =	vst v0;
	s15 =	sshra.s32 s31, $0x2;
	s31 =	sadd.s32 $0x200, s31  }
0x33: {  	[tilespmem:s15+$0x4070] =	vst v0  }
0x34: {  	[tilespmem:s15+$0x4000] =	vst v0  }
0x35: {  	[tilespmem:s15+$0x4010] =	vst v0  }
0x36: {  	[tilespmem:s15+$0x4020] =	vst v0  }
0x37: {  	[tilespmem:s15+$0x4030] =	vst v0  }
0x38: {  	[tilespmem:s15+$0x4040] =	vst v0  }
0x39: {  	[tilespmem:s15+$0x4050] =	vst v0  }
0x3a: {  	[tilespmem:s15+$0x4060] =	vst v0  }
0x3b: {  	[spmem:s5] =	stream.linear.scatter [tilespmem:s23], [sflag:$0x3], $0x2000, $0x38;
	[tilespmem:$0x1FC00] =	vst v63  }
0x3c: {  	_ =	swait.ge [sflag:s24], $0x2000  }
0x3d: {  	[sflag:s24] =	ssyncset.done $0x0  }
0x3e: {  	[sflag:s24] =	ssyncadd.s32 $0xFFFFE000  }
0x3f: {  	[spmem:s6] =	stream.linear.scatter [tilespmem:s23], [sflag:$0x3], $0x2000, $0x38;
	[tilespmem:$0x1FC00] =	vst v63  }
0x40: {  	_ =	swait.ge [sflag:s24], $0x2000  }
0x41: {  	[sflag:s24] =	ssyncset.done $0x0  }
0x42: {  	[sflag:s24] =	ssyncadd.s32 $0xFFFFE000  }
0x43: {  	[spmem:s7] =	stream.linear.scatter [tilespmem:s23], [sflag:$0x3], $0x2000, $0x38;
	[tilespmem:$0x1FC00] =	vst v63  }
0x44: {  	_ =	swait.ge [sflag:s24], $0x2000  }
0x45: {  	[sflag:s24] =	ssyncset.done $0x0  }
0x46: {  	[sflag:s24] =	ssyncadd.s32 $0xFFFFE000  }
0x47: {  	[spmem:s8] =	stream.linear.scatter [tilespmem:s23], [sflag:$0x3], $0x2000, $0x38;
	[tilespmem:$0x1FC00] =	vst v63  }
0x48: {  	_ =	swait.ge [sflag:s24], $0x2000  }
0x49: {  	[sflag:s24] =	ssyncset.done $0x0  }
0x4a: {  	[sflag:s24] =	ssyncadd.s32 $0xFFFFE000  }
0x4b: {  	[spmem:s9] =	stream.linear.scatter [tilespmem:s23], [sflag:$0x3], $0x2000, $0x38;
	[tilespmem:$0x1FC00] =	vst v63  }
0x4c: {  	_ =	swait.ge [sflag:s24], $0x2000  }
0x4d: {  	[sflag:s24] =	ssyncset.done $0x0  }
0x4e: {  	[sflag:s24] =	ssyncadd.s32 $0xFFFFE000  }
0x4f: {  	[spmem:s10] =	stream.linear.scatter [tilespmem:s23], [sflag:$0x3], $0x2000, $0x38;
	[tilespmem:$0x1FC00] =	vst v63  }
0x50: {  	_ =	swait.ge [sflag:s24], $0x2000  }
0x51: {  	[sflag:s24] =	ssyncset.done $0x0  }
0x52: {  	[sflag:s24] =	ssyncadd.s32 $0xFFFFE000  }
0x53: {  	[spmem:s11] =	stream.linear.scatter [tilespmem:s23], [sflag:$0x3], $0x2000, $0x38;
	[tilespmem:$0x1FC00] =	vst v63  }
0x54: {  	_ =	swait.ge [sflag:s24], $0x2000  }
0x55: {  	[sflag:s24] =	ssyncset.done $0x0  }
0x56: {  	[sflag:s24] =	ssyncadd.s32 $0xFFFFE000  }
0x57: {  	[spmem:s12] =	stream.linear.scatter [tilespmem:s23], [sflag:$0x3], $0x2000, $0x38;
	[tilespmem:$0x1FC00] =	vst v63  }
0x58: {  	_ =	swait.ge [sflag:s24], $0x2000  }
0x59: {  	[sflag:s24] =	ssyncset.done $0x0  }
0x5a: {  	[sflag:s24] =	ssyncadd.s32 $0xFFFFE000  }
0x5b: {  	[spmem:s13] =	stream.linear.scatter [tilespmem:s23], [sflag:$0x3], $0x2000, $0x38;
	[tilespmem:$0x1FC00] =	vst v63  }
0x5c: {  	_ =	swait.ge [sflag:s24], $0x2000  }
0x5d: {  	[sflag:s24] =	ssyncset.done $0x0  }
0x5e: {  	[sflag:s24] =	ssyncadd.s32 $0xFFFFE000  }
0x5f: {  	[spmem:s14] =	stream.linear.scatter [tilespmem:s23], [sflag:$0x3], $0x1C00, $0x38;
	[tilespmem:$0x1FC00] =	vst v63  }
.Ltmp3:
0x60: {  	_ =	swait.ge [sflag:s24], $0x1C00;
	(pc) =	sbr.rel @!p0 .LBB2_4-.Ltmp3, $4  }
0x61: {  	[sflag:s24] =	ssyncset.done $0x0  }
0x62: {  	[sflag:s24] =	ssyncadd.s32 $0xFFFFE400  }
0x63: {  	[bflag:$0x0] =	sbarrier.arrive $0xFFFF  }
0x64: {  	s31 =	simm.s32 $0x0  }
0x65: {  	s15 =	rddreg [dreg:$0x5]  }
0x66: {  	[tilespmem:s31], [sflag:$0x3] =	stream.linear.gather [hbm4b:s15+s31], $0x2000, $0x38;
	[tilespmem:$0x1FC00] =	vst v63  }
0x67: {  	_ =	swait.ge [sflag:s24], $0x2000  }
0x68: {  	[sflag:s24] =	ssyncset.done $0x0  }
0x69: {  	s16 =	rddreg [dreg:$0x6];
	[sflag:s24] =	ssyncadd.s32 $0xFFFFE000  }
0x6a: {  	[tilespmem:s25], [sflag:$0x3] =	stream.linear.gather [hbm4b:s16+s31], $0x2000, $0x38;
	[tilespmem:$0x1FC00] =	vst v63  }
0x6b: {  	_ =	swait.ge [sflag:s24], $0x2000  }
0x6c: {  	[sflag:s24] =	ssyncset.done $0x0  }
0x6d: {  	[sflag:s24] =	ssyncadd.s32 $0xFFFFE000  }
0x6e: {  	[tilespmem:s23], [sflag:$0x1] =	stream.indirect.gather [hbm4b:s4+s26], $0x80, s31, s26, $0xb8;
	[tilespmem:$0x1FC00] =	vst v63  }
0x6f: {  	s18 =	simm.s32 $0x80  }
0x70: {  	[tilespmem:s29], [sflag:$0x1] =	stream.indirect.gather [hbm4b:s4+s26], $0x80, s18, s26, $0xb8;
	[tilespmem:$0x1FC00] =	vst v63  }
0x71: {  	_ =	swait.ge [sflag:s30], $0x2000  }
0x72: {  	[sflag:s30] =	ssyncset.done $0x0  }
0x73: {  	[sflag:s30] =	ssyncadd.s32 $0xFFFFE000  }
0x74: {  	[spmem:s1] =	stream.indirect.scatter.add.f32 [tilespmem:s23], [sflag:$0x2], $0x80, s25, s26, $0xb8;
	[tilespmem:$0x1FC00] =	vst v63  }
0x75: {  	s16 =	simm.s32 $0x100  }
0x76: {  	[tilespmem:s0], [sflag:$0x1] =	stream.indirect.gather [hbm4b:s4+s26], $0x80, s16, s26, $0xb8;
	[tilespmem:$0x1FC00] =	vst v63  }
0x77: {  	_ =	swait.ge [sflag:s30], $0x2000  }
0x78: {  	[sflag:s30] =	ssyncset.done $0x0  }
0x79: {  	s18 =	simm.s32 $0x2080;
	[sflag:s30] =	ssyncadd.s32 $0xFFFFE000  }
0x7a: {  	[spmem:s1] =	stream.indirect.scatter.add.f32 [tilespmem:s29], [sflag:$0x2], $0x80, s18, s26, $0xb8;
	[tilespmem:$0x1FC00] =	vst v63  }
0x7b: {  	s16 =	simm.s32 $0x180  }
0x7c: {  	[tilespmem:s17], [sflag:$0x1] =	stream.indirect.gather [hbm4b:s4+s26], $0x80, s16, s26, $0xb8;
	[tilespmem:$0x1FC00] =	vst v63  }
0x7d: {  	_ =	swait.ge [sflag:s30], $0x2000  }
0x7e: {  	[sflag:s30] =	ssyncset.done $0x0  }
0x7f: {  	s18 =	simm.s32 $0x2100;
	[sflag:s30] =	ssyncadd.s32 $0xFFFFE000  }
0x80: {  	[spmem:s1] =	stream.indirect.scatter.add.f32 [tilespmem:s0], [sflag:$0x2], $0x80, s18, s26, $0xb8;
	[tilespmem:$0x1FC00] =	vst v63  }
0x81: {  	_ =	swait.ge [sflag:s19], $0x2000  }
0x82: {  	[sflag:s19] =	ssyncset.done $0x0  }
0x83: {  	[sflag:s19] =	ssyncadd.s32 $0xFFFFE000  }
0x84: {  	[tilespmem:s23], [sflag:$0x1] =	stream.indirect.gather [hbm4b:s4+s26], $0x80, s20, s26, $0xb8;
	[tilespmem:$0x1FC00] =	vst v63  }
0x85: {  	_ =	swait.ge [sflag:s30], $0x2000  }
0x86: {  	[sflag:s30] =	ssyncset.done $0x0  }
0x87: {  	[sflag:s30] =	ssyncadd.s32 $0xFFFFE000  }
0x88: {  	[spmem:s1] =	stream.indirect.scatter.add.f32 [tilespmem:s17], [sflag:$0x2], $0x80, s2, s26, $0xb8;
	[tilespmem:$0x1FC00] =	vst v63  }
0x89: {  	_ =	swait.ge [sflag:s19], $0x2000  }
0x8a: {  	[sflag:s19] =	ssyncset.done $0x0  }
0x8b: {  	[sflag:s19] =	ssyncadd.s32 $0xFFFFE000  }
0x8c: {  	[tilespmem:s29], [sflag:$0x1] =	stream.indirect.gather [hbm4b:s4+s26], $0x80, s28, s26, $0xb8;
	[tilespmem:$0x1FC00] =	vst v63  }
.LBB2_8:
0x8d: {  	_ =	swait.ge [sflag:s30], $0x2000  }
0x8e: {  	s15 =	sshra.s32 s31, $0x2;
	[sflag:s30] =	ssyncset.done $0x0  }
0x8f: {  	s16 =	sadd.s32 $0x2200, s15;
	[sflag:s30] =	ssyncadd.s32 $0xFFFFE000  }
0x90: {  	[spmem:s1] =	stream.indirect.scatter.add.f32 [tilespmem:s23], [sflag:$0x2], $0x80, s16, s26, $0xb8;
	[tilespmem:$0x1FC00] =	vst v63  }
0x91: {  	_ =	swait.ge [sflag:s19], $0x2000  }
0x92: {  	[sflag:s19] =	ssyncset.done $0x0  }
0x93: {  	s18 =	sadd.s32 $0x300, s15;
	[sflag:s19] =	ssyncadd.s32 $0xFFFFE000  }
0x94: {  	[tilespmem:s0], [sflag:$0x1] =	stream.indirect.gather [hbm4b:s4+s26], $0x80, s18, s26, $0xb8;
	[tilespmem:$0x1FC00] =	vst v63  }
0x95: {  	_ =	swait.ge [sflag:s30], $0x2000  }
0x96: {  	[sflag:s30] =	ssyncset.done $0x0  }
0x97: {  	s18 =	sadd.s32 $0x2280, s15;
	[sflag:s30] =	ssyncadd.s32 $0xFFFFE000  }
0x98: {  	[spmem:s1] =	stream.indirect.scatter.add.f32 [tilespmem:s29], [sflag:$0x2], $0x80, s18, s26, $0xb8;
	[tilespmem:$0x1FC00] =	vst v63  }
0x99: {  	_ =	swait.ge [sflag:s19], $0x2000  }
0x9a: {  	[sflag:s19] =	ssyncset.done $0x0  }
0x9b: {  	s18 =	sadd.s32 $0x380, s15;
	[sflag:s19] =	ssyncadd.s32 $0xFFFFE000  }
0x9c: {  	[tilespmem:s17], [sflag:$0x1] =	stream.indirect.gather [hbm4b:s4+s26], $0x80, s18, s26, $0xb8;
	[tilespmem:$0x1FC00] =	vst v63  }
0x9d: {  	_ =	swait.ge [sflag:s30], $0x2000  }
0x9e: {  	p1 =	seq.s32 s31, $0x7000;
	[sflag:s30] =	ssyncset.done $0x0  }
.Ltmp4:
0x9f: {  	s18 =	sadd.s32 $0x2300, s15;
	[sflag:s30] =	ssyncadd.s32 $0xFFFFE000;
	(pc) =	sbr.rel @p1 .LBB2_10-.Ltmp4, $4  }
0xa0: {  	[spmem:s1] =	stream.indirect.scatter.add.f32 [tilespmem:s0], [sflag:$0x2], $0x80, s18, s26, $0xb8;
	[tilespmem:$0x1FC00] =	vst v63  }
0xa1: {  	_ =	swait.ge [sflag:s19], $0x2000  }
0xa2: {  	[sflag:s19] =	ssyncset.done $0x0  }
0xa3: {  	s16 =	sadd.s32 $0x2380, s15;
	[sflag:s19] =	ssyncadd.s32 $0xFFFFE000  }
0xa4: {  	s18 =	sadd.s32 $0x400, s15  }
0xa5: {  	[tilespmem:s23], [sflag:$0x1] =	stream.indirect.gather [hbm4b:s4+s26], $0x80, s18, s26, $0xb8;
	[tilespmem:$0x1FC00] =	vst v63  }
0xa6: {  	_ =	swait.ge [sflag:s30], $0x2000  }
0xa7: {  	[sflag:s30] =	ssyncset.done $0x0  }
0xa8: {  	[sflag:s30] =	ssyncadd.s32 $0xFFFFE000  }
0xa9: {  	[spmem:s1] =	stream.indirect.scatter.add.f32 [tilespmem:s17], [sflag:$0x2], $0x80, s16, s26, $0xb8;
	[tilespmem:$0x1FC00] =	vst v63  }
.Ltmp5:
0xaa: {  	_ = 	snop;
	(pc) =	sbr.rel .LBB2_8-.Ltmp5, $4  }
0xab: {  	_ =	swait.ge [sflag:s19], $0x2000  }
0xac: {  	[sflag:s19] =	ssyncset.done $0x0  }
0xad: {  	s31 =	sadd.s32 $0x800, s31;
	s18 =	sadd.s32 $0x480, s15;
	[sflag:s19] =	ssyncadd.s32 $0xFFFFE000  }
0xae: {  	[tilespmem:s29], [sflag:$0x1] =	stream.indirect.gather [hbm4b:s4+s26], $0x80, s18, s26, $0xb8;
	[tilespmem:$0x1FC00] =	vst v63  }
.LBB2_4:
0xaf: {  	s15 =	rddreg [dreg:$0x3]  }
0xb0: {  	[tilespmem:s31], [sflag:$0x3] =	stream.linear.gather [hbm4b:s15+s31], $0x1000, $0x38;
	[tilespmem:$0x1FC00] =	vst v63  }
0xb1: {  	_ =	swait.ge [sflag:s24], $0x1000  }
0xb2: {  	[sflag:s24] =	ssyncset.done $0x0  }
0xb3: {  	s16 =	rddreg [dreg:$0x4];
	[sflag:s24] =	ssyncadd.s32 $0xFFFFF000  }
0xb4: {  	[tilespmem:s25], [sflag:$0x3] =	stream.linear.gather [hbm4b:s16+s31], $0x1000, $0x38;
	[tilespmem:$0x1FC00] =	vst v63  }
0xb5: {  	_ =	swait.ge [sflag:s24], $0x1000  }
0xb6: {  	[sflag:s24] =	ssyncset.done $0x0  }
0xb7: {  	[sflag:s24] =	ssyncadd.s32 $0xFFFFF000  }
0xb8: {  	[tilespmem:s23], [sflag:$0x1] =	stream.indirect.gather [hbm4b:s4+s26], $0x80, s31, s26, $0xb8;
	[tilespmem:$0x1FC00] =	vst v63  }
0xb9: {  	s18 =	simm.s32 $0x80  }
0xba: {  	[tilespmem:s29], [sflag:$0x1] =	stream.indirect.gather [hbm4b:s4+s26], $0x80, s18, s26, $0xb8;
	[tilespmem:$0x1FC00] =	vst v63  }
0xbb: {  	_ =	swait.ge [sflag:s30], $0x2000  }
0xbc: {  	[sflag:s30] =	ssyncset.done $0x0  }
0xbd: {  	[sflag:s30] =	ssyncadd.s32 $0xFFFFE000  }
0xbe: {  	[spmem:s1] =	stream.indirect.scatter.add.f32 [tilespmem:s23], [sflag:$0x2], $0x80, s25, s26, $0xb8;
	[tilespmem:$0x1FC00] =	vst v63  }
0xbf: {  	s16 =	simm.s32 $0x100  }
0xc0: {  	[tilespmem:s0], [sflag:$0x1] =	stream.indirect.gather [hbm4b:s4+s26], $0x80, s16, s26, $0xb8;
	[tilespmem:$0x1FC00] =	vst v63  }
0xc1: {  	_ =	swait.ge [sflag:s30], $0x2000  }
0xc2: {  	[sflag:s30] =	ssyncset.done $0x0  }
0xc3: {  	s18 =	simm.s32 $0x2080;
	[sflag:s30] =	ssyncadd.s32 $0xFFFFE000  }
0xc4: {  	[spmem:s1] =	stream.indirect.scatter.add.f32 [tilespmem:s29], [sflag:$0x2], $0x80, s18, s26, $0xb8;
	[tilespmem:$0x1FC00] =	vst v63  }
0xc5: {  	s16 =	simm.s32 $0x180  }
0xc6: {  	[tilespmem:s17], [sflag:$0x1] =	stream.indirect.gather [hbm4b:s4+s26], $0x80, s16, s26, $0xb8;
	[tilespmem:$0x1FC00] =	vst v63  }
0xc7: {  	_ =	swait.ge [sflag:s30], $0x2000  }
0xc8: {  	[sflag:s30] =	ssyncset.done $0x0  }
0xc9: {  	s18 =	simm.s32 $0x2100;
	[sflag:s30] =	ssyncadd.s32 $0xFFFFE000  }
0xca: {  	[spmem:s1] =	stream.indirect.scatter.add.f32 [tilespmem:s0], [sflag:$0x2], $0x80, s18, s26, $0xb8;
	[tilespmem:$0x1FC00] =	vst v63  }
0xcb: {  	_ =	swait.ge [sflag:s19], $0x2000  }
0xcc: {  	[sflag:s19] =	ssyncset.done $0x0  }
0xcd: {  	[sflag:s19] =	ssyncadd.s32 $0xFFFFE000  }
0xce: {  	[tilespmem:s23], [sflag:$0x1] =	stream.indirect.gather [hbm4b:s4+s26], $0x80, s20, s26, $0xb8;
	[tilespmem:$0x1FC00] =	vst v63  }
0xcf: {  	_ =	swait.ge [sflag:s30], $0x2000  }
0xd0: {  	[sflag:s30] =	ssyncset.done $0x0  }
0xd1: {  	[sflag:s30] =	ssyncadd.s32 $0xFFFFE000  }
0xd2: {  	[spmem:s1] =	stream.indirect.scatter.add.f32 [tilespmem:s17], [sflag:$0x2], $0x80, s2, s26, $0xb8;
	[tilespmem:$0x1FC00] =	vst v63  }
0xd3: {  	_ =	swait.ge [sflag:s19], $0x2000  }
0xd4: {  	[sflag:s19] =	ssyncset.done $0x0  }
0xd5: {  	[sflag:s19] =	ssyncadd.s32 $0xFFFFE000  }
0xd6: {  	[tilespmem:s29], [sflag:$0x1] =	stream.indirect.gather [hbm4b:s4+s26], $0x80, s28, s26, $0xb8;
	[tilespmem:$0x1FC00] =	vst v63  }
.LBB2_5:
0xd7: {  	_ =	swait.ge [sflag:s30], $0x2000  }
0xd8: {  	s15 =	sshra.s32 s31, $0x2;
	[sflag:s30] =	ssyncset.done $0x0  }
0xd9: {  	s16 =	sadd.s32 $0x2200, s15;
	[sflag:s30] =	ssyncadd.s32 $0xFFFFE000  }
0xda: {  	[spmem:s1] =	stream.indirect.scatter.add.f32 [tilespmem:s23], [sflag:$0x2], $0x80, s16, s26, $0xb8;
	[tilespmem:$0x1FC00] =	vst v63  }
0xdb: {  	_ =	swait.ge [sflag:s19], $0x2000  }
0xdc: {  	[sflag:s19] =	ssyncset.done $0x0  }
0xdd: {  	s18 =	sadd.s32 $0x300, s15;
	[sflag:s19] =	ssyncadd.s32 $0xFFFFE000  }
0xde: {  	[tilespmem:s0], [sflag:$0x1] =	stream.indirect.gather [hbm4b:s4+s26], $0x80, s18, s26, $0xb8;
	[tilespmem:$0x1FC00] =	vst v63  }
0xdf: {  	_ =	swait.ge [sflag:s30], $0x2000  }
0xe0: {  	[sflag:s30] =	ssyncset.done $0x0  }
0xe1: {  	s18 =	sadd.s32 $0x2280, s15;
	[sflag:s30] =	ssyncadd.s32 $0xFFFFE000  }
0xe2: {  	[spmem:s1] =	stream.indirect.scatter.add.f32 [tilespmem:s29], [sflag:$0x2], $0x80, s18, s26, $0xb8;
	[tilespmem:$0x1FC00] =	vst v63  }
0xe3: {  	_ =	swait.ge [sflag:s19], $0x2000  }
0xe4: {  	[sflag:s19] =	ssyncset.done $0x0  }
0xe5: {  	s18 =	sadd.s32 $0x380, s15;
	[sflag:s19] =	ssyncadd.s32 $0xFFFFE000  }
0xe6: {  	[tilespmem:s17], [sflag:$0x1] =	stream.indirect.gather [hbm4b:s4+s26], $0x80, s18, s26, $0xb8;
	[tilespmem:$0x1FC00] =	vst v63  }
0xe7: {  	_ =	swait.ge [sflag:s30], $0x2000  }
0xe8: {  	p1 =	seq.s32 s31, $0x3000;
	[sflag:s30] =	ssyncset.done $0x0  }
.Ltmp6:
0xe9: {  	s18 =	sadd.s32 $0x2300, s15;
	[sflag:s30] =	ssyncadd.s32 $0xFFFFE000;
	(pc) =	sbr.rel @p1 .LBB2_14-.Ltmp6, $4  }
0xea: {  	[spmem:s1] =	stream.indirect.scatter.add.f32 [tilespmem:s0], [sflag:$0x2], $0x80, s18, s26, $0xb8;
	[tilespmem:$0x1FC00] =	vst v63  }
0xeb: {  	_ =	swait.ge [sflag:s19], $0x2000  }
0xec: {  	[sflag:s19] =	ssyncset.done $0x0  }
0xed: {  	[sflag:s19] =	ssyncadd.s32 $0xFFFFE000  }
0xee: {  	s16 =	sadd.s32 $0x400, s15  }
0xef: {  	[tilespmem:s23], [sflag:$0x1] =	stream.indirect.gather [hbm4b:s4+s26], $0x80, s16, s26, $0xb8;
	[tilespmem:$0x1FC00] =	vst v63  }
0xf0: {  	_ =	swait.ge [sflag:s30], $0x2000  }
0xf1: {  	[sflag:s30] =	ssyncset.done $0x0  }
0xf2: {  	s18 =	sadd.s32 $0x2380, s15;
	[sflag:s30] =	ssyncadd.s32 $0xFFFFE000  }
0xf3: {  	[spmem:s1] =	stream.indirect.scatter.add.f32 [tilespmem:s17], [sflag:$0x2], $0x80, s18, s26, $0xb8;
	[tilespmem:$0x1FC00] =	vst v63  }
.Ltmp7:
0xf4: {  	_ = 	snop;
	(pc) =	sbr.rel .LBB2_5-.Ltmp7, $4  }
0xf5: {  	_ =	swait.ge [sflag:s19], $0x2000  }
0xf6: {  	[sflag:s19] =	ssyncset.done $0x0  }
0xf7: {  	s31 =	sadd.s32 $0x800, s31;
	s18 =	sadd.s32 $0x480, s15;
	[sflag:s19] =	ssyncadd.s32 $0xFFFFE000  }
0xf8: {  	[tilespmem:s29], [sflag:$0x1] =	stream.indirect.gather [hbm4b:s4+s26], $0x80, s18, s26, $0xb8;
	[tilespmem:$0x1FC00] =	vst v63  }
.LBB2_10:
0xf9: {  	_ =	swait.ge [sflag:s30], $0x2000  }
0xfa: {  	[sflag:s30] =	ssyncset.done $0x0  }
0xfb: {  	[sflag:s30] =	ssyncadd.s32 $0xFFFFE000  }
0xfc: {  	[spmem:s1] =	stream.indirect.scatter.add.f32 [tilespmem:s17], [sflag:$0x2], $0x80, s16, s26, $0xb8;
	[tilespmem:$0x1FC00] =	vst v63  }
0xfd: {  	_ =	swait.ge [sflag:s19], $0x2000  }
0xfe: {  	[sflag:s19] =	ssyncset.done $0x0  }
0xff: {  	[sflag:s19] =	ssyncadd.s32 $0xFFFFE000  }
0x100: {  	_ =	swait.ge [sflag:s19], $0x2000  }
0x101: {  	[sflag:s19] =	ssyncset.done $0x0  }
0x102: {  	[sflag:s19] =	ssyncadd.s32 $0xFFFFE000  }
0x103: {  	_ =	swait.ge [sflag:s19], $0x2000  }
0x104: {  	[sflag:s19] =	ssyncset.done $0x0  }
0x105: {  	s31 =	simm.s32 $0x0;
	s15 =	rddreg [dreg:$0x7];
	[sflag:s19] =	ssyncadd.s32 $0xFFFFE000  }
0x106: {  	[tilespmem:s31], [sflag:$0x3] =	stream.linear.gather [hbm4b:s15+s31], $0x2000, $0x38;
	[tilespmem:$0x1FC00] =	vst v63  }
0x107: {  	_ =	swait.ge [sflag:s24], $0x2000  }
0x108: {  	[sflag:s24] =	ssyncset.done $0x0  }
0x109: {  	s16 =	rddreg [dreg:$0x8];
	[sflag:s24] =	ssyncadd.s32 $0xFFFFE000  }
0x10a: {  	[tilespmem:s25], [sflag:$0x3] =	stream.linear.gather [hbm4b:s16+s31], $0x2000, $0x38;
	[tilespmem:$0x1FC00] =	vst v63  }
0x10b: {  	_ =	swait.ge [sflag:s24], $0x2000  }
0x10c: {  	[sflag:s24] =	ssyncset.done $0x0  }
0x10d: {  	[sflag:s24] =	ssyncadd.s32 $0xFFFFE000  }
0x10e: {  	[tilespmem:s23], [sflag:$0x1] =	stream.indirect.gather [hbm4b:s4+s26], $0x80, s31, s26, $0xb8;
	[tilespmem:$0x1FC00] =	vst v63  }
0x10f: {  	s18 =	simm.s32 $0x80  }
0x110: {  	[tilespmem:s29], [sflag:$0x1] =	stream.indirect.gather [hbm4b:s4+s26], $0x80, s18, s26, $0xb8;
	[tilespmem:$0x1FC00] =	vst v63  }
0x111: {  	_ =	swait.ge [sflag:s30], $0x2000  }
0x112: {  	[sflag:s30] =	ssyncset.done $0x0  }
0x113: {  	[sflag:s30] =	ssyncadd.s32 $0xFFFFE000  }
0x114: {  	[spmem:s1] =	stream.indirect.scatter.add.f32 [tilespmem:s23], [sflag:$0x2], $0x80, s25, s26, $0xb8;
	[tilespmem:$0x1FC00] =	vst v63  }
0x115: {  	s16 =	simm.s32 $0x100  }
0x116: {  	[tilespmem:s0], [sflag:$0x1] =	stream.indirect.gather [hbm4b:s4+s26], $0x80, s16, s26, $0xb8;
	[tilespmem:$0x1FC00] =	vst v63  }
0x117: {  	_ =	swait.ge [sflag:s30], $0x2000  }
0x118: {  	[sflag:s30] =	ssyncset.done $0x0  }
0x119: {  	s18 =	simm.s32 $0x2080;
	[sflag:s30] =	ssyncadd.s32 $0xFFFFE000  }
0x11a: {  	[spmem:s1] =	stream.indirect.scatter.add.f32 [tilespmem:s29], [sflag:$0x2], $0x80, s18, s26, $0xb8;
	[tilespmem:$0x1FC00] =	vst v63  }
0x11b: {  	s16 =	simm.s32 $0x180  }
0x11c: {  	[tilespmem:s17], [sflag:$0x1] =	stream.indirect.gather [hbm4b:s4+s26], $0x80, s16, s26, $0xb8;
	[tilespmem:$0x1FC00] =	vst v63  }
0x11d: {  	_ =	swait.ge [sflag:s30], $0x2000  }
0x11e: {  	[sflag:s30] =	ssyncset.done $0x0  }
0x11f: {  	s18 =	simm.s32 $0x2100;
	[sflag:s30] =	ssyncadd.s32 $0xFFFFE000  }
0x120: {  	[spmem:s1] =	stream.indirect.scatter.add.f32 [tilespmem:s0], [sflag:$0x2], $0x80, s18, s26, $0xb8;
	[tilespmem:$0x1FC00] =	vst v63  }
0x121: {  	_ =	swait.ge [sflag:s19], $0x2000  }
0x122: {  	[sflag:s19] =	ssyncset.done $0x0  }
0x123: {  	[sflag:s19] =	ssyncadd.s32 $0xFFFFE000  }
0x124: {  	[tilespmem:s23], [sflag:$0x1] =	stream.indirect.gather [hbm4b:s4+s26], $0x80, s20, s26, $0xb8;
	[tilespmem:$0x1FC00] =	vst v63  }
0x125: {  	_ =	swait.ge [sflag:s30], $0x2000  }
0x126: {  	[sflag:s30] =	ssyncset.done $0x0  }
0x127: {  	[sflag:s30] =	ssyncadd.s32 $0xFFFFE000  }
0x128: {  	[spmem:s1] =	stream.indirect.scatter.add.f32 [tilespmem:s17], [sflag:$0x2], $0x80, s2, s26, $0xb8;
	[tilespmem:$0x1FC00] =	vst v63  }
0x129: {  	_ =	swait.ge [sflag:s19], $0x2000  }
0x12a: {  	[sflag:s19] =	ssyncset.done $0x0  }
0x12b: {  	[sflag:s19] =	ssyncadd.s32 $0xFFFFE000  }
0x12c: {  	[tilespmem:s29], [sflag:$0x1] =	stream.indirect.gather [hbm4b:s4+s26], $0x80, s28, s26, $0xb8;
	[tilespmem:$0x1FC00] =	vst v63  }
.LBB2_11:
0x12d: {  	_ =	swait.ge [sflag:s30], $0x2000  }
0x12e: {  	s15 =	sshra.s32 s31, $0x2;
	[sflag:s30] =	ssyncset.done $0x0  }
0x12f: {  	s16 =	sadd.s32 $0x2200, s15;
	[sflag:s30] =	ssyncadd.s32 $0xFFFFE000  }
0x130: {  	[spmem:s1] =	stream.indirect.scatter.add.f32 [tilespmem:s23], [sflag:$0x2], $0x80, s16, s26, $0xb8;
	[tilespmem:$0x1FC00] =	vst v63  }
0x131: {  	_ =	swait.ge [sflag:s19], $0x2000  }
0x132: {  	[sflag:s19] =	ssyncset.done $0x0  }
0x133: {  	s18 =	sadd.s32 $0x300, s15;
	[sflag:s19] =	ssyncadd.s32 $0xFFFFE000  }
0x134: {  	[tilespmem:s0], [sflag:$0x1] =	stream.indirect.gather [hbm4b:s4+s26], $0x80, s18, s26, $0xb8;
	[tilespmem:$0x1FC00] =	vst v63  }
0x135: {  	_ =	swait.ge [sflag:s30], $0x2000  }
0x136: {  	[sflag:s30] =	ssyncset.done $0x0  }
0x137: {  	s18 =	sadd.s32 $0x2280, s15;
	[sflag:s30] =	ssyncadd.s32 $0xFFFFE000  }
0x138: {  	[spmem:s1] =	stream.indirect.scatter.add.f32 [tilespmem:s29], [sflag:$0x2], $0x80, s18, s26, $0xb8;
	[tilespmem:$0x1FC00] =	vst v63  }
0x139: {  	_ =	swait.ge [sflag:s19], $0x2000  }
0x13a: {  	[sflag:s19] =	ssyncset.done $0x0  }
0x13b: {  	s18 =	sadd.s32 $0x380, s15;
	[sflag:s19] =	ssyncadd.s32 $0xFFFFE000  }
0x13c: {  	[tilespmem:s17], [sflag:$0x1] =	stream.indirect.gather [hbm4b:s4+s26], $0x80, s18, s26, $0xb8;
	[tilespmem:$0x1FC00] =	vst v63  }
0x13d: {  	_ =	swait.ge [sflag:s30], $0x2000  }
0x13e: {  	p1 =	seq.s32 s31, $0x7000;
	[sflag:s30] =	ssyncset.done $0x0  }
.Ltmp8:
0x13f: {  	s18 =	sadd.s32 $0x2300, s15;
	[sflag:s30] =	ssyncadd.s32 $0xFFFFE000;
	(pc) =	sbr.rel @p1 .LBB2_13-.Ltmp8, $4  }
0x140: {  	[spmem:s1] =	stream.indirect.scatter.add.f32 [tilespmem:s0], [sflag:$0x2], $0x80, s18, s26, $0xb8;
	[tilespmem:$0x1FC00] =	vst v63  }
0x141: {  	_ =	swait.ge [sflag:s19], $0x2000  }
0x142: {  	[sflag:s19] =	ssyncset.done $0x0  }
0x143: {  	[sflag:s19] =	ssyncadd.s32 $0xFFFFE000  }
0x144: {  	s16 =	sadd.s32 $0x400, s15  }
0x145: {  	[tilespmem:s23], [sflag:$0x1] =	stream.indirect.gather [hbm4b:s4+s26], $0x80, s16, s26, $0xb8;
	[tilespmem:$0x1FC00] =	vst v63  }
0x146: {  	_ =	swait.ge [sflag:s30], $0x2000  }
0x147: {  	[sflag:s30] =	ssyncset.done $0x0  }
0x148: {  	s18 =	sadd.s32 $0x2380, s15;
	[sflag:s30] =	ssyncadd.s32 $0xFFFFE000  }
0x149: {  	[spmem:s1] =	stream.indirect.scatter.add.f32 [tilespmem:s17], [sflag:$0x2], $0x80, s18, s26, $0xb8;
	[tilespmem:$0x1FC00] =	vst v63  }
.Ltmp9:
0x14a: {  	_ = 	snop;
	(pc) =	sbr.rel .LBB2_11-.Ltmp9, $4  }
0x14b: {  	_ =	swait.ge [sflag:s19], $0x2000  }
0x14c: {  	[sflag:s19] =	ssyncset.done $0x0  }
0x14d: {  	s31 =	sadd.s32 $0x800, s31;
	s18 =	sadd.s32 $0x480, s15;
	[sflag:s19] =	ssyncadd.s32 $0xFFFFE000  }
0x14e: {  	[tilespmem:s29], [sflag:$0x1] =	stream.indirect.gather [hbm4b:s4+s26], $0x80, s18, s26, $0xb8;
	[tilespmem:$0x1FC00] =	vst v63  }
.LBB2_13:
.Ltmp10:
0x14f: {  	(pc) =	sbr.rel .LBB2_15-.Ltmp10, $2  }
0x150: {  	_ =	sdelay $0x2  }
0x151: {  	s15 =	sadd.s32 $0xE00, s31  }
.LBB2_16:
0x152: {  	_ =	sfence.sel $0x180000  }
0x153: {  	[bflag:$0x0] =	sbarrier.arrive $0xFFFF  }
0x154: {  	_ =	strace $0x9000004A  }
0x155: {  	s0 =	stileid.u32;
	[bflag:$0x2] =	sbarrier.arrive $0xFFFF  }
0x156: {  	p0 =	sne.s32 s0, $0x0;
	s0 =	rddreg [dreg:$0x2]  }
0x157: {  	s0 =	sadd.s32 @!p0 $0x100000, s0  }
0x158: {  	[sflag:s0] =	ssyncadd.tile.s32 @!p0 $0x1;
	_ =	shalt  }
.Lfunc_end2:
_tile_overlayer_lowered:
.L_overlay_start_2:
0x159: {  	(tag) =	ssettag $0x2  }
0x15a: {  	s0 =	rddreg [dreg:$0x0];
	s2 =	stileid.u32  }
0x15b: {  	s1 =	rddreg [dreg:$0x1];
	p0 =	sne.s32 s2, $0x0  }
0x15c: {  	s3 =	rddreg [dreg:$0x2];
	[bflag:$0x3] =	sbarrier.arrive $0xFFFF;
	s2 =	simm.s32 @!p0 $0x1C03  }
0x15d: {  	[timem:s3], [sflag:s2] =	dma.local @!p0 [hbm:s0], s1  }
0x15e: {  	s0 =	simm.s32 @!p0 $0x3  }
0x15f: {  	_ =	swait.ge @!p0 [sflag:s0], s1  }
0x160: {  	s1 =	ssub.s32 @!p0 $0x0, s1;
	[sflag:s0] =	ssyncset.done @!p0 $0x0  }
0x161: {  	[sflag:s0] =	ssyncadd.s32 @!p0 s1  }
0x162: {  	[bflag:$0x3] =	sbarrier.arrive $0xFFFF  }
0x163: {  	_ =	shalt  }

// kernel: kernel.15.cloned.1.call-start
scs
__scs_entry_jumppad:
0x0: {  	(pc) =	sbr.rel $0x88, $3  }
0x1: {  	(tag) =	ssettag $0x0;
	lr =	simm.s32 $0x1  }
0x2: {  	[smem:$0x3F93] =	sst lr;
	_ =	strace $0xD0000000  }
0x3: {  	_ = 	snop  }
0x4: {  	_ = 	snop  }
0x5: {  	_ = 	snop  }
0x6: {  	_ = 	snop  }
0x7: {  	_ = 	snop  }
__scs_overlays_trampoline_lowered:
0x8: {  	[smem:$0x3FA2] =	sst s0  }
0x9: {  	[smem:$0x3FA3] =	sst s1  }
0xa: {  	[smem:$0x3FA4] =	sst s2  }
0xb: {  	[smem:$0x3FA5] =	sst s3  }
0xc: {  	[smem:$0x3FA6] =	sst s4  }
0xd: {  	[smem:$0x3FA7] =	sst s5  }
0xe: {  	[smem:$0x3FA8] =	sst s6  }
0xf: {  	[smem:$0x3FA9] =	sst s7  }
0x10: {  	[smem:$0x3FAA] =	sst s8  }
0x11: {  	[smem:$0x3FAB] =	sst s9;
	s0 =	simm.s32 @!p0 $0x0  }
0x12: {  	s1 =	sld [smem:$0x3F91];
	s0 =	simm.s32 @p0 $0x1  }
0x13: {  	[smem:$0x3FAC] =	sst s0;
	s0 =	simm.s32 @!p1 $0x0  }
0x14: {  	s2 =	sld [smem:$0x3F90];
	s0 =	simm.s32 @p1 $0x1  }
0x15: {  	[smem:$0x3FAD] =	sst s0;
	s0 =	simm.s32 @!p2 $0x0  }
0x16: {  	s3 =	sld [smem:$0x3FDB];
	s0 =	simm.s32 @p2 $0x1  }
0x17: {  	s4 =	simm.s32 $0x1BF5;
	[smem:$0x3FAF] =	sst s0  }
0x18: {  	s0 =	sld [smem:$0x3F92];
	_ =	swait.ge [sflag:s4], $0x0  }
0x19: {  	s7 =	sld [smem:$0x3F93]  }
0x1a: {  	s8 =	sadd.s32 $0xFFFFE003, lr  }
0x1b: {  	s9 =	sadd.s32 $0xFFFFFEF7, lr;
	s5 =	simm.s32 $0xFFFFFFFF;
	p2 =	slt.u32 s8, $0xFFFFF086  }
0x1c: {  	p1 =	slt.u32 s9, $0xF7A;
	s5 =	simm.s32 @!p2 $0x0  }
0x1d: {  	s5 =	simm.s32 @p1 $0x1;
	p0 =	seq.s32 s7, s2  }
0x1e: {  	s7 =	smul.u32 @!p0 $0xF7A, s2;
	p2 =	seq.s32 @!p0 s5, $0x0  }
0x1f: {  	s9 =	smul.u32 $0xF7A, s1;
	s8 =	simm.s32 @!p0 $0x1BF5;
	p2 =	por !p2, p0  }
0x20: {  	[sflag:s8] =	ssyncset.s32 @!p0 $0xFFFFF086;
	s6 =	sadd.s32 @!p0 s3, s7;
	s7 =	simm.s32 @!p0 $0x108  }
0x21: {  	s3 =	sadd.s32 s3, s9;
	s6 =	sadd.s32 @!p0 $0x88, s6;
	s7 =	simm.s32 @p2 $0x1082  }
0x22: {  	[simem:s7], [sflag:s8] =	dma.local @!p0 [hbm:s6], $0xF7A  }
0x23: {  	s9 =	sor.u32 $0xD0000000, s2;
	s6 =	simm.s32 $0x108;
	_ =	swait.ge @!p0 [sflag:s8], $0x0  }
0x24: {  	s3 =	sadd.s32 $0x88, s3;
	s6 =	simm.s32 @!p1 $0x1082;
	[sflag:s4] =	ssyncset.s32 $0xFFFFF086  }
0x25: {  	[simem:s6], [sflag:s4] =	dma.local [hbm:s3], $0xF7A  }
0x26: {  	[smem:$0x3F93] =	sst s1;
	(tag) =	ssettag s2;
	_ =	strace s9  }
0x27: {  	s1 =	sld [smem:$0x3FA3]  }
0x28: {  	s2 =	sld [smem:$0x3FA4]  }
0x29: {  	s4 =	sld [smem:$0x3FA6]  }
0x2a: {  	p0 =	seq.s32 s5, $0x0;
	s5 =	sld [smem:$0x3FA7]  }
0x2b: {  	s6 =	sld [smem:$0x3FA8]  }
0x2c: {  	s7 =	sld [smem:$0x3FA9]  }
0x2d: {  	s3 =	simm.s32 $0x108;
	s8 =	sld [smem:$0x3FAA]  }
0x2e: {  	s3 =	simm.s32 @!p0 $0x1082;
	s9 =	sld [smem:$0x3FAB]  }
0x2f: {  	lr =	sadd.s32 s0, s3;
	s0 =	sld [smem:$0x3FA2]  }
0x30: {  	s3 =	sld [smem:$0x3FA5]  }
0x31: {  	[smem:$0x3FAE] =	sst s10  }
0x32: {  	s10 =	sld [smem:$0x3FAC];
	_ =	sdelay $0x3  }
0x33: {  	p0 =	seq.s32 s10, $0x1;
	s10 =	sld [smem:$0x3FAE];
	_ =	sdelay $0x3  }
0x34: {  	[smem:$0x3FAE] =	sst s10  }
0x35: {  	s10 =	sld [smem:$0x3FAD];
	_ =	sdelay $0x3  }
0x36: {  	p1 =	seq.s32 s10, $0x1;
	s10 =	sld [smem:$0x3FAE];
	_ =	sdelay $0x3  }
0x37: {  	[smem:$0x3FAE] =	sst s10  }
0x38: {  	s10 =	sld [smem:$0x3FAF]  }
0x39: {  	_ = 	snop;
	(pc) =	sbr.ind lr, $3  }
0x3a: {  	_ = 	snop  }
0x3b: {  	_ = 	snop  }
0x3c: {  	p2 =	seq.s32 s10, $0x1;
	s10 =	sld [smem:$0x3FAE]  }
0x3d: {  	_ =	shalt  }
0x3e: {  	_ =	shalt  }
0x3f: {  	_ =	shalt  }
0x40: {  	_ =	shalt  }
0x41: {  	_ =	shalt  }
0x42: {  	_ =	shalt  }
0x43: {  	_ =	shalt  }
0x44: {  	_ =	shalt  }
0x45: {  	_ =	shalt  }
0x46: {  	_ =	shalt  }
0x47: {  	_ =	shalt  }
0x48: {  	_ =	shalt  }
0x49: {  	_ =	shalt  }
0x4a: {  	_ =	shalt  }
0x4b: {  	_ =	shalt  }
0x4c: {  	_ =	shalt  }
0x4d: {  	_ =	shalt  }
0x4e: {  	_ =	shalt  }
0x4f: {  	_ =	shalt  }
0x50: {  	_ =	shalt  }
0x51: {  	_ =	shalt  }
0x52: {  	_ =	shalt  }
0x53: {  	_ =	shalt  }
0x54: {  	_ =	shalt  }
0x55: {  	_ =	shalt  }
0x56: {  	_ =	shalt  }
0x57: {  	_ =	shalt  }
0x58: {  	_ =	shalt  }
0x59: {  	_ =	shalt  }
0x5a: {  	_ =	shalt  }
0x5b: {  	_ =	shalt  }
0x5c: {  	_ =	shalt  }
0x5d: {  	_ =	shalt  }
0x5e: {  	_ =	shalt  }
0x5f: {  	_ =	shalt  }
0x60: {  	_ =	shalt  }
0x61: {  	_ =	shalt  }
0x62: {  	_ =	shalt  }
0x63: {  	_ =	shalt  }
0x64: {  	_ =	shalt  }
0x65: {  	_ =	shalt  }
0x66: {  	_ =	shalt  }
0x67: {  	_ =	shalt  }
0x68: {  	_ =	shalt  }
0x69: {  	_ =	shalt  }
0x6a: {  	_ =	shalt  }
0x6b: {  	_ =	shalt  }
0x6c: {  	_ =	shalt  }
0x6d: {  	_ =	shalt  }
0x6e: {  	_ =	shalt  }
0x6f: {  	_ =	shalt  }
0x70: {  	_ =	shalt  }
0x71: {  	_ =	shalt  }
0x72: {  	_ =	shalt  }
0x73: {  	_ =	shalt  }
0x74: {  	_ =	shalt  }
0x75: {  	_ =	shalt  }
0x76: {  	_ =	shalt  }
0x77: {  	_ =	shalt  }
0x78: {  	_ =	shalt  }
0x79: {  	_ =	shalt  }
0x7a: {  	_ =	shalt  }
0x7b: {  	_ =	shalt  }
0x7c: {  	_ =	shalt  }
0x7d: {  	_ =	shalt  }
0x7e: {  	_ =	shalt  }
0x7f: {  	_ =	shalt  }
0x80: {  	_ =	shalt  }
0x81: {  	_ =	shalt  }
0x82: {  	_ =	shalt  }
0x83: {  	_ =	shalt  }
0x84: {  	_ =	shalt  }
0x85: {  	_ =	shalt  }
0x86: {  	_ =	shalt  }
0x87: {  	_ =	shalt  }
.Lfunc_end0:
.L_simem_size_0:
called_computation.2_lowered:
.L_overlay_start_0:
0x88: {  	s2 =	sld [smem:$0x3FD9]  }
0x89: {  	s3 =	sld [smem:$0x3FFE];
	_ =	sdelay $0x1  }
0x8a: {  	s1 =	srdreg.scid  }
0x8b: {  	s0 =	sand.u32 $0x1, s1  }
0x8c: {  	s16 =	sshll.u32 s0, $0xA;
	s2 =	sadd.s32 s3, s2  }
0x8d: {  	s2 =	sadd.s32 s2, s16  }
0x8e: {  	[smem:$0x3FBA] =	sst s2  }
0x8f: {  	_ = 	snop  }
0x90: {  	(tm) =	ssettm $0x1  }
0x91: {  	s17 =	sld [smem:$0x3FFB];
	_ =	sdelay $0x3  }
0x92: {  	_ =	strace s17  }
0x93: {  	s2 =	sld [smem:$0x3FFC];
	_ =	sdelay $0x3  }
0x94: {  	_ =	strace s2  }
0x95: {  	s2 =	sld [smem:$0x3FFD];
	_ =	sdelay $0x3  }
0x96: {  	_ =	strace s2  }
0x97: {  	_ =	strace $0x8FFFFFFF  }
0x98: {  	s18 =	sld [smem:$0x3FDB];
	_ =	sdelay $0x1  }
0x99: {  	s19 =	simm.s32 $_scs_section_size  }
0x9a: {  	s4 =	simm.s32 $_size__tile_overlayer_lowered;
	s5 =	simm.s32 $_tile_overlayer_lowered  }
0x9b: {  	s22 =	simm.s32 $0x1BFF;
	s21 =	sshll.u32 s5, $0x1;
	s2 =	sadd.s32 s19, s18  }
0x9c: {  	s6 =	simm.s32 $0x0;
	s20 =	sshll.u32 s4, $0x1;
	s4 =	sadd.s32 s21, s2  }
0x9d: {  	[timem:s6], [sflag:s22] =	dma.local [hbm:s4], s20  }
0x9e: {  	_ =	swait.ge [sflag:s22], s20  }
0x9f: {  	s3 =	ssub.s32 $0x0, s20;
	[sflag:s22] =	ssyncset.done $0x0  }
0xa0: {  	[sflag:s22] =	ssyncadd.s32 s3;
	_ =	sdelay $0x1  }
0xa1: {  	s23 =	simm.s32 $0x1B8B  }
0xa2: {  	_ =	swait.ge [sflag:s23], $0x1  }
0xa3: {  	[sflag:s23] =	ssyncset.done $0x0  }
0xa4: {  	s25 =	simm.s32 $0x1B8E;
	s24 =	sld [smem:$0x3FFE];
	[sflag:s23] =	ssyncadd.s32 $0xFFFFFFFF  }
0xa5: {  	s26 =	simm.s32 $execute0_lowered;
	[smem:$0x3FD2] =	sst s25  }
0xa6: {  	s4 =	sshll.u32 s26, $0x1;
	_ =	strace $0x8000004C;
	[dreg:$0x1] =	wrdreg $0xFFFFFFFF  }
0xa7: {  	s28 =	simm.s32 $_size_execute0_lowered;
	s2 =	sadd.s32 s2, s4;
	[dreg:$0x0] =	wrdreg $0x0  }
0xa8: {  	s4 =	sshll.u32 s28, $0x1;
	[dreg:$0x2] =	wrdreg s2  }
0xa9: {  	[dreg:$0x3] =	wrdreg s4  }
0xaa: {  	[dreg:$0x4] =	wrdreg $0xC0  }
0xab: {  	_ =	task [dreg:s6], $0x5FFFF  }
0xac: {  	[dreg:$0x1] =	wrdreg $0xFFFFFFFF  }
0xad: {  	[dreg:$0x0] =	wrdreg $0x60  }
0xae: {  	[dreg:$0x2] =	wrdreg s24  }
0xaf: {  	[dreg:$0x3] =	wrdreg $0xA8000  }
0xb0: {  	[dreg:$0x4] =	wrdreg $0x9  }
0xb1: {  	_ =	task.clear_ibuf [dreg:s6], $0x5FFFF;
	_ =	strace $0x9000004C  }
0xb2: {  	s29 =	simm.s32 $0x9;
	_ =	strace $0x8000004E  }
0xb3: {  	_ =	swait.ge [sflag:s29], $0x1  }
0xb4: {  	[sflag:s29] =	ssyncadd.s32 $0xFFFFFFFF  }
0xb5: {  	_ =	strace $0x9000004E  }
0xb6: {  	_ =	sfence  }
0xb7: {  	s30 =	sld [smem:$0x0];
	_ =	sdelay $0x2  }
0xb8: {  	s31 =	sshll.u32 s1, $0xD;
	s1 =	sshrl.u32 s1, $0x2  }
0xb9: {  	s3 =	sand.u32 $0x4000, s31;
	s1 =	sadd.s32 s1, s30  }
0xba: {  	s0 =	sor.u32 s3, s0;
	s1 =	sshll.u32 s1, $0x11  }
0xbb: {  	s0 =	sor.u32 s1, s0  }
0xbc: {  	s0 =	sadd.s32 $0x8F2B, s0  }
0xbd: {  	[sflag:s0] =	ssyncadd.remote.s32 $0x1  }
0xbe: {  	_ =	sfence.sel $0xFFFF  }
0xbf: {  	[dreg:$0x0] =	wrdreg $0xFFFFFFFF;
	(pc) =	sbr.abs _section_cstart, $3  }
0xc0: {  	[dreg:$0x1] =	wrdreg $0xFFFFFFFF  }
0xc1: {  	_ =	task.clear_ibuf [dreg:s6], $0x2FFFF;
	_ =	strace $0x9FFFFFFF  }
0xc2: {  	(tm) =	ssettm $0x7FFFFFFF  }
0xc3: {  	_ =	shalt  }
tec
execute0_lowered:
.L_overlay_start_1:
0x0: {  	(tag) =	ssettag $0x1  }
0x1: {  	s0 =	rddreg [dreg:$0x0];
	s1 =	srdreg.scid  }
0x2: {  	s2 =	rddreg [dreg:$0x1];
	s10 =	stileid.u32;
	s3 =	simm.s32 $0x0  }
0x3: {  	s28 =	simm.s32 $0x1400;
	s29 =	simm.s32 $0x40;
	s6 =	smul.u32 $0x13C00, s10  }
0x4: {  	s30 =	simm.s32 $0x80;
	s1 =	sand.u32 $0x1, s1;
	s26 =	smul.u32 $0x5000, s10  }
0x5: {  	s31 =	simm.s32 $0x4800;
	[smem:$0x7FF] =	sst s3;
	s5 =	smul.u32 $0x140000, s1  }
0x6: {  	s4 =	sadd.s32 $0x62400, s0;
	s25 =	ssub.s32 $0x2, s1;
	s1 =	smul.u32 $0x50000, s1  }
0x7: {  	s24 =	sadd.s32 $0x2B400, s0;
	s7 =	smul.u32 $0x4F000, s10;
	s8 =	sadd.s32 $0x58400, s0  }
0x8: {  	_ =	strace $0x8000004D;
	s5 =	sadd.s32 s6, s5;
	s17 =	sadd.s32 s26, s1  }
0x9: {  	s7 =	sshrl.u32 s7, $0x2;
	s5 =	sshrl.u32 s5, $0x3;
	s10 =	sshrl.u32 s17, $0x3  }
0xa: {  	s0 =	sadd.s32 s5, s0;
	s5 =	sadd.s32 s7, s2;
	s10 =	sadd.s32 s24, s10  }
0xb: {  	s9 =	sshrl.u32 s25, $0x1;
	s12 =	sadd.s32 $0x2000, s5;
	[dreg:$0xb] =	wrdreg s10  }
0xc: {  	s20 =	sshrl.u32 s26, $0x3;
	s13 =	sadd.s32 $0x4000, s5;
	[dreg:$0x3] =	wrdreg s12  }
0xd: {  	s21 =	sadd.s32 $0x1400, s26;
	s14 =	sadd.s32 $0x6000, s5;
	[dreg:$0x4] =	wrdreg s13  }
0xe: {  	s9 =	ssub.s32 s25, s9;
	s15 =	sadd.s32 $0x8000, s5;
	[dreg:$0x5] =	wrdreg s14  }
0xf: {  	s6 =	simm.s32 $0x6800;
	s16 =	sadd.s32 $0xA000, s5;
	[dreg:$0x6] =	wrdreg s15  }
0x10: {  	s7 =	sadd.s32 $0x3C00, s26;
	s11 =	sadd.s32 $0xC000, s5;
	[dreg:$0x7] =	wrdreg s16  }
0x11: {  	s18 =	sadd.s32 $0xE000, s5;
	s19 =	sadd.s32 $0x10000, s5;
	[dreg:$0x8] =	wrdreg s11  }
0x12: {  	s23 =	sadd.s32 $0x12000, s5;
	s10 =	simm.s32 $0x1500;
	[dreg:$0x9] =	wrdreg s18  }
0x13: {  	[dreg:$0xa] =	wrdreg s19;
	s12 =	sadd.s32 $0x2800, s26;
	s13 =	sadd.s32 s1, s21  }
0x14: {  	[dreg:$0xf] =	wrdreg s23;
	s19 =	sadd.s32 s8, s20;
	s26 =	sshrl.u32 s7, $0x3  }
0x15: {  	s23 =	sadd.s32 $0xB2400, s0;
	s0 =	simm.s32 $0x1;
	s11 =	simm.s32 $0x2  }
0x16: {  	s14 =	sadd.s32 s1, s12;
	s1 =	sadd.s32 s1, s7;
	s13 =	sshrl.u32 s13, $0x3  }
0x17: {  	s25 =	sshrl.u32 s12, $0x3;
	s7 =	simm.s32 $0x1480;
	s12 =	simm.s32 $0x200  }
0x18: {  	s14 =	sshrl.u32 s14, $0x3;
	s1 =	sshrl.u32 s1, $0x3;
	s13 =	sadd.s32 s24, s13  }
0x19: {  	[dreg:$0xc] =	wrdreg s13;
	s22 =	sadd.s32 s24, s14;
	s1 =	sadd.s32 s24, s1  }
.Ltmp0:
0x1a: {  	s24 =	sshrl.u32 s21, $0x3;
	s21 =	sadd.s32 s8, s25;
	(pc) =	sbr.rel .LBB2_1-.Ltmp0, $4  }
0x1b: {  	s25 =	simm.s32 $0x2800;
	s13 =	simm.s32 $0x1580;
	[dreg:$0xd] =	wrdreg s22  }
0x1c: {  	s14 =	simm.s32 $0x280;
	[dreg:$0xe] =	wrdreg s1;
	s20 =	sadd.s32 s8, s24  }
0x1d: {  	s22 =	sadd.s32 s8, s26;
	s24 =	smax.u32 s9, $0x1;
	s26 =	simm.s32 $0x3  }
0x1e: {  	v0 =	vimm.f32 $0.0e+00;
	s1 =	simm.s32 $0x100;
	s8 =	simm.s32 $0x180;
	s9 =	simm.s32 $0x8800  }
.LBB2_15:
0x1f: {  	_ =	swait.ge [sflag:s0], $0x2000  }
0x20: {  	[sflag:s0] =	ssyncset.done $0x0  }
0x21: {  	[sflag:s0] =	ssyncadd.s32 $0xFFFFE000  }
0x22: {  	[spmem:s2] =	stream.indirect.scatter.add.f32 [tilespmem:s9], [sflag:$0x2], $0x80, s17, s29, $0xb8;
	[tilespmem:$0x1E400] =	vst v63  }
0x23: {  	_ =	swait.ge [sflag:s11], $0x2000  }
0x24: {  	[sflag:s11] =	ssyncset.done $0x0  }
0x25: {  	[sflag:s11] =	ssyncadd.s32 $0xFFFFE000  }
0x26: {  	_ =	swait.ge [sflag:s11], $0x2000  }
0x27: {  	[sflag:s11] =	ssyncset.done $0x0  }
0x28: {  	[sflag:s11] =	ssyncadd.s32 $0xFFFFE000  }
0x29: {  	s15 =	stileid.u32;
	_ =	swait.ge [sflag:s11], $0x2000  }
0x2a: {  	s16 =	sshrl.u32 s5, $0x3;
	s3 =	sadd.s32 $0x1, s3;
	[sflag:s11] =	ssyncset.done $0x0  }
0x2b: {  	s15 =	sshll.u32 s15, $0x6;
	p0 =	sne.s32 s3, s24;
	[sflag:s11] =	ssyncadd.s32 $0xFFFFE000  }
.Ltmp1:
0x2c: {  	s15 =	sor.u32 $0x1C03, s15;
	[bflag:$0x0] =	sbarrier.arrive $0xFFFF;
	(pc) =	sbr.rel @!p0 .LBB2_16-.Ltmp1, $4  }
0x2d: {  	[hbm:s23], [sflag:s15] =	dma.local [spmem:s16], $0x2780  }
0x2e: {  	_ =	swait.ge [sflag:s26], $0x2780  }
0x2f: {  	[sflag:s26] =	ssyncset.done $0x0  }
0x30: {  	[sflag:s26] =	ssyncadd.s32 $0xFFFFD880  }
.LBB2_1:
0x31: {  	s15 =	simm.s32 $0x0;
	s16 =	simm.s32 $0x200  }
.LBB2_2:
0x32: {  	p0 =	sne.s32 s16, $0x7E00;
	[tilespmem:s15+$0x2870] =	vst v0  }
0x33: {  	[tilespmem:s15+$0x2800] =	vst v0  }
0x34: {  	[tilespmem:s15+$0x2810] =	vst v0  }
.Ltmp2:
0x35: {  	[tilespmem:s15+$0x2820] =	vst v0;
	(pc) =	sbr.rel @p0 .LBB2_2-.Ltmp2, $4  }
0x36: {  	[tilespmem:s15+$0x2830] =	vst v0  }
0x37: {  	[tilespmem:s15+$0x2840] =	vst v0  }
0x38: {  	[tilespmem:s15+$0x2850] =	vst v0  }
0x39: {  	[tilespmem:s15+$0x2860] =	vst v0;
	s15 =	sshra.s32 s16, $0x2;
	s16 =	sadd.s32 $0x200, s16  }
0x3a: {  	[tilespmem:s15+$0x2870] =	vst v0  }
0x3b: {  	[tilespmem:s15+$0x2800] =	vst v0  }
0x3c: {  	[tilespmem:s15+$0x2810] =	vst v0  }
0x3d: {  	[tilespmem:s15+$0x2820] =	vst v0  }
0x3e: {  	[tilespmem:s15+$0x2830] =	vst v0  }
0x3f: {  	[tilespmem:s15+$0x2840] =	vst v0  }
0x40: {  	[tilespmem:s15+$0x2850] =	vst v0  }
0x41: {  	[tilespmem:s15+$0x2860] =	vst v0  }
0x42: {  	[spmem:s5] =	stream.linear.scatter [tilespmem:s25], [sflag:$0x3], $0x2000, $0x38;
	[tilespmem:$0x1E400] =	vst v63  }
0x43: {  	_ =	swait.ge [sflag:s26], $0x2000  }
0x44: {  	[sflag:s26] =	ssyncset.done $0x0  }
0x45: {  	s16 =	rddreg [dreg:$0x3];
	[sflag:s26] =	ssyncadd.s32 $0xFFFFE000  }
0x46: {  	[spmem:s16] =	stream.linear.scatter [tilespmem:s25], [sflag:$0x3], $0x2000, $0x38;
	[tilespmem:$0x1E400] =	vst v63  }
0x47: {  	_ =	swait.ge [sflag:s26], $0x2000  }
0x48: {  	[sflag:s26] =	ssyncset.done $0x0  }
0x49: {  	s17 =	rddreg [dreg:$0x4];
	[sflag:s26] =	ssyncadd.s32 $0xFFFFE000  }
0x4a: {  	[spmem:s17] =	stream.linear.scatter [tilespmem:s25], [sflag:$0x3], $0x2000, $0x38;
	[tilespmem:$0x1E400] =	vst v63  }
0x4b: {  	_ =	swait.ge [sflag:s26], $0x2000  }
0x4c: {  	[sflag:s26] =	ssyncset.done $0x0  }
0x4d: {  	s18 =	rddreg [dreg:$0x5];
	[sflag:s26] =	ssyncadd.s32 $0xFFFFE000  }
0x4e: {  	[spmem:s18] =	stream.linear.scatter [tilespmem:s25], [sflag:$0x3], $0x2000, $0x38;
	[tilespmem:$0x1E400] =	vst v63  }
0x4f: {  	_ =	swait.ge [sflag:s26], $0x2000  }
0x50: {  	[sflag:s26] =	ssyncset.done $0x0  }
0x51: {  	s16 =	rddreg [dreg:$0x6];
	[sflag:s26] =	ssyncadd.s32 $0xFFFFE000  }
0x52: {  	[spmem:s16] =	stream.linear.scatter [tilespmem:s25], [sflag:$0x3], $0x2000, $0x38;
	[tilespmem:$0x1E400] =	vst v63  }
0x53: {  	_ =	swait.ge [sflag:s26], $0x2000  }
0x54: {  	[sflag:s26] =	ssyncset.done $0x0  }
0x55: {  	s17 =	rddreg [dreg:$0x7];
	[sflag:s26] =	ssyncadd.s32 $0xFFFFE000  }
0x56: {  	[spmem:s17] =	stream.linear.scatter [tilespmem:s25], [sflag:$0x3], $0x2000, $0x38;
	[tilespmem:$0x1E400] =	vst v63  }
0x57: {  	_ =	swait.ge [sflag:s26], $0x2000  }
0x58: {  	[sflag:s26] =	ssyncset.done $0x0  }
0x59: {  	s18 =	rddreg [dreg:$0x8];
	[sflag:s26] =	ssyncadd.s32 $0xFFFFE000  }
0x5a: {  	[spmem:s18] =	stream.linear.scatter [tilespmem:s25], [sflag:$0x3], $0x2000, $0x38;
	[tilespmem:$0x1E400] =	vst v63  }
0x5b: {  	_ =	swait.ge [sflag:s26], $0x2000  }
0x5c: {  	[sflag:s26] =	ssyncset.done $0x0  }
0x5d: {  	s16 =	rddreg [dreg:$0x9];
	[sflag:s26] =	ssyncadd.s32 $0xFFFFE000  }
0x5e: {  	[spmem:s16] =	stream.linear.scatter [tilespmem:s25], [sflag:$0x3], $0x2000, $0x38;
	[tilespmem:$0x1E400] =	vst v63  }
0x5f: {  	_ =	swait.ge [sflag:s26], $0x2000  }
0x60: {  	[sflag:s26] =	ssyncset.done $0x0  }
0x61: {  	s17 =	rddreg [dreg:$0xa];
	[sflag:s26] =	ssyncadd.s32 $0xFFFFE000  }
0x62: {  	[spmem:s17] =	stream.linear.scatter [tilespmem:s25], [sflag:$0x3], $0x2000, $0x38;
	[tilespmem:$0x1E400] =	vst v63  }
0x63: {  	_ =	swait.ge [sflag:s26], $0x2000  }
0x64: {  	[sflag:s26] =	ssyncset.done $0x0  }
0x65: {  	s18 =	rddreg [dreg:$0xf];
	[sflag:s26] =	ssyncadd.s32 $0xFFFFE000  }
0x66: {  	[spmem:s18] =	stream.linear.scatter [tilespmem:s25], [sflag:$0x3], $0x1C00, $0x38;
	[tilespmem:$0x1E400] =	vst v63  }
0x67: {  	_ =	swait.ge [sflag:s26], $0x1C00  }
0x68: {  	[sflag:s26] =	ssyncset.done $0x0  }
0x69: {  	[sflag:s26] =	ssyncadd.s32 $0xFFFFE400  }
0x6a: {  	[bflag:$0x0] =	sbarrier.arrive $0xFFFF  }
0x6b: {  	s15 =	simm.s32 $0x0;
	s16 =	rddreg [dreg:$0xb]  }
0x6c: {  	[tilespmem:s15], [sflag:$0x3] =	stream.linear.gather [hbm4b:s16+s15], $0x1400, $0x38;
	[tilespmem:$0x1E400] =	vst v63  }
0x6d: {  	_ =	swait.ge [sflag:s26], $0x1400  }
0x6e: {  	[sflag:s26] =	ssyncset.done $0x0  }
0x6f: {  	[sflag:s26] =	ssyncadd.s32 $0xFFFFEC00  }
0x70: {  	[tilespmem:s28], [sflag:$0x3] =	stream.linear.gather [hbm4b:s19+s15], $0x1400, $0x38;
	[tilespmem:$0x1E400] =	vst v63  }
0x71: {  	_ =	swait.ge [sflag:s26], $0x1400  }
0x72: {  	[sflag:s26] =	ssyncset.done $0x0  }
0x73: {  	[sflag:s26] =	ssyncadd.s32 $0xFFFFEC00  }
0x74: {  	[tilespmem:s25], [sflag:$0x1] =	stream.indirect.gather [hbm4b:s4+s29], $0x80, s15, s29, $0xb8;
	[tilespmem:$0x1E400] =	vst v63  }
0x75: {  	_ = 	snop  }
0x76: {  	[tilespmem:s31], [sflag:$0x1] =	stream.indirect.gather [hbm4b:s4+s29], $0x80, s30, s29, $0xb8;
	[tilespmem:$0x1E400] =	vst v63  }
0x77: {  	_ =	swait.ge [sflag:s0], $0x2000  }
0x78: {  	[sflag:s0] =	ssyncset.done $0x0  }
0x79: {  	[sflag:s0] =	ssyncadd.s32 $0xFFFFE000  }
0x7a: {  	[spmem:s2] =	stream.indirect.scatter.add.f32 [tilespmem:s25], [sflag:$0x2], $0x80, s28, s29, $0xb8;
	[tilespmem:$0x1E400] =	vst v63  }
0x7b: {  	_ = 	snop  }
0x7c: {  	[tilespmem:s6], [sflag:$0x1] =	stream.indirect.gather [hbm4b:s4+s29], $0x80, s1, s29, $0xb8;
	[tilespmem:$0x1E400] =	vst v63  }
0x7d: {  	_ =	swait.ge [sflag:s0], $0x2000  }
0x7e: {  	[sflag:s0] =	ssyncset.done $0x0  }
0x7f: {  	[sflag:s0] =	ssyncadd.s32 $0xFFFFE000  }
0x80: {  	[spmem:s2] =	stream.indirect.scatter.add.f32 [tilespmem:s31], [sflag:$0x2], $0x80, s7, s29, $0xb8;
	[tilespmem:$0x1E400] =	vst v63  }
0x81: {  	_ = 	snop  }
0x82: {  	[tilespmem:s9], [sflag:$0x1] =	stream.indirect.gather [hbm4b:s4+s29], $0x80, s8, s29, $0xb8;
	[tilespmem:$0x1E400] =	vst v63  }
0x83: {  	_ =	swait.ge [sflag:s0], $0x2000  }
0x84: {  	[sflag:s0] =	ssyncset.done $0x0  }
0x85: {  	[sflag:s0] =	ssyncadd.s32 $0xFFFFE000  }
0x86: {  	[spmem:s2] =	stream.indirect.scatter.add.f32 [tilespmem:s6], [sflag:$0x2], $0x80, s10, s29, $0xb8;
	[tilespmem:$0x1E400] =	vst v63  }
0x87: {  	_ =	swait.ge [sflag:s11], $0x2000  }
0x88: {  	[sflag:s11] =	ssyncset.done $0x0  }
0x89: {  	[sflag:s11] =	ssyncadd.s32 $0xFFFFE000  }
0x8a: {  	[tilespmem:s25], [sflag:$0x1] =	stream.indirect.gather [hbm4b:s4+s29], $0x80, s12, s29, $0xb8;
	[tilespmem:$0x1E400] =	vst v63  }
0x8b: {  	_ =	swait.ge [sflag:s0], $0x2000  }
0x8c: {  	[sflag:s0] =	ssyncset.done $0x0  }
0x8d: {  	[sflag:s0] =	ssyncadd.s32 $0xFFFFE000  }
0x8e: {  	[spmem:s2] =	stream.indirect.scatter.add.f32 [tilespmem:s9], [sflag:$0x2], $0x80, s13, s29, $0xb8;
	[tilespmem:$0x1E400] =	vst v63  }
0x8f: {  	_ =	swait.ge [sflag:s11], $0x2000  }
0x90: {  	[sflag:s11] =	ssyncset.done $0x0  }
0x91: {  	[sflag:s11] =	ssyncadd.s32 $0xFFFFE000  }
0x92: {  	[tilespmem:s31], [sflag:$0x1] =	stream.indirect.gather [hbm4b:s4+s29], $0x80, s14, s29, $0xb8;
	[tilespmem:$0x1E400] =	vst v63  }
.LBB2_4:
0x93: {  	_ =	swait.ge [sflag:s0], $0x2000  }
0x94: {  	s16 =	sshra.s32 s15, $0x2;
	[sflag:s0] =	ssyncset.done $0x0  }
0x95: {  	s17 =	sadd.s32 $0x1600, s16;
	[sflag:s0] =	ssyncadd.s32 $0xFFFFE000  }
0x96: {  	[spmem:s2] =	stream.indirect.scatter.add.f32 [tilespmem:s25], [sflag:$0x2], $0x80, s17, s29, $0xb8;
	[tilespmem:$0x1E400] =	vst v63  }
0x97: {  	_ =	swait.ge [sflag:s11], $0x2000  }
0x98: {  	[sflag:s11] =	ssyncset.done $0x0  }
0x99: {  	s18 =	sadd.s32 $0x300, s16;
	[sflag:s11] =	ssyncadd.s32 $0xFFFFE000  }
0x9a: {  	[tilespmem:s6], [sflag:$0x1] =	stream.indirect.gather [hbm4b:s4+s29], $0x80, s18, s29, $0xb8;
	[tilespmem:$0x1E400] =	vst v63  }
0x9b: {  	_ =	swait.ge [sflag:s0], $0x2000  }
0x9c: {  	[sflag:s0] =	ssyncset.done $0x0  }
0x9d: {  	s18 =	sadd.s32 $0x1680, s16;
	[sflag:s0] =	ssyncadd.s32 $0xFFFFE000  }
0x9e: {  	[spmem:s2] =	stream.indirect.scatter.add.f32 [tilespmem:s31], [sflag:$0x2], $0x80, s18, s29, $0xb8;
	[tilespmem:$0x1E400] =	vst v63  }
0x9f: {  	_ =	swait.ge [sflag:s11], $0x2000  }
0xa0: {  	[sflag:s11] =	ssyncset.done $0x0  }
0xa1: {  	s18 =	sadd.s32 $0x380, s16;
	[sflag:s11] =	ssyncadd.s32 $0xFFFFE000  }
0xa2: {  	[tilespmem:s9], [sflag:$0x1] =	stream.indirect.gather [hbm4b:s4+s29], $0x80, s18, s29, $0xb8;
	[tilespmem:$0x1E400] =	vst v63  }
0xa3: {  	_ =	swait.ge [sflag:s0], $0x2000  }
0xa4: {  	p0 =	seq.s32 s15, $0x4000;
	[sflag:s0] =	ssyncset.done $0x0  }
.Ltmp3:
0xa5: {  	s18 =	sadd.s32 $0x1700, s16;
	[sflag:s0] =	ssyncadd.s32 $0xFFFFE000;
	(pc) =	sbr.rel @p0 .LBB2_6-.Ltmp3, $4  }
0xa6: {  	[spmem:s2] =	stream.indirect.scatter.add.f32 [tilespmem:s6], [sflag:$0x2], $0x80, s18, s29, $0xb8;
	[tilespmem:$0x1E400] =	vst v63  }
0xa7: {  	_ =	swait.ge [sflag:s11], $0x2000  }
0xa8: {  	[sflag:s11] =	ssyncset.done $0x0  }
0xa9: {  	s17 =	sadd.s32 $0x1780, s16;
	[sflag:s11] =	ssyncadd.s32 $0xFFFFE000  }
0xaa: {  	s18 =	sadd.s32 $0x400, s16  }
0xab: {  	[tilespmem:s25], [sflag:$0x1] =	stream.indirect.gather [hbm4b:s4+s29], $0x80, s18, s29, $0xb8;
	[tilespmem:$0x1E400] =	vst v63  }
0xac: {  	_ =	swait.ge [sflag:s0], $0x2000  }
0xad: {  	[sflag:s0] =	ssyncset.done $0x0  }
0xae: {  	[sflag:s0] =	ssyncadd.s32 $0xFFFFE000  }
0xaf: {  	[spmem:s2] =	stream.indirect.scatter.add.f32 [tilespmem:s9], [sflag:$0x2], $0x80, s17, s29, $0xb8;
	[tilespmem:$0x1E400] =	vst v63  }
.Ltmp4:
0xb0: {  	_ = 	snop;
	(pc) =	sbr.rel .LBB2_4-.Ltmp4, $4  }
0xb1: {  	_ =	swait.ge [sflag:s11], $0x2000  }
0xb2: {  	[sflag:s11] =	ssyncset.done $0x0  }
0xb3: {  	s15 =	sadd.s32 $0x800, s15;
	s18 =	sadd.s32 $0x480, s16;
	[sflag:s11] =	ssyncadd.s32 $0xFFFFE000  }
0xb4: {  	[tilespmem:s31], [sflag:$0x1] =	stream.indirect.gather [hbm4b:s4+s29], $0x80, s18, s29, $0xb8;
	[tilespmem:$0x1E400] =	vst v63  }
.LBB2_6:
0xb5: {  	_ =	swait.ge [sflag:s0], $0x2000  }
0xb6: {  	[sflag:s0] =	ssyncset.done $0x0  }
0xb7: {  	[sflag:s0] =	ssyncadd.s32 $0xFFFFE000  }
0xb8: {  	[spmem:s2] =	stream.indirect.scatter.add.f32 [tilespmem:s9], [sflag:$0x2], $0x80, s17, s29, $0xb8;
	[tilespmem:$0x1E400] =	vst v63  }
0xb9: {  	_ =	swait.ge [sflag:s11], $0x2000  }
0xba: {  	[sflag:s11] =	ssyncset.done $0x0  }
0xbb: {  	[sflag:s11] =	ssyncadd.s32 $0xFFFFE000  }
0xbc: {  	_ =	swait.ge [sflag:s11], $0x2000  }
0xbd: {  	[sflag:s11] =	ssyncset.done $0x0  }
0xbe: {  	[sflag:s11] =	ssyncadd.s32 $0xFFFFE000  }
0xbf: {  	_ =	swait.ge [sflag:s11], $0x2000  }
0xc0: {  	[sflag:s11] =	ssyncset.done $0x0  }
0xc1: {  	s15 =	simm.s32 $0x0;
	s16 =	rddreg [dreg:$0xc];
	[sflag:s11] =	ssyncadd.s32 $0xFFFFE000  }
0xc2: {  	[tilespmem:s15], [sflag:$0x3] =	stream.linear.gather [hbm4b:s16+s15], $0x1400, $0x38;
	[tilespmem:$0x1E400] =	vst v63  }
0xc3: {  	_ =	swait.ge [sflag:s26], $0x1400  }
0xc4: {  	[sflag:s26] =	ssyncset.done $0x0  }
0xc5: {  	[sflag:s26] =	ssyncadd.s32 $0xFFFFEC00  }
0xc6: {  	[tilespmem:s28], [sflag:$0x3] =	stream.linear.gather [hbm4b:s20+s15], $0x1400, $0x38;
	[tilespmem:$0x1E400] =	vst v63  }
0xc7: {  	_ =	swait.ge [sflag:s26], $0x1400  }
0xc8: {  	[sflag:s26] =	ssyncset.done $0x0  }
0xc9: {  	[sflag:s26] =	ssyncadd.s32 $0xFFFFEC00  }
0xca: {  	[tilespmem:s25], [sflag:$0x1] =	stream.indirect.gather [hbm4b:s4+s29], $0x80, s15, s29, $0xb8;
	[tilespmem:$0x1E400] =	vst v63  }
0xcb: {  	_ = 	snop  }
0xcc: {  	[tilespmem:s31], [sflag:$0x1] =	stream.indirect.gather [hbm4b:s4+s29], $0x80, s30, s29, $0xb8;
	[tilespmem:$0x1E400] =	vst v63  }
0xcd: {  	_ =	swait.ge [sflag:s0], $0x2000  }
0xce: {  	[sflag:s0] =	ssyncset.done $0x0  }
0xcf: {  	[sflag:s0] =	ssyncadd.s32 $0xFFFFE000  }
0xd0: {  	[spmem:s2] =	stream.indirect.scatter.add.f32 [tilespmem:s25], [sflag:$0x2], $0x80, s28, s29, $0xb8;
	[tilespmem:$0x1E400] =	vst v63  }
0xd1: {  	_ = 	snop  }
0xd2: {  	[tilespmem:s6], [sflag:$0x1] =	stream.indirect.gather [hbm4b:s4+s29], $0x80, s1, s29, $0xb8;
	[tilespmem:$0x1E400] =	vst v63  }
0xd3: {  	_ =	swait.ge [sflag:s0], $0x2000  }
0xd4: {  	[sflag:s0] =	ssyncset.done $0x0  }
0xd5: {  	[sflag:s0] =	ssyncadd.s32 $0xFFFFE000  }
0xd6: {  	[spmem:s2] =	stream.indirect.scatter.add.f32 [tilespmem:s31], [sflag:$0x2], $0x80, s7, s29, $0xb8;
	[tilespmem:$0x1E400] =	vst v63  }
0xd7: {  	_ = 	snop  }
0xd8: {  	[tilespmem:s9], [sflag:$0x1] =	stream.indirect.gather [hbm4b:s4+s29], $0x80, s8, s29, $0xb8;
	[tilespmem:$0x1E400] =	vst v63  }
0xd9: {  	_ =	swait.ge [sflag:s0], $0x2000  }
0xda: {  	[sflag:s0] =	ssyncset.done $0x0  }
0xdb: {  	[sflag:s0] =	ssyncadd.s32 $0xFFFFE000  }
0xdc: {  	[spmem:s2] =	stream.indirect.scatter.add.f32 [tilespmem:s6], [sflag:$0x2], $0x80, s10, s29, $0xb8;
	[tilespmem:$0x1E400] =	vst v63  }
0xdd: {  	_ =	swait.ge [sflag:s11], $0x2000  }
0xde: {  	[sflag:s11] =	ssyncset.done $0x0  }
0xdf: {  	[sflag:s11] =	ssyncadd.s32 $0xFFFFE000  }
0xe0: {  	[tilespmem:s25], [sflag:$0x1] =	stream.indirect.gather [hbm4b:s4+s29], $0x80, s12, s29, $0xb8;
	[tilespmem:$0x1E400] =	vst v63  }
0xe1: {  	_ =	swait.ge [sflag:s0], $0x2000  }
0xe2: {  	[sflag:s0] =	ssyncset.done $0x0  }
0xe3: {  	[sflag:s0] =	ssyncadd.s32 $0xFFFFE000  }
0xe4: {  	[spmem:s2] =	stream.indirect.scatter.add.f32 [tilespmem:s9], [sflag:$0x2], $0x80, s13, s29, $0xb8;
	[tilespmem:$0x1E400] =	vst v63  }
0xe5: {  	_ =	swait.ge [sflag:s11], $0x2000  }
0xe6: {  	[sflag:s11] =	ssyncset.done $0x0  }
0xe7: {  	[sflag:s11] =	ssyncadd.s32 $0xFFFFE000  }
0xe8: {  	[tilespmem:s31], [sflag:$0x1] =	stream.indirect.gather [hbm4b:s4+s29], $0x80, s14, s29, $0xb8;
	[tilespmem:$0x1E400] =	vst v63  }
.LBB2_7:
0xe9: {  	_ =	swait.ge [sflag:s0], $0x2000  }
0xea: {  	s16 =	sshra.s32 s15, $0x2;
	[sflag:s0] =	ssyncset.done $0x0  }
0xeb: {  	s17 =	sadd.s32 $0x1600, s16;
	[sflag:s0] =	ssyncadd.s32 $0xFFFFE000  }
0xec: {  	[spmem:s2] =	stream.indirect.scatter.add.f32 [tilespmem:s25], [sflag:$0x2], $0x80, s17, s29, $0xb8;
	[tilespmem:$0x1E400] =	vst v63  }
0xed: {  	_ =	swait.ge [sflag:s11], $0x2000  }
0xee: {  	[sflag:s11] =	ssyncset.done $0x0  }
0xef: {  	s18 =	sadd.s32 $0x300, s16;
	[sflag:s11] =	ssyncadd.s32 $0xFFFFE000  }
0xf0: {  	[tilespmem:s6], [sflag:$0x1] =	stream.indirect.gather [hbm4b:s4+s29], $0x80, s18, s29, $0xb8;
	[tilespmem:$0x1E400] =	vst v63  }
0xf1: {  	_ =	swait.ge [sflag:s0], $0x2000  }
0xf2: {  	[sflag:s0] =	ssyncset.done $0x0  }
0xf3: {  	s18 =	sadd.s32 $0x1680, s16;
	[sflag:s0] =	ssyncadd.s32 $0xFFFFE000  }
0xf4: {  	[spmem:s2] =	stream.indirect.scatter.add.f32 [tilespmem:s31], [sflag:$0x2], $0x80, s18, s29, $0xb8;
	[tilespmem:$0x1E400] =	vst v63  }
0xf5: {  	_ =	swait.ge [sflag:s11], $0x2000  }
0xf6: {  	[sflag:s11] =	ssyncset.done $0x0  }
0xf7: {  	s18 =	sadd.s32 $0x380, s16;
	[sflag:s11] =	ssyncadd.s32 $0xFFFFE000  }
0xf8: {  	[tilespmem:s9], [sflag:$0x1] =	stream.indirect.gather [hbm4b:s4+s29], $0x80, s18, s29, $0xb8;
	[tilespmem:$0x1E400] =	vst v63  }
0xf9: {  	_ =	swait.ge [sflag:s0], $0x2000  }
0xfa: {  	p0 =	seq.s32 s15, $0x4000;
	[sflag:s0] =	ssyncset.done $0x0  }
.Ltmp5:
0xfb: {  	s18 =	sadd.s32 $0x1700, s16;
	[sflag:s0] =	ssyncadd.s32 $0xFFFFE000;
	(pc) =	sbr.rel @p0 .LBB2_9-.Ltmp5, $4  }
0xfc: {  	[spmem:s2] =	stream.indirect.scatter.add.f32 [tilespmem:s6], [sflag:$0x2], $0x80, s18, s29, $0xb8;
	[tilespmem:$0x1E400] =	vst v63  }
0xfd: {  	_ =	swait.ge [sflag:s11], $0x2000  }
0xfe: {  	[sflag:s11] =	ssyncset.done $0x0  }
0xff: {  	s17 =	sadd.s32 $0x1780, s16;
	[sflag:s11] =	ssyncadd.s32 $0xFFFFE000  }
0x100: {  	s18 =	sadd.s32 $0x400, s16  }
0x101: {  	[tilespmem:s25], [sflag:$0x1] =	stream.indirect.gather [hbm4b:s4+s29], $0x80, s18, s29, $0xb8;
	[tilespmem:$0x1E400] =	vst v63  }
0x102: {  	_ =	swait.ge [sflag:s0], $0x2000  }
0x103: {  	[sflag:s0] =	ssyncset.done $0x0  }
0x104: {  	[sflag:s0] =	ssyncadd.s32 $0xFFFFE000  }
0x105: {  	[spmem:s2] =	stream.indirect.scatter.add.f32 [tilespmem:s9], [sflag:$0x2], $0x80, s17, s29, $0xb8;
	[tilespmem:$0x1E400] =	vst v63  }
.Ltmp6:
0x106: {  	_ = 	snop;
	(pc) =	sbr.rel .LBB2_7-.Ltmp6, $4  }
0x107: {  	_ =	swait.ge [sflag:s11], $0x2000  }
0x108: {  	[sflag:s11] =	ssyncset.done $0x0  }
0x109: {  	s15 =	sadd.s32 $0x800, s15;
	s18 =	sadd.s32 $0x480, s16;
	[sflag:s11] =	ssyncadd.s32 $0xFFFFE000  }
0x10a: {  	[tilespmem:s31], [sflag:$0x1] =	stream.indirect.gather [hbm4b:s4+s29], $0x80, s18, s29, $0xb8;
	[tilespmem:$0x1E400] =	vst v63  }
.LBB2_9:
0x10b: {  	_ =	swait.ge [sflag:s0], $0x2000  }
0x10c: {  	[sflag:s0] =	ssyncset.done $0x0  }
0x10d: {  	[sflag:s0] =	ssyncadd.s32 $0xFFFFE000  }
0x10e: {  	[spmem:s2] =	stream.indirect.scatter.add.f32 [tilespmem:s9], [sflag:$0x2], $0x80, s17, s29, $0xb8;
	[tilespmem:$0x1E400] =	vst v63  }
0x10f: {  	_ =	swait.ge [sflag:s11], $0x2000  }
0x110: {  	[sflag:s11] =	ssyncset.done $0x0  }
0x111: {  	[sflag:s11] =	ssyncadd.s32 $0xFFFFE000  }
0x112: {  	_ =	swait.ge [sflag:s11], $0x2000  }
0x113: {  	[sflag:s11] =	ssyncset.done $0x0  }
0x114: {  	[sflag:s11] =	ssyncadd.s32 $0xFFFFE000  }
0x115: {  	_ =	swait.ge [sflag:s11], $0x2000  }
0x116: {  	[sflag:s11] =	ssyncset.done $0x0  }
0x117: {  	s15 =	simm.s32 $0x0;
	s16 =	rddreg [dreg:$0xd];
	[sflag:s11] =	ssyncadd.s32 $0xFFFFE000  }
0x118: {  	[tilespmem:s15], [sflag:$0x3] =	stream.linear.gather [hbm4b:s16+s15], $0x1400, $0x38;
	[tilespmem:$0x1E400] =	vst v63  }
0x119: {  	_ =	swait.ge [sflag:s26], $0x1400  }
0x11a: {  	[sflag:s26] =	ssyncset.done $0x0  }
0x11b: {  	[sflag:s26] =	ssyncadd.s32 $0xFFFFEC00  }
0x11c: {  	[tilespmem:s28], [sflag:$0x3] =	stream.linear.gather [hbm4b:s21+s15], $0x1400, $0x38;
	[tilespmem:$0x1E400] =	vst v63  }
0x11d: {  	_ =	swait.ge [sflag:s26], $0x1400  }
0x11e: {  	[sflag:s26] =	ssyncset.done $0x0  }
0x11f: {  	[sflag:s26] =	ssyncadd.s32 $0xFFFFEC00  }
0x120: {  	[tilespmem:s25], [sflag:$0x1] =	stream.indirect.gather [hbm4b:s4+s29], $0x80, s15, s29, $0xb8;
	[tilespmem:$0x1E400] =	vst v63  }
0x121: {  	_ = 	snop  }
0x122: {  	[tilespmem:s31], [sflag:$0x1] =	stream.indirect.gather [hbm4b:s4+s29], $0x80, s30, s29, $0xb8;
	[tilespmem:$0x1E400] =	vst v63  }
0x123: {  	_ =	swait.ge [sflag:s0], $0x2000  }
0x124: {  	[sflag:s0] =	ssyncset.done $0x0  }
0x125: {  	[sflag:s0] =	ssyncadd.s32 $0xFFFFE000  }
0x126: {  	[spmem:s2] =	stream.indirect.scatter.add.f32 [tilespmem:s25], [sflag:$0x2], $0x80, s28, s29, $0xb8;
	[tilespmem:$0x1E400] =	vst v63  }
0x127: {  	_ = 	snop  }
0x128: {  	[tilespmem:s6], [sflag:$0x1] =	stream.indirect.gather [hbm4b:s4+s29], $0x80, s1, s29, $0xb8;
	[tilespmem:$0x1E400] =	vst v63  }
0x129: {  	_ =	swait.ge [sflag:s0], $0x2000  }
0x12a: {  	[sflag:s0] =	ssyncset.done $0x0  }
0x12b: {  	[sflag:s0] =	ssyncadd.s32 $0xFFFFE000  }
0x12c: {  	[spmem:s2] =	stream.indirect.scatter.add.f32 [tilespmem:s31], [sflag:$0x2], $0x80, s7, s29, $0xb8;
	[tilespmem:$0x1E400] =	vst v63  }
0x12d: {  	_ = 	snop  }
0x12e: {  	[tilespmem:s9], [sflag:$0x1] =	stream.indirect.gather [hbm4b:s4+s29], $0x80, s8, s29, $0xb8;
	[tilespmem:$0x1E400] =	vst v63  }
0x12f: {  	_ =	swait.ge [sflag:s0], $0x2000  }
0x130: {  	[sflag:s0] =	ssyncset.done $0x0  }
0x131: {  	[sflag:s0] =	ssyncadd.s32 $0xFFFFE000  }
0x132: {  	[spmem:s2] =	stream.indirect.scatter.add.f32 [tilespmem:s6], [sflag:$0x2], $0x80, s10, s29, $0xb8;
	[tilespmem:$0x1E400] =	vst v63  }
0x133: {  	_ =	swait.ge [sflag:s11], $0x2000  }
0x134: {  	[sflag:s11] =	ssyncset.done $0x0  }
0x135: {  	[sflag:s11] =	ssyncadd.s32 $0xFFFFE000  }
0x136: {  	[tilespmem:s25], [sflag:$0x1] =	stream.indirect.gather [hbm4b:s4+s29], $0x80, s12, s29, $0xb8;
	[tilespmem:$0x1E400] =	vst v63  }
0x137: {  	_ =	swait.ge [sflag:s0], $0x2000  }
0x138: {  	[sflag:s0] =	ssyncset.done $0x0  }
0x139: {  	[sflag:s0] =	ssyncadd.s32 $0xFFFFE000  }
0x13a: {  	[spmem:s2] =	stream.indirect.scatter.add.f32 [tilespmem:s9], [sflag:$0x2], $0x80, s13, s29, $0xb8;
	[tilespmem:$0x1E400] =	vst v63  }
0x13b: {  	_ =	swait.ge [sflag:s11], $0x2000  }
0x13c: {  	[sflag:s11] =	ssyncset.done $0x0  }
0x13d: {  	[sflag:s11] =	ssyncadd.s32 $0xFFFFE000  }
0x13e: {  	[tilespmem:s31], [sflag:$0x1] =	stream.indirect.gather [hbm4b:s4+s29], $0x80, s14, s29, $0xb8;
	[tilespmem:$0x1E400] =	vst v63  }
.LBB2_10:
0x13f: {  	_ =	swait.ge [sflag:s0], $0x2000  }
0x140: {  	s16 =	sshra.s32 s15, $0x2;
	[sflag:s0] =	ssyncset.done $0x0  }
0x141: {  	s17 =	sadd.s32 $0x1600, s16;
	[sflag:s0] =	ssyncadd.s32 $0xFFFFE000  }
0x142: {  	[spmem:s2] =	stream.indirect.scatter.add.f32 [tilespmem:s25], [sflag:$0x2], $0x80, s17, s29, $0xb8;
	[tilespmem:$0x1E400] =	vst v63  }
0x143: {  	_ =	swait.ge [sflag:s11], $0x2000  }
0x144: {  	[sflag:s11] =	ssyncset.done $0x0  }
0x145: {  	s18 =	sadd.s32 $0x300, s16;
	[sflag:s11] =	ssyncadd.s32 $0xFFFFE000  }
0x146: {  	[tilespmem:s6], [sflag:$0x1] =	stream.indirect.gather [hbm4b:s4+s29], $0x80, s18, s29, $0xb8;
	[tilespmem:$0x1E400] =	vst v63  }
0x147: {  	_ =	swait.ge [sflag:s0], $0x2000  }
0x148: {  	[sflag:s0] =	ssyncset.done $0x0  }
0x149: {  	s18 =	sadd.s32 $0x1680, s16;
	[sflag:s0] =	ssyncadd.s32 $0xFFFFE000  }
0x14a: {  	[spmem:s2] =	stream.indirect.scatter.add.f32 [tilespmem:s31], [sflag:$0x2], $0x80, s18, s29, $0xb8;
	[tilespmem:$0x1E400] =	vst v63  }
0x14b: {  	_ =	swait.ge [sflag:s11], $0x2000  }
0x14c: {  	[sflag:s11] =	ssyncset.done $0x0  }
0x14d: {  	s18 =	sadd.s32 $0x380, s16;
	[sflag:s11] =	ssyncadd.s32 $0xFFFFE000  }
0x14e: {  	[tilespmem:s9], [sflag:$0x1] =	stream.indirect.gather [hbm4b:s4+s29], $0x80, s18, s29, $0xb8;
	[tilespmem:$0x1E400] =	vst v63  }
0x14f: {  	_ =	swait.ge [sflag:s0], $0x2000  }
0x150: {  	p0 =	seq.s32 s15, $0x4000;
	[sflag:s0] =	ssyncset.done $0x0  }
.Ltmp7:
0x151: {  	s18 =	sadd.s32 $0x1700, s16;
	[sflag:s0] =	ssyncadd.s32 $0xFFFFE000;
	(pc) =	sbr.rel @p0 .LBB2_12-.Ltmp7, $4  }
0x152: {  	[spmem:s2] =	stream.indirect.scatter.add.f32 [tilespmem:s6], [sflag:$0x2], $0x80, s18, s29, $0xb8;
	[tilespmem:$0x1E400] =	vst v63  }
0x153: {  	_ =	swait.ge [sflag:s11], $0x2000  }
0x154: {  	[sflag:s11] =	ssyncset.done $0x0  }
0x155: {  	s17 =	sadd.s32 $0x1780, s16;
	[sflag:s11] =	ssyncadd.s32 $0xFFFFE000  }
0x156: {  	s18 =	sadd.s32 $0x400, s16  }
0x157: {  	[tilespmem:s25], [sflag:$0x1] =	stream.indirect.gather [hbm4b:s4+s29], $0x80, s18, s29, $0xb8;
	[tilespmem:$0x1E400] =	vst v63  }
0x158: {  	_ =	swait.ge [sflag:s0], $0x2000  }
0x159: {  	[sflag:s0] =	ssyncset.done $0x0  }
0x15a: {  	[sflag:s0] =	ssyncadd.s32 $0xFFFFE000  }
0x15b: {  	[spmem:s2] =	stream.indirect.scatter.add.f32 [tilespmem:s9], [sflag:$0x2], $0x80, s17, s29, $0xb8;
	[tilespmem:$0x1E400] =	vst v63  }
.Ltmp8:
0x15c: {  	_ = 	snop;
	(pc) =	sbr.rel .LBB2_10-.Ltmp8, $4  }
0x15d: {  	_ =	swait.ge [sflag:s11], $0x2000  }
0x15e: {  	[sflag:s11] =	ssyncset.done $0x0  }
0x15f: {  	s15 =	sadd.s32 $0x800, s15;
	s18 =	sadd.s32 $0x480, s16;
	[sflag:s11] =	ssyncadd.s32 $0xFFFFE000  }
0x160: {  	[tilespmem:s31], [sflag:$0x1] =	stream.indirect.gather [hbm4b:s4+s29], $0x80, s18, s29, $0xb8;
	[tilespmem:$0x1E400] =	vst v63  }
.LBB2_12:
0x161: {  	_ =	swait.ge [sflag:s0], $0x2000  }
0x162: {  	[sflag:s0] =	ssyncset.done $0x0  }
0x163: {  	[sflag:s0] =	ssyncadd.s32 $0xFFFFE000  }
0x164: {  	[spmem:s2] =	stream.indirect.scatter.add.f32 [tilespmem:s9], [sflag:$0x2], $0x80, s17, s29, $0xb8;
	[tilespmem:$0x1E400] =	vst v63  }
0x165: {  	_ =	swait.ge [sflag:s11], $0x2000  }
0x166: {  	[sflag:s11] =	ssyncset.done $0x0  }
0x167: {  	[sflag:s11] =	ssyncadd.s32 $0xFFFFE000  }
0x168: {  	_ =	swait.ge [sflag:s11], $0x2000  }
0x169: {  	[sflag:s11] =	ssyncset.done $0x0  }
0x16a: {  	[sflag:s11] =	ssyncadd.s32 $0xFFFFE000  }
0x16b: {  	_ =	swait.ge [sflag:s11], $0x2000  }
0x16c: {  	[sflag:s11] =	ssyncset.done $0x0  }
0x16d: {  	s15 =	simm.s32 $0x0;
	s16 =	rddreg [dreg:$0xe];
	[sflag:s11] =	ssyncadd.s32 $0xFFFFE000  }
0x16e: {  	[tilespmem:s15], [sflag:$0x3] =	stream.linear.gather [hbm4b:s16+s15], $0x1400, $0x38;
	[tilespmem:$0x1E400] =	vst v63  }
0x16f: {  	_ =	swait.ge [sflag:s26], $0x1400  }
0x170: {  	[sflag:s26] =	ssyncset.done $0x0  }
0x171: {  	[sflag:s26] =	ssyncadd.s32 $0xFFFFEC00  }
0x172: {  	[tilespmem:s28], [sflag:$0x3] =	stream.linear.gather [hbm4b:s22+s15], $0x1400, $0x38;
	[tilespmem:$0x1E400] =	vst v63  }
0x173: {  	_ =	swait.ge [sflag:s26], $0x1400  }
0x174: {  	[sflag:s26] =	ssyncset.done $0x0  }
0x175: {  	[sflag:s26] =	ssyncadd.s32 $0xFFFFEC00  }
0x176: {  	[tilespmem:s25], [sflag:$0x1] =	stream.indirect.gather [hbm4b:s4+s29], $0x80, s15, s29, $0xb8;
	[tilespmem:$0x1E400] =	vst v63  }
0x177: {  	_ = 	snop  }
0x178: {  	[tilespmem:s31], [sflag:$0x1] =	stream.indirect.gather [hbm4b:s4+s29], $0x80, s30, s29, $0xb8;
	[tilespmem:$0x1E400] =	vst v63  }
0x179: {  	_ =	swait.ge [sflag:s0], $0x2000  }
0x17a: {  	[sflag:s0] =	ssyncset.done $0x0  }
0x17b: {  	[sflag:s0] =	ssyncadd.s32 $0xFFFFE000  }
0x17c: {  	[spmem:s2] =	stream.indirect.scatter.add.f32 [tilespmem:s25], [sflag:$0x2], $0x80, s28, s29, $0xb8;
	[tilespmem:$0x1E400] =	vst v63  }
0x17d: {  	_ = 	snop  }
0x17e: {  	[tilespmem:s6], [sflag:$0x1] =	stream.indirect.gather [hbm4b:s4+s29], $0x80, s1, s29, $0xb8;
	[tilespmem:$0x1E400] =	vst v63  }
0x17f: {  	_ =	swait.ge [sflag:s0], $0x2000  }
0x180: {  	[sflag:s0] =	ssyncset.done $0x0  }
0x181: {  	[sflag:s0] =	ssyncadd.s32 $0xFFFFE000  }
0x182: {  	[spmem:s2] =	stream.indirect.scatter.add.f32 [tilespmem:s31], [sflag:$0x2], $0x80, s7, s29, $0xb8;
	[tilespmem:$0x1E400] =	vst v63  }
0x183: {  	_ = 	snop  }
0x184: {  	[tilespmem:s9], [sflag:$0x1] =	stream.indirect.gather [hbm4b:s4+s29], $0x80, s8, s29, $0xb8;
	[tilespmem:$0x1E400] =	vst v63  }
0x185: {  	_ =	swait.ge [sflag:s0], $0x2000  }
0x186: {  	[sflag:s0] =	ssyncset.done $0x0  }
0x187: {  	[sflag:s0] =	ssyncadd.s32 $0xFFFFE000  }
0x188: {  	[spmem:s2] =	stream.indirect.scatter.add.f32 [tilespmem:s6], [sflag:$0x2], $0x80, s10, s29, $0xb8;
	[tilespmem:$0x1E400] =	vst v63  }
0x189: {  	_ =	swait.ge [sflag:s11], $0x2000  }
0x18a: {  	[sflag:s11] =	ssyncset.done $0x0  }
0x18b: {  	[sflag:s11] =	ssyncadd.s32 $0xFFFFE000  }
0x18c: {  	[tilespmem:s25], [sflag:$0x1] =	stream.indirect.gather [hbm4b:s4+s29], $0x80, s12, s29, $0xb8;
	[tilespmem:$0x1E400] =	vst v63  }
0x18d: {  	_ =	swait.ge [sflag:s0], $0x2000  }
0x18e: {  	[sflag:s0] =	ssyncset.done $0x0  }
0x18f: {  	[sflag:s0] =	ssyncadd.s32 $0xFFFFE000  }
0x190: {  	[spmem:s2] =	stream.indirect.scatter.add.f32 [tilespmem:s9], [sflag:$0x2], $0x80, s13, s29, $0xb8;
	[tilespmem:$0x1E400] =	vst v63  }
0x191: {  	_ =	swait.ge [sflag:s11], $0x2000  }
0x192: {  	[sflag:s11] =	ssyncset.done $0x0  }
0x193: {  	[sflag:s11] =	ssyncadd.s32 $0xFFFFE000  }
0x194: {  	[tilespmem:s31], [sflag:$0x1] =	stream.indirect.gather [hbm4b:s4+s29], $0x80, s14, s29, $0xb8;
	[tilespmem:$0x1E400] =	vst v63  }
.LBB2_13:
0x195: {  	_ =	swait.ge [sflag:s0], $0x2000  }
0x196: {  	s16 =	sshra.s32 s15, $0x2;
	[sflag:s0] =	ssyncset.done $0x0  }
0x197: {  	s17 =	sadd.s32 $0x1600, s16;
	[sflag:s0] =	ssyncadd.s32 $0xFFFFE000  }
0x198: {  	[spmem:s2] =	stream.indirect.scatter.add.f32 [tilespmem:s25], [sflag:$0x2], $0x80, s17, s29, $0xb8;
	[tilespmem:$0x1E400] =	vst v63  }
0x199: {  	_ =	swait.ge [sflag:s11], $0x2000  }
0x19a: {  	[sflag:s11] =	ssyncset.done $0x0  }
0x19b: {  	s18 =	sadd.s32 $0x300, s16;
	[sflag:s11] =	ssyncadd.s32 $0xFFFFE000  }
0x19c: {  	[tilespmem:s6], [sflag:$0x1] =	stream.indirect.gather [hbm4b:s4+s29], $0x80, s18, s29, $0xb8;
	[tilespmem:$0x1E400] =	vst v63  }
0x19d: {  	_ =	swait.ge [sflag:s0], $0x2000  }
0x19e: {  	[sflag:s0] =	ssyncset.done $0x0  }
0x19f: {  	s18 =	sadd.s32 $0x1680, s16;
	[sflag:s0] =	ssyncadd.s32 $0xFFFFE000  }
0x1a0: {  	[spmem:s2] =	stream.indirect.scatter.add.f32 [tilespmem:s31], [sflag:$0x2], $0x80, s18, s29, $0xb8;
	[tilespmem:$0x1E400] =	vst v63  }
0x1a1: {  	_ =	swait.ge [sflag:s11], $0x2000  }
0x1a2: {  	[sflag:s11] =	ssyncset.done $0x0  }
0x1a3: {  	s18 =	sadd.s32 $0x380, s16;
	[sflag:s11] =	ssyncadd.s32 $0xFFFFE000  }
0x1a4: {  	[tilespmem:s9], [sflag:$0x1] =	stream.indirect.gather [hbm4b:s4+s29], $0x80, s18, s29, $0xb8;
	[tilespmem:$0x1E400] =	vst v63  }
0x1a5: {  	_ =	swait.ge [sflag:s0], $0x2000  }
0x1a6: {  	p0 =	seq.s32 s15, $0x4000;
	[sflag:s0] =	ssyncset.done $0x0  }
.Ltmp9:
0x1a7: {  	s18 =	sadd.s32 $0x1700, s16;
	[sflag:s0] =	ssyncadd.s32 $0xFFFFE000;
	(pc) =	sbr.rel @p0 .LBB2_15-.Ltmp9, $4  }
0x1a8: {  	[spmem:s2] =	stream.indirect.scatter.add.f32 [tilespmem:s6], [sflag:$0x2], $0x80, s18, s29, $0xb8;
	[tilespmem:$0x1E400] =	vst v63  }
0x1a9: {  	_ =	swait.ge [sflag:s11], $0x2000  }
0x1aa: {  	[sflag:s11] =	ssyncset.done $0x0  }
0x1ab: {  	s17 =	sadd.s32 $0x1780, s16;
	[sflag:s11] =	ssyncadd.s32 $0xFFFFE000  }
0x1ac: {  	s18 =	sadd.s32 $0x400, s16  }
0x1ad: {  	[tilespmem:s25], [sflag:$0x1] =	stream.indirect.gather [hbm4b:s4+s29], $0x80, s18, s29, $0xb8;
	[tilespmem:$0x1E400] =	vst v63  }
0x1ae: {  	_ =	swait.ge [sflag:s0], $0x2000  }
0x1af: {  	[sflag:s0] =	ssyncset.done $0x0  }
0x1b0: {  	[sflag:s0] =	ssyncadd.s32 $0xFFFFE000  }
0x1b1: {  	[spmem:s2] =	stream.indirect.scatter.add.f32 [tilespmem:s9], [sflag:$0x2], $0x80, s17, s29, $0xb8;
	[tilespmem:$0x1E400] =	vst v63  }
.Ltmp10:
0x1b2: {  	_ = 	snop;
	(pc) =	sbr.rel .LBB2_13-.Ltmp10, $4  }
0x1b3: {  	_ =	swait.ge [sflag:s11], $0x2000  }
0x1b4: {  	[sflag:s11] =	ssyncset.done $0x0  }
0x1b5: {  	s15 =	sadd.s32 $0x800, s15;
	s18 =	sadd.s32 $0x480, s16;
	[sflag:s11] =	ssyncadd.s32 $0xFFFFE000  }
0x1b6: {  	[tilespmem:s31], [sflag:$0x1] =	stream.indirect.gather [hbm4b:s4+s29], $0x80, s18, s29, $0xb8;
	[tilespmem:$0x1E400] =	vst v63  }
.LBB2_16:
0x1b7: {  	_ =	sfence.sel $0x180000  }
0x1b8: {  	[bflag:$0x0] =	sbarrier.arrive $0xFFFF  }
0x1b9: {  	_ =	strace $0x9000004D  }
0x1ba: {  	s0 =	stileid.u32;
	[bflag:$0x2] =	sbarrier.arrive $0xFFFF  }
0x1bb: {  	p0 =	sne.s32 s0, $0x0;
	s0 =	rddreg [dreg:$0x2]  }
0x1bc: {  	s0 =	sadd.s32 @!p0 $0x100000, s0  }
0x1bd: {  	[sflag:s0] =	ssyncadd.tile.s32 @!p0 $0x1;
	_ =	shalt  }
.Lfunc_end2:
_tile_overlayer_lowered:
.L_overlay_start_2:
0x1be: {  	(tag) =	ssettag $0x2  }
0x1bf: {  	s0 =	rddreg [dreg:$0x0];
	s2 =	stileid.u32  }
0x1c0: {  	s1 =	rddreg [dreg:$0x1];
	p0 =	sne.s32 s2, $0x0  }
0x1c1: {  	s3 =	rddreg [dreg:$0x2];
	[bflag:$0x3] =	sbarrier.arrive $0xFFFF;
	s2 =	simm.s32 @!p0 $0x1C03  }
0x1c2: {  	[timem:s3], [sflag:s2] =	dma.local @!p0 [hbm:s0], s1  }
0x1c3: {  	s0 =	simm.s32 @!p0 $0x3  }
0x1c4: {  	_ =	swait.ge @!p0 [sflag:s0], s1  }
0x1c5: {  	s1 =	ssub.s32 @!p0 $0x0, s1;
	[sflag:s0] =	ssyncset.done @!p0 $0x0  }
0x1c6: {  	[sflag:s0] =	ssyncadd.s32 @!p0 s1  }
0x1c7: {  	[bflag:$0x3] =	sbarrier.arrive $0xFFFF  }
0x1c8: {  	_ =	shalt  }

// kernel: kernel.9.cloned.1.call-start
scs
__scs_entry_jumppad:
0x0: {  	(pc) =	sbr.rel $0x88, $3  }
0x1: {  	(tag) =	ssettag $0x0;
	lr =	simm.s32 $0x1  }
0x2: {  	[smem:$0x3F93] =	sst lr;
	_ =	strace $0xD0000000  }
0x3: {  	_ = 	snop  }
0x4: {  	_ = 	snop  }
0x5: {  	_ = 	snop  }
0x6: {  	_ = 	snop  }
0x7: {  	_ = 	snop  }
__scs_overlays_trampoline_lowered:
0x8: {  	[smem:$0x3FA2] =	sst s0  }
0x9: {  	[smem:$0x3FA3] =	sst s1  }
0xa: {  	[smem:$0x3FA4] =	sst s2  }
0xb: {  	[smem:$0x3FA5] =	sst s3  }
0xc: {  	[smem:$0x3FA6] =	sst s4  }
0xd: {  	[smem:$0x3FA7] =	sst s5  }
0xe: {  	[smem:$0x3FA8] =	sst s6  }
0xf: {  	[smem:$0x3FA9] =	sst s7  }
0x10: {  	[smem:$0x3FAA] =	sst s8  }
0x11: {  	[smem:$0x3FAB] =	sst s9;
	s0 =	simm.s32 @!p0 $0x0  }
0x12: {  	s1 =	sld [smem:$0x3F91];
	s0 =	simm.s32 @p0 $0x1  }
0x13: {  	[smem:$0x3FAC] =	sst s0;
	s0 =	simm.s32 @!p1 $0x0  }
0x14: {  	s2 =	sld [smem:$0x3F90];
	s0 =	simm.s32 @p1 $0x1  }
0x15: {  	[smem:$0x3FAD] =	sst s0;
	s0 =	simm.s32 @!p2 $0x0  }
0x16: {  	s3 =	sld [smem:$0x3FDB];
	s0 =	simm.s32 @p2 $0x1  }
0x17: {  	s4 =	simm.s32 $0x1BF5;
	[smem:$0x3FAF] =	sst s0  }
0x18: {  	s0 =	sld [smem:$0x3F92];
	_ =	swait.ge [sflag:s4], $0x0  }
0x19: {  	s7 =	sld [smem:$0x3F93]  }
0x1a: {  	s8 =	sadd.s32 $0xFFFFE003, lr  }
0x1b: {  	s9 =	sadd.s32 $0xFFFFFEF7, lr;
	s5 =	simm.s32 $0xFFFFFFFF;
	p2 =	slt.u32 s8, $0xFFFFF086  }
0x1c: {  	p1 =	slt.u32 s9, $0xF7A;
	s5 =	simm.s32 @!p2 $0x0  }
0x1d: {  	s5 =	simm.s32 @p1 $0x1;
	p0 =	seq.s32 s7, s2  }
0x1e: {  	s7 =	smul.u32 @!p0 $0xF7A, s2;
	p2 =	seq.s32 @!p0 s5, $0x0  }
0x1f: {  	s9 =	smul.u32 $0xF7A, s1;
	s8 =	simm.s32 @!p0 $0x1BF5;
	p2 =	por !p2, p0  }
0x20: {  	[sflag:s8] =	ssyncset.s32 @!p0 $0xFFFFF086;
	s6 =	sadd.s32 @!p0 s3, s7;
	s7 =	simm.s32 @!p0 $0x108  }
0x21: {  	s3 =	sadd.s32 s3, s9;
	s6 =	sadd.s32 @!p0 $0x88, s6;
	s7 =	simm.s32 @p2 $0x1082  }
0x22: {  	[simem:s7], [sflag:s8] =	dma.local @!p0 [hbm:s6], $0xF7A  }
0x23: {  	s9 =	sor.u32 $0xD0000000, s2;
	s6 =	simm.s32 $0x108;
	_ =	swait.ge @!p0 [sflag:s8], $0x0  }
0x24: {  	s3 =	sadd.s32 $0x88, s3;
	s6 =	simm.s32 @!p1 $0x1082;
	[sflag:s4] =	ssyncset.s32 $0xFFFFF086  }
0x25: {  	[simem:s6], [sflag:s4] =	dma.local [hbm:s3], $0xF7A  }
0x26: {  	[smem:$0x3F93] =	sst s1;
	(tag) =	ssettag s2;
	_ =	strace s9  }
0x27: {  	s1 =	sld [smem:$0x3FA3]  }
0x28: {  	s2 =	sld [smem:$0x3FA4]  }
0x29: {  	s4 =	sld [smem:$0x3FA6]  }
0x2a: {  	p0 =	seq.s32 s5, $0x0;
	s5 =	sld [smem:$0x3FA7]  }
0x2b: {  	s6 =	sld [smem:$0x3FA8]  }
0x2c: {  	s7 =	sld [smem:$0x3FA9]  }
0x2d: {  	s3 =	simm.s32 $0x108;
	s8 =	sld [smem:$0x3FAA]  }
0x2e: {  	s3 =	simm.s32 @!p0 $0x1082;
	s9 =	sld [smem:$0x3FAB]  }
0x2f: {  	lr =	sadd.s32 s0, s3;
	s0 =	sld [smem:$0x3FA2]  }
0x30: {  	s3 =	sld [smem:$0x3FA5]  }
0x31: {  	[smem:$0x3FAE] =	sst s10  }
0x32: {  	s10 =	sld [smem:$0x3FAC];
	_ =	sdelay $0x3  }
0x33: {  	p0 =	seq.s32 s10, $0x1;
	s10 =	sld [smem:$0x3FAE];
	_ =	sdelay $0x3  }
0x34: {  	[smem:$0x3FAE] =	sst s10  }
0x35: {  	s10 =	sld [smem:$0x3FAD];
	_ =	sdelay $0x3  }
0x36: {  	p1 =	seq.s32 s10, $0x1;
	s10 =	sld [smem:$0x3FAE];
	_ =	sdelay $0x3  }
0x37: {  	[smem:$0x3FAE] =	sst s10  }
0x38: {  	s10 =	sld [smem:$0x3FAF]  }
0x39: {  	_ = 	snop;
	(pc) =	sbr.ind lr, $3  }
0x3a: {  	_ = 	snop  }
0x3b: {  	_ = 	snop  }
0x3c: {  	p2 =	seq.s32 s10, $0x1;
	s10 =	sld [smem:$0x3FAE]  }
0x3d: {  	_ =	shalt  }
0x3e: {  	_ =	shalt  }
0x3f: {  	_ =	shalt  }
0x40: {  	_ =	shalt  }
0x41: {  	_ =	shalt  }
0x42: {  	_ =	shalt  }
0x43: {  	_ =	shalt  }
0x44: {  	_ =	shalt  }
0x45: {  	_ =	shalt  }
0x46: {  	_ =	shalt  }
0x47: {  	_ =	shalt  }
0x48: {  	_ =	shalt  }
0x49: {  	_ =	shalt  }
0x4a: {  	_ =	shalt  }
0x4b: {  	_ =	shalt  }
0x4c: {  	_ =	shalt  }
0x4d: {  	_ =	shalt  }
0x4e: {  	_ =	shalt  }
0x4f: {  	_ =	shalt  }
0x50: {  	_ =	shalt  }
0x51: {  	_ =	shalt  }
0x52: {  	_ =	shalt  }
0x53: {  	_ =	shalt  }
0x54: {  	_ =	shalt  }
0x55: {  	_ =	shalt  }
0x56: {  	_ =	shalt  }
0x57: {  	_ =	shalt  }
0x58: {  	_ =	shalt  }
0x59: {  	_ =	shalt  }
0x5a: {  	_ =	shalt  }
0x5b: {  	_ =	shalt  }
0x5c: {  	_ =	shalt  }
0x5d: {  	_ =	shalt  }
0x5e: {  	_ =	shalt  }
0x5f: {  	_ =	shalt  }
0x60: {  	_ =	shalt  }
0x61: {  	_ =	shalt  }
0x62: {  	_ =	shalt  }
0x63: {  	_ =	shalt  }
0x64: {  	_ =	shalt  }
0x65: {  	_ =	shalt  }
0x66: {  	_ =	shalt  }
0x67: {  	_ =	shalt  }
0x68: {  	_ =	shalt  }
0x69: {  	_ =	shalt  }
0x6a: {  	_ =	shalt  }
0x6b: {  	_ =	shalt  }
0x6c: {  	_ =	shalt  }
0x6d: {  	_ =	shalt  }
0x6e: {  	_ =	shalt  }
0x6f: {  	_ =	shalt  }
0x70: {  	_ =	shalt  }
0x71: {  	_ =	shalt  }
0x72: {  	_ =	shalt  }
0x73: {  	_ =	shalt  }
0x74: {  	_ =	shalt  }
0x75: {  	_ =	shalt  }
0x76: {  	_ =	shalt  }
0x77: {  	_ =	shalt  }
0x78: {  	_ =	shalt  }
0x79: {  	_ =	shalt  }
0x7a: {  	_ =	shalt  }
0x7b: {  	_ =	shalt  }
0x7c: {  	_ =	shalt  }
0x7d: {  	_ =	shalt  }
0x7e: {  	_ =	shalt  }
0x7f: {  	_ =	shalt  }
0x80: {  	_ =	shalt  }
0x81: {  	_ =	shalt  }
0x82: {  	_ =	shalt  }
0x83: {  	_ =	shalt  }
0x84: {  	_ =	shalt  }
0x85: {  	_ =	shalt  }
0x86: {  	_ =	shalt  }
0x87: {  	_ =	shalt  }
.Lfunc_end0:
.L_simem_size_0:
called_computation_lowered:
.L_overlay_start_0:
0x88: {  	s2 =	sld [smem:$0x3FD9]  }
0x89: {  	s3 =	sld [smem:$0x3FFE];
	_ =	sdelay $0x1  }
0x8a: {  	s1 =	srdreg.scid  }
0x8b: {  	s0 =	sand.u32 $0x1, s1  }
0x8c: {  	s16 =	sshll.u32 s0, $0xA;
	s2 =	sadd.s32 s3, s2  }
0x8d: {  	s2 =	sadd.s32 s2, s16  }
0x8e: {  	[smem:$0x3FBA] =	sst s2  }
0x8f: {  	_ = 	snop  }
0x90: {  	(tm) =	ssettm $0x1  }
0x91: {  	s17 =	sld [smem:$0x3FFB];
	_ =	sdelay $0x3  }
0x92: {  	_ =	strace s17  }
0x93: {  	s2 =	sld [smem:$0x3FFC];
	_ =	sdelay $0x3  }
0x94: {  	_ =	strace s2  }
0x95: {  	s2 =	sld [smem:$0x3FFD];
	_ =	sdelay $0x3  }
0x96: {  	_ =	strace s2  }
0x97: {  	_ =	strace $0x8FFFFFFF  }
0x98: {  	s18 =	sld [smem:$0x3FDB];
	_ =	sdelay $0x1  }
0x99: {  	s19 =	simm.s32 $_scs_section_size  }
0x9a: {  	s4 =	simm.s32 $_size__tile_overlayer_lowered;
	s5 =	simm.s32 $_tile_overlayer_lowered  }
0x9b: {  	s22 =	simm.s32 $0x1BFF;
	s21 =	sshll.u32 s5, $0x1;
	s2 =	sadd.s32 s19, s18  }
0x9c: {  	s6 =	simm.s32 $0x0;
	s20 =	sshll.u32 s4, $0x1;
	s4 =	sadd.s32 s21, s2  }
0x9d: {  	[timem:s6], [sflag:s22] =	dma.local [hbm:s4], s20  }
0x9e: {  	_ =	swait.ge [sflag:s22], s20  }
0x9f: {  	s3 =	ssub.s32 $0x0, s20;
	[sflag:s22] =	ssyncset.done $0x0  }
0xa0: {  	[sflag:s22] =	ssyncadd.s32 s3;
	_ =	sdelay $0x1  }
0xa1: {  	s23 =	simm.s32 $0x1B8B  }
0xa2: {  	_ =	swait.ge [sflag:s23], $0x1  }
0xa3: {  	[sflag:s23] =	ssyncset.done $0x0  }
0xa4: {  	s25 =	simm.s32 $0x1B8E;
	s24 =	sld [smem:$0x3FFE];
	[sflag:s23] =	ssyncadd.s32 $0xFFFFFFFF  }
0xa5: {  	s26 =	simm.s32 $execute0_lowered;
	[smem:$0x3FD2] =	sst s25  }
0xa6: {  	s4 =	sshll.u32 s26, $0x1;
	_ =	strace $0x80000046;
	[dreg:$0x1] =	wrdreg $0xFFFFFFFF  }
0xa7: {  	s28 =	simm.s32 $_size_execute0_lowered;
	s2 =	sadd.s32 s2, s4;
	[dreg:$0x0] =	wrdreg $0x0  }
0xa8: {  	s4 =	sshll.u32 s28, $0x1;
	[dreg:$0x2] =	wrdreg s2  }
0xa9: {  	[dreg:$0x3] =	wrdreg s4  }
0xaa: {  	[dreg:$0x4] =	wrdreg $0xC0  }
0xab: {  	_ =	task [dreg:s6], $0x5FFFF  }
0xac: {  	[dreg:$0x1] =	wrdreg $0xFFFFFFFF  }
0xad: {  	[dreg:$0x0] =	wrdreg $0x60  }
0xae: {  	[dreg:$0x2] =	wrdreg s24  }
0xaf: {  	[dreg:$0x3] =	wrdreg $0x54000  }
0xb0: {  	[dreg:$0x4] =	wrdreg $0x9  }
0xb1: {  	_ =	task.clear_ibuf [dreg:s6], $0x5FFFF;
	_ =	strace $0x90000046  }
0xb2: {  	s29 =	simm.s32 $0x9;
	_ =	strace $0x80000048  }
0xb3: {  	_ =	swait.ge [sflag:s29], $0x1  }
0xb4: {  	[sflag:s29] =	ssyncadd.s32 $0xFFFFFFFF  }
0xb5: {  	_ =	strace $0x90000048  }
0xb6: {  	_ =	sfence  }
0xb7: {  	s30 =	sld [smem:$0x0];
	_ =	sdelay $0x2  }
0xb8: {  	s31 =	sshll.u32 s1, $0xD;
	s1 =	sshrl.u32 s1, $0x2  }
0xb9: {  	s3 =	sand.u32 $0x4000, s31;
	s1 =	sadd.s32 s1, s30  }
0xba: {  	s0 =	sor.u32 s3, s0;
	s1 =	sshll.u32 s1, $0x11  }
0xbb: {  	s0 =	sor.u32 s1, s0  }
0xbc: {  	s0 =	sadd.s32 $0x8F2B, s0  }
0xbd: {  	[sflag:s0] =	ssyncadd.remote.s32 $0x1  }
0xbe: {  	_ =	sfence.sel $0xFFFF  }
0xbf: {  	[dreg:$0x0] =	wrdreg $0xFFFFFFFF;
	(pc) =	sbr.abs _section_cstart, $3  }
0xc0: {  	[dreg:$0x1] =	wrdreg $0xFFFFFFFF  }
0xc1: {  	_ =	task.clear_ibuf [dreg:s6], $0x2FFFF;
	_ =	strace $0x9FFFFFFF  }
0xc2: {  	(tm) =	ssettm $0x7FFFFFFF  }
0xc3: {  	_ =	shalt  }
tec
execute0_lowered:
.L_overlay_start_1:
0x0: {  	(tag) =	ssettag $0x1  }
0x1: {  	s0 =	srdreg.scid;
	s4 =	rddreg [dreg:$0x0]  }
0x2: {  	s7 =	stileid.u32;
	s2 =	rddreg [dreg:$0x1]  }
0x3: {  	s3 =	simm.s32 $0x0;
	s12 =	simm.s32 $0x2;
	s13 =	simm.s32 $0x1400  }
0x4: {  	s14 =	simm.s32 $0x80;
	s21 =	simm.s32 $0xD00;
	s22 =	simm.s32 $0xD80  }
0x5: {  	s23 =	simm.s32 $0xE00;
	s24 =	simm.s32 $0xE80;
	s28 =	simm.s32 $0x1000  }
0x6: {  	s29 =	simm.s32 $0x1080;
	s30 =	simm.s32 $0x1100;
	s31 =	simm.s32 $0x1180  }
0x7: {  	s15 =	simm.s32 $0x1300;
	s16 =	simm.s32 $0x1380;
	s17 =	simm.s32 $0x1  }
0x8: {  	s18 =	simm.s32 $0x0;
	s0 =	sand.u32 $0x1, s0;
	s6 =	smul.u32 $0x14000, s7  }
0x9: {  	s1 =	sshll.u32 s7, $0x1;
	[smem:$0x7FF] =	sst s3;
	s7 =	smul.u32 $0x50000, s7  }
0xa: {  	s1 =	sor.u32 s0, s1;
	s5 =	smul.u32 $0x140000, s0;
	s0 =	ssub.s32 $0x2, s0  }
0xb: {  	_ =	strace $0x80000047;
	s1 =	smul.u32 $0x280, s1;
	s26 =	sshrl.u32 s0, $0x1  }
0xc: {  	s25 =	sshrl.u32 s7, $0x2;
	s5 =	sadd.s32 s6, s5;
	s0 =	ssub.s32 s0, s26  }
0xd: {  	s26 =	simm.s32 $0xF80;
	s1 =	sadd.s32 s1, s4;
	s5 =	sshrl.u32 s5, $0x3  }
0xe: {  	s11 =	smax.u32 s0, $0x1;
	s0 =	simm.s32 $0x1280;
	s10 =	sadd.s32 s5, s4  }
0xf: {  	s4 =	sadd.s32 s25, s2;
	s5 =	sadd.s32 $0x3400, s1;
	s25 =	simm.s32 $0xF00  }
0x10: {  	s1 =	simm.s32 $0x1200;
	s6 =	sadd.s32 $0x4000, s4;
	s7 =	sadd.s32 $0x8000, s4  }
0x11: {  	v0 =	vimm.f32 $0.0e+00;
	v1 =	vimm.f32 $1.000000000e+00;
	s8 =	sadd.s32 $0xC000, s4;
	s9 =	sadd.s32 $0x10000, s4;
	s10 =	sadd.s32 $0x8400, s10  }
.LBB2_1:
0x12: {  	[tilespmem:s3], [sflag:$0x2] =	stream.linear.gather [hbm4b:s5+s3], $0x1400, $0x38;
	[tilespmem:$0x7C00] =	vst v63  }
0x13: {  	_ =	swait.ge [sflag:s12], $0x1400  }
0x14: {  	[sflag:s12] =	ssyncset.done $0x0  }
0x15: {  	s19 =	simm.s32 $0x200;
	s20 =	simm.s32 $0x0;
	[sflag:s12] =	ssyncadd.s32 $0xFFFFEC00  }
.LBB2_2:
0x16: {  	p0 =	sne.s32 s19, $0xFE00;
	[tilespmem:s20+$0x1400] =	vst v0;
	s20 =	smov.u32 s19;
	s19 =	sadd.s32 $0x200, s19  }
.Ltmp0:
0x17: {  	(pc) =	sbr.rel @p0 .LBB2_2-.Ltmp0, $2  }
0x18: {  	_ =	sdelay $0x2  }
0x19: {  	s20 =	sshra.s32 s20, $0x2  }
0x1a: {  	[tilespmem:s20+$0x1400] =	vst v0  }
0x1b: {  	[spmem:s4] =	stream.linear.scatter [tilespmem:s13], [sflag:$0x2], $0x4000, $0x38;
	[tilespmem:$0x7C00] =	vst v63  }
0x1c: {  	_ =	swait.ge [sflag:s12], $0x4000  }
0x1d: {  	[sflag:s12] =	ssyncset.done $0x0  }
0x1e: {  	[sflag:s12] =	ssyncadd.s32 $0xFFFFC000  }
0x1f: {  	[spmem:s6] =	stream.linear.scatter [tilespmem:s13], [sflag:$0x2], $0x4000, $0x38;
	[tilespmem:$0x7C00] =	vst v63  }
0x20: {  	_ =	swait.ge [sflag:s12], $0x4000  }
0x21: {  	[sflag:s12] =	ssyncset.done $0x0  }
0x22: {  	[sflag:s12] =	ssyncadd.s32 $0xFFFFC000  }
0x23: {  	[spmem:s7] =	stream.linear.scatter [tilespmem:s13], [sflag:$0x2], $0x4000, $0x38;
	[tilespmem:$0x7C00] =	vst v63  }
0x24: {  	_ =	swait.ge [sflag:s12], $0x4000  }
0x25: {  	[sflag:s12] =	ssyncset.done $0x0  }
0x26: {  	[sflag:s12] =	ssyncadd.s32 $0xFFFFC000  }
0x27: {  	[spmem:s8] =	stream.linear.scatter [tilespmem:s13], [sflag:$0x2], $0x4000, $0x38;
	[tilespmem:$0x7C00] =	vst v63  }
0x28: {  	_ =	swait.ge [sflag:s12], $0x4000  }
0x29: {  	[sflag:s12] =	ssyncset.done $0x0  }
0x2a: {  	[sflag:s12] =	ssyncadd.s32 $0xFFFFC000  }
0x2b: {  	[spmem:s9] =	stream.linear.scatter [tilespmem:s13], [sflag:$0x2], $0x4000, $0x38;
	[tilespmem:$0x7C00] =	vst v63  }
0x2c: {  	_ =	swait.ge [sflag:s12], $0x4000  }
0x2d: {  	[sflag:s12] =	ssyncset.done $0x0  }
0x2e: {  	s19 =	simm.s32 $0x200;
	s20 =	simm.s32 $0x0;
	[sflag:s12] =	ssyncadd.s32 $0xFFFFC000  }
.LBB2_4:
0x2f: {  	p0 =	sne.s32 s19, $0xFE00;
	[tilespmem:s20+$0x1400] =	vst v1;
	s20 =	smov.u32 s19;
	s19 =	sadd.s32 $0x200, s19  }
.Ltmp1:
0x30: {  	(pc) =	sbr.rel @p0 .LBB2_4-.Ltmp1, $2  }
0x31: {  	_ =	sdelay $0x2  }
0x32: {  	s20 =	sshra.s32 s20, $0x2  }
0x33: {  	[tilespmem:s20+$0x1400] =	vst v1  }
0x34: {  	[bflag:$0x0] =	sbarrier.arrive $0xFFFF  }
0x35: {  	[spmem:s2] =	stream.indirect.scatter.add.f32 [tilespmem:s13], [sflag:$0x1], $0x10, s3, s14, $0xb8;
	[tilespmem:$0x7C00] =	vst v63  }
0x36: {  	_ = 	snop  }
0x37: {  	[spmem:s2] =	stream.indirect.scatter.add.f32 [tilespmem:s13], [sflag:$0x1], $0x10, s14, s14, $0xb8;
	[tilespmem:$0x7C00] =	vst v63  }
0x38: {  	s19 =	simm.s32 $0x100  }
0x39: {  	[spmem:s2] =	stream.indirect.scatter.add.f32 [tilespmem:s13], [sflag:$0x1], $0x10, s19, s14, $0xb8;
	[tilespmem:$0x7C00] =	vst v63  }
0x3a: {  	s20 =	simm.s32 $0x180  }
0x3b: {  	[spmem:s2] =	stream.indirect.scatter.add.f32 [tilespmem:s13], [sflag:$0x1], $0x10, s20, s14, $0xb8;
	[tilespmem:$0x7C00] =	vst v63  }
0x3c: {  	s20 =	simm.s32 $0x200  }
0x3d: {  	[spmem:s2] =	stream.indirect.scatter.add.f32 [tilespmem:s13], [sflag:$0x1], $0x10, s20, s14, $0xb8;
	[tilespmem:$0x7C00] =	vst v63  }
0x3e: {  	s20 =	simm.s32 $0x280  }
0x3f: {  	[spmem:s2] =	stream.indirect.scatter.add.f32 [tilespmem:s13], [sflag:$0x1], $0x10, s20, s14, $0xb8;
	[tilespmem:$0x7C00] =	vst v63  }
0x40: {  	s20 =	simm.s32 $0x300  }
0x41: {  	[spmem:s2] =	stream.indirect.scatter.add.f32 [tilespmem:s13], [sflag:$0x1], $0x10, s20, s14, $0xb8;
	[tilespmem:$0x7C00] =	vst v63  }
0x42: {  	s20 =	simm.s32 $0x380  }
0x43: {  	[spmem:s2] =	stream.indirect.scatter.add.f32 [tilespmem:s13], [sflag:$0x1], $0x10, s20, s14, $0xb8;
	[tilespmem:$0x7C00] =	vst v63  }
0x44: {  	s20 =	simm.s32 $0x400  }
0x45: {  	[spmem:s2] =	stream.indirect.scatter.add.f32 [tilespmem:s13], [sflag:$0x1], $0x10, s20, s14, $0xb8;
	[tilespmem:$0x7C00] =	vst v63  }
0x46: {  	s20 =	simm.s32 $0x480  }
0x47: {  	[spmem:s2] =	stream.indirect.scatter.add.f32 [tilespmem:s13], [sflag:$0x1], $0x10, s20, s14, $0xb8;
	[tilespmem:$0x7C00] =	vst v63  }
0x48: {  	s20 =	simm.s32 $0x500  }
0x49: {  	[spmem:s2] =	stream.indirect.scatter.add.f32 [tilespmem:s13], [sflag:$0x1], $0x10, s20, s14, $0xb8;
	[tilespmem:$0x7C00] =	vst v63  }
0x4a: {  	s20 =	simm.s32 $0x580  }
0x4b: {  	[spmem:s2] =	stream.indirect.scatter.add.f32 [tilespmem:s13], [sflag:$0x1], $0x10, s20, s14, $0xb8;
	[tilespmem:$0x7C00] =	vst v63  }
0x4c: {  	s20 =	simm.s32 $0x600  }
0x4d: {  	[spmem:s2] =	stream.indirect.scatter.add.f32 [tilespmem:s13], [sflag:$0x1], $0x10, s20, s14, $0xb8;
	[tilespmem:$0x7C00] =	vst v63  }
0x4e: {  	s20 =	simm.s32 $0x680  }
0x4f: {  	[spmem:s2] =	stream.indirect.scatter.add.f32 [tilespmem:s13], [sflag:$0x1], $0x10, s20, s14, $0xb8;
	[tilespmem:$0x7C00] =	vst v63  }
0x50: {  	s20 =	simm.s32 $0x700  }
0x51: {  	[spmem:s2] =	stream.indirect.scatter.add.f32 [tilespmem:s13], [sflag:$0x1], $0x10, s20, s14, $0xb8;
	[tilespmem:$0x7C00] =	vst v63  }
0x52: {  	s20 =	simm.s32 $0x780  }
0x53: {  	[spmem:s2] =	stream.indirect.scatter.add.f32 [tilespmem:s13], [sflag:$0x1], $0x10, s20, s14, $0xb8;
	[tilespmem:$0x7C00] =	vst v63  }
0x54: {  	s20 =	simm.s32 $0x800  }
0x55: {  	[spmem:s2] =	stream.indirect.scatter.add.f32 [tilespmem:s13], [sflag:$0x1], $0x10, s20, s14, $0xb8;
	[tilespmem:$0x7C00] =	vst v63  }
0x56: {  	s20 =	simm.s32 $0x880  }
0x57: {  	[spmem:s2] =	stream.indirect.scatter.add.f32 [tilespmem:s13], [sflag:$0x1], $0x10, s20, s14, $0xb8;
	[tilespmem:$0x7C00] =	vst v63  }
0x58: {  	s20 =	simm.s32 $0x900  }
0x59: {  	[spmem:s2] =	stream.indirect.scatter.add.f32 [tilespmem:s13], [sflag:$0x1], $0x10, s20, s14, $0xb8;
	[tilespmem:$0x7C00] =	vst v63  }
0x5a: {  	s20 =	simm.s32 $0x980  }
0x5b: {  	[spmem:s2] =	stream.indirect.scatter.add.f32 [tilespmem:s13], [sflag:$0x1], $0x10, s20, s14, $0xb8;
	[tilespmem:$0x7C00] =	vst v63  }
0x5c: {  	s20 =	simm.s32 $0xA00  }
0x5d: {  	[spmem:s2] =	stream.indirect.scatter.add.f32 [tilespmem:s13], [sflag:$0x1], $0x10, s20, s14, $0xb8;
	[tilespmem:$0x7C00] =	vst v63  }
0x5e: {  	s20 =	simm.s32 $0xA80  }
0x5f: {  	[spmem:s2] =	stream.indirect.scatter.add.f32 [tilespmem:s13], [sflag:$0x1], $0x10, s20, s14, $0xb8;
	[tilespmem:$0x7C00] =	vst v63  }
0x60: {  	s20 =	simm.s32 $0xB00  }
0x61: {  	[spmem:s2] =	stream.indirect.scatter.add.f32 [tilespmem:s13], [sflag:$0x1], $0x10, s20, s14, $0xb8;
	[tilespmem:$0x7C00] =	vst v63  }
0x62: {  	s20 =	simm.s32 $0xB80  }
0x63: {  	[spmem:s2] =	stream.indirect.scatter.add.f32 [tilespmem:s13], [sflag:$0x1], $0x10, s20, s14, $0xb8;
	[tilespmem:$0x7C00] =	vst v63  }
0x64: {  	s20 =	simm.s32 $0xC00  }
0x65: {  	[spmem:s2] =	stream.indirect.scatter.add.f32 [tilespmem:s13], [sflag:$0x1], $0x10, s20, s14, $0xb8;
	[tilespmem:$0x7C00] =	vst v63  }
0x66: {  	s20 =	simm.s32 $0xC80  }
0x67: {  	[spmem:s2] =	stream.indirect.scatter.add.f32 [tilespmem:s13], [sflag:$0x1], $0x10, s20, s14, $0xb8;
	[tilespmem:$0x7C00] =	vst v63  }
0x68: {  	_ = 	snop  }
0x69: {  	[spmem:s2] =	stream.indirect.scatter.add.f32 [tilespmem:s13], [sflag:$0x1], $0x10, s21, s14, $0xb8;
	[tilespmem:$0x7C00] =	vst v63  }
0x6a: {  	_ = 	snop  }
0x6b: {  	[spmem:s2] =	stream.indirect.scatter.add.f32 [tilespmem:s13], [sflag:$0x1], $0x10, s22, s14, $0xb8;
	[tilespmem:$0x7C00] =	vst v63  }
0x6c: {  	_ = 	snop  }
0x6d: {  	[spmem:s2] =	stream.indirect.scatter.add.f32 [tilespmem:s13], [sflag:$0x1], $0x10, s23, s14, $0xb8;
	[tilespmem:$0x7C00] =	vst v63  }
0x6e: {  	_ = 	snop  }
0x6f: {  	[spmem:s2] =	stream.indirect.scatter.add.f32 [tilespmem:s13], [sflag:$0x1], $0x10, s24, s14, $0xb8;
	[tilespmem:$0x7C00] =	vst v63  }
0x70: {  	_ = 	snop  }
0x71: {  	[spmem:s2] =	stream.indirect.scatter.add.f32 [tilespmem:s13], [sflag:$0x1], $0x10, s25, s14, $0xb8;
	[tilespmem:$0x7C00] =	vst v63  }
0x72: {  	_ = 	snop  }
0x73: {  	[spmem:s2] =	stream.indirect.scatter.add.f32 [tilespmem:s13], [sflag:$0x1], $0x10, s26, s14, $0xb8;
	[tilespmem:$0x7C00] =	vst v63  }
0x74: {  	_ = 	snop  }
0x75: {  	[spmem:s2] =	stream.indirect.scatter.add.f32 [tilespmem:s13], [sflag:$0x1], $0x10, s28, s14, $0xb8;
	[tilespmem:$0x7C00] =	vst v63  }
0x76: {  	_ = 	snop  }
0x77: {  	[spmem:s2] =	stream.indirect.scatter.add.f32 [tilespmem:s13], [sflag:$0x1], $0x10, s29, s14, $0xb8;
	[tilespmem:$0x7C00] =	vst v63  }
0x78: {  	_ = 	snop  }
0x79: {  	[spmem:s2] =	stream.indirect.scatter.add.f32 [tilespmem:s13], [sflag:$0x1], $0x10, s30, s14, $0xb8;
	[tilespmem:$0x7C00] =	vst v63  }
0x7a: {  	_ = 	snop  }
0x7b: {  	[spmem:s2] =	stream.indirect.scatter.add.f32 [tilespmem:s13], [sflag:$0x1], $0x10, s31, s14, $0xb8;
	[tilespmem:$0x7C00] =	vst v63  }
0x7c: {  	_ = 	snop  }
0x7d: {  	[spmem:s2] =	stream.indirect.scatter.add.f32 [tilespmem:s13], [sflag:$0x1], $0x10, s1, s14, $0xb8;
	[tilespmem:$0x7C00] =	vst v63  }
0x7e: {  	_ = 	snop  }
0x7f: {  	[spmem:s2] =	stream.indirect.scatter.add.f32 [tilespmem:s13], [sflag:$0x1], $0x10, s0, s14, $0xb8;
	[tilespmem:$0x7C00] =	vst v63  }
0x80: {  	_ = 	snop  }
0x81: {  	[spmem:s2] =	stream.indirect.scatter.add.f32 [tilespmem:s13], [sflag:$0x1], $0x10, s15, s14, $0xb8;
	[tilespmem:$0x7C00] =	vst v63  }
0x82: {  	_ = 	snop  }
0x83: {  	[spmem:s2] =	stream.indirect.scatter.add.f32 [tilespmem:s13], [sflag:$0x1], $0x10, s16, s14, $0xb8;
	[tilespmem:$0x7C00] =	vst v63  }
0x84: {  	_ =	swait.ge [sflag:s17], $0x800  }
0x85: {  	s19 =	simm.s32 $0x27;
	[sflag:s17] =	ssyncset.done $0x0  }
.LBB2_6:
0x86: {  	p0 =	sne.s32 s19, $0x1;
	s19 =	sadd.s32 $0xFFFFFFFF, s19;
	[sflag:s17] =	ssyncadd.s32 $0xFFFFF800  }
.Ltmp2:
0x87: {  	(pc) =	sbr.rel @p0 .LBB2_6-.Ltmp2, $3  }
0x88: {  	_ =	sdelay $0x1  }
0x89: {  	_ =	swait.ge [sflag:s17], $0x800  }
0x8a: {  	[sflag:s17] =	ssyncset.done $0x0  }
0x8b: {  	[sflag:s17] =	ssyncadd.s32 $0xFFFFF800;
	s19 =	stileid.u32;
	s18 =	sadd.s32 $0x1, s18  }
0x8c: {  	s20 =	sshrl.u32 s4, $0x3;
	s19 =	sshll.u32 s19, $0x6;
	p0 =	sne.s32 s18, s11  }
.Ltmp3:
0x8d: {  	[bflag:$0x0] =	sbarrier.arrive $0xFFFF;
	s19 =	sor.u32 $0x1C02, s19;
	(pc) =	sbr.rel @p0 .LBB2_1-.Ltmp3, $4  }
0x8e: {  	[hbm:s10], [sflag:s19] =	dma.local [spmem:s20], $0x2800  }
0x8f: {  	_ =	swait.ge [sflag:s12], $0x2800  }
0x90: {  	[sflag:s12] =	ssyncset.done $0x0  }
0x91: {  	[sflag:s12] =	ssyncadd.s32 $0xFFFFD800  }
0x92: {  	_ =	sfence.sel $0x180000  }
0x93: {  	[bflag:$0x0] =	sbarrier.arrive $0xFFFF  }
0x94: {  	_ =	strace $0x90000047  }
0x95: {  	s0 =	stileid.u32;
	[bflag:$0x2] =	sbarrier.arrive $0xFFFF  }
0x96: {  	p0 =	sne.s32 s0, $0x0;
	s0 =	rddreg [dreg:$0x2]  }
0x97: {  	s0 =	sadd.s32 @!p0 $0x100000, s0  }
0x98: {  	[sflag:s0] =	ssyncadd.tile.s32 @!p0 $0x1;
	_ =	shalt  }
.Lfunc_end2:
_tile_overlayer_lowered:
.L_overlay_start_2:
0x99: {  	(tag) =	ssettag $0x2  }
0x9a: {  	s0 =	rddreg [dreg:$0x0];
	s2 =	stileid.u32  }
0x9b: {  	s1 =	rddreg [dreg:$0x1];
	p0 =	sne.s32 s2, $0x0  }
0x9c: {  	s3 =	rddreg [dreg:$0x2];
	[bflag:$0x3] =	sbarrier.arrive $0xFFFF;
	s2 =	simm.s32 @!p0 $0x1C02  }
0x9d: {  	[timem:s3], [sflag:s2] =	dma.local @!p0 [hbm:s0], s1  }
0x9e: {  	s0 =	simm.s32 @!p0 $0x2  }
0x9f: {  	_ =	swait.ge @!p0 [sflag:s0], s1  }
0xa0: {  	s1 =	ssub.s32 @!p0 $0x0, s1;
	[sflag:s0] =	ssyncset.done @!p0 $0x0  }
0xa1: {  	[sflag:s0] =	ssyncadd.s32 @!p0 s1  }
0xa2: {  	[bflag:$0x3] =	sbarrier.arrive $0xFFFF  }
0xa3: {  	_ =	shalt  }

</sc_bundles>
